<compile_context>
chip_gen: v7x
topology: tpu7x:2x2x1
jax: 0.10.2.dev20260603
libtpu: 0.0.44.dev20260713+nightly
codegen_flags: <defaults>
</compile_context>

<pallas_src>
import functools

import jax
import jax.numpy as jnp
from jax import lax
from jax.experimental import pallas as pl
from jax.experimental.pallas import tpu as pltpu
from jax.experimental.pallas import tpu_sc as plsc

_LANES = 16
_NS = 16


def _make_sc_seg(n_nodes, n_rows, in_ch):
    NC = 2
    NW = NC * _NS
    rows_pt = n_rows // _NS
    rows_pw = n_rows // NW
    blk = n_nodes // _NS
    xrows = n_nodes // NW
    nvec_blk = blk // _LANES
    P1C = 16
    P2C = 8

    mesh = plsc.VectorSubcoreMesh(core_axis_name="c", subcore_axis_name="s",
                                  num_cores=NC)

    @functools.partial(
        pl.kernel,
        mesh=mesh,
        out_type=[
            jax.ShapeDtypeStruct((NC, n_nodes), jnp.float32),
            jax.ShapeDtypeStruct((NC, in_ch), jnp.float32),
        ],
        scratch_types=[
            pltpu.VMEM((rows_pt, 128), jnp.int32),
            pltpu.VMEM((rows_pw, 128), jnp.int32),
            pltpu.VMEM((P2C, 128), jnp.float32),
            pltpu.VMEM((128,), jnp.float32),
            pltpu.VMEM((n_nodes,), jnp.float32),
            pltpu.VMEM((blk,), jnp.float32),
            pltpu.VMEM((xrows, in_ch), jnp.float32),
            pltpu.VMEM((xrows,), jnp.float32),
            pltpu.VMEM((in_ch,), jnp.float32),
            pltpu.VMEM((in_ch,), jnp.int32),
            pltpu.VMEM_SHARED((n_nodes,), jnp.float32),
            pltpu.VMEM_SHARED((n_nodes,), jnp.float32),
            pltpu.VMEM_SHARED((n_nodes,), jnp.float32),
            pltpu.VMEM_SHARED((in_ch,), jnp.float32),
            pltpu.SemaphoreType.DMA,
            pltpu.SemaphoreType.DMA,
            pltpu.SemaphoreType.DMA,
        ],
    )
    def sc_seg(src_hbm, dst_hbm, x_hbm, s2_out, u2_out,
               idx_v, dst_v, vals_v, ones_v, buf_v, dis_t, x_v, disx_v, u_v,
               iota_v, sh_deg, sh_dis, sh_s, sh_u, sem_a, sem_b, sem_c):
        c = lax.axis_index("c")
        sid = lax.axis_index("s")
        wid = sid * NC + c

        h_src = pltpu.async_copy(src_hbm.at[pl.ds(sid * rows_pt, rows_pt)],
                                 idx_v, sem_a)
        h_dst = pltpu.async_copy(dst_hbm.at[pl.ds(wid * rows_pw, rows_pw)],
                                 dst_v, sem_b)
        h_x = pltpu.async_copy(x_hbm.at[pl.ds(wid * xrows, xrows)], x_v, sem_c)

        for k in range(128 // _LANES):
            ones_v[pl.ds(k * _LANES, _LANES)] = jnp.ones((_LANES,), jnp.float32)
        for k in range(in_ch // _LANES):
            iota_v[pl.ds(k * _LANES, _LANES)] = (
                lax.iota(jnp.int32, _LANES) + (k * _LANES))

        def zero_body(i, carry):
            buf_v[pl.ds(i * _LANES, _LANES)] = jnp.zeros((_LANES,), jnp.float32)
            return carry
        lax.fori_loop(0, n_nodes // _LANES, zero_body, 0)
        for k in range(in_ch // _LANES):
            u_v[pl.ds(k * _LANES, _LANES)] = jnp.zeros((_LANES,), jnp.float32)

        @pl.when(sid == 0)
        def _():
            pltpu.sync_copy(buf_v, sh_deg)
            pltpu.sync_copy(buf_v, sh_s)
            pltpu.sync_copy(u_v, sh_u)
        plsc.subcore_barrier()
        h_src.wait()

        def p1_chunk(ci, carry):
            base = ci * P1C
            hs = [pltpu.async_copy(ones_v, sh_deg.at[idx_v.at[base + j]],
                                   sem_a, add=True)
                  for j in range(P1C)]
            for h in hs:
                h.wait()
            return carry
        lax.fori_loop(0, rows_pt // P1C, p1_chunk, 0)
        plsc.subcore_barrier()

        pltpu.sync_copy(sh_deg.at[pl.ds(sid * blk, blk)], dis_t)

        def dis_body(i, carry):
            d = dis_t[pl.ds(i * _LANES, _LANES)]
            bits = lax.bitcast_convert_type(d, jnp.int32)
            y = lax.bitcast_convert_type(
                jnp.int32(0x5F3759DF) - (bits >> 1), jnp.float32)
            for _ in range(4):
                y = y * (1.5 - 0.5 * d * y * y)
            y = jnp.where(d == 0.0, jnp.float32(jnp.inf), y)
            dis_t[pl.ds(i * _LANES, _LANES)] = y
            return carry
        lax.fori_loop(0, nvec_blk, dis_body, 0)
        pltpu.sync_copy(dis_t, sh_dis.at[pl.ds(sid * blk, blk)])
        plsc.subcore_barrier()

        def p2_chunk(ci, carry):
            base = ci * P2C
            hg = [pltpu.async_copy(sh_dis.at[dst_v.at[base + j]],
                                   vals_v.at[j], sem_a)
                  for j in range(P2C)]
            for h in hg:
                h.wait()
            hs = [pltpu.async_copy(vals_v.at[j],
                                   sh_s.at[idx_v.at[c * rows_pw + base + j]],
                                   sem_b, add=True)
                  for j in range(P2C)]
            for h in hs:
                h.wait()
            return carry
        lax.fori_loop(0, rows_pw // P2C, p2_chunk, 0)

        pltpu.sync_copy(sh_dis.at[pl.ds(wid * xrows, xrows)], disx_v)
        h_x.wait()

        def u_body(g, carry):
            dvec = disx_v[pl.ds(g * _LANES, _LANES)]
            for l in range(_LANES):
                d = jnp.full((_LANES,), dvec[l], jnp.float32)
                for k in range(in_ch // _LANES):
                    sl = pl.ds(k * _LANES, _LANES)
                    u_v[sl] = u_v[sl] + d * x_v[g * _LANES + l, sl]
            return carry
        lax.fori_loop(0, xrows // _LANES, u_body, 0)
        pltpu.sync_copy(u_v, sh_u.at[iota_v], add=True)
        plsc.subcore_barrier()

        @pl.when(sid == 0)
        def _():
            pltpu.sync_copy(sh_s, s2_out.at[c])
            pltpu.sync_copy(sh_u, u2_out.at[c])

    return sc_seg


def _pre0_body(x_ref, att_ref, lw_ref, lb_ref, o_ref):
    f32 = jnp.float32
    hi = lax.Precision.HIGHEST
    a1 = att_ref[0:1, :]
    w1 = lax.dot_general(a1, lw_ref[...], (((1,), (1,)), ((), ())),
                         preferred_element_type=f32, precision=hi)
    b1 = jnp.sum(lb_ref[...] * a1, keepdims=True)
    pre0 = lax.dot_general(w1, x_ref[...], (((1,), (1,)), ((), ())),
                           preferred_element_type=f32, precision=hi)
    o_ref[...] = pre0 + b1


def _final_body(w_ref, att_ref, b_ref, pre0_ref, s2_ref, u2_ref, o_ref):
    f32 = jnp.float32
    hi = lax.Precision.HIGHEST
    s = s2_ref[0:1, :] + s2_ref[1:2, :]
    u = u2_ref[0:1, :] + u2_ref[1:2, :]
    v = jnp.dot(u, w_ref[...], preferred_element_type=f32, precision=hi)
    a2 = att_ref[1:2, :]
    c2 = jnp.sum(v * a2, keepdims=True)
    pre = pre0_ref[...] + s * c2
    alpha = jnp.where(pre >= 0, pre, 0.2 * pre)
    t = jnp.sum(v * alpha, keepdims=True)
    o_ref[...] = jnp.maximum(s * t + b_ref[...], 0.0)


def kernel(x, edge_index, weight, bias, attention, lin_w, lin_b):
    n, in_ch = x.shape
    out_ch = weight.shape[1]
    e = edge_index.shape[1]
    src2d = edge_index[0].reshape(e // 128, 128)
    dst2d = edge_index[1].reshape(e // 128, 128)
    att2 = attention.reshape(2, out_ch)

    s2, u2 = _make_sc_seg(n, e // 128, in_ch)(src2d, dst2d, x)

    pre0 = pl.pallas_call(
        _pre0_body,
        out_shape=jax.ShapeDtypeStruct((1, n), jnp.float32),
    )(x, att2, lin_w, lin_b.reshape(1, out_ch))

    out = pl.pallas_call(
        _final_body,
        out_shape=jax.ShapeDtypeStruct((1, n), jnp.float32),
    )(weight, att2, bias.reshape(1, out_ch), pre0, s2, u2)
    return out.reshape(n)

# --- scband reference (transcript-rebuilt; emitter-appended) ---
"""Pipeline reference for scband-sageconv2-30846455120745 (READ-ONLY COPY).

The authoritative reference and input builder live on the scoring server;
editing this copy changes nothing except your own understanding.
"""

import jax, jax.numpy as jnp
import numpy as np

N = 4096
E = 131072
IN_CH = 128
OUT_CH = 4096
HEADS = 1


def setup_inputs(seed: int = 0) -> dict:
    key = jax.random.key(seed)
    k1, k2, k3, k4, k5, k6 = jax.random.split(key, 6)
    x = jax.random.normal(k1, (N, IN_CH), dtype=jnp.float32)
    edge_index = jax.random.randint(k2, (2, E), 0, N, dtype=jnp.int32)
    # xavier_uniform for weight [in, out*heads]
    wb = float(np.sqrt(6.0 / (IN_CH + OUT_CH * HEADS)))
    weight = jax.random.uniform(k3, (IN_CH, OUT_CH * HEADS), minval=-wb, maxval=wb, dtype=jnp.float32)
    bias = jnp.zeros((OUT_CH,), dtype=jnp.float32)
    # xavier_uniform for attention [2*out, heads]
    ab = float(np.sqrt(6.0 / (2 * OUT_CH + HEADS)))
    attention = jax.random.uniform(k4, (2 * OUT_CH, HEADS), minval=-ab, maxval=ab, dtype=jnp.float32)
    # torch.nn.Linear default init (kaiming-uniform-ish bound 1/sqrt(fan_in))
    lb = float(np.sqrt(1.0 / IN_CH))
    lin_w = jax.random.uniform(k5, (IN_CH, OUT_CH), minval=-lb, maxval=lb, dtype=jnp.float32)
    lin_b = jax.random.uniform(k6, (OUT_CH,), minval=-lb, maxval=lb, dtype=jnp.float32)
    return {"x": x, "edge_index": edge_index, "weight": weight, "bias": bias,
            "attention": attention, "lin_w": lin_w, "lin_b": lin_b}


def reference(x, edge_index, weight, bias, attention, lin_w, lin_b):
    n = x.shape[0]
    src = edge_index[0]
    dst = edge_index[1]
    ones = jnp.ones((edge_index.shape[1],), dtype=x.dtype)
    # deg = sparse row-sums of adjacency (src -> dst edges)
    deg = jax.ops.segment_sum(ones, src, num_segments=n)
    deg_inv_sqrt = jnp.power(deg, -0.5)
    # adj @ deg_inv_sqrt[:, None] via scatter-add over edges
    s = jax.ops.segment_sum(deg_inv_sqrt[dst], src, num_segments=n)
    # torch broadcast: [N] * [N,1] -> [N,N], norm[i,j] = deg_inv_sqrt[j] * s[i]
    norm = deg_inv_sqrt[None, :] * s[:, None]
    xw = x @ weight
    x_j = (norm @ xw).reshape(-1, HEADS, OUT_CH)
    x_i = (x @ lin_w + lin_b).reshape(-1, HEADS, OUT_CH)
    cat = jnp.concatenate([
        jnp.tile(x_i, (1, 1, x_j.shape[1])),
        jnp.tile(x_j, (1, x_i.shape[1], 1)),
    ], axis=-1)
    alpha = jax.nn.leaky_relu(cat @ attention, negative_slope=0.2)
    alpha = jnp.squeeze(alpha)
    # dropout p=0.6 in eval mode -> identity
    out = x_j.reshape(-1, OUT_CH * HEADS) @ alpha
    out = jax.nn.relu(out + bias)
    return out

if __name__ == "__main__":
    import jax
    _d = setup_inputs()
    print(jax.jit(kernel)(*tuple(_d.values())))

</pallas_src>

<mosaic_0001>
#map = affine_map<(d0, d1) -> (0, 0)>
module attributes {stable_mosaic.version = 14 : i64} {
  func.func @sc_seg(%arg0: i32, %arg1: i32, %arg2: memref<1024x128xi32, #tpu.memory_space<hbm>>, %arg3: memref<1024x128xi32, #tpu.memory_space<hbm>>, %arg4: memref<4096x128xf32, #tpu.memory_space<hbm>>, %arg5: memref<2x4096xf32, #tpu.memory_space<hbm>>, %arg6: memref<2x128xf32, #tpu.memory_space<hbm>>, %arg7: memref<64x128xi32, #tpu.memory_space<vmem>>, %arg8: memref<32x128xi32, #tpu.memory_space<vmem>>, %arg9: memref<8x128xf32, #tpu.memory_space<vmem>>, %arg10: memref<128xf32, #tpu.memory_space<vmem>>, %arg11: memref<4096xf32, #tpu.memory_space<vmem>>, %arg12: memref<256xf32, #tpu.memory_space<vmem>>, %arg13: memref<128x128xf32, #tpu.memory_space<vmem>>, %arg14: memref<128xf32, #tpu.memory_space<vmem>>, %arg15: memref<128xf32, #tpu.memory_space<vmem>>, %arg16: memref<128xi32, #tpu.memory_space<vmem>>, %arg17: memref<4096xf32, #tpu.memory_space<vmem_shared>>, %arg18: memref<4096xf32, #tpu.memory_space<vmem_shared>>, %arg19: memref<4096xf32, #tpu.memory_space<vmem_shared>>, %arg20: memref<128xf32, #tpu.memory_space<vmem_shared>>, %arg21: memref<!tpu.dma_semaphore, #tpu.memory_space<semaphore_mem>>, %arg22: memref<!tpu.dma_semaphore, #tpu.memory_space<semaphore_mem>>, %arg23: memref<!tpu.dma_semaphore, #tpu.memory_space<semaphore_mem>>) attributes {dimension_semantics = [#tpu.dimension_semantics<core_parallel>, #tpu.dimension_semantics<subcore_parallel>], iteration_bounds = array<i64: 2, 16>, scalar_prefetch = 0 : i64, scratch_operands = 17 : i64, tpu.core_type = #tpu.core_type<sc_vector_subcore>, window_params = [{transform_indices = #map}, {transform_indices = #map}, {transform_indices = #map}, {transform_indices = #map}, {transform_indices = #map}]} {
    %mul3A = arith.constant 2 : i32
    %mul3A_0 = arith.muli %arg1, %mul3A : i32
    %add3A = arith.addi %mul3A_0, %arg0 : i32
    %mul3A_1 = arith.constant 64 : i32
    %mul3A_2 = arith.muli %arg1, %mul3A_1 : i32
    %dma_start3A = arith.constant 0 : i32
    %dma_start3A_3 = tpu.memref_slice %arg2[%mul3A_2, %dma_start3A] : memref<1024x128xi32, #tpu.memory_space<hbm>> -> memref<64x128xi32, #tpu.memory_space<hbm>>
    %dma_start3A_4 = arith.constant 0 : i32
    %dma_start3A_5 = tpu.memref_slice %arg2[%mul3A_2, %dma_start3A_4] : memref<1024x128xi32, #tpu.memory_space<hbm>> -> memref<64x128xi32, #tpu.memory_space<hbm>>
    tpu.enqueue_dma source(%dma_start3A_5 : memref<64x128xi32, #tpu.memory_space<hbm>>) target(%arg7 : memref<64x128xi32, #tpu.memory_space<vmem>>) target_semaphore(%arg21 : memref<!tpu.dma_semaphore, #tpu.memory_space<semaphore_mem>>)
    %mul3A_6 = arith.constant 32 : i32
    %mul3A_7 = arith.muli %add3A, %mul3A_6 : i32
    %dma_start3A_8 = arith.constant 0 : i32
    %dma_start3A_9 = tpu.memref_slice %arg3[%mul3A_7, %dma_start3A_8] : memref<1024x128xi32, #tpu.memory_space<hbm>> -> memref<32x128xi32, #tpu.memory_space<hbm>>
    %dma_start3A_10 = arith.constant 0 : i32
    %dma_start3A_11 = tpu.memref_slice %arg3[%mul3A_7, %dma_start3A_10] : memref<1024x128xi32, #tpu.memory_space<hbm>> -> memref<32x128xi32, #tpu.memory_space<hbm>>
    tpu.enqueue_dma source(%dma_start3A_11 : memref<32x128xi32, #tpu.memory_space<hbm>>) target(%arg8 : memref<32x128xi32, #tpu.memory_space<vmem>>) target_semaphore(%arg22 : memref<!tpu.dma_semaphore, #tpu.memory_space<semaphore_mem>>)
    %mul3A_12 = arith.constant 128 : i32
    %mul3A_13 = arith.muli %add3A, %mul3A_12 : i32
    %dma_start3A_14 = arith.constant 0 : i32
    %dma_start3A_15 = tpu.memref_slice %arg4[%mul3A_13, %dma_start3A_14] : memref<4096x128xf32, #tpu.memory_space<hbm>> -> memref<128x128xf32, #tpu.memory_space<hbm>>
    %dma_start3A_16 = arith.constant 0 : i32
    %dma_start3A_17 = tpu.memref_slice %arg4[%mul3A_13, %dma_start3A_16] : memref<4096x128xf32, #tpu.memory_space<hbm>> -> memref<128x128xf32, #tpu.memory_space<hbm>>
    tpu.enqueue_dma source(%dma_start3A_17 : memref<128x128xf32, #tpu.memory_space<hbm>>) target(%arg13 : memref<128x128xf32, #tpu.memory_space<vmem>>) target_semaphore(%arg23 : memref<!tpu.dma_semaphore, #tpu.memory_space<semaphore_mem>>)
    %broadcast_in_dim3A = arith.constant 1.000000e+00 : f32
    %broadcast_in_dim3A_18 = vector.broadcast %broadcast_in_dim3A : f32 to vector<16xf32>
    %swap3A = arith.constant 0 : index
    %swap3A_19 = tpu.vector_load %arg10[%swap3A] {strides = array<i32>} : memref<128xf32, #tpu.memory_space<vmem>>, vector<16xf32>,
    %swap3A_20 = vector.shape_cast %swap3A_19 : vector<16xf32> to vector<16xf32>
    %swap3A_21 = vector.shape_cast %broadcast_in_dim3A_18 : vector<16xf32> to vector<16xf32>
    tpu.vector_store %arg10[%swap3A], %swap3A_21 {strides = array<i32>} : memref<128xf32, #tpu.memory_space<vmem>>, vector<16xf32>,
    %broadcast_in_dim3A_22 = arith.constant 1.000000e+00 : f32
    %broadcast_in_dim3A_23 = vector.broadcast %broadcast_in_dim3A_22 : f32 to vector<16xf32>
    %swap3A_24 = arith.constant 16 : index
    %swap3A_25 = tpu.vector_load %arg10[%swap3A_24] {strides = array<i32>} : memref<128xf32, #tpu.memory_space<vmem>>, vector<16xf32>,
    %swap3A_26 = vector.shape_cast %swap3A_25 : vector<16xf32> to vector<16xf32>
    %swap3A_27 = vector.shape_cast %broadcast_in_dim3A_23 : vector<16xf32> to vector<16xf32>
    tpu.vector_store %arg10[%swap3A_24], %swap3A_27 {strides = array<i32>} : memref<128xf32, #tpu.memory_space<vmem>>, vector<16xf32>,
    %broadcast_in_dim3A_28 = arith.constant 1.000000e+00 : f32
    %broadcast_in_dim3A_29 = vector.broadcast %broadcast_in_dim3A_28 : f32 to vector<16xf32>
    %swap3A_30 = arith.constant 32 : index
    %swap3A_31 = tpu.vector_load %arg10[%swap3A_30] {strides = array<i32>} : memref<128xf32, #tpu.memory_space<vmem>>, vector<16xf32>,
    %swap3A_32 = vector.shape_cast %swap3A_31 : vector<16xf32> to vector<16xf32>
    %swap3A_33 = vector.shape_cast %broadcast_in_dim3A_29 : vector<16xf32> to vector<16xf32>
    tpu.vector_store %arg10[%swap3A_30], %swap3A_33 {strides = array<i32>} : memref<128xf32, #tpu.memory_space<vmem>>, vector<16xf32>,
    %broadcast_in_dim3A_34 = arith.constant 1.000000e+00 : f32
    %broadcast_in_dim3A_35 = vector.broadcast %broadcast_in_dim3A_34 : f32 to vector<16xf32>
    %swap3A_36 = arith.constant 48 : index
    %swap3A_37 = tpu.vector_load %arg10[%swap3A_36] {strides = array<i32>} : memref<128xf32, #tpu.memory_space<vmem>>, vector<16xf32>,
    %swap3A_38 = vector.shape_cast %swap3A_37 : vector<16xf32> to vector<16xf32>
    %swap3A_39 = vector.shape_cast %broadcast_in_dim3A_35 : vector<16xf32> to vector<16xf32>
    tpu.vector_store %arg10[%swap3A_36], %swap3A_39 {strides = array<i32>} : memref<128xf32, #tpu.memory_space<vmem>>, vector<16xf32>,
    %broadcast_in_dim3A_40 = arith.constant 1.000000e+00 : f32
    %broadcast_in_dim3A_41 = vector.broadcast %broadcast_in_dim3A_40 : f32 to vector<16xf32>
    %swap3A_42 = arith.constant 64 : index
    %swap3A_43 = tpu.vector_load %arg10[%swap3A_42] {strides = array<i32>} : memref<128xf32, #tpu.memory_space<vmem>>, vector<16xf32>,
    %swap3A_44 = vector.shape_cast %swap3A_43 : vector<16xf32> to vector<16xf32>
    %swap3A_45 = vector.shape_cast %broadcast_in_dim3A_41 : vector<16xf32> to vector<16xf32>
    tpu.vector_store %arg10[%swap3A_42], %swap3A_45 {strides = array<i32>} : memref<128xf32, #tpu.memory_space<vmem>>, vector<16xf32>,
    %broadcast_in_dim3A_46 = arith.constant 1.000000e+00 : f32
    %broadcast_in_dim3A_47 = vector.broadcast %broadcast_in_dim3A_46 : f32 to vector<16xf32>
    %swap3A_48 = arith.constant 80 : index
    %swap3A_49 = tpu.vector_load %arg10[%swap3A_48] {strides = array<i32>} : memref<128xf32, #tpu.memory_space<vmem>>, vector<16xf32>,
    %swap3A_50 = vector.shape_cast %swap3A_49 : vector<16xf32> to vector<16xf32>
    %swap3A_51 = vector.shape_cast %broadcast_in_dim3A_47 : vector<16xf32> to vector<16xf32>
    tpu.vector_store %arg10[%swap3A_48], %swap3A_51 {strides = array<i32>} : memref<128xf32, #tpu.memory_space<vmem>>, vector<16xf32>,
    %broadcast_in_dim3A_52 = arith.constant 1.000000e+00 : f32
    %broadcast_in_dim3A_53 = vector.broadcast %broadcast_in_dim3A_52 : f32 to vector<16xf32>
    %swap3A_54 = arith.constant 96 : index
    %swap3A_55 = tpu.vector_load %arg10[%swap3A_54] {strides = array<i32>} : memref<128xf32, #tpu.memory_space<vmem>>, vector<16xf32>,
    %swap3A_56 = vector.shape_cast %swap3A_55 : vector<16xf32> to vector<16xf32>
    %swap3A_57 = vector.shape_cast %broadcast_in_dim3A_53 : vector<16xf32> to vector<16xf32>
    tpu.vector_store %arg10[%swap3A_54], %swap3A_57 {strides = array<i32>} : memref<128xf32, #tpu.memory_space<vmem>>, vector<16xf32>,
    %broadcast_in_dim3A_58 = arith.constant 1.000000e+00 : f32
    %broadcast_in_dim3A_59 = vector.broadcast %broadcast_in_dim3A_58 : f32 to vector<16xf32>
    %swap3A_60 = arith.constant 112 : index
    %swap3A_61 = tpu.vector_load %arg10[%swap3A_60] {strides = array<i32>} : memref<128xf32, #tpu.memory_space<vmem>>, vector<16xf32>,
    %swap3A_62 = vector.shape_cast %swap3A_61 : vector<16xf32> to vector<16xf32>
    %swap3A_63 = vector.shape_cast %broadcast_in_dim3A_59 : vector<16xf32> to vector<16xf32>
    tpu.vector_store %arg10[%swap3A_60], %swap3A_63 {strides = array<i32>} : memref<128xf32, #tpu.memory_space<vmem>>, vector<16xf32>,
    %iota3A = tpu.iota {dimensions = array<i32: 0>} : vector<16xi32>
    %add3A_64 = arith.constant 0 : i32
    %add3A_65 = vector.broadcast %add3A_64 : i32 to vector<16xi32>
    %add3A_66 = arith.addi %iota3A, %add3A_65 : vector<16xi32>
    %swap3A_67 = arith.constant 0 : index
    %swap3A_68 = tpu.vector_load %arg16[%swap3A_67] {strides = array<i32>} : memref<128xi32, #tpu.memory_space<vmem>>, vector<16xi32>,
    %swap3A_69 = vector.shape_cast %swap3A_68 : vector<16xi32> to vector<16xi32>
    %swap3A_70 = vector.shape_cast %add3A_66 : vector<16xi32> to vector<16xi32>
    tpu.vector_store %arg16[%swap3A_67], %swap3A_70 {strides = array<i32>} : memref<128xi32, #tpu.memory_space<vmem>>, vector<16xi32>,
    %iota3A_71 = tpu.iota {dimensions = array<i32: 0>} : vector<16xi32>
    %add3A_72 = arith.constant 16 : i32
    %add3A_73 = vector.broadcast %add3A_72 : i32 to vector<16xi32>
    %add3A_74 = arith.addi %iota3A_71, %add3A_73 : vector<16xi32>
    %swap3A_75 = arith.constant 16 : index
    %swap3A_76 = tpu.vector_load %arg16[%swap3A_75] {strides = array<i32>} : memref<128xi32, #tpu.memory_space<vmem>>, vector<16xi32>,
    %swap3A_77 = vector.shape_cast %swap3A_76 : vector<16xi32> to vector<16xi32>
    %swap3A_78 = vector.shape_cast %add3A_74 : vector<16xi32> to vector<16xi32>
    tpu.vector_store %arg16[%swap3A_75], %swap3A_78 {strides = array<i32>} : memref<128xi32, #tpu.memory_space<vmem>>, vector<16xi32>,
    %iota3A_79 = tpu.iota {dimensions = array<i32: 0>} : vector<16xi32>
    %add3A_80 = arith.constant 32 : i32
    %add3A_81 = vector.broadcast %add3A_80 : i32 to vector<16xi32>
    %add3A_82 = arith.addi %iota3A_79, %add3A_81 : vector<16xi32>
    %swap3A_83 = arith.constant 32 : index
    %swap3A_84 = tpu.vector_load %arg16[%swap3A_83] {strides = array<i32>} : memref<128xi32, #tpu.memory_space<vmem>>, vector<16xi32>,
    %swap3A_85 = vector.shape_cast %swap3A_84 : vector<16xi32> to vector<16xi32>
    %swap3A_86 = vector.shape_cast %add3A_82 : vector<16xi32> to vector<16xi32>
    tpu.vector_store %arg16[%swap3A_83], %swap3A_86 {strides = array<i32>} : memref<128xi32, #tpu.memory_space<vmem>>, vector<16xi32>,
    %iota3A_87 = tpu.iota {dimensions = array<i32: 0>} : vector<16xi32>
    %add3A_88 = arith.constant 48 : i32
    %add3A_89 = vector.broadcast %add3A_88 : i32 to vector<16xi32>
    %add3A_90 = arith.addi %iota3A_87, %add3A_89 : vector<16xi32>
    %swap3A_91 = arith.constant 48 : index
    %swap3A_92 = tpu.vector_load %arg16[%swap3A_91] {strides = array<i32>} : memref<128xi32, #tpu.memory_space<vmem>>, vector<16xi32>,
    %swap3A_93 = vector.shape_cast %swap3A_92 : vector<16xi32> to vector<16xi32>
    %swap3A_94 = vector.shape_cast %add3A_90 : vector<16xi32> to vector<16xi32>
    tpu.vector_store %arg16[%swap3A_91], %swap3A_94 {strides = array<i32>} : memref<128xi32, #tpu.memory_space<vmem>>, vector<16xi32>,
    %iota3A_95 = tpu.iota {dimensions = array<i32: 0>} : vector<16xi32>
    %add3A_96 = arith.constant 64 : i32
    %add3A_97 = vector.broadcast %add3A_96 : i32 to vector<16xi32>
    %add3A_98 = arith.addi %iota3A_95, %add3A_97 : vector<16xi32>
    %swap3A_99 = arith.constant 64 : index
    %swap3A_100 = tpu.vector_load %arg16[%swap3A_99] {strides = array<i32>} : memref<128xi32, #tpu.memory_space<vmem>>, vector<16xi32>,
    %swap3A_101 = vector.shape_cast %swap3A_100 : vector<16xi32> to vector<16xi32>
    %swap3A_102 = vector.shape_cast %add3A_98 : vector<16xi32> to vector<16xi32>
    tpu.vector_store %arg16[%swap3A_99], %swap3A_102 {strides = array<i32>} : memref<128xi32, #tpu.memory_space<vmem>>, vector<16xi32>,
    %iota3A_103 = tpu.iota {dimensions = array<i32: 0>} : vector<16xi32>
    %add3A_104 = arith.constant 80 : i32
    %add3A_105 = vector.broadcast %add3A_104 : i32 to vector<16xi32>
    %add3A_106 = arith.addi %iota3A_103, %add3A_105 : vector<16xi32>
    %swap3A_107 = arith.constant 80 : index
    %swap3A_108 = tpu.vector_load %arg16[%swap3A_107] {strides = array<i32>} : memref<128xi32, #tpu.memory_space<vmem>>, vector<16xi32>,
    %swap3A_109 = vector.shape_cast %swap3A_108 : vector<16xi32> to vector<16xi32>
    %swap3A_110 = vector.shape_cast %add3A_106 : vector<16xi32> to vector<16xi32>
    tpu.vector_store %arg16[%swap3A_107], %swap3A_110 {strides = array<i32>} : memref<128xi32, #tpu.memory_space<vmem>>, vector<16xi32>,
    %iota3A_111 = tpu.iota {dimensions = array<i32: 0>} : vector<16xi32>
    %add3A_112 = arith.constant 96 : i32
    %add3A_113 = vector.broadcast %add3A_112 : i32 to vector<16xi32>
    %add3A_114 = arith.addi %iota3A_111, %add3A_113 : vector<16xi32>
    %swap3A_115 = arith.constant 96 : index
    %swap3A_116 = tpu.vector_load %arg16[%swap3A_115] {strides = array<i32>} : memref<128xi32, #tpu.memory_space<vmem>>, vector<16xi32>,
    %swap3A_117 = vector.shape_cast %swap3A_116 : vector<16xi32> to vector<16xi32>
    %swap3A_118 = vector.shape_cast %add3A_114 : vector<16xi32> to vector<16xi32>
    tpu.vector_store %arg16[%swap3A_115], %swap3A_118 {strides = array<i32>} : memref<128xi32, #tpu.memory_space<vmem>>, vector<16xi32>,
    %iota3A_119 = tpu.iota {dimensions = array<i32: 0>} : vector<16xi32>
    %add3A_120 = arith.constant 112 : i32
    %add3A_121 = vector.broadcast %add3A_120 : i32 to vector<16xi32>
    %add3A_122 = arith.addi %iota3A_119, %add3A_121 : vector<16xi32>
    %swap3A_123 = arith.constant 112 : index
    %swap3A_124 = tpu.vector_load %arg16[%swap3A_123] {strides = array<i32>} : memref<128xi32, #tpu.memory_space<vmem>>, vector<16xi32>,
    %swap3A_125 = vector.shape_cast %swap3A_124 : vector<16xi32> to vector<16xi32>
    %swap3A_126 = vector.shape_cast %add3A_122 : vector<16xi32> to vector<16xi32>
    tpu.vector_store %arg16[%swap3A_123], %swap3A_126 {strides = array<i32>} : memref<128xi32, #tpu.memory_space<vmem>>, vector<16xi32>,
    %scan3A = arith.constant 0 : i32
    %scan3A_127 = arith.constant 0 : i32
    %scan3A_128 = arith.constant 256 : i32
    %scan3A_129 = arith.addi %scan3A_127, %scan3A_128 : i32
    %scan3A_130 = arith.constant 1 : i32
    scf.for %scan3A_227 = %scan3A_127 to %scan3A_129 step %scan3A_130  : i32 {
      %broadcast_in_dim3A_228 = arith.constant 0.000000e+00 : f32
      %broadcast_in_dim3A_229 = vector.broadcast %broadcast_in_dim3A_228 : f32 to vector<16xf32>
      %mul3A_230 = arith.constant 16 : i32
      %mul3A_231 = arith.muli %scan3A_227, %mul3A_230 : i32
      %swap3A_232 = arith.index_cast %mul3A_231 : i32 to index
      %swap3A_233 = tpu.vector_load %arg11[%swap3A_232] {strides = array<i32>} : memref<4096xf32, #tpu.memory_space<vmem>>, vector<16xf32>,
      %swap3A_234 = vector.shape_cast %swap3A_233 : vector<16xf32> to vector<16xf32>
      %swap3A_235 = vector.shape_cast %broadcast_in_dim3A_229 : vector<16xf32> to vector<16xf32>
      tpu.vector_store %arg11[%swap3A_232], %swap3A_235 {strides = array<i32>} : memref<4096xf32, #tpu.memory_space<vmem>>, vector<16xf32>,
    }
    %scan3A_131 = arith.constant 256 : i32
    %broadcast_in_dim3A_132 = arith.constant 0.000000e+00 : f32
    %broadcast_in_dim3A_133 = vector.broadcast %broadcast_in_dim3A_132 : f32 to vector<16xf32>
    %swap3A_134 = arith.constant 0 : index
    %swap3A_135 = tpu.vector_load %arg15[%swap3A_134] {strides = array<i32>} : memref<128xf32, #tpu.memory_space<vmem>>, vector<16xf32>,
    %swap3A_136 = vector.shape_cast %swap3A_135 : vector<16xf32> to vector<16xf32>
    %swap3A_137 = vector.shape_cast %broadcast_in_dim3A_133 : vector<16xf32> to vector<16xf32>
    tpu.vector_store %arg15[%swap3A_134], %swap3A_137 {strides = array<i32>} : memref<128xf32, #tpu.memory_space<vmem>>, vector<16xf32>,
    %broadcast_in_dim3A_138 = arith.constant 0.000000e+00 : f32
    %broadcast_in_dim3A_139 = vector.broadcast %broadcast_in_dim3A_138 : f32 to vector<16xf32>
    %swap3A_140 = arith.constant 16 : index
    %swap3A_141 = tpu.vector_load %arg15[%swap3A_140] {strides = array<i32>} : memref<128xf32, #tpu.memory_space<vmem>>, vector<16xf32>,
    %swap3A_142 = vector.shape_cast %swap3A_141 : vector<16xf32> to vector<16xf32>
    %swap3A_143 = vector.shape_cast %broadcast_in_dim3A_139 : vector<16xf32> to vector<16xf32>
    tpu.vector_store %arg15[%swap3A_140], %swap3A_143 {strides = array<i32>} : memref<128xf32, #tpu.memory_space<vmem>>, vector<16xf32>,
    %broadcast_in_dim3A_144 = arith.constant 0.000000e+00 : f32
    %broadcast_in_dim3A_145 = vector.broadcast %broadcast_in_dim3A_144 : f32 to vector<16xf32>
    %swap3A_146 = arith.constant 32 : index
    %swap3A_147 = tpu.vector_load %arg15[%swap3A_146] {strides = array<i32>} : memref<128xf32, #tpu.memory_space<vmem>>, vector<16xf32>,
    %swap3A_148 = vector.shape_cast %swap3A_147 : vector<16xf32> to vector<16xf32>
    %swap3A_149 = vector.shape_cast %broadcast_in_dim3A_145 : vector<16xf32> to vector<16xf32>
    tpu.vector_store %arg15[%swap3A_146], %swap3A_149 {strides = array<i32>} : memref<128xf32, #tpu.memory_space<vmem>>, vector<16xf32>,
    %broadcast_in_dim3A_150 = arith.constant 0.000000e+00 : f32
    %broadcast_in_dim3A_151 = vector.broadcast %broadcast_in_dim3A_150 : f32 to vector<16xf32>
    %swap3A_152 = arith.constant 48 : index
    %swap3A_153 = tpu.vector_load %arg15[%swap3A_152] {strides = array<i32>} : memref<128xf32, #tpu.memory_space<vmem>>, vector<16xf32>,
    %swap3A_154 = vector.shape_cast %swap3A_153 : vector<16xf32> to vector<16xf32>
    %swap3A_155 = vector.shape_cast %broadcast_in_dim3A_151 : vector<16xf32> to vector<16xf32>
    tpu.vector_store %arg15[%swap3A_152], %swap3A_155 {strides = array<i32>} : memref<128xf32, #tpu.memory_space<vmem>>, vector<16xf32>,
    %broadcast_in_dim3A_156 = arith.constant 0.000000e+00 : f32
    %broadcast_in_dim3A_157 = vector.broadcast %broadcast_in_dim3A_156 : f32 to vector<16xf32>
    %swap3A_158 = arith.constant 64 : index
    %swap3A_159 = tpu.vector_load %arg15[%swap3A_158] {strides = array<i32>} : memref<128xf32, #tpu.memory_space<vmem>>, vector<16xf32>,
    %swap3A_160 = vector.shape_cast %swap3A_159 : vector<16xf32> to vector<16xf32>
    %swap3A_161 = vector.shape_cast %broadcast_in_dim3A_157 : vector<16xf32> to vector<16xf32>
    tpu.vector_store %arg15[%swap3A_158], %swap3A_161 {strides = array<i32>} : memref<128xf32, #tpu.memory_space<vmem>>, vector<16xf32>,
    %broadcast_in_dim3A_162 = arith.constant 0.000000e+00 : f32
    %broadcast_in_dim3A_163 = vector.broadcast %broadcast_in_dim3A_162 : f32 to vector<16xf32>
    %swap3A_164 = arith.constant 80 : index
    %swap3A_165 = tpu.vector_load %arg15[%swap3A_164] {strides = array<i32>} : memref<128xf32, #tpu.memory_space<vmem>>, vector<16xf32>,
    %swap3A_166 = vector.shape_cast %swap3A_165 : vector<16xf32> to vector<16xf32>
    %swap3A_167 = vector.shape_cast %broadcast_in_dim3A_163 : vector<16xf32> to vector<16xf32>
    tpu.vector_store %arg15[%swap3A_164], %swap3A_167 {strides = array<i32>} : memref<128xf32, #tpu.memory_space<vmem>>, vector<16xf32>,
    %broadcast_in_dim3A_168 = arith.constant 0.000000e+00 : f32
    %broadcast_in_dim3A_169 = vector.broadcast %broadcast_in_dim3A_168 : f32 to vector<16xf32>
    %swap3A_170 = arith.constant 96 : index
    %swap3A_171 = tpu.vector_load %arg15[%swap3A_170] {strides = array<i32>} : memref<128xf32, #tpu.memory_space<vmem>>, vector<16xf32>,
    %swap3A_172 = vector.shape_cast %swap3A_171 : vector<16xf32> to vector<16xf32>
    %swap3A_173 = vector.shape_cast %broadcast_in_dim3A_169 : vector<16xf32> to vector<16xf32>
    tpu.vector_store %arg15[%swap3A_170], %swap3A_173 {strides = array<i32>} : memref<128xf32, #tpu.memory_space<vmem>>, vector<16xf32>,
    %broadcast_in_dim3A_174 = arith.constant 0.000000e+00 : f32
    %broadcast_in_dim3A_175 = vector.broadcast %broadcast_in_dim3A_174 : f32 to vector<16xf32>
    %swap3A_176 = arith.constant 112 : index
    %swap3A_177 = tpu.vector_load %arg15[%swap3A_176] {strides = array<i32>} : memref<128xf32, #tpu.memory_space<vmem>>, vector<16xf32>,
    %swap3A_178 = vector.shape_cast %swap3A_177 : vector<16xf32> to vector<16xf32>
    %swap3A_179 = vector.shape_cast %broadcast_in_dim3A_175 : vector<16xf32> to vector<16xf32>
    tpu.vector_store %arg15[%swap3A_176], %swap3A_179 {strides = array<i32>} : memref<128xf32, #tpu.memory_space<vmem>>, vector<16xf32>,
    %eq3A = arith.constant 0 : i32
    %eq3A_180 = arith.cmpi eq, %arg1, %eq3A : i32
    %convert_element_type3A = arith.extui %eq3A_180 : i1 to i32
    %cond3A = arith.constant 0 : i32
    %cond3A_181 = arith.cmpi ne, %convert_element_type3A, %cond3A : i32
    scf.if %cond3A_181 {
      "tpu.region"() ({
        %run_scoped3A = tpu.sem_alloc : memref<!tpu.dma_semaphore, #tpu.memory_space<semaphore_mem>>
        tpu.enqueue_dma source(%arg11 : memref<4096xf32, #tpu.memory_space<vmem>>) target(%arg17 : memref<4096xf32, #tpu.memory_space<vmem_shared>>) target_semaphore(%run_scoped3A : memref<!tpu.dma_semaphore, #tpu.memory_space<semaphore_mem>>)
        tpu.wait_dma2 semaphore(%run_scoped3A : memref<!tpu.dma_semaphore, #tpu.memory_space<semaphore_mem>>) src(%arg11 : memref<4096xf32, #tpu.memory_space<vmem>>) dst(%arg17 : memref<4096xf32, #tpu.memory_space<vmem_shared>>)
        tpu.yield
      }) : () -> ()
      "tpu.region"() ({
        %run_scoped3A = tpu.sem_alloc : memref<!tpu.dma_semaphore, #tpu.memory_space<semaphore_mem>>
        tpu.enqueue_dma source(%arg11 : memref<4096xf32, #tpu.memory_space<vmem>>) target(%arg19 : memref<4096xf32, #tpu.memory_space<vmem_shared>>) target_semaphore(%run_scoped3A : memref<!tpu.dma_semaphore, #tpu.memory_space<semaphore_mem>>)
        tpu.wait_dma2 semaphore(%run_scoped3A : memref<!tpu.dma_semaphore, #tpu.memory_space<semaphore_mem>>) src(%arg11 : memref<4096xf32, #tpu.memory_space<vmem>>) dst(%arg19 : memref<4096xf32, #tpu.memory_space<vmem_shared>>)
        tpu.yield
      }) : () -> ()
      "tpu.region"() ({
        %run_scoped3A = tpu.sem_alloc : memref<!tpu.dma_semaphore, #tpu.memory_space<semaphore_mem>>
        tpu.enqueue_dma source(%arg15 : memref<128xf32, #tpu.memory_space<vmem>>) target(%arg20 : memref<128xf32, #tpu.memory_space<vmem_shared>>) target_semaphore(%run_scoped3A : memref<!tpu.dma_semaphore, #tpu.memory_space<semaphore_mem>>)
        tpu.wait_dma2 semaphore(%run_scoped3A : memref<!tpu.dma_semaphore, #tpu.memory_space<semaphore_mem>>) src(%arg15 : memref<128xf32, #tpu.memory_space<vmem>>) dst(%arg20 : memref<128xf32, #tpu.memory_space<vmem_shared>>)
        tpu.yield
      }) : () -> ()
    } else {
    }
    %barrier3A = arith.constant 0 : index
    tpu.barrier barrier_id(%barrier3A)
    %dma_wait3A = arith.constant 0 : i32
    %dma_wait3A_182 = tpu.memref_slice %arg2[%mul3A_2, %dma_wait3A] : memref<1024x128xi32, #tpu.memory_space<hbm>> -> memref<64x128xi32, #tpu.memory_space<hbm>>
    %dma_wait3A_183 = arith.constant 0 : i32
    %dma_wait3A_184 = tpu.memref_slice %arg2[%mul3A_2, %dma_wait3A_183] : memref<1024x128xi32, #tpu.memory_space<hbm>> -> memref<64x128xi32, #tpu.memory_space<hbm>>
    tpu.wait_dma2 semaphore(%arg21 : memref<!tpu.dma_semaphore, #tpu.memory_space<semaphore_mem>>) src(%dma_wait3A_184 : memref<64x128xi32, #tpu.memory_space<hbm>>) dst(%arg7 : memref<64x128xi32, #tpu.memory_space<vmem>>)
    %scan3A_185 = arith.constant 0 : i32
    %scan3A_186 = arith.constant 0 : i32
    %scan3A_187 = arith.constant 4 : i32
    %scan3A_188 = arith.addi %scan3A_186, %scan3A_187 : i32
    %scan3A_189 = arith.constant 1 : i32
    scf.for %scan3A_227 = %scan3A_186 to %scan3A_188 step %scan3A_189  : i32 {
      %mul3A_228 = arith.constant 16 : i32
      %mul3A_229 = arith.muli %scan3A_227, %mul3A_228 : i32
      %add3A_230 = arith.constant 0 : i32
      %add3A_231 = arith.addi %mul3A_229, %add3A_230 : i32
      %dma_start3A_232 = arith.constant 0 : i32
      %dma_start3A_233 = tpu.memref_slice %arg7[%add3A_231, %dma_start3A_232] : memref<64x128xi32, #tpu.memory_space<vmem>> -> memref<1x128xi32, #tpu.memory_space<vmem>>
      %dma_start3A_234 = tpu.memref_squeeze %dma_start3A_233 : memref<1x128xi32, #tpu.memory_space<vmem>> -> memref<128xi32, #tpu.memory_space<vmem>>
      %dma_start3A_235 = arith.constant 0 : i32
      %dma_start3A_236 = tpu.memref_slice %arg17[%dma_start3A_235] : memref<4096xf32, #tpu.memory_space<vmem_shared>> -> memref<4096xf32, #tpu.memory_space<vmem_shared>>
      tpu.enqueue_indirect_dma source(%arg10 : memref<128xf32, #tpu.memory_space<vmem>>) target(%dma_start3A_236 : memref<4096xf32, #tpu.memory_space<vmem_shared>>) offsets(%dma_start3A_234 : memref<128xi32, #tpu.memory_space<vmem>>) semaphore(%arg21 : memref<!tpu.dma_semaphore, #tpu.memory_space<semaphore_mem>>) {add = true}
      %add3A_237 = arith.constant 1 : i32
      %add3A_238 = arith.addi %mul3A_229, %add3A_237 : i32
      %dma_start3A_239 = arith.constant 0 : i32
      %dma_start3A_240 = tpu.memref_slice %arg7[%add3A_238, %dma_start3A_239] : memref<64x128xi32, #tpu.memory_space<vmem>> -> memref<1x128xi32, #tpu.memory_space<vmem>>
      %dma_start3A_241 = tpu.memref_squeeze %dma_start3A_240 : memref<1x128xi32, #tpu.memory_space<vmem>> -> memref<128xi32, #tpu.memory_space<vmem>>
      %dma_start3A_242 = arith.constant 0 : i32
      %dma_start3A_243 = tpu.memref_slice %arg17[%dma_start3A_242] : memref<4096xf32, #tpu.memory_space<vmem_shared>> -> memref<4096xf32, #tpu.memory_space<vmem_shared>>
      tpu.enqueue_indirect_dma source(%arg10 : memref<128xf32, #tpu.memory_space<vmem>>) target(%dma_start3A_243 : memref<4096xf32, #tpu.memory_space<vmem_shared>>) offsets(%dma_start3A_241 : memref<128xi32, #tpu.memory_space<vmem>>) semaphore(%arg21 : memref<!tpu.dma_semaphore, #tpu.memory_space<semaphore_mem>>) {add = true}
      %add3A_244 = arith.constant 2 : i32
      %add3A_245 = arith.addi %mul3A_229, %add3A_244 : i32
      %dma_start3A_246 = arith.constant 0 : i32
      %dma_start3A_247 = tpu.memref_slice %arg7[%add3A_245, %dma_start3A_246] : memref<64x128xi32, #tpu.memory_space<vmem>> -> memref<1x128xi32, #tpu.memory_space<vmem>>
      %dma_start3A_248 = tpu.memref_squeeze %dma_start3A_247 : memref<1x128xi32, #tpu.memory_space<vmem>> -> memref<128xi32, #tpu.memory_space<vmem>>
      %dma_start3A_249 = arith.constant 0 : i32
      %dma_start3A_250 = tpu.memref_slice %arg17[%dma_start3A_249] : memref<4096xf32, #tpu.memory_space<vmem_shared>> -> memref<4096xf32, #tpu.memory_space<vmem_shared>>
      tpu.enqueue_indirect_dma source(%arg10 : memref<128xf32, #tpu.memory_space<vmem>>) target(%dma_start3A_250 : memref<4096xf32, #tpu.memory_space<vmem_shared>>) offsets(%dma_start3A_248 : memref<128xi32, #tpu.memory_space<vmem>>) semaphore(%arg21 : memref<!tpu.dma_semaphore, #tpu.memory_space<semaphore_mem>>) {add = true}
      %add3A_251 = arith.constant 3 : i32
      %add3A_252 = arith.addi %mul3A_229, %add3A_251 : i32
      %dma_start3A_253 = arith.constant 0 : i32
      %dma_start3A_254 = tpu.memref_slice %arg7[%add3A_252, %dma_start3A_253] : memref<64x128xi32, #tpu.memory_space<vmem>> -> memref<1x128xi32, #tpu.memory_space<vmem>>
      %dma_start3A_255 = tpu.memref_squeeze %dma_start3A_254 : memref<1x128xi32, #tpu.memory_space<vmem>> -> memref<128xi32, #tpu.memory_space<vmem>>
      %dma_start3A_256 = arith.constant 0 : i32
      %dma_start3A_257 = tpu.memref_slice %arg17[%dma_start3A_256] : memref<4096xf32, #tpu.memory_space<vmem_shared>> -> memref<4096xf32, #tpu.memory_space<vmem_shared>>
      tpu.enqueue_indirect_dma source(%arg10 : memref<128xf32, #tpu.memory_space<vmem>>) target(%dma_start3A_257 : memref<4096xf32, #tpu.memory_space<vmem_shared>>) offsets(%dma_start3A_255 : memref<128xi32, #tpu.memory_space<vmem>>) semaphore(%arg21 : memref<!tpu.dma_semaphore, #tpu.memory_space<semaphore_mem>>) {add = true}
      %add3A_258 = arith.constant 4 : i32
      %add3A_259 = arith.addi %mul3A_229, %add3A_258 : i32
      %dma_start3A_260 = arith.constant 0 : i32
      %dma_start3A_261 = tpu.memref_slice %arg7[%add3A_259, %dma_start3A_260] : memref<64x128xi32, #tpu.memory_space<vmem>> -> memref<1x128xi32, #tpu.memory_space<vmem>>
      %dma_start3A_262 = tpu.memref_squeeze %dma_start3A_261 : memref<1x128xi32, #tpu.memory_space<vmem>> -> memref<128xi32, #tpu.memory_space<vmem>>
      %dma_start3A_263 = arith.constant 0 : i32
      %dma_start3A_264 = tpu.memref_slice %arg17[%dma_start3A_263] : memref<4096xf32, #tpu.memory_space<vmem_shared>> -> memref<4096xf32, #tpu.memory_space<vmem_shared>>
      tpu.enqueue_indirect_dma source(%arg10 : memref<128xf32, #tpu.memory_space<vmem>>) target(%dma_start3A_264 : memref<4096xf32, #tpu.memory_space<vmem_shared>>) offsets(%dma_start3A_262 : memref<128xi32, #tpu.memory_space<vmem>>) semaphore(%arg21 : memref<!tpu.dma_semaphore, #tpu.memory_space<semaphore_mem>>) {add = true}
      %add3A_265 = arith.constant 5 : i32
      %add3A_266 = arith.addi %mul3A_229, %add3A_265 : i32
      %dma_start3A_267 = arith.constant 0 : i32
      %dma_start3A_268 = tpu.memref_slice %arg7[%add3A_266, %dma_start3A_267] : memref<64x128xi32, #tpu.memory_space<vmem>> -> memref<1x128xi32, #tpu.memory_space<vmem>>
      %dma_start3A_269 = tpu.memref_squeeze %dma_start3A_268 : memref<1x128xi32, #tpu.memory_space<vmem>> -> memref<128xi32, #tpu.memory_space<vmem>>
      %dma_start3A_270 = arith.constant 0 : i32
      %dma_start3A_271 = tpu.memref_slice %arg17[%dma_start3A_270] : memref<4096xf32, #tpu.memory_space<vmem_shared>> -> memref<4096xf32, #tpu.memory_space<vmem_shared>>
      tpu.enqueue_indirect_dma source(%arg10 : memref<128xf32, #tpu.memory_space<vmem>>) target(%dma_start3A_271 : memref<4096xf32, #tpu.memory_space<vmem_shared>>) offsets(%dma_start3A_269 : memref<128xi32, #tpu.memory_space<vmem>>) semaphore(%arg21 : memref<!tpu.dma_semaphore, #tpu.memory_space<semaphore_mem>>) {add = true}
      %add3A_272 = arith.constant 6 : i32
      %add3A_273 = arith.addi %mul3A_229, %add3A_272 : i32
      %dma_start3A_274 = arith.constant 0 : i32
      %dma_start3A_275 = tpu.memref_slice %arg7[%add3A_273, %dma_start3A_274] : memref<64x128xi32, #tpu.memory_space<vmem>> -> memref<1x128xi32, #tpu.memory_space<vmem>>
      %dma_start3A_276 = tpu.memref_squeeze %dma_start3A_275 : memref<1x128xi32, #tpu.memory_space<vmem>> -> memref<128xi32, #tpu.memory_space<vmem>>
      %dma_start3A_277 = arith.constant 0 : i32
      %dma_start3A_278 = tpu.memref_slice %arg17[%dma_start3A_277] : memref<4096xf32, #tpu.memory_space<vmem_shared>> -> memref<4096xf32, #tpu.memory_space<vmem_shared>>
      tpu.enqueue_indirect_dma source(%arg10 : memref<128xf32, #tpu.memory_space<vmem>>) target(%dma_start3A_278 : memref<4096xf32, #tpu.memory_space<vmem_shared>>) offsets(%dma_start3A_276 : memref<128xi32, #tpu.memory_space<vmem>>) semaphore(%arg21 : memref<!tpu.dma_semaphore, #tpu.memory_space<semaphore_mem>>) {add = true}
      %add3A_279 = arith.constant 7 : i32
      %add3A_280 = arith.addi %mul3A_229, %add3A_279 : i32
      %dma_start3A_281 = arith.constant 0 : i32
      %dma_start3A_282 = tpu.memref_slice %arg7[%add3A_280, %dma_start3A_281] : memref<64x128xi32, #tpu.memory_space<vmem>> -> memref<1x128xi32, #tpu.memory_space<vmem>>
      %dma_start3A_283 = tpu.memref_squeeze %dma_start3A_282 : memref<1x128xi32, #tpu.memory_space<vmem>> -> memref<128xi32, #tpu.memory_space<vmem>>
      %dma_start3A_284 = arith.constant 0 : i32
      %dma_start3A_285 = tpu.memref_slice %arg17[%dma_start3A_284] : memref<4096xf32, #tpu.memory_space<vmem_shared>> -> memref<4096xf32, #tpu.memory_space<vmem_shared>>
      tpu.enqueue_indirect_dma source(%arg10 : memref<128xf32, #tpu.memory_space<vmem>>) target(%dma_start3A_285 : memref<4096xf32, #tpu.memory_space<vmem_shared>>) offsets(%dma_start3A_283 : memref<128xi32, #tpu.memory_space<vmem>>) semaphore(%arg21 : memref<!tpu.dma_semaphore, #tpu.memory_space<semaphore_mem>>) {add = true}
      %add3A_286 = arith.constant 8 : i32
      %add3A_287 = arith.addi %mul3A_229, %add3A_286 : i32
      %dma_start3A_288 = arith.constant 0 : i32
      %dma_start3A_289 = tpu.memref_slice %arg7[%add3A_287, %dma_start3A_288] : memref<64x128xi32, #tpu.memory_space<vmem>> -> memref<1x128xi32, #tpu.memory_space<vmem>>
      %dma_start3A_290 = tpu.memref_squeeze %dma_start3A_289 : memref<1x128xi32, #tpu.memory_space<vmem>> -> memref<128xi32, #tpu.memory_space<vmem>>
      %dma_start3A_291 = arith.constant 0 : i32
      %dma_start3A_292 = tpu.memref_slice %arg17[%dma_start3A_291] : memref<4096xf32, #tpu.memory_space<vmem_shared>> -> memref<4096xf32, #tpu.memory_space<vmem_shared>>
      tpu.enqueue_indirect_dma source(%arg10 : memref<128xf32, #tpu.memory_space<vmem>>) target(%dma_start3A_292 : memref<4096xf32, #tpu.memory_space<vmem_shared>>) offsets(%dma_start3A_290 : memref<128xi32, #tpu.memory_space<vmem>>) semaphore(%arg21 : memref<!tpu.dma_semaphore, #tpu.memory_space<semaphore_mem>>) {add = true}
      %add3A_293 = arith.constant 9 : i32
      %add3A_294 = arith.addi %mul3A_229, %add3A_293 : i32
      %dma_start3A_295 = arith.constant 0 : i32
      %dma_start3A_296 = tpu.memref_slice %arg7[%add3A_294, %dma_start3A_295] : memref<64x128xi32, #tpu.memory_space<vmem>> -> memref<1x128xi32, #tpu.memory_space<vmem>>
      %dma_start3A_297 = tpu.memref_squeeze %dma_start3A_296 : memref<1x128xi32, #tpu.memory_space<vmem>> -> memref<128xi32, #tpu.memory_space<vmem>>
      %dma_start3A_298 = arith.constant 0 : i32
      %dma_start3A_299 = tpu.memref_slice %arg17[%dma_start3A_298] : memref<4096xf32, #tpu.memory_space<vmem_shared>> -> memref<4096xf32, #tpu.memory_space<vmem_shared>>
      tpu.enqueue_indirect_dma source(%arg10 : memref<128xf32, #tpu.memory_space<vmem>>) target(%dma_start3A_299 : memref<4096xf32, #tpu.memory_space<vmem_shared>>) offsets(%dma_start3A_297 : memref<128xi32, #tpu.memory_space<vmem>>) semaphore(%arg21 : memref<!tpu.dma_semaphore, #tpu.memory_space<semaphore_mem>>) {add = true}
      %add3A_300 = arith.constant 10 : i32
      %add3A_301 = arith.addi %mul3A_229, %add3A_300 : i32
      %dma_start3A_302 = arith.constant 0 : i32
      %dma_start3A_303 = tpu.memref_slice %arg7[%add3A_301, %dma_start3A_302] : memref<64x128xi32, #tpu.memory_space<vmem>> -> memref<1x128xi32, #tpu.memory_space<vmem>>
      %dma_start3A_304 = tpu.memref_squeeze %dma_start3A_303 : memref<1x128xi32, #tpu.memory_space<vmem>> -> memref<128xi32, #tpu.memory_space<vmem>>
      %dma_start3A_305 = arith.constant 0 : i32
      %dma_start3A_306 = tpu.memref_slice %arg17[%dma_start3A_305] : memref<4096xf32, #tpu.memory_space<vmem_shared>> -> memref<4096xf32, #tpu.memory_space<vmem_shared>>
      tpu.enqueue_indirect_dma source(%arg10 : memref<128xf32, #tpu.memory_space<vmem>>) target(%dma_start3A_306 : memref<4096xf32, #tpu.memory_space<vmem_shared>>) offsets(%dma_start3A_304 : memref<128xi32, #tpu.memory_space<vmem>>) semaphore(%arg21 : memref<!tpu.dma_semaphore, #tpu.memory_space<semaphore_mem>>) {add = true}
      %add3A_307 = arith.constant 11 : i32
      %add3A_308 = arith.addi %mul3A_229, %add3A_307 : i32
      %dma_start3A_309 = arith.constant 0 : i32
      %dma_start3A_310 = tpu.memref_slice %arg7[%add3A_308, %dma_start3A_309] : memref<64x128xi32, #tpu.memory_space<vmem>> -> memref<1x128xi32, #tpu.memory_space<vmem>>
      %dma_start3A_311 = tpu.memref_squeeze %dma_start3A_310 : memref<1x128xi32, #tpu.memory_space<vmem>> -> memref<128xi32, #tpu.memory_space<vmem>>
      %dma_start3A_312 = arith.constant 0 : i32
      %dma_start3A_313 = tpu.memref_slice %arg17[%dma_start3A_312] : memref<4096xf32, #tpu.memory_space<vmem_shared>> -> memref<4096xf32, #tpu.memory_space<vmem_shared>>
      tpu.enqueue_indirect_dma source(%arg10 : memref<128xf32, #tpu.memory_space<vmem>>) target(%dma_start3A_313 : memref<4096xf32, #tpu.memory_space<vmem_shared>>) offsets(%dma_start3A_311 : memref<128xi32, #tpu.memory_space<vmem>>) semaphore(%arg21 : memref<!tpu.dma_semaphore, #tpu.memory_space<semaphore_mem>>) {add = true}
      %add3A_314 = arith.constant 12 : i32
      %add3A_315 = arith.addi %mul3A_229, %add3A_314 : i32
      %dma_start3A_316 = arith.constant 0 : i32
      %dma_start3A_317 = tpu.memref_slice %arg7[%add3A_315, %dma_start3A_316] : memref<64x128xi32, #tpu.memory_space<vmem>> -> memref<1x128xi32, #tpu.memory_space<vmem>>
      %dma_start3A_318 = tpu.memref_squeeze %dma_start3A_317 : memref<1x128xi32, #tpu.memory_space<vmem>> -> memref<128xi32, #tpu.memory_space<vmem>>
      %dma_start3A_319 = arith.constant 0 : i32
      %dma_start3A_320 = tpu.memref_slice %arg17[%dma_start3A_319] : memref<4096xf32, #tpu.memory_space<vmem_shared>> -> memref<4096xf32, #tpu.memory_space<vmem_shared>>
      tpu.enqueue_indirect_dma source(%arg10 : memref<128xf32, #tpu.memory_space<vmem>>) target(%dma_start3A_320 : memref<4096xf32, #tpu.memory_space<vmem_shared>>) offsets(%dma_start3A_318 : memref<128xi32, #tpu.memory_space<vmem>>) semaphore(%arg21 : memref<!tpu.dma_semaphore, #tpu.memory_space<semaphore_mem>>) {add = true}
      %add3A_321 = arith.constant 13 : i32
      %add3A_322 = arith.addi %mul3A_229, %add3A_321 : i32
      %dma_start3A_323 = arith.constant 0 : i32
      %dma_start3A_324 = tpu.memref_slice %arg7[%add3A_322, %dma_start3A_323] : memref<64x128xi32, #tpu.memory_space<vmem>> -> memref<1x128xi32, #tpu.memory_space<vmem>>
      %dma_start3A_325 = tpu.memref_squeeze %dma_start3A_324 : memref<1x128xi32, #tpu.memory_space<vmem>> -> memref<128xi32, #tpu.memory_space<vmem>>
      %dma_start3A_326 = arith.constant 0 : i32
      %dma_start3A_327 = tpu.memref_slice %arg17[%dma_start3A_326] : memref<4096xf32, #tpu.memory_space<vmem_shared>> -> memref<4096xf32, #tpu.memory_space<vmem_shared>>
      tpu.enqueue_indirect_dma source(%arg10 : memref<128xf32, #tpu.memory_space<vmem>>) target(%dma_start3A_327 : memref<4096xf32, #tpu.memory_space<vmem_shared>>) offsets(%dma_start3A_325 : memref<128xi32, #tpu.memory_space<vmem>>) semaphore(%arg21 : memref<!tpu.dma_semaphore, #tpu.memory_space<semaphore_mem>>) {add = true}
      %add3A_328 = arith.constant 14 : i32
      %add3A_329 = arith.addi %mul3A_229, %add3A_328 : i32
      %dma_start3A_330 = arith.constant 0 : i32
      %dma_start3A_331 = tpu.memref_slice %arg7[%add3A_329, %dma_start3A_330] : memref<64x128xi32, #tpu.memory_space<vmem>> -> memref<1x128xi32, #tpu.memory_space<vmem>>
      %dma_start3A_332 = tpu.memref_squeeze %dma_start3A_331 : memref<1x128xi32, #tpu.memory_space<vmem>> -> memref<128xi32, #tpu.memory_space<vmem>>
      %dma_start3A_333 = arith.constant 0 : i32
      %dma_start3A_334 = tpu.memref_slice %arg17[%dma_start3A_333] : memref<4096xf32, #tpu.memory_space<vmem_shared>> -> memref<4096xf32, #tpu.memory_space<vmem_shared>>
      tpu.enqueue_indirect_dma source(%arg10 : memref<128xf32, #tpu.memory_space<vmem>>) target(%dma_start3A_334 : memref<4096xf32, #tpu.memory_space<vmem_shared>>) offsets(%dma_start3A_332 : memref<128xi32, #tpu.memory_space<vmem>>) semaphore(%arg21 : memref<!tpu.dma_semaphore, #tpu.memory_space<semaphore_mem>>) {add = true}
      %add3A_335 = arith.constant 15 : i32
      %add3A_336 = arith.addi %mul3A_229, %add3A_335 : i32
      %dma_start3A_337 = arith.constant 0 : i32
      %dma_start3A_338 = tpu.memref_slice %arg7[%add3A_336, %dma_start3A_337] : memref<64x128xi32, #tpu.memory_space<vmem>> -> memref<1x128xi32, #tpu.memory_space<vmem>>
      %dma_start3A_339 = tpu.memref_squeeze %dma_start3A_338 : memref<1x128xi32, #tpu.memory_space<vmem>> -> memref<128xi32, #tpu.memory_space<vmem>>
      %dma_start3A_340 = arith.constant 0 : i32
      %dma_start3A_341 = tpu.memref_slice %arg17[%dma_start3A_340] : memref<4096xf32, #tpu.memory_space<vmem_shared>> -> memref<4096xf32, #tpu.memory_space<vmem_shared>>
      tpu.enqueue_indirect_dma source(%arg10 : memref<128xf32, #tpu.memory_space<vmem>>) target(%dma_start3A_341 : memref<4096xf32, #tpu.memory_space<vmem_shared>>) offsets(%dma_start3A_339 : memref<128xi32, #tpu.memory_space<vmem>>) semaphore(%arg21 : memref<!tpu.dma_semaphore, #tpu.memory_space<semaphore_mem>>) {add = true}
      %dma_wait3A_342 = arith.constant 0 : i32
      %dma_wait3A_343 = tpu.memref_slice %arg7[%add3A_231, %dma_wait3A_342] : memref<64x128xi32, #tpu.memory_space<vmem>> -> memref<1x128xi32, #tpu.memory_space<vmem>>
      %dma_wait3A_344 = tpu.memref_squeeze %dma_wait3A_343 : memref<1x128xi32, #tpu.memory_space<vmem>> -> memref<128xi32, #tpu.memory_space<vmem>>
      %dma_wait3A_345 = arith.constant 0 : i32
      %dma_wait3A_346 = tpu.memref_slice %arg17[%dma_wait3A_345] : memref<4096xf32, #tpu.memory_space<vmem_shared>> -> memref<4096xf32, #tpu.memory_space<vmem_shared>>
      tpu.wait_indirect_dma semaphore(%arg21 : memref<!tpu.dma_semaphore, #tpu.memory_space<semaphore_mem>>) src(%arg10 : memref<128xf32, #tpu.memory_space<vmem>>) dst(%dma_wait3A_346 : memref<4096xf32, #tpu.memory_space<vmem_shared>>)
      %dma_wait3A_347 = arith.constant 0 : i32
      %dma_wait3A_348 = tpu.memref_slice %arg7[%add3A_238, %dma_wait3A_347] : memref<64x128xi32, #tpu.memory_space<vmem>> -> memref<1x128xi32, #tpu.memory_space<vmem>>
      %dma_wait3A_349 = tpu.memref_squeeze %dma_wait3A_348 : memref<1x128xi32, #tpu.memory_space<vmem>> -> memref<128xi32, #tpu.memory_space<vmem>>
      %dma_wait3A_350 = arith.constant 0 : i32
      %dma_wait3A_351 = tpu.memref_slice %arg17[%dma_wait3A_350] : memref<4096xf32, #tpu.memory_space<vmem_shared>> -> memref<4096xf32, #tpu.memory_space<vmem_shared>>
      tpu.wait_indirect_dma semaphore(%arg21 : memref<!tpu.dma_semaphore, #tpu.memory_space<semaphore_mem>>) src(%arg10 : memref<128xf32, #tpu.memory_space<vmem>>) dst(%dma_wait3A_351 : memref<4096xf32, #tpu.memory_space<vmem_shared>>)
      %dma_wait3A_352 = arith.constant 0 : i32
      %dma_wait3A_353 = tpu.memref_slice %arg7[%add3A_245, %dma_wait3A_352] : memref<64x128xi32, #tpu.memory_space<vmem>> -> memref<1x128xi32, #tpu.memory_space<vmem>>
      %dma_wait3A_354 = tpu.memref_squeeze %dma_wait3A_353 : memref<1x128xi32, #tpu.memory_space<vmem>> -> memref<128xi32, #tpu.memory_space<vmem>>
      %dma_wait3A_355 = arith.constant 0 : i32
      %dma_wait3A_356 = tpu.memref_slice %arg17[%dma_wait3A_355] : memref<4096xf32, #tpu.memory_space<vmem_shared>> -> memref<4096xf32, #tpu.memory_space<vmem_shared>>
      tpu.wait_indirect_dma semaphore(%arg21 : memref<!tpu.dma_semaphore, #tpu.memory_space<semaphore_mem>>) src(%arg10 : memref<128xf32, #tpu.memory_space<vmem>>) dst(%dma_wait3A_356 : memref<4096xf32, #tpu.memory_space<vmem_shared>>)
      %dma_wait3A_357 = arith.constant 0 : i32
      %dma_wait3A_358 = tpu.memref_slice %arg7[%add3A_252, %dma_wait3A_357] : memref<64x128xi32, #tpu.memory_space<vmem>> -> memref<1x128xi32, #tpu.memory_space<vmem>>
      %dma_wait3A_359 = tpu.memref_squeeze %dma_wait3A_358 : memref<1x128xi32, #tpu.memory_space<vmem>> -> memref<128xi32, #tpu.memory_space<vmem>>
      %dma_wait3A_360 = arith.constant 0 : i32
      %dma_wait3A_361 = tpu.memref_slice %arg17[%dma_wait3A_360] : memref<4096xf32, #tpu.memory_space<vmem_shared>> -> memref<4096xf32, #tpu.memory_space<vmem_shared>>
      tpu.wait_indirect_dma semaphore(%arg21 : memref<!tpu.dma_semaphore, #tpu.memory_space<semaphore_mem>>) src(%arg10 : memref<128xf32, #tpu.memory_space<vmem>>) dst(%dma_wait3A_361 : memref<4096xf32, #tpu.memory_space<vmem_shared>>)
      %dma_wait3A_362 = arith.constant 0 : i32
      %dma_wait3A_363 = tpu.memref_slice %arg7[%add3A_259, %dma_wait3A_362] : memref<64x128xi32, #tpu.memory_space<vmem>> -> memref<1x128xi32, #tpu.memory_space<vmem>>
      %dma_wait3A_364 = tpu.memref_squeeze %dma_wait3A_363 : memref<1x128xi32, #tpu.memory_space<vmem>> -> memref<128xi32, #tpu.memory_space<vmem>>
      %dma_wait3A_365 = arith.constant 0 : i32
      %dma_wait3A_366 = tpu.memref_slice %arg17[%dma_wait3A_365] : memref<4096xf32, #tpu.memory_space<vmem_shared>> -> memref<4096xf32, #tpu.memory_space<vmem_shared>>
      tpu.wait_indirect_dma semaphore(%arg21 : memref<!tpu.dma_semaphore, #tpu.memory_space<semaphore_mem>>) src(%arg10 : memref<128xf32, #tpu.memory_space<vmem>>) dst(%dma_wait3A_366 : memref<4096xf32, #tpu.memory_space<vmem_shared>>)
      %dma_wait3A_367 = arith.constant 0 : i32
      %dma_wait3A_368 = tpu.memref_slice %arg7[%add3A_266, %dma_wait3A_367] : memref<64x128xi32, #tpu.memory_space<vmem>> -> memref<1x128xi32, #tpu.memory_space<vmem>>
      %dma_wait3A_369 = tpu.memref_squeeze %dma_wait3A_368 : memref<1x128xi32, #tpu.memory_space<vmem>> -> memref<128xi32, #tpu.memory_space<vmem>>
      %dma_wait3A_370 = arith.constant 0 : i32
      %dma_wait3A_371 = tpu.memref_slice %arg17[%dma_wait3A_370] : memref<4096xf32, #tpu.memory_space<vmem_shared>> -> memref<4096xf32, #tpu.memory_space<vmem_shared>>
      tpu.wait_indirect_dma semaphore(%arg21 : memref<!tpu.dma_semaphore, #tpu.memory_space<semaphore_mem>>) src(%arg10 : memref<128xf32, #tpu.memory_space<vmem>>) dst(%dma_wait3A_371 : memref<4096xf32, #tpu.memory_space<vmem_shared>>)
      %dma_wait3A_372 = arith.constant 0 : i32
      %dma_wait3A_373 = tpu.memref_slice %arg7[%add3A_273, %dma_wait3A_372] : memref<64x128xi32, #tpu.memory_space<vmem>> -> memref<1x128xi32, #tpu.memory_space<vmem>>
      %dma_wait3A_374 = tpu.memref_squeeze %dma_wait3A_373 : memref<1x128xi32, #tpu.memory_space<vmem>> -> memref<128xi32, #tpu.memory_space<vmem>>
      %dma_wait3A_375 = arith.constant 0 : i32
      %dma_wait3A_376 = tpu.memref_slice %arg17[%dma_wait3A_375] : memref<4096xf32, #tpu.memory_space<vmem_shared>> -> memref<4096xf32, #tpu.memory_space<vmem_shared>>
      tpu.wait_indirect_dma semaphore(%arg21 : memref<!tpu.dma_semaphore, #tpu.memory_space<semaphore_mem>>) src(%arg10 : memref<128xf32, #tpu.memory_space<vmem>>) dst(%dma_wait3A_376 : memref<4096xf32, #tpu.memory_space<vmem_shared>>)
      %dma_wait3A_377 = arith.constant 0 : i32
      %dma_wait3A_378 = tpu.memref_slice %arg7[%add3A_280, %dma_wait3A_377] : memref<64x128xi32, #tpu.memory_space<vmem>> -> memref<1x128xi32, #tpu.memory_space<vmem>>
      %dma_wait3A_379 = tpu.memref_squeeze %dma_wait3A_378 : memref<1x128xi32, #tpu.memory_space<vmem>> -> memref<128xi32, #tpu.memory_space<vmem>>
      %dma_wait3A_380 = arith.constant 0 : i32
      %dma_wait3A_381 = tpu.memref_slice %arg17[%dma_wait3A_380] : memref<4096xf32, #tpu.memory_space<vmem_shared>> -> memref<4096xf32, #tpu.memory_space<vmem_shared>>
      tpu.wait_indirect_dma semaphore(%arg21 : memref<!tpu.dma_semaphore, #tpu.memory_space<semaphore_mem>>) src(%arg10 : memref<128xf32, #tpu.memory_space<vmem>>) dst(%dma_wait3A_381 : memref<4096xf32, #tpu.memory_space<vmem_shared>>)
      %dma_wait3A_382 = arith.constant 0 : i32
      %dma_wait3A_383 = tpu.memref_slice %arg7[%add3A_287, %dma_wait3A_382] : memref<64x128xi32, #tpu.memory_space<vmem>> -> memref<1x128xi32, #tpu.memory_space<vmem>>
      %dma_wait3A_384 = tpu.memref_squeeze %dma_wait3A_383 : memref<1x128xi32, #tpu.memory_space<vmem>> -> memref<128xi32, #tpu.memory_space<vmem>>
      %dma_wait3A_385 = arith.constant 0 : i32
      %dma_wait3A_386 = tpu.memref_slice %arg17[%dma_wait3A_385] : memref<4096xf32, #tpu.memory_space<vmem_shared>> -> memref<4096xf32, #tpu.memory_space<vmem_shared>>
      tpu.wait_indirect_dma semaphore(%arg21 : memref<!tpu.dma_semaphore, #tpu.memory_space<semaphore_mem>>) src(%arg10 : memref<128xf32, #tpu.memory_space<vmem>>) dst(%dma_wait3A_386 : memref<4096xf32, #tpu.memory_space<vmem_shared>>)
      %dma_wait3A_387 = arith.constant 0 : i32
      %dma_wait3A_388 = tpu.memref_slice %arg7[%add3A_294, %dma_wait3A_387] : memref<64x128xi32, #tpu.memory_space<vmem>> -> memref<1x128xi32, #tpu.memory_space<vmem>>
      %dma_wait3A_389 = tpu.memref_squeeze %dma_wait3A_388 : memref<1x128xi32, #tpu.memory_space<vmem>> -> memref<128xi32, #tpu.memory_space<vmem>>
      %dma_wait3A_390 = arith.constant 0 : i32
      %dma_wait3A_391 = tpu.memref_slice %arg17[%dma_wait3A_390] : memref<4096xf32, #tpu.memory_space<vmem_shared>> -> memref<4096xf32, #tpu.memory_space<vmem_shared>>
      tpu.wait_indirect_dma semaphore(%arg21 : memref<!tpu.dma_semaphore, #tpu.memory_space<semaphore_mem>>) src(%arg10 : memref<128xf32, #tpu.memory_space<vmem>>) dst(%dma_wait3A_391 : memref<4096xf32, #tpu.memory_space<vmem_shared>>)
      %dma_wait3A_392 = arith.constant 0 : i32
      %dma_wait3A_393 = tpu.memref_slice %arg7[%add3A_301, %dma_wait3A_392] : memref<64x128xi32, #tpu.memory_space<vmem>> -> memref<1x128xi32, #tpu.memory_space<vmem>>
      %dma_wait3A_394 = tpu.memref_squeeze %dma_wait3A_393 : memref<1x128xi32, #tpu.memory_space<vmem>> -> memref<128xi32, #tpu.memory_space<vmem>>
      %dma_wait3A_395 = arith.constant 0 : i32
      %dma_wait3A_396 = tpu.memref_slice %arg17[%dma_wait3A_395] : memref<4096xf32, #tpu.memory_space<vmem_shared>> -> memref<4096xf32, #tpu.memory_space<vmem_shared>>
      tpu.wait_indirect_dma semaphore(%arg21 : memref<!tpu.dma_semaphore, #tpu.memory_space<semaphore_mem>>) src(%arg10 : memref<128xf32, #tpu.memory_space<vmem>>) dst(%dma_wait3A_396 : memref<4096xf32, #tpu.memory_space<vmem_shared>>)
      %dma_wait3A_397 = arith.constant 0 : i32
      %dma_wait3A_398 = tpu.memref_slice %arg7[%add3A_308, %dma_wait3A_397] : memref<64x128xi32, #tpu.memory_space<vmem>> -> memref<1x128xi32, #tpu.memory_space<vmem>>
      %dma_wait3A_399 = tpu.memref_squeeze %dma_wait3A_398 : memref<1x128xi32, #tpu.memory_space<vmem>> -> memref<128xi32, #tpu.memory_space<vmem>>
      %dma_wait3A_400 = arith.constant 0 : i32
      %dma_wait3A_401 = tpu.memref_slice %arg17[%dma_wait3A_400] : memref<4096xf32, #tpu.memory_space<vmem_shared>> -> memref<4096xf32, #tpu.memory_space<vmem_shared>>
      tpu.wait_indirect_dma semaphore(%arg21 : memref<!tpu.dma_semaphore, #tpu.memory_space<semaphore_mem>>) src(%arg10 : memref<128xf32, #tpu.memory_space<vmem>>) dst(%dma_wait3A_401 : memref<4096xf32, #tpu.memory_space<vmem_shared>>)
      %dma_wait3A_402 = arith.constant 0 : i32
      %dma_wait3A_403 = tpu.memref_slice %arg7[%add3A_315, %dma_wait3A_402] : memref<64x128xi32, #tpu.memory_space<vmem>> -> memref<1x128xi32, #tpu.memory_space<vmem>>
      %dma_wait3A_404 = tpu.memref_squeeze %dma_wait3A_403 : memref<1x128xi32, #tpu.memory_space<vmem>> -> memref<128xi32, #tpu.memory_space<vmem>>
      %dma_wait3A_405 = arith.constant 0 : i32
      %dma_wait3A_406 = tpu.memref_slice %arg17[%dma_wait3A_405] : memref<4096xf32, #tpu.memory_space<vmem_shared>> -> memref<4096xf32, #tpu.memory_space<vmem_shared>>
      tpu.wait_indirect_dma semaphore(%arg21 : memref<!tpu.dma_semaphore, #tpu.memory_space<semaphore_mem>>) src(%arg10 : memref<128xf32, #tpu.memory_space<vmem>>) dst(%dma_wait3A_406 : memref<4096xf32, #tpu.memory_space<vmem_shared>>)
      %dma_wait3A_407 = arith.constant 0 : i32
      %dma_wait3A_408 = tpu.memref_slice %arg7[%add3A_322, %dma_wait3A_407] : memref<64x128xi32, #tpu.memory_space<vmem>> -> memref<1x128xi32, #tpu.memory_space<vmem>>
      %dma_wait3A_409 = tpu.memref_squeeze %dma_wait3A_408 : memref<1x128xi32, #tpu.memory_space<vmem>> -> memref<128xi32, #tpu.memory_space<vmem>>
      %dma_wait3A_410 = arith.constant 0 : i32
      %dma_wait3A_411 = tpu.memref_slice %arg17[%dma_wait3A_410] : memref<4096xf32, #tpu.memory_space<vmem_shared>> -> memref<4096xf32, #tpu.memory_space<vmem_shared>>
      tpu.wait_indirect_dma semaphore(%arg21 : memref<!tpu.dma_semaphore, #tpu.memory_space<semaphore_mem>>) src(%arg10 : memref<128xf32, #tpu.memory_space<vmem>>) dst(%dma_wait3A_411 : memref<4096xf32, #tpu.memory_space<vmem_shared>>)
      %dma_wait3A_412 = arith.constant 0 : i32
      %dma_wait3A_413 = tpu.memref_slice %arg7[%add3A_329, %dma_wait3A_412] : memref<64x128xi32, #tpu.memory_space<vmem>> -> memref<1x128xi32, #tpu.memory_space<vmem>>
      %dma_wait3A_414 = tpu.memref_squeeze %dma_wait3A_413 : memref<1x128xi32, #tpu.memory_space<vmem>> -> memref<128xi32, #tpu.memory_space<vmem>>
      %dma_wait3A_415 = arith.constant 0 : i32
      %dma_wait3A_416 = tpu.memref_slice %arg17[%dma_wait3A_415] : memref<4096xf32, #tpu.memory_space<vmem_shared>> -> memref<4096xf32, #tpu.memory_space<vmem_shared>>
      tpu.wait_indirect_dma semaphore(%arg21 : memref<!tpu.dma_semaphore, #tpu.memory_space<semaphore_mem>>) src(%arg10 : memref<128xf32, #tpu.memory_space<vmem>>) dst(%dma_wait3A_416 : memref<4096xf32, #tpu.memory_space<vmem_shared>>)
      %dma_wait3A_417 = arith.constant 0 : i32
      %dma_wait3A_418 = tpu.memref_slice %arg7[%add3A_336, %dma_wait3A_417] : memref<64x128xi32, #tpu.memory_space<vmem>> -> memref<1x128xi32, #tpu.memory_space<vmem>>
      %dma_wait3A_419 = tpu.memref_squeeze %dma_wait3A_418 : memref<1x128xi32, #tpu.memory_space<vmem>> -> memref<128xi32, #tpu.memory_space<vmem>>
      %dma_wait3A_420 = arith.constant 0 : i32
      %dma_wait3A_421 = tpu.memref_slice %arg17[%dma_wait3A_420] : memref<4096xf32, #tpu.memory_space<vmem_shared>> -> memref<4096xf32, #tpu.memory_space<vmem_shared>>
      tpu.wait_indirect_dma semaphore(%arg21 : memref<!tpu.dma_semaphore, #tpu.memory_space<semaphore_mem>>) src(%arg10 : memref<128xf32, #tpu.memory_space<vmem>>) dst(%dma_wait3A_421 : memref<4096xf32, #tpu.memory_space<vmem_shared>>)
    }
    %scan3A_190 = arith.constant 4 : i32
    %barrier3A_191 = arith.constant 0 : index
    tpu.barrier barrier_id(%barrier3A_191)
    %mul3A_192 = arith.constant 256 : i32
    %mul3A_193 = arith.muli %arg1, %mul3A_192 : i32
    "tpu.region"() ({
      %run_scoped3A = tpu.sem_alloc : memref<!tpu.dma_semaphore, #tpu.memory_space<semaphore_mem>>
      %dma_start3A_227 = tpu.memref_slice %arg17[%mul3A_193] : memref<4096xf32, #tpu.memory_space<vmem_shared>> -> memref<256xf32, #tpu.memory_space<vmem_shared>>
      %dma_start3A_228 = tpu.memref_slice %arg17[%mul3A_193] : memref<4096xf32, #tpu.memory_space<vmem_shared>> -> memref<256xf32, #tpu.memory_space<vmem_shared>>
      tpu.enqueue_dma source(%dma_start3A_228 : memref<256xf32, #tpu.memory_space<vmem_shared>>) target(%arg12 : memref<256xf32, #tpu.memory_space<vmem>>) target_semaphore(%run_scoped3A : memref<!tpu.dma_semaphore, #tpu.memory_space<semaphore_mem>>)
      %dma_wait3A_229 = tpu.memref_slice %arg17[%mul3A_193] : memref<4096xf32, #tpu.memory_space<vmem_shared>> -> memref<256xf32, #tpu.memory_space<vmem_shared>>
      %dma_wait3A_230 = tpu.memref_slice %arg17[%mul3A_193] : memref<4096xf32, #tpu.memory_space<vmem_shared>> -> memref<256xf32, #tpu.memory_space<vmem_shared>>
      tpu.wait_dma2 semaphore(%run_scoped3A : memref<!tpu.dma_semaphore, #tpu.memory_space<semaphore_mem>>) src(%dma_wait3A_230 : memref<256xf32, #tpu.memory_space<vmem_shared>>) dst(%arg12 : memref<256xf32, #tpu.memory_space<vmem>>)
      tpu.yield
    }) : () -> ()
    %scan3A_194 = arith.constant 0 : i32
    %scan3A_195 = arith.constant 0 : i32
    %scan3A_196 = arith.constant 16 : i32
    %scan3A_197 = arith.addi %scan3A_195, %scan3A_196 : i32
    %scan3A_198 = arith.constant 1 : i32
    scf.for %scan3A_227 = %scan3A_195 to %scan3A_197 step %scan3A_198  : i32 {
      %mul3A_228 = arith.constant 16 : i32
      %mul3A_229 = arith.muli %scan3A_227, %mul3A_228 : i32
      %get3A = arith.index_cast %mul3A_229 : i32 to index
      %get3A_230 = tpu.vector_load %arg12[%get3A] {strides = array<i32>} : memref<256xf32, #tpu.memory_space<vmem>>, vector<16xf32>,
      %get3A_231 = vector.shape_cast %get3A_230 : vector<16xf32> to vector<16xf32>
      %bitcast_convert_type3A = tpu.bitcast %get3A_231 : vector<16xf32> -> vector<16xi32>
      %shift_right_arithmetic3A = arith.constant 1 : i32
      %shift_right_arithmetic3A_232 = vector.broadcast %shift_right_arithmetic3A : i32 to vector<16xi32>
      %shift_right_arithmetic3A_233 = arith.shrsi %bitcast_convert_type3A, %shift_right_arithmetic3A_232 : vector<16xi32>
      %sub3A = arith.constant 1597463007 : i32
      %sub3A_234 = vector.broadcast %sub3A : i32 to vector<16xi32>
      %sub3A_235 = arith.subi %sub3A_234, %shift_right_arithmetic3A_233 : vector<16xi32>
      %bitcast_convert_type3A_236 = tpu.bitcast %sub3A_235 : vector<16xi32> -> vector<16xf32>
      %mul3A_237 = arith.constant 5.000000e-01 : f32
      %mul3A_238 = vector.broadcast %mul3A_237 : f32 to vector<16xf32>
      %mul3A_239 = arith.mulf %mul3A_238, %get3A_231 : vector<16xf32>
      %mul3A_240 = arith.mulf %mul3A_239, %bitcast_convert_type3A_236 : vector<16xf32>
      %mul3A_241 = arith.mulf %mul3A_240, %bitcast_convert_type3A_236 : vector<16xf32>
      %sub3A_242 = arith.constant 1.500000e+00 : f32
      %sub3A_243 = vector.broadcast %sub3A_242 : f32 to vector<16xf32>
      %sub3A_244 = arith.subf %sub3A_243, %mul3A_241 : vector<16xf32>
      %mul3A_245 = arith.mulf %bitcast_convert_type3A_236, %sub3A_244 : vector<16xf32>
      %mul3A_246 = arith.constant 5.000000e-01 : f32
      %mul3A_247 = vector.broadcast %mul3A_246 : f32 to vector<16xf32>
      %mul3A_248 = arith.mulf %mul3A_247, %get3A_231 : vector<16xf32>
      %mul3A_249 = arith.mulf %mul3A_248, %mul3A_245 : vector<16xf32>
      %mul3A_250 = arith.mulf %mul3A_249, %mul3A_245 : vector<16xf32>
      %sub3A_251 = arith.constant 1.500000e+00 : f32
      %sub3A_252 = vector.broadcast %sub3A_251 : f32 to vector<16xf32>
      %sub3A_253 = arith.subf %sub3A_252, %mul3A_250 : vector<16xf32>
      %mul3A_254 = arith.mulf %mul3A_245, %sub3A_253 : vector<16xf32>
      %mul3A_255 = arith.constant 5.000000e-01 : f32
      %mul3A_256 = vector.broadcast %mul3A_255 : f32 to vector<16xf32>
      %mul3A_257 = arith.mulf %mul3A_256, %get3A_231 : vector<16xf32>
      %mul3A_258 = arith.mulf %mul3A_257, %mul3A_254 : vector<16xf32>
      %mul3A_259 = arith.mulf %mul3A_258, %mul3A_254 : vector<16xf32>
      %sub3A_260 = arith.constant 1.500000e+00 : f32
      %sub3A_261 = vector.broadcast %sub3A_260 : f32 to vector<16xf32>
      %sub3A_262 = arith.subf %sub3A_261, %mul3A_259 : vector<16xf32>
      %mul3A_263 = arith.mulf %mul3A_254, %sub3A_262 : vector<16xf32>
      %mul3A_264 = arith.constant 5.000000e-01 : f32
      %mul3A_265 = vector.broadcast %mul3A_264 : f32 to vector<16xf32>
      %mul3A_266 = arith.mulf %mul3A_265, %get3A_231 : vector<16xf32>
      %mul3A_267 = arith.mulf %mul3A_266, %mul3A_263 : vector<16xf32>
      %mul3A_268 = arith.mulf %mul3A_267, %mul3A_263 : vector<16xf32>
      %sub3A_269 = arith.constant 1.500000e+00 : f32
      %sub3A_270 = vector.broadcast %sub3A_269 : f32 to vector<16xf32>
      %sub3A_271 = arith.subf %sub3A_270, %mul3A_268 : vector<16xf32>
      %mul3A_272 = arith.mulf %mul3A_263, %sub3A_271 : vector<16xf32>
      %eq3A_273 = arith.constant 0.000000e+00 : f32
      %eq3A_274 = vector.broadcast %eq3A_273 : f32 to vector<16xf32>
      %eq3A_275 = arith.cmpf oeq, %get3A_231, %eq3A_274 : vector<16xf32>
      %jit3A = arith.constant 0x7F800000 : f32
      %broadcast_in_dim3A_276 = vector.broadcast %jit3A : f32 to vector<16xf32>
      %select_n3A = arith.select %eq3A_275, %broadcast_in_dim3A_276, %mul3A_272 : vector<16xi1>, vector<16xf32>
      %mul3A_277 = arith.constant 16 : i32
      %mul3A_278 = arith.muli %scan3A_227, %mul3A_277 : i32
      %swap3A_279 = arith.index_cast %mul3A_278 : i32 to index
      %swap3A_280 = tpu.vector_load %arg12[%swap3A_279] {strides = array<i32>} : memref<256xf32, #tpu.memory_space<vmem>>, vector<16xf32>,
      %swap3A_281 = vector.shape_cast %swap3A_280 : vector<16xf32> to vector<16xf32>
      %swap3A_282 = vector.shape_cast %select_n3A : vector<16xf32> to vector<16xf32>
      tpu.vector_store %arg12[%swap3A_279], %swap3A_282 {strides = array<i32>} : memref<256xf32, #tpu.memory_space<vmem>>, vector<16xf32>,
    }
    %scan3A_199 = arith.constant 16 : i32
    %mul3A_200 = arith.constant 256 : i32
    %mul3A_201 = arith.muli %arg1, %mul3A_200 : i32
    "tpu.region"() ({
      %run_scoped3A = tpu.sem_alloc : memref<!tpu.dma_semaphore, #tpu.memory_space<semaphore_mem>>
      %dma_start3A_227 = tpu.memref_slice %arg18[%mul3A_201] : memref<4096xf32, #tpu.memory_space<vmem_shared>> -> memref<256xf32, #tpu.memory_space<vmem_shared>>
      %dma_start3A_228 = tpu.memref_slice %arg18[%mul3A_201] : memref<4096xf32, #tpu.memory_space<vmem_shared>> -> memref<256xf32, #tpu.memory_space<vmem_shared>>
      tpu.enqueue_dma source(%arg12 : memref<256xf32, #tpu.memory_space<vmem>>) target(%dma_start3A_228 : memref<256xf32, #tpu.memory_space<vmem_shared>>) target_semaphore(%run_scoped3A : memref<!tpu.dma_semaphore, #tpu.memory_space<semaphore_mem>>)
      %dma_wait3A_229 = tpu.memref_slice %arg18[%mul3A_201] : memref<4096xf32, #tpu.memory_space<vmem_shared>> -> memref<256xf32, #tpu.memory_space<vmem_shared>>
      %dma_wait3A_230 = tpu.memref_slice %arg18[%mul3A_201] : memref<4096xf32, #tpu.memory_space<vmem_shared>> -> memref<256xf32, #tpu.memory_space<vmem_shared>>
      tpu.wait_dma2 semaphore(%run_scoped3A : memref<!tpu.dma_semaphore, #tpu.memory_space<semaphore_mem>>) src(%arg12 : memref<256xf32, #tpu.memory_space<vmem>>) dst(%dma_wait3A_230 : memref<256xf32, #tpu.memory_space<vmem_shared>>)
      tpu.yield
    }) : () -> ()
    %barrier3A_202 = arith.constant 0 : index
    tpu.barrier barrier_id(%barrier3A_202)
    %scan3A_203 = arith.constant 0 : i32
    %scan3A_204 = arith.constant 0 : i32
    %scan3A_205 = arith.constant 4 : i32
    %scan3A_206 = arith.addi %scan3A_204, %scan3A_205 : i32
    %scan3A_207 = arith.constant 1 : i32
    scf.for %scan3A_227 = %scan3A_204 to %scan3A_206 step %scan3A_207  : i32 {
      %mul3A_228 = arith.constant 8 : i32
      %mul3A_229 = arith.muli %scan3A_227, %mul3A_228 : i32
      %add3A_230 = arith.constant 0 : i32
      %add3A_231 = arith.addi %mul3A_229, %add3A_230 : i32
      %dma_start3A_232 = arith.constant 0 : i32
      %dma_start3A_233 = arith.constant 0 : i32
      %dma_start3A_234 = tpu.memref_slice %arg9[%dma_start3A_232, %dma_start3A_233] : memref<8x128xf32, #tpu.memory_space<vmem>> -> memref<1x128xf32, #tpu.memory_space<vmem>>
      %dma_start3A_235 = tpu.memref_squeeze %dma_start3A_234 : memref<1x128xf32, #tpu.memory_space<vmem>> -> memref<128xf32, #tpu.memory_space<vmem>>
      %dma_start3A_236 = arith.constant 0 : i32
      %dma_start3A_237 = tpu.memref_slice %arg8[%add3A_231, %dma_start3A_236] : memref<32x128xi32, #tpu.memory_space<vmem>> -> memref<1x128xi32, #tpu.memory_space<vmem>>
      %dma_start3A_238 = tpu.memref_squeeze %dma_start3A_237 : memref<1x128xi32, #tpu.memory_space<vmem>> -> memref<128xi32, #tpu.memory_space<vmem>>
      %dma_start3A_239 = arith.constant 0 : i32
      %dma_start3A_240 = tpu.memref_slice %arg18[%dma_start3A_239] : memref<4096xf32, #tpu.memory_space<vmem_shared>> -> memref<4096xf32, #tpu.memory_space<vmem_shared>>
      tpu.enqueue_indirect_dma source(%dma_start3A_240 : memref<4096xf32, #tpu.memory_space<vmem_shared>>) target(%dma_start3A_235 : memref<128xf32, #tpu.memory_space<vmem>>) offsets(%dma_start3A_238 : memref<128xi32, #tpu.memory_space<vmem>>) semaphore(%arg21 : memref<!tpu.dma_semaphore, #tpu.memory_space<semaphore_mem>>)
      %add3A_241 = arith.constant 1 : i32
      %add3A_242 = arith.addi %mul3A_229, %add3A_241 : i32
      %dma_start3A_243 = arith.constant 1 : i32
      %dma_start3A_244 = arith.constant 0 : i32
      %dma_start3A_245 = tpu.memref_slice %arg9[%dma_start3A_243, %dma_start3A_244] : memref<8x128xf32, #tpu.memory_space<vmem>> -> memref<1x128xf32, #tpu.memory_space<vmem>>
      %dma_start3A_246 = tpu.memref_squeeze %dma_start3A_245 : memref<1x128xf32, #tpu.memory_space<vmem>> -> memref<128xf32, #tpu.memory_space<vmem>>
      %dma_start3A_247 = arith.constant 0 : i32
      %dma_start3A_248 = tpu.memref_slice %arg8[%add3A_242, %dma_start3A_247] : memref<32x128xi32, #tpu.memory_space<vmem>> -> memref<1x128xi32, #tpu.memory_space<vmem>>
      %dma_start3A_249 = tpu.memref_squeeze %dma_start3A_248 : memref<1x128xi32, #tpu.memory_space<vmem>> -> memref<128xi32, #tpu.memory_space<vmem>>
      %dma_start3A_250 = arith.constant 0 : i32
      %dma_start3A_251 = tpu.memref_slice %arg18[%dma_start3A_250] : memref<4096xf32, #tpu.memory_space<vmem_shared>> -> memref<4096xf32, #tpu.memory_space<vmem_shared>>
      tpu.enqueue_indirect_dma source(%dma_start3A_251 : memref<4096xf32, #tpu.memory_space<vmem_shared>>) target(%dma_start3A_246 : memref<128xf32, #tpu.memory_space<vmem>>) offsets(%dma_start3A_249 : memref<128xi32, #tpu.memory_space<vmem>>) semaphore(%arg21 : memref<!tpu.dma_semaphore, #tpu.memory_space<semaphore_mem>>)
      %add3A_252 = arith.constant 2 : i32
      %add3A_253 = arith.addi %mul3A_229, %add3A_252 : i32
      %dma_start3A_254 = arith.constant 2 : i32
      %dma_start3A_255 = arith.constant 0 : i32
      %dma_start3A_256 = tpu.memref_slice %arg9[%dma_start3A_254, %dma_start3A_255] : memref<8x128xf32, #tpu.memory_space<vmem>> -> memref<1x128xf32, #tpu.memory_space<vmem>>
      %dma_start3A_257 = tpu.memref_squeeze %dma_start3A_256 : memref<1x128xf32, #tpu.memory_space<vmem>> -> memref<128xf32, #tpu.memory_space<vmem>>
      %dma_start3A_258 = arith.constant 0 : i32
      %dma_start3A_259 = tpu.memref_slice %arg8[%add3A_253, %dma_start3A_258] : memref<32x128xi32, #tpu.memory_space<vmem>> -> memref<1x128xi32, #tpu.memory_space<vmem>>
      %dma_start3A_260 = tpu.memref_squeeze %dma_start3A_259 : memref<1x128xi32, #tpu.memory_space<vmem>> -> memref<128xi32, #tpu.memory_space<vmem>>
      %dma_start3A_261 = arith.constant 0 : i32
      %dma_start3A_262 = tpu.memref_slice %arg18[%dma_start3A_261] : memref<4096xf32, #tpu.memory_space<vmem_shared>> -> memref<4096xf32, #tpu.memory_space<vmem_shared>>
      tpu.enqueue_indirect_dma source(%dma_start3A_262 : memref<4096xf32, #tpu.memory_space<vmem_shared>>) target(%dma_start3A_257 : memref<128xf32, #tpu.memory_space<vmem>>) offsets(%dma_start3A_260 : memref<128xi32, #tpu.memory_space<vmem>>) semaphore(%arg21 : memref<!tpu.dma_semaphore, #tpu.memory_space<semaphore_mem>>)
      %add3A_263 = arith.constant 3 : i32
      %add3A_264 = arith.addi %mul3A_229, %add3A_263 : i32
      %dma_start3A_265 = arith.constant 3 : i32
      %dma_start3A_266 = arith.constant 0 : i32
      %dma_start3A_267 = tpu.memref_slice %arg9[%dma_start3A_265, %dma_start3A_266] : memref<8x128xf32, #tpu.memory_space<vmem>> -> memref<1x128xf32, #tpu.memory_space<vmem>>
      %dma_start3A_268 = tpu.memref_squeeze %dma_start3A_267 : memref<1x128xf32, #tpu.memory_space<vmem>> -> memref<128xf32, #tpu.memory_space<vmem>>
      %dma_start3A_269 = arith.constant 0 : i32
      %dma_start3A_270 = tpu.memref_slice %arg8[%add3A_264, %dma_start3A_269] : memref<32x128xi32, #tpu.memory_space<vmem>> -> memref<1x128xi32, #tpu.memory_space<vmem>>
      %dma_start3A_271 = tpu.memref_squeeze %dma_start3A_270 : memref<1x128xi32, #tpu.memory_space<vmem>> -> memref<128xi32, #tpu.memory_space<vmem>>
      %dma_start3A_272 = arith.constant 0 : i32
      %dma_start3A_273 = tpu.memref_slice %arg18[%dma_start3A_272] : memref<4096xf32, #tpu.memory_space<vmem_shared>> -> memref<4096xf32, #tpu.memory_space<vmem_shared>>
      tpu.enqueue_indirect_dma source(%dma_start3A_273 : memref<4096xf32, #tpu.memory_space<vmem_shared>>) target(%dma_start3A_268 : memref<128xf32, #tpu.memory_space<vmem>>) offsets(%dma_start3A_271 : memref<128xi32, #tpu.memory_space<vmem>>) semaphore(%arg21 : memref<!tpu.dma_semaphore, #tpu.memory_space<semaphore_mem>>)
      %add3A_274 = arith.constant 4 : i32
      %add3A_275 = arith.addi %mul3A_229, %add3A_274 : i32
      %dma_start3A_276 = arith.constant 4 : i32
      %dma_start3A_277 = arith.constant 0 : i32
      %dma_start3A_278 = tpu.memref_slice %arg9[%dma_start3A_276, %dma_start3A_277] : memref<8x128xf32, #tpu.memory_space<vmem>> -> memref<1x128xf32, #tpu.memory_space<vmem>>
      %dma_start3A_279 = tpu.memref_squeeze %dma_start3A_278 : memref<1x128xf32, #tpu.memory_space<vmem>> -> memref<128xf32, #tpu.memory_space<vmem>>
      %dma_start3A_280 = arith.constant 0 : i32
      %dma_start3A_281 = tpu.memref_slice %arg8[%add3A_275, %dma_start3A_280] : memref<32x128xi32, #tpu.memory_space<vmem>> -> memref<1x128xi32, #tpu.memory_space<vmem>>
      %dma_start3A_282 = tpu.memref_squeeze %dma_start3A_281 : memref<1x128xi32, #tpu.memory_space<vmem>> -> memref<128xi32, #tpu.memory_space<vmem>>
      %dma_start3A_283 = arith.constant 0 : i32
      %dma_start3A_284 = tpu.memref_slice %arg18[%dma_start3A_283] : memref<4096xf32, #tpu.memory_space<vmem_shared>> -> memref<4096xf32, #tpu.memory_space<vmem_shared>>
      tpu.enqueue_indirect_dma source(%dma_start3A_284 : memref<4096xf32, #tpu.memory_space<vmem_shared>>) target(%dma_start3A_279 : memref<128xf32, #tpu.memory_space<vmem>>) offsets(%dma_start3A_282 : memref<128xi32, #tpu.memory_space<vmem>>) semaphore(%arg21 : memref<!tpu.dma_semaphore, #tpu.memory_space<semaphore_mem>>)
      %add3A_285 = arith.constant 5 : i32
      %add3A_286 = arith.addi %mul3A_229, %add3A_285 : i32
      %dma_start3A_287 = arith.constant 5 : i32
      %dma_start3A_288 = arith.constant 0 : i32
      %dma_start3A_289 = tpu.memref_slice %arg9[%dma_start3A_287, %dma_start3A_288] : memref<8x128xf32, #tpu.memory_space<vmem>> -> memref<1x128xf32, #tpu.memory_space<vmem>>
      %dma_start3A_290 = tpu.memref_squeeze %dma_start3A_289 : memref<1x128xf32, #tpu.memory_space<vmem>> -> memref<128xf32, #tpu.memory_space<vmem>>
      %dma_start3A_291 = arith.constant 0 : i32
      %dma_start3A_292 = tpu.memref_slice %arg8[%add3A_286, %dma_start3A_291] : memref<32x128xi32, #tpu.memory_space<vmem>> -> memref<1x128xi32, #tpu.memory_space<vmem>>
      %dma_start3A_293 = tpu.memref_squeeze %dma_start3A_292 : memref<1x128xi32, #tpu.memory_space<vmem>> -> memref<128xi32, #tpu.memory_space<vmem>>
      %dma_start3A_294 = arith.constant 0 : i32
      %dma_start3A_295 = tpu.memref_slice %arg18[%dma_start3A_294] : memref<4096xf32, #tpu.memory_space<vmem_shared>> -> memref<4096xf32, #tpu.memory_space<vmem_shared>>
      tpu.enqueue_indirect_dma source(%dma_start3A_295 : memref<4096xf32, #tpu.memory_space<vmem_shared>>) target(%dma_start3A_290 : memref<128xf32, #tpu.memory_space<vmem>>) offsets(%dma_start3A_293 : memref<128xi32, #tpu.memory_space<vmem>>) semaphore(%arg21 : memref<!tpu.dma_semaphore, #tpu.memory_space<semaphore_mem>>)
      %add3A_296 = arith.constant 6 : i32
      %add3A_297 = arith.addi %mul3A_229, %add3A_296 : i32
      %dma_start3A_298 = arith.constant 6 : i32
      %dma_start3A_299 = arith.constant 0 : i32
      %dma_start3A_300 = tpu.memref_slice %arg9[%dma_start3A_298, %dma_start3A_299] : memref<8x128xf32, #tpu.memory_space<vmem>> -> memref<1x128xf32, #tpu.memory_space<vmem>>
      %dma_start3A_301 = tpu.memref_squeeze %dma_start3A_300 : memref<1x128xf32, #tpu.memory_space<vmem>> -> memref<128xf32, #tpu.memory_space<vmem>>
      %dma_start3A_302 = arith.constant 0 : i32
      %dma_start3A_303 = tpu.memref_slice %arg8[%add3A_297, %dma_start3A_302] : memref<32x128xi32, #tpu.memory_space<vmem>> -> memref<1x128xi32, #tpu.memory_space<vmem>>
      %dma_start3A_304 = tpu.memref_squeeze %dma_start3A_303 : memref<1x128xi32, #tpu.memory_space<vmem>> -> memref<128xi32, #tpu.memory_space<vmem>>
      %dma_start3A_305 = arith.constant 0 : i32
      %dma_start3A_306 = tpu.memref_slice %arg18[%dma_start3A_305] : memref<4096xf32, #tpu.memory_space<vmem_shared>> -> memref<4096xf32, #tpu.memory_space<vmem_shared>>
      tpu.enqueue_indirect_dma source(%dma_start3A_306 : memref<4096xf32, #tpu.memory_space<vmem_shared>>) target(%dma_start3A_301 : memref<128xf32, #tpu.memory_space<vmem>>) offsets(%dma_start3A_304 : memref<128xi32, #tpu.memory_space<vmem>>) semaphore(%arg21 : memref<!tpu.dma_semaphore, #tpu.memory_space<semaphore_mem>>)
      %add3A_307 = arith.constant 7 : i32
      %add3A_308 = arith.addi %mul3A_229, %add3A_307 : i32
      %dma_start3A_309 = arith.constant 7 : i32
      %dma_start3A_310 = arith.constant 0 : i32
      %dma_start3A_311 = tpu.memref_slice %arg9[%dma_start3A_309, %dma_start3A_310] : memref<8x128xf32, #tpu.memory_space<vmem>> -> memref<1x128xf32, #tpu.memory_space<vmem>>
      %dma_start3A_312 = tpu.memref_squeeze %dma_start3A_311 : memref<1x128xf32, #tpu.memory_space<vmem>> -> memref<128xf32, #tpu.memory_space<vmem>>
      %dma_start3A_313 = arith.constant 0 : i32
      %dma_start3A_314 = tpu.memref_slice %arg8[%add3A_308, %dma_start3A_313] : memref<32x128xi32, #tpu.memory_space<vmem>> -> memref<1x128xi32, #tpu.memory_space<vmem>>
      %dma_start3A_315 = tpu.memref_squeeze %dma_start3A_314 : memref<1x128xi32, #tpu.memory_space<vmem>> -> memref<128xi32, #tpu.memory_space<vmem>>
      %dma_start3A_316 = arith.constant 0 : i32
      %dma_start3A_317 = tpu.memref_slice %arg18[%dma_start3A_316] : memref<4096xf32, #tpu.memory_space<vmem_shared>> -> memref<4096xf32, #tpu.memory_space<vmem_shared>>
      tpu.enqueue_indirect_dma source(%dma_start3A_317 : memref<4096xf32, #tpu.memory_space<vmem_shared>>) target(%dma_start3A_312 : memref<128xf32, #tpu.memory_space<vmem>>) offsets(%dma_start3A_315 : memref<128xi32, #tpu.memory_space<vmem>>) semaphore(%arg21 : memref<!tpu.dma_semaphore, #tpu.memory_space<semaphore_mem>>)
      %dma_wait3A_318 = arith.constant 0 : i32
      %dma_wait3A_319 = arith.constant 0 : i32
      %dma_wait3A_320 = tpu.memref_slice %arg9[%dma_wait3A_318, %dma_wait3A_319] : memref<8x128xf32, #tpu.memory_space<vmem>> -> memref<1x128xf32, #tpu.memory_space<vmem>>
      %dma_wait3A_321 = tpu.memref_squeeze %dma_wait3A_320 : memref<1x128xf32, #tpu.memory_space<vmem>> -> memref<128xf32, #tpu.memory_space<vmem>>
      %dma_wait3A_322 = arith.constant 0 : i32
      %dma_wait3A_323 = tpu.memref_slice %arg8[%add3A_231, %dma_wait3A_322] : memref<32x128xi32, #tpu.memory_space<vmem>> -> memref<1x128xi32, #tpu.memory_space<vmem>>
      %dma_wait3A_324 = tpu.memref_squeeze %dma_wait3A_323 : memref<1x128xi32, #tpu.memory_space<vmem>> -> memref<128xi32, #tpu.memory_space<vmem>>
      %dma_wait3A_325 = arith.constant 0 : i32
      %dma_wait3A_326 = tpu.memref_slice %arg18[%dma_wait3A_325] : memref<4096xf32, #tpu.memory_space<vmem_shared>> -> memref<4096xf32, #tpu.memory_space<vmem_shared>>
      tpu.wait_indirect_dma semaphore(%arg21 : memref<!tpu.dma_semaphore, #tpu.memory_space<semaphore_mem>>) src(%dma_wait3A_326 : memref<4096xf32, #tpu.memory_space<vmem_shared>>) dst(%dma_wait3A_321 : memref<128xf32, #tpu.memory_space<vmem>>)
      %dma_wait3A_327 = arith.constant 1 : i32
      %dma_wait3A_328 = arith.constant 0 : i32
      %dma_wait3A_329 = tpu.memref_slice %arg9[%dma_wait3A_327, %dma_wait3A_328] : memref<8x128xf32, #tpu.memory_space<vmem>> -> memref<1x128xf32, #tpu.memory_space<vmem>>
      %dma_wait3A_330 = tpu.memref_squeeze %dma_wait3A_329 : memref<1x128xf32, #tpu.memory_space<vmem>> -> memref<128xf32, #tpu.memory_space<vmem>>
      %dma_wait3A_331 = arith.constant 0 : i32
      %dma_wait3A_332 = tpu.memref_slice %arg8[%add3A_242, %dma_wait3A_331] : memref<32x128xi32, #tpu.memory_space<vmem>> -> memref<1x128xi32, #tpu.memory_space<vmem>>
      %dma_wait3A_333 = tpu.memref_squeeze %dma_wait3A_332 : memref<1x128xi32, #tpu.memory_space<vmem>> -> memref<128xi32, #tpu.memory_space<vmem>>
      %dma_wait3A_334 = arith.constant 0 : i32
      %dma_wait3A_335 = tpu.memref_slice %arg18[%dma_wait3A_334] : memref<4096xf32, #tpu.memory_space<vmem_shared>> -> memref<4096xf32, #tpu.memory_space<vmem_shared>>
      tpu.wait_indirect_dma semaphore(%arg21 : memref<!tpu.dma_semaphore, #tpu.memory_space<semaphore_mem>>) src(%dma_wait3A_335 : memref<4096xf32, #tpu.memory_space<vmem_shared>>) dst(%dma_wait3A_330 : memref<128xf32, #tpu.memory_space<vmem>>)
      %dma_wait3A_336 = arith.constant 2 : i32
      %dma_wait3A_337 = arith.constant 0 : i32
      %dma_wait3A_338 = tpu.memref_slice %arg9[%dma_wait3A_336, %dma_wait3A_337] : memref<8x128xf32, #tpu.memory_space<vmem>> -> memref<1x128xf32, #tpu.memory_space<vmem>>
      %dma_wait3A_339 = tpu.memref_squeeze %dma_wait3A_338 : memref<1x128xf32, #tpu.memory_space<vmem>> -> memref<128xf32, #tpu.memory_space<vmem>>
      %dma_wait3A_340 = arith.constant 0 : i32
      %dma_wait3A_341 = tpu.memref_slice %arg8[%add3A_253, %dma_wait3A_340] : memref<32x128xi32, #tpu.memory_space<vmem>> -> memref<1x128xi32, #tpu.memory_space<vmem>>
      %dma_wait3A_342 = tpu.memref_squeeze %dma_wait3A_341 : memref<1x128xi32, #tpu.memory_space<vmem>> -> memref<128xi32, #tpu.memory_space<vmem>>
      %dma_wait3A_343 = arith.constant 0 : i32
      %dma_wait3A_344 = tpu.memref_slice %arg18[%dma_wait3A_343] : memref<4096xf32, #tpu.memory_space<vmem_shared>> -> memref<4096xf32, #tpu.memory_space<vmem_shared>>
      tpu.wait_indirect_dma semaphore(%arg21 : memref<!tpu.dma_semaphore, #tpu.memory_space<semaphore_mem>>) src(%dma_wait3A_344 : memref<4096xf32, #tpu.memory_space<vmem_shared>>) dst(%dma_wait3A_339 : memref<128xf32, #tpu.memory_space<vmem>>)
      %dma_wait3A_345 = arith.constant 3 : i32
      %dma_wait3A_346 = arith.constant 0 : i32
      %dma_wait3A_347 = tpu.memref_slice %arg9[%dma_wait3A_345, %dma_wait3A_346] : memref<8x128xf32, #tpu.memory_space<vmem>> -> memref<1x128xf32, #tpu.memory_space<vmem>>
      %dma_wait3A_348 = tpu.memref_squeeze %dma_wait3A_347 : memref<1x128xf32, #tpu.memory_space<vmem>> -> memref<128xf32, #tpu.memory_space<vmem>>
      %dma_wait3A_349 = arith.constant 0 : i32
      %dma_wait3A_350 = tpu.memref_slice %arg8[%add3A_264, %dma_wait3A_349] : memref<32x128xi32, #tpu.memory_space<vmem>> -> memref<1x128xi32, #tpu.memory_space<vmem>>
      %dma_wait3A_351 = tpu.memref_squeeze %dma_wait3A_350 : memref<1x128xi32, #tpu.memory_space<vmem>> -> memref<128xi32, #tpu.memory_space<vmem>>
      %dma_wait3A_352 = arith.constant 0 : i32
      %dma_wait3A_353 = tpu.memref_slice %arg18[%dma_wait3A_352] : memref<4096xf32, #tpu.memory_space<vmem_shared>> -> memref<4096xf32, #tpu.memory_space<vmem_shared>>
      tpu.wait_indirect_dma semaphore(%arg21 : memref<!tpu.dma_semaphore, #tpu.memory_space<semaphore_mem>>) src(%dma_wait3A_353 : memref<4096xf32, #tpu.memory_space<vmem_shared>>) dst(%dma_wait3A_348 : memref<128xf32, #tpu.memory_space<vmem>>)
      %dma_wait3A_354 = arith.constant 4 : i32
      %dma_wait3A_355 = arith.constant 0 : i32
      %dma_wait3A_356 = tpu.memref_slice %arg9[%dma_wait3A_354, %dma_wait3A_355] : memref<8x128xf32, #tpu.memory_space<vmem>> -> memref<1x128xf32, #tpu.memory_space<vmem>>
      %dma_wait3A_357 = tpu.memref_squeeze %dma_wait3A_356 : memref<1x128xf32, #tpu.memory_space<vmem>> -> memref<128xf32, #tpu.memory_space<vmem>>
      %dma_wait3A_358 = arith.constant 0 : i32
      %dma_wait3A_359 = tpu.memref_slice %arg8[%add3A_275, %dma_wait3A_358] : memref<32x128xi32, #tpu.memory_space<vmem>> -> memref<1x128xi32, #tpu.memory_space<vmem>>
      %dma_wait3A_360 = tpu.memref_squeeze %dma_wait3A_359 : memref<1x128xi32, #tpu.memory_space<vmem>> -> memref<128xi32, #tpu.memory_space<vmem>>
      %dma_wait3A_361 = arith.constant 0 : i32
      %dma_wait3A_362 = tpu.memref_slice %arg18[%dma_wait3A_361] : memref<4096xf32, #tpu.memory_space<vmem_shared>> -> memref<4096xf32, #tpu.memory_space<vmem_shared>>
      tpu.wait_indirect_dma semaphore(%arg21 : memref<!tpu.dma_semaphore, #tpu.memory_space<semaphore_mem>>) src(%dma_wait3A_362 : memref<4096xf32, #tpu.memory_space<vmem_shared>>) dst(%dma_wait3A_357 : memref<128xf32, #tpu.memory_space<vmem>>)
      %dma_wait3A_363 = arith.constant 5 : i32
      %dma_wait3A_364 = arith.constant 0 : i32
      %dma_wait3A_365 = tpu.memref_slice %arg9[%dma_wait3A_363, %dma_wait3A_364] : memref<8x128xf32, #tpu.memory_space<vmem>> -> memref<1x128xf32, #tpu.memory_space<vmem>>
      %dma_wait3A_366 = tpu.memref_squeeze %dma_wait3A_365 : memref<1x128xf32, #tpu.memory_space<vmem>> -> memref<128xf32, #tpu.memory_space<vmem>>
      %dma_wait3A_367 = arith.constant 0 : i32
      %dma_wait3A_368 = tpu.memref_slice %arg8[%add3A_286, %dma_wait3A_367] : memref<32x128xi32, #tpu.memory_space<vmem>> -> memref<1x128xi32, #tpu.memory_space<vmem>>
      %dma_wait3A_369 = tpu.memref_squeeze %dma_wait3A_368 : memref<1x128xi32, #tpu.memory_space<vmem>> -> memref<128xi32, #tpu.memory_space<vmem>>
      %dma_wait3A_370 = arith.constant 0 : i32
      %dma_wait3A_371 = tpu.memref_slice %arg18[%dma_wait3A_370] : memref<4096xf32, #tpu.memory_space<vmem_shared>> -> memref<4096xf32, #tpu.memory_space<vmem_shared>>
      tpu.wait_indirect_dma semaphore(%arg21 : memref<!tpu.dma_semaphore, #tpu.memory_space<semaphore_mem>>) src(%dma_wait3A_371 : memref<4096xf32, #tpu.memory_space<vmem_shared>>) dst(%dma_wait3A_366 : memref<128xf32, #tpu.memory_space<vmem>>)
      %dma_wait3A_372 = arith.constant 6 : i32
      %dma_wait3A_373 = arith.constant 0 : i32
      %dma_wait3A_374 = tpu.memref_slice %arg9[%dma_wait3A_372, %dma_wait3A_373] : memref<8x128xf32, #tpu.memory_space<vmem>> -> memref<1x128xf32, #tpu.memory_space<vmem>>
      %dma_wait3A_375 = tpu.memref_squeeze %dma_wait3A_374 : memref<1x128xf32, #tpu.memory_space<vmem>> -> memref<128xf32, #tpu.memory_space<vmem>>
      %dma_wait3A_376 = arith.constant 0 : i32
      %dma_wait3A_377 = tpu.memref_slice %arg8[%add3A_297, %dma_wait3A_376] : memref<32x128xi32, #tpu.memory_space<vmem>> -> memref<1x128xi32, #tpu.memory_space<vmem>>
      %dma_wait3A_378 = tpu.memref_squeeze %dma_wait3A_377 : memref<1x128xi32, #tpu.memory_space<vmem>> -> memref<128xi32, #tpu.memory_space<vmem>>
      %dma_wait3A_379 = arith.constant 0 : i32
      %dma_wait3A_380 = tpu.memref_slice %arg18[%dma_wait3A_379] : memref<4096xf32, #tpu.memory_space<vmem_shared>> -> memref<4096xf32, #tpu.memory_space<vmem_shared>>
      tpu.wait_indirect_dma semaphore(%arg21 : memref<!tpu.dma_semaphore, #tpu.memory_space<semaphore_mem>>) src(%dma_wait3A_380 : memref<4096xf32, #tpu.memory_space<vmem_shared>>) dst(%dma_wait3A_375 : memref<128xf32, #tpu.memory_space<vmem>>)
      %dma_wait3A_381 = arith.constant 7 : i32
      %dma_wait3A_382 = arith.constant 0 : i32
      %dma_wait3A_383 = tpu.memref_slice %arg9[%dma_wait3A_381, %dma_wait3A_382] : memref<8x128xf32, #tpu.memory_space<vmem>> -> memref<1x128xf32, #tpu.memory_space<vmem>>
      %dma_wait3A_384 = tpu.memref_squeeze %dma_wait3A_383 : memref<1x128xf32, #tpu.memory_space<vmem>> -> memref<128xf32, #tpu.memory_space<vmem>>
      %dma_wait3A_385 = arith.constant 0 : i32
      %dma_wait3A_386 = tpu.memref_slice %arg8[%add3A_308, %dma_wait3A_385] : memref<32x128xi32, #tpu.memory_space<vmem>> -> memref<1x128xi32, #tpu.memory_space<vmem>>
      %dma_wait3A_387 = tpu.memref_squeeze %dma_wait3A_386 : memref<1x128xi32, #tpu.memory_space<vmem>> -> memref<128xi32, #tpu.memory_space<vmem>>
      %dma_wait3A_388 = arith.constant 0 : i32
      %dma_wait3A_389 = tpu.memref_slice %arg18[%dma_wait3A_388] : memref<4096xf32, #tpu.memory_space<vmem_shared>> -> memref<4096xf32, #tpu.memory_space<vmem_shared>>
      tpu.wait_indirect_dma semaphore(%arg21 : memref<!tpu.dma_semaphore, #tpu.memory_space<semaphore_mem>>) src(%dma_wait3A_389 : memref<4096xf32, #tpu.memory_space<vmem_shared>>) dst(%dma_wait3A_384 : memref<128xf32, #tpu.memory_space<vmem>>)
      %mul3A_390 = arith.constant 32 : i32
      %mul3A_391 = arith.muli %arg0, %mul3A_390 : i32
      %add3A_392 = arith.addi %mul3A_391, %mul3A_229 : i32
      %add3A_393 = arith.constant 0 : i32
      %add3A_394 = arith.addi %add3A_392, %add3A_393 : i32
      %dma_start3A_395 = arith.constant 0 : i32
      %dma_start3A_396 = arith.constant 0 : i32
      %dma_start3A_397 = tpu.memref_slice %arg9[%dma_start3A_395, %dma_start3A_396] : memref<8x128xf32, #tpu.memory_space<vmem>> -> memref<1x128xf32, #tpu.memory_space<vmem>>
      %dma_start3A_398 = tpu.memref_squeeze %dma_start3A_397 : memref<1x128xf32, #tpu.memory_space<vmem>> -> memref<128xf32, #tpu.memory_space<vmem>>
      %dma_start3A_399 = arith.constant 0 : i32
      %dma_start3A_400 = tpu.memref_slice %arg7[%add3A_394, %dma_start3A_399] : memref<64x128xi32, #tpu.memory_space<vmem>> -> memref<1x128xi32, #tpu.memory_space<vmem>>
      %dma_start3A_401 = tpu.memref_squeeze %dma_start3A_400 : memref<1x128xi32, #tpu.memory_space<vmem>> -> memref<128xi32, #tpu.memory_space<vmem>>
      %dma_start3A_402 = arith.constant 0 : i32
      %dma_start3A_403 = tpu.memref_slice %arg19[%dma_start3A_402] : memref<4096xf32, #tpu.memory_space<vmem_shared>> -> memref<4096xf32, #tpu.memory_space<vmem_shared>>
      tpu.enqueue_indirect_dma source(%dma_start3A_398 : memref<128xf32, #tpu.memory_space<vmem>>) target(%dma_start3A_403 : memref<4096xf32, #tpu.memory_space<vmem_shared>>) offsets(%dma_start3A_401 : memref<128xi32, #tpu.memory_space<vmem>>) semaphore(%arg22 : memref<!tpu.dma_semaphore, #tpu.memory_space<semaphore_mem>>) {add = true}
      %mul3A_404 = arith.constant 32 : i32
      %mul3A_405 = arith.muli %arg0, %mul3A_404 : i32
      %add3A_406 = arith.addi %mul3A_405, %mul3A_229 : i32
      %add3A_407 = arith.constant 1 : i32
      %add3A_408 = arith.addi %add3A_406, %add3A_407 : i32
      %dma_start3A_409 = arith.constant 1 : i32
      %dma_start3A_410 = arith.constant 0 : i32
      %dma_start3A_411 = tpu.memref_slice %arg9[%dma_start3A_409, %dma_start3A_410] : memref<8x128xf32, #tpu.memory_space<vmem>> -> memref<1x128xf32, #tpu.memory_space<vmem>>
      %dma_start3A_412 = tpu.memref_squeeze %dma_start3A_411 : memref<1x128xf32, #tpu.memory_space<vmem>> -> memref<128xf32, #tpu.memory_space<vmem>>
      %dma_start3A_413 = arith.constant 0 : i32
      %dma_start3A_414 = tpu.memref_slice %arg7[%add3A_408, %dma_start3A_413] : memref<64x128xi32, #tpu.memory_space<vmem>> -> memref<1x128xi32, #tpu.memory_space<vmem>>
      %dma_start3A_415 = tpu.memref_squeeze %dma_start3A_414 : memref<1x128xi32, #tpu.memory_space<vmem>> -> memref<128xi32, #tpu.memory_space<vmem>>
      %dma_start3A_416 = arith.constant 0 : i32
      %dma_start3A_417 = tpu.memref_slice %arg19[%dma_start3A_416] : memref<4096xf32, #tpu.memory_space<vmem_shared>> -> memref<4096xf32, #tpu.memory_space<vmem_shared>>
      tpu.enqueue_indirect_dma source(%dma_start3A_412 : memref<128xf32, #tpu.memory_space<vmem>>) target(%dma_start3A_417 : memref<4096xf32, #tpu.memory_space<vmem_shared>>) offsets(%dma_start3A_415 : memref<128xi32, #tpu.memory_space<vmem>>) semaphore(%arg22 : memref<!tpu.dma_semaphore, #tpu.memory_space<semaphore_mem>>) {add = true}
      %mul3A_418 = arith.constant 32 : i32
      %mul3A_419 = arith.muli %arg0, %mul3A_418 : i32
      %add3A_420 = arith.addi %mul3A_419, %mul3A_229 : i32
      %add3A_421 = arith.constant 2 : i32
      %add3A_422 = arith.addi %add3A_420, %add3A_421 : i32
      %dma_start3A_423 = arith.constant 2 : i32
      %dma_start3A_424 = arith.constant 0 : i32
      %dma_start3A_425 = tpu.memref_slice %arg9[%dma_start3A_423, %dma_start3A_424] : memref<8x128xf32, #tpu.memory_space<vmem>> -> memref<1x128xf32, #tpu.memory_space<vmem>>
      %dma_start3A_426 = tpu.memref_squeeze %dma_start3A_425 : memref<1x128xf32, #tpu.memory_space<vmem>> -> memref<128xf32, #tpu.memory_space<vmem>>
      %dma_start3A_427 = arith.constant 0 : i32
      %dma_start3A_428 = tpu.memref_slice %arg7[%add3A_422, %dma_start3A_427] : memref<64x128xi32, #tpu.memory_space<vmem>> -> memref<1x128xi32, #tpu.memory_space<vmem>>
      %dma_start3A_429 = tpu.memref_squeeze %dma_start3A_428 : memref<1x128xi32, #tpu.memory_space<vmem>> -> memref<128xi32, #tpu.memory_space<vmem>>
      %dma_start3A_430 = arith.constant 0 : i32
      %dma_start3A_431 = tpu.memref_slice %arg19[%dma_start3A_430] : memref<4096xf32, #tpu.memory_space<vmem_shared>> -> memref<4096xf32, #tpu.memory_space<vmem_shared>>
      tpu.enqueue_indirect_dma source(%dma_start3A_426 : memref<128xf32, #tpu.memory_space<vmem>>) target(%dma_start3A_431 : memref<4096xf32, #tpu.memory_space<vmem_shared>>) offsets(%dma_start3A_429 : memref<128xi32, #tpu.memory_space<vmem>>) semaphore(%arg22 : memref<!tpu.dma_semaphore, #tpu.memory_space<semaphore_mem>>) {add = true}
      %mul3A_432 = arith.constant 32 : i32
      %mul3A_433 = arith.muli %arg0, %mul3A_432 : i32
      %add3A_434 = arith.addi %mul3A_433, %mul3A_229 : i32
      %add3A_435 = arith.constant 3 : i32
      %add3A_436 = arith.addi %add3A_434, %add3A_435 : i32
      %dma_start3A_437 = arith.constant 3 : i32
      %dma_start3A_438 = arith.constant 0 : i32
      %dma_start3A_439 = tpu.memref_slice %arg9[%dma_start3A_437, %dma_start3A_438] : memref<8x128xf32, #tpu.memory_space<vmem>> -> memref<1x128xf32, #tpu.memory_space<vmem>>
      %dma_start3A_440 = tpu.memref_squeeze %dma_start3A_439 : memref<1x128xf32, #tpu.memory_space<vmem>> -> memref<128xf32, #tpu.memory_space<vmem>>
      %dma_start3A_441 = arith.constant 0 : i32
      %dma_start3A_442 = tpu.memref_slice %arg7[%add3A_436, %dma_start3A_441] : memref<64x128xi32, #tpu.memory_space<vmem>> -> memref<1x128xi32, #tpu.memory_space<vmem>>
      %dma_start3A_443 = tpu.memref_squeeze %dma_start3A_442 : memref<1x128xi32, #tpu.memory_space<vmem>> -> memref<128xi32, #tpu.memory_space<vmem>>
      %dma_start3A_444 = arith.constant 0 : i32
      %dma_start3A_445 = tpu.memref_slice %arg19[%dma_start3A_444] : memref<4096xf32, #tpu.memory_space<vmem_shared>> -> memref<4096xf32, #tpu.memory_space<vmem_shared>>
      tpu.enqueue_indirect_dma source(%dma_start3A_440 : memref<128xf32, #tpu.memory_space<vmem>>) target(%dma_start3A_445 : memref<4096xf32, #tpu.memory_space<vmem_shared>>) offsets(%dma_start3A_443 : memref<128xi32, #tpu.memory_space<vmem>>) semaphore(%arg22 : memref<!tpu.dma_semaphore, #tpu.memory_space<semaphore_mem>>) {add = true}
      %mul3A_446 = arith.constant 32 : i32
      %mul3A_447 = arith.muli %arg0, %mul3A_446 : i32
      %add3A_448 = arith.addi %mul3A_447, %mul3A_229 : i32
      %add3A_449 = arith.constant 4 : i32
      %add3A_450 = arith.addi %add3A_448, %add3A_449 : i32
      %dma_start3A_451 = arith.constant 4 : i32
      %dma_start3A_452 = arith.constant 0 : i32
      %dma_start3A_453 = tpu.memref_slice %arg9[%dma_start3A_451, %dma_start3A_452] : memref<8x128xf32, #tpu.memory_space<vmem>> -> memref<1x128xf32, #tpu.memory_space<vmem>>
      %dma_start3A_454 = tpu.memref_squeeze %dma_start3A_453 : memref<1x128xf32, #tpu.memory_space<vmem>> -> memref<128xf32, #tpu.memory_space<vmem>>
      %dma_start3A_455 = arith.constant 0 : i32
      %dma_start3A_456 = tpu.memref_slice %arg7[%add3A_450, %dma_start3A_455] : memref<64x128xi32, #tpu.memory_space<vmem>> -> memref<1x128xi32, #tpu.memory_space<vmem>>
      %dma_start3A_457 = tpu.memref_squeeze %dma_start3A_456 : memref<1x128xi32, #tpu.memory_space<vmem>> -> memref<128xi32, #tpu.memory_space<vmem>>
      %dma_start3A_458 = arith.constant 0 : i32
      %dma_start3A_459 = tpu.memref_slice %arg19[%dma_start3A_458] : memref<4096xf32, #tpu.memory_space<vmem_shared>> -> memref<4096xf32, #tpu.memory_space<vmem_shared>>
      tpu.enqueue_indirect_dma source(%dma_start3A_454 : memref<128xf32, #tpu.memory_space<vmem>>) target(%dma_start3A_459 : memref<4096xf32, #tpu.memory_space<vmem_shared>>) offsets(%dma_start3A_457 : memref<128xi32, #tpu.memory_space<vmem>>) semaphore(%arg22 : memref<!tpu.dma_semaphore, #tpu.memory_space<semaphore_mem>>) {add = true}
      %mul3A_460 = arith.constant 32 : i32
      %mul3A_461 = arith.muli %arg0, %mul3A_460 : i32
      %add3A_462 = arith.addi %mul3A_461, %mul3A_229 : i32
      %add3A_463 = arith.constant 5 : i32
      %add3A_464 = arith.addi %add3A_462, %add3A_463 : i32
      %dma_start3A_465 = arith.constant 5 : i32
      %dma_start3A_466 = arith.constant 0 : i32
      %dma_start3A_467 = tpu.memref_slice %arg9[%dma_start3A_465, %dma_start3A_466] : memref<8x128xf32, #tpu.memory_space<vmem>> -> memref<1x128xf32, #tpu.memory_space<vmem>>
      %dma_start3A_468 = tpu.memref_squeeze %dma_start3A_467 : memref<1x128xf32, #tpu.memory_space<vmem>> -> memref<128xf32, #tpu.memory_space<vmem>>
      %dma_start3A_469 = arith.constant 0 : i32
      %dma_start3A_470 = tpu.memref_slice %arg7[%add3A_464, %dma_start3A_469] : memref<64x128xi32, #tpu.memory_space<vmem>> -> memref<1x128xi32, #tpu.memory_space<vmem>>
      %dma_start3A_471 = tpu.memref_squeeze %dma_start3A_470 : memref<1x128xi32, #tpu.memory_space<vmem>> -> memref<128xi32, #tpu.memory_space<vmem>>
      %dma_start3A_472 = arith.constant 0 : i32
      %dma_start3A_473 = tpu.memref_slice %arg19[%dma_start3A_472] : memref<4096xf32, #tpu.memory_space<vmem_shared>> -> memref<4096xf32, #tpu.memory_space<vmem_shared>>
      tpu.enqueue_indirect_dma source(%dma_start3A_468 : memref<128xf32, #tpu.memory_space<vmem>>) target(%dma_start3A_473 : memref<4096xf32, #tpu.memory_space<vmem_shared>>) offsets(%dma_start3A_471 : memref<128xi32, #tpu.memory_space<vmem>>) semaphore(%arg22 : memref<!tpu.dma_semaphore, #tpu.memory_space<semaphore_mem>>) {add = true}
      %mul3A_474 = arith.constant 32 : i32
      %mul3A_475 = arith.muli %arg0, %mul3A_474 : i32
      %add3A_476 = arith.addi %mul3A_475, %mul3A_229 : i32
      %add3A_477 = arith.constant 6 : i32
      %add3A_478 = arith.addi %add3A_476, %add3A_477 : i32
      %dma_start3A_479 = arith.constant 6 : i32
      %dma_start3A_480 = arith.constant 0 : i32
      %dma_start3A_481 = tpu.memref_slice %arg9[%dma_start3A_479, %dma_start3A_480] : memref<8x128xf32, #tpu.memory_space<vmem>> -> memref<1x128xf32, #tpu.memory_space<vmem>>
      %dma_start3A_482 = tpu.memref_squeeze %dma_start3A_481 : memref<1x128xf32, #tpu.memory_space<vmem>> -> memref<128xf32, #tpu.memory_space<vmem>>
      %dma_start3A_483 = arith.constant 0 : i32
      %dma_start3A_484 = tpu.memref_slice %arg7[%add3A_478, %dma_start3A_483] : memref<64x128xi32, #tpu.memory_space<vmem>> -> memref<1x128xi32, #tpu.memory_space<vmem>>
      %dma_start3A_485 = tpu.memref_squeeze %dma_start3A_484 : memref<1x128xi32, #tpu.memory_space<vmem>> -> memref<128xi32, #tpu.memory_space<vmem>>
      %dma_start3A_486 = arith.constant 0 : i32
      %dma_start3A_487 = tpu.memref_slice %arg19[%dma_start3A_486] : memref<4096xf32, #tpu.memory_space<vmem_shared>> -> memref<4096xf32, #tpu.memory_space<vmem_shared>>
      tpu.enqueue_indirect_dma source(%dma_start3A_482 : memref<128xf32, #tpu.memory_space<vmem>>) target(%dma_start3A_487 : memref<4096xf32, #tpu.memory_space<vmem_shared>>) offsets(%dma_start3A_485 : memref<128xi32, #tpu.memory_space<vmem>>) semaphore(%arg22 : memref<!tpu.dma_semaphore, #tpu.memory_space<semaphore_mem>>) {add = true}
      %mul3A_488 = arith.constant 32 : i32
      %mul3A_489 = arith.muli %arg0, %mul3A_488 : i32
      %add3A_490 = arith.addi %mul3A_489, %mul3A_229 : i32
      %add3A_491 = arith.constant 7 : i32
      %add3A_492 = arith.addi %add3A_490, %add3A_491 : i32
      %dma_start3A_493 = arith.constant 7 : i32
      %dma_start3A_494 = arith.constant 0 : i32
      %dma_start3A_495 = tpu.memref_slice %arg9[%dma_start3A_493, %dma_start3A_494] : memref<8x128xf32, #tpu.memory_space<vmem>> -> memref<1x128xf32, #tpu.memory_space<vmem>>
      %dma_start3A_496 = tpu.memref_squeeze %dma_start3A_495 : memref<1x128xf32, #tpu.memory_space<vmem>> -> memref<128xf32, #tpu.memory_space<vmem>>
      %dma_start3A_497 = arith.constant 0 : i32
      %dma_start3A_498 = tpu.memref_slice %arg7[%add3A_492, %dma_start3A_497] : memref<64x128xi32, #tpu.memory_space<vmem>> -> memref<1x128xi32, #tpu.memory_space<vmem>>
      %dma_start3A_499 = tpu.memref_squeeze %dma_start3A_498 : memref<1x128xi32, #tpu.memory_space<vmem>> -> memref<128xi32, #tpu.memory_space<vmem>>
      %dma_start3A_500 = arith.constant 0 : i32
      %dma_start3A_501 = tpu.memref_slice %arg19[%dma_start3A_500] : memref<4096xf32, #tpu.memory_space<vmem_shared>> -> memref<4096xf32, #tpu.memory_space<vmem_shared>>
      tpu.enqueue_indirect_dma source(%dma_start3A_496 : memref<128xf32, #tpu.memory_space<vmem>>) target(%dma_start3A_501 : memref<4096xf32, #tpu.memory_space<vmem_shared>>) offsets(%dma_start3A_499 : memref<128xi32, #tpu.memory_space<vmem>>) semaphore(%arg22 : memref<!tpu.dma_semaphore, #tpu.memory_space<semaphore_mem>>) {add = true}
      %dma_wait3A_502 = arith.constant 0 : i32
      %dma_wait3A_503 = arith.constant 0 : i32
      %dma_wait3A_504 = tpu.memref_slice %arg9[%dma_wait3A_502, %dma_wait3A_503] : memref<8x128xf32, #tpu.memory_space<vmem>> -> memref<1x128xf32, #tpu.memory_space<vmem>>
      %dma_wait3A_505 = tpu.memref_squeeze %dma_wait3A_504 : memref<1x128xf32, #tpu.memory_space<vmem>> -> memref<128xf32, #tpu.memory_space<vmem>>
      %dma_wait3A_506 = arith.constant 0 : i32
      %dma_wait3A_507 = tpu.memref_slice %arg7[%add3A_394, %dma_wait3A_506] : memref<64x128xi32, #tpu.memory_space<vmem>> -> memref<1x128xi32, #tpu.memory_space<vmem>>
      %dma_wait3A_508 = tpu.memref_squeeze %dma_wait3A_507 : memref<1x128xi32, #tpu.memory_space<vmem>> -> memref<128xi32, #tpu.memory_space<vmem>>
      %dma_wait3A_509 = arith.constant 0 : i32
      %dma_wait3A_510 = tpu.memref_slice %arg19[%dma_wait3A_509] : memref<4096xf32, #tpu.memory_space<vmem_shared>> -> memref<4096xf32, #tpu.memory_space<vmem_shared>>
      tpu.wait_indirect_dma semaphore(%arg22 : memref<!tpu.dma_semaphore, #tpu.memory_space<semaphore_mem>>) src(%dma_wait3A_505 : memref<128xf32, #tpu.memory_space<vmem>>) dst(%dma_wait3A_510 : memref<4096xf32, #tpu.memory_space<vmem_shared>>)
      %dma_wait3A_511 = arith.constant 1 : i32
      %dma_wait3A_512 = arith.constant 0 : i32
      %dma_wait3A_513 = tpu.memref_slice %arg9[%dma_wait3A_511, %dma_wait3A_512] : memref<8x128xf32, #tpu.memory_space<vmem>> -> memref<1x128xf32, #tpu.memory_space<vmem>>
      %dma_wait3A_514 = tpu.memref_squeeze %dma_wait3A_513 : memref<1x128xf32, #tpu.memory_space<vmem>> -> memref<128xf32, #tpu.memory_space<vmem>>
      %dma_wait3A_515 = arith.constant 0 : i32
      %dma_wait3A_516 = tpu.memref_slice %arg7[%add3A_408, %dma_wait3A_515] : memref<64x128xi32, #tpu.memory_space<vmem>> -> memref<1x128xi32, #tpu.memory_space<vmem>>
      %dma_wait3A_517 = tpu.memref_squeeze %dma_wait3A_516 : memref<1x128xi32, #tpu.memory_space<vmem>> -> memref<128xi32, #tpu.memory_space<vmem>>
      %dma_wait3A_518 = arith.constant 0 : i32
      %dma_wait3A_519 = tpu.memref_slice %arg19[%dma_wait3A_518] : memref<4096xf32, #tpu.memory_space<vmem_shared>> -> memref<4096xf32, #tpu.memory_space<vmem_shared>>
      tpu.wait_indirect_dma semaphore(%arg22 : memref<!tpu.dma_semaphore, #tpu.memory_space<semaphore_mem>>) src(%dma_wait3A_514 : memref<128xf32, #tpu.memory_space<vmem>>) dst(%dma_wait3A_519 : memref<4096xf32, #tpu.memory_space<vmem_shared>>)
      %dma_wait3A_520 = arith.constant 2 : i32
      %dma_wait3A_521 = arith.constant 0 : i32
      %dma_wait3A_522 = tpu.memref_slice %arg9[%dma_wait3A_520, %dma_wait3A_521] : memref<8x128xf32, #tpu.memory_space<vmem>> -> memref<1x128xf32, #tpu.memory_space<vmem>>
      %dma_wait3A_523 = tpu.memref_squeeze %dma_wait3A_522 : memref<1x128xf32, #tpu.memory_space<vmem>> -> memref<128xf32, #tpu.memory_space<vmem>>
      %dma_wait3A_524 = arith.constant 0 : i32
      %dma_wait3A_525 = tpu.memref_slice %arg7[%add3A_422, %dma_wait3A_524] : memref<64x128xi32, #tpu.memory_space<vmem>> -> memref<1x128xi32, #tpu.memory_space<vmem>>
      %dma_wait3A_526 = tpu.memref_squeeze %dma_wait3A_525 : memref<1x128xi32, #tpu.memory_space<vmem>> -> memref<128xi32, #tpu.memory_space<vmem>>
      %dma_wait3A_527 = arith.constant 0 : i32
      %dma_wait3A_528 = tpu.memref_slice %arg19[%dma_wait3A_527] : memref<4096xf32, #tpu.memory_space<vmem_shared>> -> memref<4096xf32, #tpu.memory_space<vmem_shared>>
      tpu.wait_indirect_dma semaphore(%arg22 : memref<!tpu.dma_semaphore, #tpu.memory_space<semaphore_mem>>) src(%dma_wait3A_523 : memref<128xf32, #tpu.memory_space<vmem>>) dst(%dma_wait3A_528 : memref<4096xf32, #tpu.memory_space<vmem_shared>>)
      %dma_wait3A_529 = arith.constant 3 : i32
      %dma_wait3A_530 = arith.constant 0 : i32
      %dma_wait3A_531 = tpu.memref_slice %arg9[%dma_wait3A_529, %dma_wait3A_530] : memref<8x128xf32, #tpu.memory_space<vmem>> -> memref<1x128xf32, #tpu.memory_space<vmem>>
      %dma_wait3A_532 = tpu.memref_squeeze %dma_wait3A_531 : memref<1x128xf32, #tpu.memory_space<vmem>> -> memref<128xf32, #tpu.memory_space<vmem>>
      %dma_wait3A_533 = arith.constant 0 : i32
      %dma_wait3A_534 = tpu.memref_slice %arg7[%add3A_436, %dma_wait3A_533] : memref<64x128xi32, #tpu.memory_space<vmem>> -> memref<1x128xi32, #tpu.memory_space<vmem>>
      %dma_wait3A_535 = tpu.memref_squeeze %dma_wait3A_534 : memref<1x128xi32, #tpu.memory_space<vmem>> -> memref<128xi32, #tpu.memory_space<vmem>>
      %dma_wait3A_536 = arith.constant 0 : i32
      %dma_wait3A_537 = tpu.memref_slice %arg19[%dma_wait3A_536] : memref<4096xf32, #tpu.memory_space<vmem_shared>> -> memref<4096xf32, #tpu.memory_space<vmem_shared>>
      tpu.wait_indirect_dma semaphore(%arg22 : memref<!tpu.dma_semaphore, #tpu.memory_space<semaphore_mem>>) src(%dma_wait3A_532 : memref<128xf32, #tpu.memory_space<vmem>>) dst(%dma_wait3A_537 : memref<4096xf32, #tpu.memory_space<vmem_shared>>)
      %dma_wait3A_538 = arith.constant 4 : i32
      %dma_wait3A_539 = arith.constant 0 : i32
      %dma_wait3A_540 = tpu.memref_slice %arg9[%dma_wait3A_538, %dma_wait3A_539] : memref<8x128xf32, #tpu.memory_space<vmem>> -> memref<1x128xf32, #tpu.memory_space<vmem>>
      %dma_wait3A_541 = tpu.memref_squeeze %dma_wait3A_540 : memref<1x128xf32, #tpu.memory_space<vmem>> -> memref<128xf32, #tpu.memory_space<vmem>>
      %dma_wait3A_542 = arith.constant 0 : i32
      %dma_wait3A_543 = tpu.memref_slice %arg7[%add3A_450, %dma_wait3A_542] : memref<64x128xi32, #tpu.memory_space<vmem>> -> memref<1x128xi32, #tpu.memory_space<vmem>>
      %dma_wait3A_544 = tpu.memref_squeeze %dma_wait3A_543 : memref<1x128xi32, #tpu.memory_space<vmem>> -> memref<128xi32, #tpu.memory_space<vmem>>
      %dma_wait3A_545 = arith.constant 0 : i32
      %dma_wait3A_546 = tpu.memref_slice %arg19[%dma_wait3A_545] : memref<4096xf32, #tpu.memory_space<vmem_shared>> -> memref<4096xf32, #tpu.memory_space<vmem_shared>>
      tpu.wait_indirect_dma semaphore(%arg22 : memref<!tpu.dma_semaphore, #tpu.memory_space<semaphore_mem>>) src(%dma_wait3A_541 : memref<128xf32, #tpu.memory_space<vmem>>) dst(%dma_wait3A_546 : memref<4096xf32, #tpu.memory_space<vmem_shared>>)
      %dma_wait3A_547 = arith.constant 5 : i32
      %dma_wait3A_548 = arith.constant 0 : i32
      %dma_wait3A_549 = tpu.memref_slice %arg9[%dma_wait3A_547, %dma_wait3A_548] : memref<8x128xf32, #tpu.memory_space<vmem>> -> memref<1x128xf32, #tpu.memory_space<vmem>>
      %dma_wait3A_550 = tpu.memref_squeeze %dma_wait3A_549 : memref<1x128xf32, #tpu.memory_space<vmem>> -> memref<128xf32, #tpu.memory_space<vmem>>
      %dma_wait3A_551 = arith.constant 0 : i32
      %dma_wait3A_552 = tpu.memref_slice %arg7[%add3A_464, %dma_wait3A_551] : memref<64x128xi32, #tpu.memory_space<vmem>> -> memref<1x128xi32, #tpu.memory_space<vmem>>
      %dma_wait3A_553 = tpu.memref_squeeze %dma_wait3A_552 : memref<1x128xi32, #tpu.memory_space<vmem>> -> memref<128xi32, #tpu.memory_space<vmem>>
      %dma_wait3A_554 = arith.constant 0 : i32
      %dma_wait3A_555 = tpu.memref_slice %arg19[%dma_wait3A_554] : memref<4096xf32, #tpu.memory_space<vmem_shared>> -> memref<4096xf32, #tpu.memory_space<vmem_shared>>
      tpu.wait_indirect_dma semaphore(%arg22 : memref<!tpu.dma_semaphore, #tpu.memory_space<semaphore_mem>>) src(%dma_wait3A_550 : memref<128xf32, #tpu.memory_space<vmem>>) dst(%dma_wait3A_555 : memref<4096xf32, #tpu.memory_space<vmem_shared>>)
      %dma_wait3A_556 = arith.constant 6 : i32
      %dma_wait3A_557 = arith.constant 0 : i32
      %dma_wait3A_558 = tpu.memref_slice %arg9[%dma_wait3A_556, %dma_wait3A_557] : memref<8x128xf32, #tpu.memory_space<vmem>> -> memref<1x128xf32, #tpu.memory_space<vmem>>
      %dma_wait3A_559 = tpu.memref_squeeze %dma_wait3A_558 : memref<1x128xf32, #tpu.memory_space<vmem>> -> memref<128xf32, #tpu.memory_space<vmem>>
      %dma_wait3A_560 = arith.constant 0 : i32
      %dma_wait3A_561 = tpu.memref_slice %arg7[%add3A_478, %dma_wait3A_560] : memref<64x128xi32, #tpu.memory_space<vmem>> -> memref<1x128xi32, #tpu.memory_space<vmem>>
      %dma_wait3A_562 = tpu.memref_squeeze %dma_wait3A_561 : memref<1x128xi32, #tpu.memory_space<vmem>> -> memref<128xi32, #tpu.memory_space<vmem>>
      %dma_wait3A_563 = arith.constant 0 : i32
      %dma_wait3A_564 = tpu.memref_slice %arg19[%dma_wait3A_563] : memref<4096xf32, #tpu.memory_space<vmem_shared>> -> memref<4096xf32, #tpu.memory_space<vmem_shared>>
      tpu.wait_indirect_dma semaphore(%arg22 : memref<!tpu.dma_semaphore, #tpu.memory_space<semaphore_mem>>) src(%dma_wait3A_559 : memref<128xf32, #tpu.memory_space<vmem>>) dst(%dma_wait3A_564 : memref<4096xf32, #tpu.memory_space<vmem_shared>>)
      %dma_wait3A_565 = arith.constant 7 : i32
      %dma_wait3A_566 = arith.constant 0 : i32
      %dma_wait3A_567 = tpu.memref_slice %arg9[%dma_wait3A_565, %dma_wait3A_566] : memref<8x128xf32, #tpu.memory_space<vmem>> -> memref<1x128xf32, #tpu.memory_space<vmem>>
      %dma_wait3A_568 = tpu.memref_squeeze %dma_wait3A_567 : memref<1x128xf32, #tpu.memory_space<vmem>> -> memref<128xf32, #tpu.memory_space<vmem>>
      %dma_wait3A_569 = arith.constant 0 : i32
      %dma_wait3A_570 = tpu.memref_slice %arg7[%add3A_492, %dma_wait3A_569] : memref<64x128xi32, #tpu.memory_space<vmem>> -> memref<1x128xi32, #tpu.memory_space<vmem>>
      %dma_wait3A_571 = tpu.memref_squeeze %dma_wait3A_570 : memref<1x128xi32, #tpu.memory_space<vmem>> -> memref<128xi32, #tpu.memory_space<vmem>>
      %dma_wait3A_572 = arith.constant 0 : i32
      %dma_wait3A_573 = tpu.memref_slice %arg19[%dma_wait3A_572] : memref<4096xf32, #tpu.memory_space<vmem_shared>> -> memref<4096xf32, #tpu.memory_space<vmem_shared>>
      tpu.wait_indirect_dma semaphore(%arg22 : memref<!tpu.dma_semaphore, #tpu.memory_space<semaphore_mem>>) src(%dma_wait3A_568 : memref<128xf32, #tpu.memory_space<vmem>>) dst(%dma_wait3A_573 : memref<4096xf32, #tpu.memory_space<vmem_shared>>)
    }
    %scan3A_208 = arith.constant 4 : i32
    %mul3A_209 = arith.constant 128 : i32
    %mul3A_210 = arith.muli %add3A, %mul3A_209 : i32
    "tpu.region"() ({
      %run_scoped3A = tpu.sem_alloc : memref<!tpu.dma_semaphore, #tpu.memory_space<semaphore_mem>>
      %dma_start3A_227 = tpu.memref_slice %arg18[%mul3A_210] : memref<4096xf32, #tpu.memory_space<vmem_shared>> -> memref<128xf32, #tpu.memory_space<vmem_shared>>
      %dma_start3A_228 = tpu.memref_slice %arg18[%mul3A_210] : memref<4096xf32, #tpu.memory_space<vmem_shared>> -> memref<128xf32, #tpu.memory_space<vmem_shared>>
      tpu.enqueue_dma source(%dma_start3A_228 : memref<128xf32, #tpu.memory_space<vmem_shared>>) target(%arg14 : memref<128xf32, #tpu.memory_space<vmem>>) target_semaphore(%run_scoped3A : memref<!tpu.dma_semaphore, #tpu.memory_space<semaphore_mem>>)
      %dma_wait3A_229 = tpu.memref_slice %arg18[%mul3A_210] : memref<4096xf32, #tpu.memory_space<vmem_shared>> -> memref<128xf32, #tpu.memory_space<vmem_shared>>
      %dma_wait3A_230 = tpu.memref_slice %arg18[%mul3A_210] : memref<4096xf32, #tpu.memory_space<vmem_shared>> -> memref<128xf32, #tpu.memory_space<vmem_shared>>
      tpu.wait_dma2 semaphore(%run_scoped3A : memref<!tpu.dma_semaphore, #tpu.memory_space<semaphore_mem>>) src(%dma_wait3A_230 : memref<128xf32, #tpu.memory_space<vmem_shared>>) dst(%arg14 : memref<128xf32, #tpu.memory_space<vmem>>)
      tpu.yield
    }) : () -> ()
    %dma_wait3A_211 = arith.constant 0 : i32
    %dma_wait3A_212 = tpu.memref_slice %arg4[%mul3A_13, %dma_wait3A_211] : memref<4096x128xf32, #tpu.memory_space<hbm>> -> memref<128x128xf32, #tpu.memory_space<hbm>>
    %dma_wait3A_213 = arith.constant 0 : i32
    %dma_wait3A_214 = tpu.memref_slice %arg4[%mul3A_13, %dma_wait3A_213] : memref<4096x128xf32, #tpu.memory_space<hbm>> -> memref<128x128xf32, #tpu.memory_space<hbm>>
    tpu.wait_dma2 semaphore(%arg23 : memref<!tpu.dma_semaphore, #tpu.memory_space<semaphore_mem>>) src(%dma_wait3A_214 : memref<128x128xf32, #tpu.memory_space<hbm>>) dst(%arg13 : memref<128x128xf32, #tpu.memory_space<vmem>>)
    %scan3A_215 = arith.constant 0 : i32
    %scan3A_216 = arith.constant 0 : i32
    %scan3A_217 = arith.constant 8 : i32
    %scan3A_218 = arith.addi %scan3A_216, %scan3A_217 : i32
    %scan3A_219 = arith.constant 1 : i32
    scf.for %scan3A_227 = %scan3A_216 to %scan3A_218 step %scan3A_219  : i32 {
      %mul3A_228 = arith.constant 16 : i32
      %mul3A_229 = arith.muli %scan3A_227, %mul3A_228 : i32
      %get3A = arith.index_cast %mul3A_229 : i32 to index
      %get3A_230 = tpu.vector_load %arg14[%get3A] {strides = array<i32>} : memref<128xf32, #tpu.memory_space<vmem>>, vector<16xf32>,
      %get3A_231 = vector.shape_cast %get3A_230 : vector<16xf32> to vector<16xf32>
      %slice3A = vector.extract_strided_slice %get3A_231 {offsets = [0], sizes = [1], strides = [1]} : vector<16xf32> to vector<1xf32>
      %squeeze3A = vector.extract %slice3A[0] : f32 from vector<1xf32>
      %broadcast_in_dim3A_232 = vector.broadcast %squeeze3A : f32 to vector<16xf32>
      %get3A_233 = arith.constant 0 : index
      %get3A_234 = tpu.vector_load %arg15[%get3A_233] {strides = array<i32>} : memref<128xf32, #tpu.memory_space<vmem>>, vector<16xf32>,
      %get3A_235 = vector.shape_cast %get3A_234 : vector<16xf32> to vector<16xf32>
      %mul3A_236 = arith.constant 16 : i32
      %mul3A_237 = arith.muli %scan3A_227, %mul3A_236 : i32
      %add3A_238 = arith.constant 0 : i32
      %add3A_239 = arith.addi %mul3A_237, %add3A_238 : i32
      %get3A_240 = arith.index_cast %add3A_239 : i32 to index
      %get3A_241 = arith.constant 0 : index
      %get3A_242 = tpu.vector_load %arg13[%get3A_240, %get3A_241] {strides = array<i32>} : memref<128x128xf32, #tpu.memory_space<vmem>>, vector<1x16xf32>,
      %get3A_243 = vector.shape_cast %get3A_242 : vector<1x16xf32> to vector<16xf32>
      %mul3A_244 = arith.mulf %broadcast_in_dim3A_232, %get3A_243 : vector<16xf32>
      %add3A_245 = arith.addf %get3A_235, %mul3A_244 : vector<16xf32>
      %swap3A_246 = arith.constant 0 : index
      %swap3A_247 = tpu.vector_load %arg15[%swap3A_246] {strides = array<i32>} : memref<128xf32, #tpu.memory_space<vmem>>, vector<16xf32>,
      %swap3A_248 = vector.shape_cast %swap3A_247 : vector<16xf32> to vector<16xf32>
      %swap3A_249 = vector.shape_cast %add3A_245 : vector<16xf32> to vector<16xf32>
      tpu.vector_store %arg15[%swap3A_246], %swap3A_249 {strides = array<i32>} : memref<128xf32, #tpu.memory_space<vmem>>, vector<16xf32>,
      %get3A_250 = arith.constant 16 : index
      %get3A_251 = tpu.vector_load %arg15[%get3A_250] {strides = array<i32>} : memref<128xf32, #tpu.memory_space<vmem>>, vector<16xf32>,
      %get3A_252 = vector.shape_cast %get3A_251 : vector<16xf32> to vector<16xf32>
      %mul3A_253 = arith.constant 16 : i32
      %mul3A_254 = arith.muli %scan3A_227, %mul3A_253 : i32
      %add3A_255 = arith.constant 0 : i32
      %add3A_256 = arith.addi %mul3A_254, %add3A_255 : i32
      %get3A_257 = arith.index_cast %add3A_256 : i32 to index
      %get3A_258 = arith.constant 16 : index
      %get3A_259 = tpu.vector_load %arg13[%get3A_257, %get3A_258] {strides = array<i32>} : memref<128x128xf32, #tpu.memory_space<vmem>>, vector<1x16xf32>,
      %get3A_260 = vector.shape_cast %get3A_259 : vector<1x16xf32> to vector<16xf32>
      %mul3A_261 = arith.mulf %broadcast_in_dim3A_232, %get3A_260 : vector<16xf32>
      %add3A_262 = arith.addf %get3A_252, %mul3A_261 : vector<16xf32>
      %swap3A_263 = arith.constant 16 : index
      %swap3A_264 = tpu.vector_load %arg15[%swap3A_263] {strides = array<i32>} : memref<128xf32, #tpu.memory_space<vmem>>, vector<16xf32>,
      %swap3A_265 = vector.shape_cast %swap3A_264 : vector<16xf32> to vector<16xf32>
      %swap3A_266 = vector.shape_cast %add3A_262 : vector<16xf32> to vector<16xf32>
      tpu.vector_store %arg15[%swap3A_263], %swap3A_266 {strides = array<i32>} : memref<128xf32, #tpu.memory_space<vmem>>, vector<16xf32>,
      %get3A_267 = arith.constant 32 : index
      %get3A_268 = tpu.vector_load %arg15[%get3A_267] {strides = array<i32>} : memref<128xf32, #tpu.memory_space<vmem>>, vector<16xf32>,
      %get3A_269 = vector.shape_cast %get3A_268 : vector<16xf32> to vector<16xf32>
      %mul3A_270 = arith.constant 16 : i32
      %mul3A_271 = arith.muli %scan3A_227, %mul3A_270 : i32
      %add3A_272 = arith.constant 0 : i32
      %add3A_273 = arith.addi %mul3A_271, %add3A_272 : i32
      %get3A_274 = arith.index_cast %add3A_273 : i32 to index
      %get3A_275 = arith.constant 32 : index
      %get3A_276 = tpu.vector_load %arg13[%get3A_274, %get3A_275] {strides = array<i32>} : memref<128x128xf32, #tpu.memory_space<vmem>>, vector<1x16xf32>,
      %get3A_277 = vector.shape_cast %get3A_276 : vector<1x16xf32> to vector<16xf32>
      %mul3A_278 = arith.mulf %broadcast_in_dim3A_232, %get3A_277 : vector<16xf32>
      %add3A_279 = arith.addf %get3A_269, %mul3A_278 : vector<16xf32>
      %swap3A_280 = arith.constant 32 : index
      %swap3A_281 = tpu.vector_load %arg15[%swap3A_280] {strides = array<i32>} : memref<128xf32, #tpu.memory_space<vmem>>, vector<16xf32>,
      %swap3A_282 = vector.shape_cast %swap3A_281 : vector<16xf32> to vector<16xf32>
      %swap3A_283 = vector.shape_cast %add3A_279 : vector<16xf32> to vector<16xf32>
      tpu.vector_store %arg15[%swap3A_280], %swap3A_283 {strides = array<i32>} : memref<128xf32, #tpu.memory_space<vmem>>, vector<16xf32>,
      %get3A_284 = arith.constant 48 : index
      %get3A_285 = tpu.vector_load %arg15[%get3A_284] {strides = array<i32>} : memref<128xf32, #tpu.memory_space<vmem>>, vector<16xf32>,
      %get3A_286 = vector.shape_cast %get3A_285 : vector<16xf32> to vector<16xf32>
      %mul3A_287 = arith.constant 16 : i32
      %mul3A_288 = arith.muli %scan3A_227, %mul3A_287 : i32
      %add3A_289 = arith.constant 0 : i32
      %add3A_290 = arith.addi %mul3A_288, %add3A_289 : i32
      %get3A_291 = arith.index_cast %add3A_290 : i32 to index
      %get3A_292 = arith.constant 48 : index
      %get3A_293 = tpu.vector_load %arg13[%get3A_291, %get3A_292] {strides = array<i32>} : memref<128x128xf32, #tpu.memory_space<vmem>>, vector<1x16xf32>,
      %get3A_294 = vector.shape_cast %get3A_293 : vector<1x16xf32> to vector<16xf32>
      %mul3A_295 = arith.mulf %broadcast_in_dim3A_232, %get3A_294 : vector<16xf32>
      %add3A_296 = arith.addf %get3A_286, %mul3A_295 : vector<16xf32>
      %swap3A_297 = arith.constant 48 : index
      %swap3A_298 = tpu.vector_load %arg15[%swap3A_297] {strides = array<i32>} : memref<128xf32, #tpu.memory_space<vmem>>, vector<16xf32>,
      %swap3A_299 = vector.shape_cast %swap3A_298 : vector<16xf32> to vector<16xf32>
      %swap3A_300 = vector.shape_cast %add3A_296 : vector<16xf32> to vector<16xf32>
      tpu.vector_store %arg15[%swap3A_297], %swap3A_300 {strides = array<i32>} : memref<128xf32, #tpu.memory_space<vmem>>, vector<16xf32>,
      %get3A_301 = arith.constant 64 : index
      %get3A_302 = tpu.vector_load %arg15[%get3A_301] {strides = array<i32>} : memref<128xf32, #tpu.memory_space<vmem>>, vector<16xf32>,
      %get3A_303 = vector.shape_cast %get3A_302 : vector<16xf32> to vector<16xf32>
      %mul3A_304 = arith.constant 16 : i32
      %mul3A_305 = arith.muli %scan3A_227, %mul3A_304 : i32
      %add3A_306 = arith.constant 0 : i32
      %add3A_307 = arith.addi %mul3A_305, %add3A_306 : i32
      %get3A_308 = arith.index_cast %add3A_307 : i32 to index
      %get3A_309 = arith.constant 64 : index
      %get3A_310 = tpu.vector_load %arg13[%get3A_308, %get3A_309] {strides = array<i32>} : memref<128x128xf32, #tpu.memory_space<vmem>>, vector<1x16xf32>,
      %get3A_311 = vector.shape_cast %get3A_310 : vector<1x16xf32> to vector<16xf32>
      %mul3A_312 = arith.mulf %broadcast_in_dim3A_232, %get3A_311 : vector<16xf32>
      %add3A_313 = arith.addf %get3A_303, %mul3A_312 : vector<16xf32>
      %swap3A_314 = arith.constant 64 : index
      %swap3A_315 = tpu.vector_load %arg15[%swap3A_314] {strides = array<i32>} : memref<128xf32, #tpu.memory_space<vmem>>, vector<16xf32>,
      %swap3A_316 = vector.shape_cast %swap3A_315 : vector<16xf32> to vector<16xf32>
      %swap3A_317 = vector.shape_cast %add3A_313 : vector<16xf32> to vector<16xf32>
      tpu.vector_store %arg15[%swap3A_314], %swap3A_317 {strides = array<i32>} : memref<128xf32, #tpu.memory_space<vmem>>, vector<16xf32>,
      %get3A_318 = arith.constant 80 : index
      %get3A_319 = tpu.vector_load %arg15[%get3A_318] {strides = array<i32>} : memref<128xf32, #tpu.memory_space<vmem>>, vector<16xf32>,
      %get3A_320 = vector.shape_cast %get3A_319 : vector<16xf32> to vector<16xf32>
      %mul3A_321 = arith.constant 16 : i32
      %mul3A_322 = arith.muli %scan3A_227, %mul3A_321 : i32
      %add3A_323 = arith.constant 0 : i32
      %add3A_324 = arith.addi %mul3A_322, %add3A_323 : i32
      %get3A_325 = arith.index_cast %add3A_324 : i32 to index
      %get3A_326 = arith.constant 80 : index
      %get3A_327 = tpu.vector_load %arg13[%get3A_325, %get3A_326] {strides = array<i32>} : memref<128x128xf32, #tpu.memory_space<vmem>>, vector<1x16xf32>,
      %get3A_328 = vector.shape_cast %get3A_327 : vector<1x16xf32> to vector<16xf32>
      %mul3A_329 = arith.mulf %broadcast_in_dim3A_232, %get3A_328 : vector<16xf32>
      %add3A_330 = arith.addf %get3A_320, %mul3A_329 : vector<16xf32>
      %swap3A_331 = arith.constant 80 : index
      %swap3A_332 = tpu.vector_load %arg15[%swap3A_331] {strides = array<i32>} : memref<128xf32, #tpu.memory_space<vmem>>, vector<16xf32>,
      %swap3A_333 = vector.shape_cast %swap3A_332 : vector<16xf32> to vector<16xf32>
      %swap3A_334 = vector.shape_cast %add3A_330 : vector<16xf32> to vector<16xf32>
      tpu.vector_store %arg15[%swap3A_331], %swap3A_334 {strides = array<i32>} : memref<128xf32, #tpu.memory_space<vmem>>, vector<16xf32>,
      %get3A_335 = arith.constant 96 : index
      %get3A_336 = tpu.vector_load %arg15[%get3A_335] {strides = array<i32>} : memref<128xf32, #tpu.memory_space<vmem>>, vector<16xf32>,
      %get3A_337 = vector.shape_cast %get3A_336 : vector<16xf32> to vector<16xf32>
      %mul3A_338 = arith.constant 16 : i32
      %mul3A_339 = arith.muli %scan3A_227, %mul3A_338 : i32
      %add3A_340 = arith.constant 0 : i32
      %add3A_341 = arith.addi %mul3A_339, %add3A_340 : i32
      %get3A_342 = arith.index_cast %add3A_341 : i32 to index
      %get3A_343 = arith.constant 96 : index
      %get3A_344 = tpu.vector_load %arg13[%get3A_342, %get3A_343] {strides = array<i32>} : memref<128x128xf32, #tpu.memory_space<vmem>>, vector<1x16xf32>,
      %get3A_345 = vector.shape_cast %get3A_344 : vector<1x16xf32> to vector<16xf32>
      %mul3A_346 = arith.mulf %broadcast_in_dim3A_232, %get3A_345 : vector<16xf32>
      %add3A_347 = arith.addf %get3A_337, %mul3A_346 : vector<16xf32>
      %swap3A_348 = arith.constant 96 : index
      %swap3A_349 = tpu.vector_load %arg15[%swap3A_348] {strides = array<i32>} : memref<128xf32, #tpu.memory_space<vmem>>, vector<16xf32>,
      %swap3A_350 = vector.shape_cast %swap3A_349 : vector<16xf32> to vector<16xf32>
      %swap3A_351 = vector.shape_cast %add3A_347 : vector<16xf32> to vector<16xf32>
      tpu.vector_store %arg15[%swap3A_348], %swap3A_351 {strides = array<i32>} : memref<128xf32, #tpu.memory_space<vmem>>, vector<16xf32>,
      %get3A_352 = arith.constant 112 : index
      %get3A_353 = tpu.vector_load %arg15[%get3A_352] {strides = array<i32>} : memref<128xf32, #tpu.memory_space<vmem>>, vector<16xf32>,
      %get3A_354 = vector.shape_cast %get3A_353 : vector<16xf32> to vector<16xf32>
      %mul3A_355 = arith.constant 16 : i32
      %mul3A_356 = arith.muli %scan3A_227, %mul3A_355 : i32
      %add3A_357 = arith.constant 0 : i32
      %add3A_358 = arith.addi %mul3A_356, %add3A_357 : i32
      %get3A_359 = arith.index_cast %add3A_358 : i32 to index
      %get3A_360 = arith.constant 112 : index
      %get3A_361 = tpu.vector_load %arg13[%get3A_359, %get3A_360] {strides = array<i32>} : memref<128x128xf32, #tpu.memory_space<vmem>>, vector<1x16xf32>,
      %get3A_362 = vector.shape_cast %get3A_361 : vector<1x16xf32> to vector<16xf32>
      %mul3A_363 = arith.mulf %broadcast_in_dim3A_232, %get3A_362 : vector<16xf32>
      %add3A_364 = arith.addf %get3A_354, %mul3A_363 : vector<16xf32>
      %swap3A_365 = arith.constant 112 : index
      %swap3A_366 = tpu.vector_load %arg15[%swap3A_365] {strides = array<i32>} : memref<128xf32, #tpu.memory_space<vmem>>, vector<16xf32>,
      %swap3A_367 = vector.shape_cast %swap3A_366 : vector<16xf32> to vector<16xf32>
      %swap3A_368 = vector.shape_cast %add3A_364 : vector<16xf32> to vector<16xf32>
      tpu.vector_store %arg15[%swap3A_365], %swap3A_368 {strides = array<i32>} : memref<128xf32, #tpu.memory_space<vmem>>, vector<16xf32>,
      %slice3A_369 = vector.extract_strided_slice %get3A_231 {offsets = [1], sizes = [1], strides = [1]} : vector<16xf32> to vector<1xf32>
      %squeeze3A_370 = vector.extract %slice3A_369[0] : f32 from vector<1xf32>
      %broadcast_in_dim3A_371 = vector.broadcast %squeeze3A_370 : f32 to vector<16xf32>
      %get3A_372 = arith.constant 0 : index
      %get3A_373 = tpu.vector_load %arg15[%get3A_372] {strides = array<i32>} : memref<128xf32, #tpu.memory_space<vmem>>, vector<16xf32>,
      %get3A_374 = vector.shape_cast %get3A_373 : vector<16xf32> to vector<16xf32>
      %mul3A_375 = arith.constant 16 : i32
      %mul3A_376 = arith.muli %scan3A_227, %mul3A_375 : i32
      %add3A_377 = arith.constant 1 : i32
      %add3A_378 = arith.addi %mul3A_376, %add3A_377 : i32
      %get3A_379 = arith.index_cast %add3A_378 : i32 to index
      %get3A_380 = arith.constant 0 : index
      %get3A_381 = tpu.vector_load %arg13[%get3A_379, %get3A_380] {strides = array<i32>} : memref<128x128xf32, #tpu.memory_space<vmem>>, vector<1x16xf32>,
      %get3A_382 = vector.shape_cast %get3A_381 : vector<1x16xf32> to vector<16xf32>
      %mul3A_383 = arith.mulf %broadcast_in_dim3A_371, %get3A_382 : vector<16xf32>
      %add3A_384 = arith.addf %get3A_374, %mul3A_383 : vector<16xf32>
      %swap3A_385 = arith.constant 0 : index
      %swap3A_386 = tpu.vector_load %arg15[%swap3A_385] {strides = array<i32>} : memref<128xf32, #tpu.memory_space<vmem>>, vector<16xf32>,
      %swap3A_387 = vector.shape_cast %swap3A_386 : vector<16xf32> to vector<16xf32>
      %swap3A_388 = vector.shape_cast %add3A_384 : vector<16xf32> to vector<16xf32>
      tpu.vector_store %arg15[%swap3A_385], %swap3A_388 {strides = array<i32>} : memref<128xf32, #tpu.memory_space<vmem>>, vector<16xf32>,
      %get3A_389 = arith.constant 16 : index
      %get3A_390 = tpu.vector_load %arg15[%get3A_389] {strides = array<i32>} : memref<128xf32, #tpu.memory_space<vmem>>, vector<16xf32>,
      %get3A_391 = vector.shape_cast %get3A_390 : vector<16xf32> to vector<16xf32>
      %mul3A_392 = arith.constant 16 : i32
      %mul3A_393 = arith.muli %scan3A_227, %mul3A_392 : i32
      %add3A_394 = arith.constant 1 : i32
      %add3A_395 = arith.addi %mul3A_393, %add3A_394 : i32
      %get3A_396 = arith.index_cast %add3A_395 : i32 to index
      %get3A_397 = arith.constant 16 : index
      %get3A_398 = tpu.vector_load %arg13[%get3A_396, %get3A_397] {strides = array<i32>} : memref<128x128xf32, #tpu.memory_space<vmem>>, vector<1x16xf32>,
      %get3A_399 = vector.shape_cast %get3A_398 : vector<1x16xf32> to vector<16xf32>
      %mul3A_400 = arith.mulf %broadcast_in_dim3A_371, %get3A_399 : vector<16xf32>
      %add3A_401 = arith.addf %get3A_391, %mul3A_400 : vector<16xf32>
      %swap3A_402 = arith.constant 16 : index
      %swap3A_403 = tpu.vector_load %arg15[%swap3A_402] {strides = array<i32>} : memref<128xf32, #tpu.memory_space<vmem>>, vector<16xf32>,
      %swap3A_404 = vector.shape_cast %swap3A_403 : vector<16xf32> to vector<16xf32>
      %swap3A_405 = vector.shape_cast %add3A_401 : vector<16xf32> to vector<16xf32>
      tpu.vector_store %arg15[%swap3A_402], %swap3A_405 {strides = array<i32>} : memref<128xf32, #tpu.memory_space<vmem>>, vector<16xf32>,
      %get3A_406 = arith.constant 32 : index
      %get3A_407 = tpu.vector_load %arg15[%get3A_406] {strides = array<i32>} : memref<128xf32, #tpu.memory_space<vmem>>, vector<16xf32>,
      %get3A_408 = vector.shape_cast %get3A_407 : vector<16xf32> to vector<16xf32>
      %mul3A_409 = arith.constant 16 : i32
      %mul3A_410 = arith.muli %scan3A_227, %mul3A_409 : i32
      %add3A_411 = arith.constant 1 : i32
      %add3A_412 = arith.addi %mul3A_410, %add3A_411 : i32
      %get3A_413 = arith.index_cast %add3A_412 : i32 to index
      %get3A_414 = arith.constant 32 : index
      %get3A_415 = tpu.vector_load %arg13[%get3A_413, %get3A_414] {strides = array<i32>} : memref<128x128xf32, #tpu.memory_space<vmem>>, vector<1x16xf32>,
      %get3A_416 = vector.shape_cast %get3A_415 : vector<1x16xf32> to vector<16xf32>
      %mul3A_417 = arith.mulf %broadcast_in_dim3A_371, %get3A_416 : vector<16xf32>
      %add3A_418 = arith.addf %get3A_408, %mul3A_417 : vector<16xf32>
      %swap3A_419 = arith.constant 32 : index
      %swap3A_420 = tpu.vector_load %arg15[%swap3A_419] {strides = array<i32>} : memref<128xf32, #tpu.memory_space<vmem>>, vector<16xf32>,
      %swap3A_421 = vector.shape_cast %swap3A_420 : vector<16xf32> to vector<16xf32>
      %swap3A_422 = vector.shape_cast %add3A_418 : vector<16xf32> to vector<16xf32>
      tpu.vector_store %arg15[%swap3A_419], %swap3A_422 {strides = array<i32>} : memref<128xf32, #tpu.memory_space<vmem>>, vector<16xf32>,
      %get3A_423 = arith.constant 48 : index
      %get3A_424 = tpu.vector_load %arg15[%get3A_423] {strides = array<i32>} : memref<128xf32, #tpu.memory_space<vmem>>, vector<16xf32>,
      %get3A_425 = vector.shape_cast %get3A_424 : vector<16xf32> to vector<16xf32>
      %mul3A_426 = arith.constant 16 : i32
      %mul3A_427 = arith.muli %scan3A_227, %mul3A_426 : i32
      %add3A_428 = arith.constant 1 : i32
      %add3A_429 = arith.addi %mul3A_427, %add3A_428 : i32
      %get3A_430 = arith.index_cast %add3A_429 : i32 to index
      %get3A_431 = arith.constant 48 : index
      %get3A_432 = tpu.vector_load %arg13[%get3A_430, %get3A_431] {strides = array<i32>} : memref<128x128xf32, #tpu.memory_space<vmem>>, vector<1x16xf32>,
      %get3A_433 = vector.shape_cast %get3A_432 : vector<1x16xf32> to vector<16xf32>
      %mul3A_434 = arith.mulf %broadcast_in_dim3A_371, %get3A_433 : vector<16xf32>
      %add3A_435 = arith.addf %get3A_425, %mul3A_434 : vector<16xf32>
      %swap3A_436 = arith.constant 48 : index
      %swap3A_437 = tpu.vector_load %arg15[%swap3A_436] {strides = array<i32>} : memref<128xf32, #tpu.memory_space<vmem>>, vector<16xf32>,
      %swap3A_438 = vector.shape_cast %swap3A_437 : vector<16xf32> to vector<16xf32>
      %swap3A_439 = vector.shape_cast %add3A_435 : vector<16xf32> to vector<16xf32>
      tpu.vector_store %arg15[%swap3A_436], %swap3A_439 {strides = array<i32>} : memref<128xf32, #tpu.memory_space<vmem>>, vector<16xf32>,
      %get3A_440 = arith.constant 64 : index
      %get3A_441 = tpu.vector_load %arg15[%get3A_440] {strides = array<i32>} : memref<128xf32, #tpu.memory_space<vmem>>, vector<16xf32>,
      %get3A_442 = vector.shape_cast %get3A_441 : vector<16xf32> to vector<16xf32>
      %mul3A_443 = arith.constant 16 : i32
      %mul3A_444 = arith.muli %scan3A_227, %mul3A_443 : i32
      %add3A_445 = arith.constant 1 : i32
      %add3A_446 = arith.addi %mul3A_444, %add3A_445 : i32
      %get3A_447 = arith.index_cast %add3A_446 : i32 to index
      %get3A_448 = arith.constant 64 : index
      %get3A_449 = tpu.vector_load %arg13[%get3A_447, %get3A_448] {strides = array<i32>} : memref<128x128xf32, #tpu.memory_space<vmem>>, vector<1x16xf32>,
      %get3A_450 = vector.shape_cast %get3A_449 : vector<1x16xf32> to vector<16xf32>
      %mul3A_451 = arith.mulf %broadcast_in_dim3A_371, %get3A_450 : vector<16xf32>
      %add3A_452 = arith.addf %get3A_442, %mul3A_451 : vector<16xf32>
      %swap3A_453 = arith.constant 64 : index
      %swap3A_454 = tpu.vector_load %arg15[%swap3A_453] {strides = array<i32>} : memref<128xf32, #tpu.memory_space<vmem>>, vector<16xf32>,
      %swap3A_455 = vector.shape_cast %swap3A_454 : vector<16xf32> to vector<16xf32>
      %swap3A_456 = vector.shape_cast %add3A_452 : vector<16xf32> to vector<16xf32>
      tpu.vector_store %arg15[%swap3A_453], %swap3A_456 {strides = array<i32>} : memref<128xf32, #tpu.memory_space<vmem>>, vector<16xf32>,
      %get3A_457 = arith.constant 80 : index
      %get3A_458 = tpu.vector_load %arg15[%get3A_457] {strides = array<i32>} : memref<128xf32, #tpu.memory_space<vmem>>, vector<16xf32>,
      %get3A_459 = vector.shape_cast %get3A_458 : vector<16xf32> to vector<16xf32>
      %mul3A_460 = arith.constant 16 : i32
      %mul3A_461 = arith.muli %scan3A_227, %mul3A_460 : i32
      %add3A_462 = arith.constant 1 : i32
      %add3A_463 = arith.addi %mul3A_461, %add3A_462 : i32
      %get3A_464 = arith.index_cast %add3A_463 : i32 to index
      %get3A_465 = arith.constant 80 : index
      %get3A_466 = tpu.vector_load %arg13[%get3A_464, %get3A_465] {strides = array<i32>} : memref<128x128xf32, #tpu.memory_space<vmem>>, vector<1x16xf32>,
      %get3A_467 = vector.shape_cast %get3A_466 : vector<1x16xf32> to vector<16xf32>
      %mul3A_468 = arith.mulf %broadcast_in_dim3A_371, %get3A_467 : vector<16xf32>
      %add3A_469 = arith.addf %get3A_459, %mul3A_468 : vector<16xf32>
      %swap3A_470 = arith.constant 80 : index
      %swap3A_471 = tpu.vector_load %arg15[%swap3A_470] {strides = array<i32>} : memref<128xf32, #tpu.memory_space<vmem>>, vector<16xf32>,
      %swap3A_472 = vector.shape_cast %swap3A_471 : vector<16xf32> to vector<16xf32>
      %swap3A_473 = vector.shape_cast %add3A_469 : vector<16xf32> to vector<16xf32>
      tpu.vector_store %arg15[%swap3A_470], %swap3A_473 {strides = array<i32>} : memref<128xf32, #tpu.memory_space<vmem>>, vector<16xf32>,
      %get3A_474 = arith.constant 96 : index
      %get3A_475 = tpu.vector_load %arg15[%get3A_474] {strides = array<i32>} : memref<128xf32, #tpu.memory_space<vmem>>, vector<16xf32>,
      %get3A_476 = vector.shape_cast %get3A_475 : vector<16xf32> to vector<16xf32>
      %mul3A_477 = arith.constant 16 : i32
      %mul3A_478 = arith.muli %scan3A_227, %mul3A_477 : i32
      %add3A_479 = arith.constant 1 : i32
      %add3A_480 = arith.addi %mul3A_478, %add3A_479 : i32
      %get3A_481 = arith.index_cast %add3A_480 : i32 to index
      %get3A_482 = arith.constant 96 : index
      %get3A_483 = tpu.vector_load %arg13[%get3A_481, %get3A_482] {strides = array<i32>} : memref<128x128xf32, #tpu.memory_space<vmem>>, vector<1x16xf32>,
      %get3A_484 = vector.shape_cast %get3A_483 : vector<1x16xf32> to vector<16xf32>
      %mul3A_485 = arith.mulf %broadcast_in_dim3A_371, %get3A_484 : vector<16xf32>
      %add3A_486 = arith.addf %get3A_476, %mul3A_485 : vector<16xf32>
      %swap3A_487 = arith.constant 96 : index
      %swap3A_488 = tpu.vector_load %arg15[%swap3A_487] {strides = array<i32>} : memref<128xf32, #tpu.memory_space<vmem>>, vector<16xf32>,
      %swap3A_489 = vector.shape_cast %swap3A_488 : vector<16xf32> to vector<16xf32>
      %swap3A_490 = vector.shape_cast %add3A_486 : vector<16xf32> to vector<16xf32>
      tpu.vector_store %arg15[%swap3A_487], %swap3A_490 {strides = array<i32>} : memref<128xf32, #tpu.memory_space<vmem>>, vector<16xf32>,
      %get3A_491 = arith.constant 112 : index
      %get3A_492 = tpu.vector_load %arg15[%get3A_491] {strides = array<i32>} : memref<128xf32, #tpu.memory_space<vmem>>, vector<16xf32>,
      %get3A_493 = vector.shape_cast %get3A_492 : vector<16xf32> to vector<16xf32>
      %mul3A_494 = arith.constant 16 : i32
      %mul3A_495 = arith.muli %scan3A_227, %mul3A_494 : i32
      %add3A_496 = arith.constant 1 : i32
      %add3A_497 = arith.addi %mul3A_495, %add3A_496 : i32
      %get3A_498 = arith.index_cast %add3A_497 : i32 to index
      %get3A_499 = arith.constant 112 : index
      %get3A_500 = tpu.vector_load %arg13[%get3A_498, %get3A_499] {strides = array<i32>} : memref<128x128xf32, #tpu.memory_space<vmem>>, vector<1x16xf32>,
      %get3A_501 = vector.shape_cast %get3A_500 : vector<1x16xf32> to vector<16xf32>
      %mul3A_502 = arith.mulf %broadcast_in_dim3A_371, %get3A_501 : vector<16xf32>
      %add3A_503 = arith.addf %get3A_493, %mul3A_502 : vector<16xf32>
      %swap3A_504 = arith.constant 112 : index
      %swap3A_505 = tpu.vector_load %arg15[%swap3A_504] {strides = array<i32>} : memref<128xf32, #tpu.memory_space<vmem>>, vector<16xf32>,
      %swap3A_506 = vector.shape_cast %swap3A_505 : vector<16xf32> to vector<16xf32>
      %swap3A_507 = vector.shape_cast %add3A_503 : vector<16xf32> to vector<16xf32>
      tpu.vector_store %arg15[%swap3A_504], %swap3A_507 {strides = array<i32>} : memref<128xf32, #tpu.memory_space<vmem>>, vector<16xf32>,
      %slice3A_508 = vector.extract_strided_slice %get3A_231 {offsets = [2], sizes = [1], strides = [1]} : vector<16xf32> to vector<1xf32>
      %squeeze3A_509 = vector.extract %slice3A_508[0] : f32 from vector<1xf32>
      %broadcast_in_dim3A_510 = vector.broadcast %squeeze3A_509 : f32 to vector<16xf32>
      %get3A_511 = arith.constant 0 : index
      %get3A_512 = tpu.vector_load %arg15[%get3A_511] {strides = array<i32>} : memref<128xf32, #tpu.memory_space<vmem>>, vector<16xf32>,
      %get3A_513 = vector.shape_cast %get3A_512 : vector<16xf32> to vector<16xf32>
      %mul3A_514 = arith.constant 16 : i32
      %mul3A_515 = arith.muli %scan3A_227, %mul3A_514 : i32
      %add3A_516 = arith.constant 2 : i32
      %add3A_517 = arith.addi %mul3A_515, %add3A_516 : i32
      %get3A_518 = arith.index_cast %add3A_517 : i32 to index
      %get3A_519 = arith.constant 0 : index
      %get3A_520 = tpu.vector_load %arg13[%get3A_518, %get3A_519] {strides = array<i32>} : memref<128x128xf32, #tpu.memory_space<vmem>>, vector<1x16xf32>,
      %get3A_521 = vector.shape_cast %get3A_520 : vector<1x16xf32> to vector<16xf32>
      %mul3A_522 = arith.mulf %broadcast_in_dim3A_510, %get3A_521 : vector<16xf32>
      %add3A_523 = arith.addf %get3A_513, %mul3A_522 : vector<16xf32>
      %swap3A_524 = arith.constant 0 : index
      %swap3A_525 = tpu.vector_load %arg15[%swap3A_524] {strides = array<i32>} : memref<128xf32, #tpu.memory_space<vmem>>, vector<16xf32>,
      %swap3A_526 = vector.shape_cast %swap3A_525 : vector<16xf32> to vector<16xf32>
      %swap3A_527 = vector.shape_cast %add3A_523 : vector<16xf32> to vector<16xf32>
      tpu.vector_store %arg15[%swap3A_524], %swap3A_527 {strides = array<i32>} : memref<128xf32, #tpu.memory_space<vmem>>, vector<16xf32>,
      %get3A_528 = arith.constant 16 : index
      %get3A_529 = tpu.vector_load %arg15[%get3A_528] {strides = array<i32>} : memref<128xf32, #tpu.memory_space<vmem>>, vector<16xf32>,
      %get3A_530 = vector.shape_cast %get3A_529 : vector<16xf32> to vector<16xf32>
      %mul3A_531 = arith.constant 16 : i32
      %mul3A_532 = arith.muli %scan3A_227, %mul3A_531 : i32
      %add3A_533 = arith.constant 2 : i32
      %add3A_534 = arith.addi %mul3A_532, %add3A_533 : i32
      %get3A_535 = arith.index_cast %add3A_534 : i32 to index
      %get3A_536 = arith.constant 16 : index
      %get3A_537 = tpu.vector_load %arg13[%get3A_535, %get3A_536] {strides = array<i32>} : memref<128x128xf32, #tpu.memory_space<vmem>>, vector<1x16xf32>,
      %get3A_538 = vector.shape_cast %get3A_537 : vector<1x16xf32> to vector<16xf32>
      %mul3A_539 = arith.mulf %broadcast_in_dim3A_510, %get3A_538 : vector<16xf32>
      %add3A_540 = arith.addf %get3A_530, %mul3A_539 : vector<16xf32>
      %swap3A_541 = arith.constant 16 : index
      %swap3A_542 = tpu.vector_load %arg15[%swap3A_541] {strides = array<i32>} : memref<128xf32, #tpu.memory_space<vmem>>, vector<16xf32>,
      %swap3A_543 = vector.shape_cast %swap3A_542 : vector<16xf32> to vector<16xf32>
      %swap3A_544 = vector.shape_cast %add3A_540 : vector<16xf32> to vector<16xf32>
      tpu.vector_store %arg15[%swap3A_541], %swap3A_544 {strides = array<i32>} : memref<128xf32, #tpu.memory_space<vmem>>, vector<16xf32>,
      %get3A_545 = arith.constant 32 : index
      %get3A_546 = tpu.vector_load %arg15[%get3A_545] {strides = array<i32>} : memref<128xf32, #tpu.memory_space<vmem>>, vector<16xf32>,
      %get3A_547 = vector.shape_cast %get3A_546 : vector<16xf32> to vector<16xf32>
      %mul3A_548 = arith.constant 16 : i32
      %mul3A_549 = arith.muli %scan3A_227, %mul3A_548 : i32
      %add3A_550 = arith.constant 2 : i32
      %add3A_551 = arith.addi %mul3A_549, %add3A_550 : i32
      %get3A_552 = arith.index_cast %add3A_551 : i32 to index
      %get3A_553 = arith.constant 32 : index
      %get3A_554 = tpu.vector_load %arg13[%get3A_552, %get3A_553] {strides = array<i32>} : memref<128x128xf32, #tpu.memory_space<vmem>>, vector<1x16xf32>,
      %get3A_555 = vector.shape_cast %get3A_554 : vector<1x16xf32> to vector<16xf32>
      %mul3A_556 = arith.mulf %broadcast_in_dim3A_510, %get3A_555 : vector<16xf32>
      %add3A_557 = arith.addf %get3A_547, %mul3A_556 : vector<16xf32>
      %swap3A_558 = arith.constant 32 : index
      %swap3A_559 = tpu.vector_load %arg15[%swap3A_558] {strides = array<i32>} : memref<128xf32, #tpu.memory_space<vmem>>, vector<16xf32>,
      %swap3A_560 = vector.shape_cast %swap3A_559 : vector<16xf32> to vector<16xf32>
      %swap3A_561 = vector.shape_cast %add3A_557 : vector<16xf32> to vector<16xf32>
      tpu.vector_store %arg15[%swap3A_558], %swap3A_561 {strides = array<i32>} : memref<128xf32, #tpu.memory_space<vmem>>, vector<16xf32>,
      %get3A_562 = arith.constant 48 : index
      %get3A_563 = tpu.vector_load %arg15[%get3A_562] {strides = array<i32>} : memref<128xf32, #tpu.memory_space<vmem>>, vector<16xf32>,
      %get3A_564 = vector.shape_cast %get3A_563 : vector<16xf32> to vector<16xf32>
      %mul3A_565 = arith.constant 16 : i32
      %mul3A_566 = arith.muli %scan3A_227, %mul3A_565 : i32
      %add3A_567 = arith.constant 2 : i32
      %add3A_568 = arith.addi %mul3A_566, %add3A_567 : i32
      %get3A_569 = arith.index_cast %add3A_568 : i32 to index
      %get3A_570 = arith.constant 48 : index
      %get3A_571 = tpu.vector_load %arg13[%get3A_569, %get3A_570] {strides = array<i32>} : memref<128x128xf32, #tpu.memory_space<vmem>>, vector<1x16xf32>,
      %get3A_572 = vector.shape_cast %get3A_571 : vector<1x16xf32> to vector<16xf32>
      %mul3A_573 = arith.mulf %broadcast_in_dim3A_510, %get3A_572 : vector<16xf32>
      %add3A_574 = arith.addf %get3A_564, %mul3A_573 : vector<16xf32>
      %swap3A_575 = arith.constant 48 : index
      %swap3A_576 = tpu.vector_load %arg15[%swap3A_575] {strides = array<i32>} : memref<128xf32, #tpu.memory_space<vmem>>, vector<16xf32>,
      %swap3A_577 = vector.shape_cast %swap3A_576 : vector<16xf32> to vector<16xf32>
      %swap3A_578 = vector.shape_cast %add3A_574 : vector<16xf32> to vector<16xf32>
      tpu.vector_store %arg15[%swap3A_575], %swap3A_578 {strides = array<i32>} : memref<128xf32, #tpu.memory_space<vmem>>, vector<16xf32>,
      %get3A_579 = arith.constant 64 : index
      %get3A_580 = tpu.vector_load %arg15[%get3A_579] {strides = array<i32>} : memref<128xf32, #tpu.memory_space<vmem>>, vector<16xf32>,
      %get3A_581 = vector.shape_cast %get3A_580 : vector<16xf32> to vector<16xf32>
      %mul3A_582 = arith.constant 16 : i32
      %mul3A_583 = arith.muli %scan3A_227, %mul3A_582 : i32
      %add3A_584 = arith.constant 2 : i32
      %add3A_585 = arith.addi %mul3A_583, %add3A_584 : i32
      %get3A_586 = arith.index_cast %add3A_585 : i32 to index
      %get3A_587 = arith.constant 64 : index
      %get3A_588 = tpu.vector_load %arg13[%get3A_586, %get3A_587] {strides = array<i32>} : memref<128x128xf32, #tpu.memory_space<vmem>>, vector<1x16xf32>,
      %get3A_589 = vector.shape_cast %get3A_588 : vector<1x16xf32> to vector<16xf32>
      %mul3A_590 = arith.mulf %broadcast_in_dim3A_510, %get3A_589 : vector<16xf32>
      %add3A_591 = arith.addf %get3A_581, %mul3A_590 : vector<16xf32>
      %swap3A_592 = arith.constant 64 : index
      %swap3A_593 = tpu.vector_load %arg15[%swap3A_592] {strides = array<i32>} : memref<128xf32, #tpu.memory_space<vmem>>, vector<16xf32>,
      %swap3A_594 = vector.shape_cast %swap3A_593 : vector<16xf32> to vector<16xf32>
      %swap3A_595 = vector.shape_cast %add3A_591 : vector<16xf32> to vector<16xf32>
      tpu.vector_store %arg15[%swap3A_592], %swap3A_595 {strides = array<i32>} : memref<128xf32, #tpu.memory_space<vmem>>, vector<16xf32>,
      %get3A_596 = arith.constant 80 : index
      %get3A_597 = tpu.vector_load %arg15[%get3A_596] {strides = array<i32>} : memref<128xf32, #tpu.memory_space<vmem>>, vector<16xf32>,
      %get3A_598 = vector.shape_cast %get3A_597 : vector<16xf32> to vector<16xf32>
      %mul3A_599 = arith.constant 16 : i32
      %mul3A_600 = arith.muli %scan3A_227, %mul3A_599 : i32
      %add3A_601 = arith.constant 2 : i32
      %add3A_602 = arith.addi %mul3A_600, %add3A_601 : i32
      %get3A_603 = arith.index_cast %add3A_602 : i32 to index
      %get3A_604 = arith.constant 80 : index
      %get3A_605 = tpu.vector_load %arg13[%get3A_603, %get3A_604] {strides = array<i32>} : memref<128x128xf32, #tpu.memory_space<vmem>>, vector<1x16xf32>,
      %get3A_606 = vector.shape_cast %get3A_605 : vector<1x16xf32> to vector<16xf32>
      %mul3A_607 = arith.mulf %broadcast_in_dim3A_510, %get3A_606 : vector<16xf32>
      %add3A_608 = arith.addf %get3A_598, %mul3A_607 : vector<16xf32>
      %swap3A_609 = arith.constant 80 : index
      %swap3A_610 = tpu.vector_load %arg15[%swap3A_609] {strides = array<i32>} : memref<128xf32, #tpu.memory_space<vmem>>, vector<16xf32>,
      %swap3A_611 = vector.shape_cast %swap3A_610 : vector<16xf32> to vector<16xf32>
      %swap3A_612 = vector.shape_cast %add3A_608 : vector<16xf32> to vector<16xf32>
      tpu.vector_store %arg15[%swap3A_609], %swap3A_612 {strides = array<i32>} : memref<128xf32, #tpu.memory_space<vmem>>, vector<16xf32>,
      %get3A_613 = arith.constant 96 : index
      %get3A_614 = tpu.vector_load %arg15[%get3A_613] {strides = array<i32>} : memref<128xf32, #tpu.memory_space<vmem>>, vector<16xf32>,
      %get3A_615 = vector.shape_cast %get3A_614 : vector<16xf32> to vector<16xf32>
      %mul3A_616 = arith.constant 16 : i32
      %mul3A_617 = arith.muli %scan3A_227, %mul3A_616 : i32
      %add3A_618 = arith.constant 2 : i32
      %add3A_619 = arith.addi %mul3A_617, %add3A_618 : i32
      %get3A_620 = arith.index_cast %add3A_619 : i32 to index
      %get3A_621 = arith.constant 96 : index
      %get3A_622 = tpu.vector_load %arg13[%get3A_620, %get3A_621] {strides = array<i32>} : memref<128x128xf32, #tpu.memory_space<vmem>>, vector<1x16xf32>,
      %get3A_623 = vector.shape_cast %get3A_622 : vector<1x16xf32> to vector<16xf32>
      %mul3A_624 = arith.mulf %broadcast_in_dim3A_510, %get3A_623 : vector<16xf32>
      %add3A_625 = arith.addf %get3A_615, %mul3A_624 : vector<16xf32>
      %swap3A_626 = arith.constant 96 : index
      %swap3A_627 = tpu.vector_load %arg15[%swap3A_626] {strides = array<i32>} : memref<128xf32, #tpu.memory_space<vmem>>, vector<16xf32>,
      %swap3A_628 = vector.shape_cast %swap3A_627 : vector<16xf32> to vector<16xf32>
      %swap3A_629 = vector.shape_cast %add3A_625 : vector<16xf32> to vector<16xf32>
      tpu.vector_store %arg15[%swap3A_626], %swap3A_629 {strides = array<i32>} : memref<128xf32, #tpu.memory_space<vmem>>, vector<16xf32>,
      %get3A_630 = arith.constant 112 : index
      %get3A_631 = tpu.vector_load %arg15[%get3A_630] {strides = array<i32>} : memref<128xf32, #tpu.memory_space<vmem>>, vector<16xf32>,
      %get3A_632 = vector.shape_cast %get3A_631 : vector<16xf32> to vector<16xf32>
      %mul3A_633 = arith.constant 16 : i32
      %mul3A_634 = arith.muli %scan3A_227, %mul3A_633 : i32
      %add3A_635 = arith.constant 2 : i32
      %add3A_636 = arith.addi %mul3A_634, %add3A_635 : i32
      %get3A_637 = arith.index_cast %add3A_636 : i32 to index
      %get3A_638 = arith.constant 112 : index
      %get3A_639 = tpu.vector_load %arg13[%get3A_637, %get3A_638] {strides = array<i32>} : memref<128x128xf32, #tpu.memory_space<vmem>>, vector<1x16xf32>,
      %get3A_640 = vector.shape_cast %get3A_639 : vector<1x16xf32> to vector<16xf32>
      %mul3A_641 = arith.mulf %broadcast_in_dim3A_510, %get3A_640 : vector<16xf32>
      %add3A_642 = arith.addf %get3A_632, %mul3A_641 : vector<16xf32>
      %swap3A_643 = arith.constant 112 : index
      %swap3A_644 = tpu.vector_load %arg15[%swap3A_643] {strides = array<i32>} : memref<128xf32, #tpu.memory_space<vmem>>, vector<16xf32>,
      %swap3A_645 = vector.shape_cast %swap3A_644 : vector<16xf32> to vector<16xf32>
      %swap3A_646 = vector.shape_cast %add3A_642 : vector<16xf32> to vector<16xf32>
      tpu.vector_store %arg15[%swap3A_643], %swap3A_646 {strides = array<i32>} : memref<128xf32, #tpu.memory_space<vmem>>, vector<16xf32>,
      %slice3A_647 = vector.extract_strided_slice %get3A_231 {offsets = [3], sizes = [1], strides = [1]} : vector<16xf32> to vector<1xf32>
      %squeeze3A_648 = vector.extract %slice3A_647[0] : f32 from vector<1xf32>
      %broadcast_in_dim3A_649 = vector.broadcast %squeeze3A_648 : f32 to vector<16xf32>
      %get3A_650 = arith.constant 0 : index
      %get3A_651 = tpu.vector_load %arg15[%get3A_650] {strides = array<i32>} : memref<128xf32, #tpu.memory_space<vmem>>, vector<16xf32>,
      %get3A_652 = vector.shape_cast %get3A_651 : vector<16xf32> to vector<16xf32>
      %mul3A_653 = arith.constant 16 : i32
      %mul3A_654 = arith.muli %scan3A_227, %mul3A_653 : i32
      %add3A_655 = arith.constant 3 : i32
      %add3A_656 = arith.addi %mul3A_654, %add3A_655 : i32
      %get3A_657 = arith.index_cast %add3A_656 : i32 to index
      %get3A_658 = arith.constant 0 : index
      %get3A_659 = tpu.vector_load %arg13[%get3A_657, %get3A_658] {strides = array<i32>} : memref<128x128xf32, #tpu.memory_space<vmem>>, vector<1x16xf32>,
      %get3A_660 = vector.shape_cast %get3A_659 : vector<1x16xf32> to vector<16xf32>
      %mul3A_661 = arith.mulf %broadcast_in_dim3A_649, %get3A_660 : vector<16xf32>
      %add3A_662 = arith.addf %get3A_652, %mul3A_661 : vector<16xf32>
      %swap3A_663 = arith.constant 0 : index
      %swap3A_664 = tpu.vector_load %arg15[%swap3A_663] {strides = array<i32>} : memref<128xf32, #tpu.memory_space<vmem>>, vector<16xf32>,
      %swap3A_665 = vector.shape_cast %swap3A_664 : vector<16xf32> to vector<16xf32>
      %swap3A_666 = vector.shape_cast %add3A_662 : vector<16xf32> to vector<16xf32>
      tpu.vector_store %arg15[%swap3A_663], %swap3A_666 {strides = array<i32>} : memref<128xf32, #tpu.memory_space<vmem>>, vector<16xf32>,
      %get3A_667 = arith.constant 16 : index
      %get3A_668 = tpu.vector_load %arg15[%get3A_667] {strides = array<i32>} : memref<128xf32, #tpu.memory_space<vmem>>, vector<16xf32>,
      %get3A_669 = vector.shape_cast %get3A_668 : vector<16xf32> to vector<16xf32>
      %mul3A_670 = arith.constant 16 : i32
      %mul3A_671 = arith.muli %scan3A_227, %mul3A_670 : i32
      %add3A_672 = arith.constant 3 : i32
      %add3A_673 = arith.addi %mul3A_671, %add3A_672 : i32
      %get3A_674 = arith.index_cast %add3A_673 : i32 to index
      %get3A_675 = arith.constant 16 : index
      %get3A_676 = tpu.vector_load %arg13[%get3A_674, %get3A_675] {strides = array<i32>} : memref<128x128xf32, #tpu.memory_space<vmem>>, vector<1x16xf32>,
      %get3A_677 = vector.shape_cast %get3A_676 : vector<1x16xf32> to vector<16xf32>
      %mul3A_678 = arith.mulf %broadcast_in_dim3A_649, %get3A_677 : vector<16xf32>
      %add3A_679 = arith.addf %get3A_669, %mul3A_678 : vector<16xf32>
      %swap3A_680 = arith.constant 16 : index
      %swap3A_681 = tpu.vector_load %arg15[%swap3A_680] {strides = array<i32>} : memref<128xf32, #tpu.memory_space<vmem>>, vector<16xf32>,
      %swap3A_682 = vector.shape_cast %swap3A_681 : vector<16xf32> to vector<16xf32>
      %swap3A_683 = vector.shape_cast %add3A_679 : vector<16xf32> to vector<16xf32>
      tpu.vector_store %arg15[%swap3A_680], %swap3A_683 {strides = array<i32>} : memref<128xf32, #tpu.memory_space<vmem>>, vector<16xf32>,
      %get3A_684 = arith.constant 32 : index
      %get3A_685 = tpu.vector_load %arg15[%get3A_684] {strides = array<i32>} : memref<128xf32, #tpu.memory_space<vmem>>, vector<16xf32>,
      %get3A_686 = vector.shape_cast %get3A_685 : vector<16xf32> to vector<16xf32>
      %mul3A_687 = arith.constant 16 : i32
      %mul3A_688 = arith.muli %scan3A_227, %mul3A_687 : i32
      %add3A_689 = arith.constant 3 : i32
      %add3A_690 = arith.addi %mul3A_688, %add3A_689 : i32
      %get3A_691 = arith.index_cast %add3A_690 : i32 to index
      %get3A_692 = arith.constant 32 : index
      %get3A_693 = tpu.vector_load %arg13[%get3A_691, %get3A_692] {strides = array<i32>} : memref<128x128xf32, #tpu.memory_space<vmem>>, vector<1x16xf32>,
      %get3A_694 = vector.shape_cast %get3A_693 : vector<1x16xf32> to vector<16xf32>
      %mul3A_695 = arith.mulf %broadcast_in_dim3A_649, %get3A_694 : vector<16xf32>
      %add3A_696 = arith.addf %get3A_686, %mul3A_695 : vector<16xf32>
      %swap3A_697 = arith.constant 32 : index
      %swap3A_698 = tpu.vector_load %arg15[%swap3A_697] {strides = array<i32>} : memref<128xf32, #tpu.memory_space<vmem>>, vector<16xf32>,
      %swap3A_699 = vector.shape_cast %swap3A_698 : vector<16xf32> to vector<16xf32>
      %swap3A_700 = vector.shape_cast %add3A_696 : vector<16xf32> to vector<16xf32>
      tpu.vector_store %arg15[%swap3A_697], %swap3A_700 {strides = array<i32>} : memref<128xf32, #tpu.memory_space<vmem>>, vector<16xf32>,
      %get3A_701 = arith.constant 48 : index
      %get3A_702 = tpu.vector_load %arg15[%get3A_701] {strides = array<i32>} : memref<128xf32, #tpu.memory_space<vmem>>, vector<16xf32>,
      %get3A_703 = vector.shape_cast %get3A_702 : vector<16xf32> to vector<16xf32>
      %mul3A_704 = arith.constant 16 : i32
      %mul3A_705 = arith.muli %scan3A_227, %mul3A_704 : i32
      %add3A_706 = arith.constant 3 : i32
      %add3A_707 = arith.addi %mul3A_705, %add3A_706 : i32
      %get3A_708 = arith.index_cast %add3A_707 : i32 to index
      %get3A_709 = arith.constant 48 : index
      %get3A_710 = tpu.vector_load %arg13[%get3A_708, %get3A_709] {strides = array<i32>} : memref<128x128xf32, #tpu.memory_space<vmem>>, vector<1x16xf32>,
      %get3A_711 = vector.shape_cast %get3A_710 : vector<1x16xf32> to vector<16xf32>
      %mul3A_712 = arith.mulf %broadcast_in_dim3A_649, %get3A_711 : vector<16xf32>
      %add3A_713 = arith.addf %get3A_703, %mul3A_712 : vector<16xf32>
      %swap3A_714 = arith.constant 48 : index
      %swap3A_715 = tpu.vector_load %arg15[%swap3A_714] {strides = array<i32>} : memref<128xf32, #tpu.memory_space<vmem>>, vector<16xf32>,
      %swap3A_716 = vector.shape_cast %swap3A_715 : vector<16xf32> to vector<16xf32>
      %swap3A_717 = vector.shape_cast %add3A_713 : vector<16xf32> to vector<16xf32>
      tpu.vector_store %arg15[%swap3A_714], %swap3A_717 {strides = array<i32>} : memref<128xf32, #tpu.memory_space<vmem>>, vector<16xf32>,
      %get3A_718 = arith.constant 64 : index
      %get3A_719 = tpu.vector_load %arg15[%get3A_718] {strides = array<i32>} : memref<128xf32, #tpu.memory_space<vmem>>, vector<16xf32>,
      %get3A_720 = vector.shape_cast %get3A_719 : vector<16xf32> to vector<16xf32>
      %mul3A_721 = arith.constant 16 : i32
      %mul3A_722 = arith.muli %scan3A_227, %mul3A_721 : i32
      %add3A_723 = arith.constant 3 : i32
      %add3A_724 = arith.addi %mul3A_722, %add3A_723 : i32
      %get3A_725 = arith.index_cast %add3A_724 : i32 to index
      %get3A_726 = arith.constant 64 : index
      %get3A_727 = tpu.vector_load %arg13[%get3A_725, %get3A_726] {strides = array<i32>} : memref<128x128xf32, #tpu.memory_space<vmem>>, vector<1x16xf32>,
      %get3A_728 = vector.shape_cast %get3A_727 : vector<1x16xf32> to vector<16xf32>
      %mul3A_729 = arith.mulf %broadcast_in_dim3A_649, %get3A_728 : vector<16xf32>
      %add3A_730 = arith.addf %get3A_720, %mul3A_729 : vector<16xf32>
      %swap3A_731 = arith.constant 64 : index
      %swap3A_732 = tpu.vector_load %arg15[%swap3A_731] {strides = array<i32>} : memref<128xf32, #tpu.memory_space<vmem>>, vector<16xf32>,
      %swap3A_733 = vector.shape_cast %swap3A_732 : vector<16xf32> to vector<16xf32>
      %swap3A_734 = vector.shape_cast %add3A_730 : vector<16xf32> to vector<16xf32>
      tpu.vector_store %arg15[%swap3A_731], %swap3A_734 {strides = array<i32>} : memref<128xf32, #tpu.memory_space<vmem>>, vector<16xf32>,
      %get3A_735 = arith.constant 80 : index
      %get3A_736 = tpu.vector_load %arg15[%get3A_735] {strides = array<i32>} : memref<128xf32, #tpu.memory_space<vmem>>, vector<16xf32>,
      %get3A_737 = vector.shape_cast %get3A_736 : vector<16xf32> to vector<16xf32>
      %mul3A_738 = arith.constant 16 : i32
      %mul3A_739 = arith.muli %scan3A_227, %mul3A_738 : i32
      %add3A_740 = arith.constant 3 : i32
      %add3A_741 = arith.addi %mul3A_739, %add3A_740 : i32
      %get3A_742 = arith.index_cast %add3A_741 : i32 to index
      %get3A_743 = arith.constant 80 : index
      %get3A_744 = tpu.vector_load %arg13[%get3A_742, %get3A_743] {strides = array<i32>} : memref<128x128xf32, #tpu.memory_space<vmem>>, vector<1x16xf32>,
      %get3A_745 = vector.shape_cast %get3A_744 : vector<1x16xf32> to vector<16xf32>
      %mul3A_746 = arith.mulf %broadcast_in_dim3A_649, %get3A_745 : vector<16xf32>
      %add3A_747 = arith.addf %get3A_737, %mul3A_746 : vector<16xf32>
      %swap3A_748 = arith.constant 80 : index
      %swap3A_749 = tpu.vector_load %arg15[%swap3A_748] {strides = array<i32>} : memref<128xf32, #tpu.memory_space<vmem>>, vector<16xf32>,
      %swap3A_750 = vector.shape_cast %swap3A_749 : vector<16xf32> to vector<16xf32>
      %swap3A_751 = vector.shape_cast %add3A_747 : vector<16xf32> to vector<16xf32>
      tpu.vector_store %arg15[%swap3A_748], %swap3A_751 {strides = array<i32>} : memref<128xf32, #tpu.memory_space<vmem>>, vector<16xf32>,
      %get3A_752 = arith.constant 96 : index
      %get3A_753 = tpu.vector_load %arg15[%get3A_752] {strides = array<i32>} : memref<128xf32, #tpu.memory_space<vmem>>, vector<16xf32>,
      %get3A_754 = vector.shape_cast %get3A_753 : vector<16xf32> to vector<16xf32>
      %mul3A_755 = arith.constant 16 : i32
      %mul3A_756 = arith.muli %scan3A_227, %mul3A_755 : i32
      %add3A_757 = arith.constant 3 : i32
      %add3A_758 = arith.addi %mul3A_756, %add3A_757 : i32
      %get3A_759 = arith.index_cast %add3A_758 : i32 to index
      %get3A_760 = arith.constant 96 : index
      %get3A_761 = tpu.vector_load %arg13[%get3A_759, %get3A_760] {strides = array<i32>} : memref<128x128xf32, #tpu.memory_space<vmem>>, vector<1x16xf32>,
      %get3A_762 = vector.shape_cast %get3A_761 : vector<1x16xf32> to vector<16xf32>
      %mul3A_763 = arith.mulf %broadcast_in_dim3A_649, %get3A_762 : vector<16xf32>
      %add3A_764 = arith.addf %get3A_754, %mul3A_763 : vector<16xf32>
      %swap3A_765 = arith.constant 96 : index
      %swap3A_766 = tpu.vector_load %arg15[%swap3A_765] {strides = array<i32>} : memref<128xf32, #tpu.memory_space<vmem>>, vector<16xf32>,
      %swap3A_767 = vector.shape_cast %swap3A_766 : vector<16xf32> to vector<16xf32>
      %swap3A_768 = vector.shape_cast %add3A_764 : vector<16xf32> to vector<16xf32>
      tpu.vector_store %arg15[%swap3A_765], %swap3A_768 {strides = array<i32>} : memref<128xf32, #tpu.memory_space<vmem>>, vector<16xf32>,
      %get3A_769 = arith.constant 112 : index
      %get3A_770 = tpu.vector_load %arg15[%get3A_769] {strides = array<i32>} : memref<128xf32, #tpu.memory_space<vmem>>, vector<16xf32>,
      %get3A_771 = vector.shape_cast %get3A_770 : vector<16xf32> to vector<16xf32>
      %mul3A_772 = arith.constant 16 : i32
      %mul3A_773 = arith.muli %scan3A_227, %mul3A_772 : i32
      %add3A_774 = arith.constant 3 : i32
      %add3A_775 = arith.addi %mul3A_773, %add3A_774 : i32
      %get3A_776 = arith.index_cast %add3A_775 : i32 to index
      %get3A_777 = arith.constant 112 : index
      %get3A_778 = tpu.vector_load %arg13[%get3A_776, %get3A_777] {strides = array<i32>} : memref<128x128xf32, #tpu.memory_space<vmem>>, vector<1x16xf32>,
      %get3A_779 = vector.shape_cast %get3A_778 : vector<1x16xf32> to vector<16xf32>
      %mul3A_780 = arith.mulf %broadcast_in_dim3A_649, %get3A_779 : vector<16xf32>
      %add3A_781 = arith.addf %get3A_771, %mul3A_780 : vector<16xf32>
      %swap3A_782 = arith.constant 112 : index
      %swap3A_783 = tpu.vector_load %arg15[%swap3A_782] {strides = array<i32>} : memref<128xf32, #tpu.memory_space<vmem>>, vector<16xf32>,
      %swap3A_784 = vector.shape_cast %swap3A_783 : vector<16xf32> to vector<16xf32>
      %swap3A_785 = vector.shape_cast %add3A_781 : vector<16xf32> to vector<16xf32>
      tpu.vector_store %arg15[%swap3A_782], %swap3A_785 {strides = array<i32>} : memref<128xf32, #tpu.memory_space<vmem>>, vector<16xf32>,
      %slice3A_786 = vector.extract_strided_slice %get3A_231 {offsets = [4], sizes = [1], strides = [1]} : vector<16xf32> to vector<1xf32>
      %squeeze3A_787 = vector.extract %slice3A_786[0] : f32 from vector<1xf32>
      %broadcast_in_dim3A_788 = vector.broadcast %squeeze3A_787 : f32 to vector<16xf32>
      %get3A_789 = arith.constant 0 : index
      %get3A_790 = tpu.vector_load %arg15[%get3A_789] {strides = array<i32>} : memref<128xf32, #tpu.memory_space<vmem>>, vector<16xf32>,
      %get3A_791 = vector.shape_cast %get3A_790 : vector<16xf32> to vector<16xf32>
      %mul3A_792 = arith.constant 16 : i32
      %mul3A_793 = arith.muli %scan3A_227, %mul3A_792 : i32
      %add3A_794 = arith.constant 4 : i32
      %add3A_795 = arith.addi %mul3A_793, %add3A_794 : i32
      %get3A_796 = arith.index_cast %add3A_795 : i32 to index
      %get3A_797 = arith.constant 0 : index
      %get3A_798 = tpu.vector_load %arg13[%get3A_796, %get3A_797] {strides = array<i32>} : memref<128x128xf32, #tpu.memory_space<vmem>>, vector<1x16xf32>,
      %get3A_799 = vector.shape_cast %get3A_798 : vector<1x16xf32> to vector<16xf32>
      %mul3A_800 = arith.mulf %broadcast_in_dim3A_788, %get3A_799 : vector<16xf32>
      %add3A_801 = arith.addf %get3A_791, %mul3A_800 : vector<16xf32>
      %swap3A_802 = arith.constant 0 : index
      %swap3A_803 = tpu.vector_load %arg15[%swap3A_802] {strides = array<i32>} : memref<128xf32, #tpu.memory_space<vmem>>, vector<16xf32>,
      %swap3A_804 = vector.shape_cast %swap3A_803 : vector<16xf32> to vector<16xf32>
      %swap3A_805 = vector.shape_cast %add3A_801 : vector<16xf32> to vector<16xf32>
      tpu.vector_store %arg15[%swap3A_802], %swap3A_805 {strides = array<i32>} : memref<128xf32, #tpu.memory_space<vmem>>, vector<16xf32>,
      %get3A_806 = arith.constant 16 : index
      %get3A_807 = tpu.vector_load %arg15[%get3A_806] {strides = array<i32>} : memref<128xf32, #tpu.memory_space<vmem>>, vector<16xf32>,
      %get3A_808 = vector.shape_cast %get3A_807 : vector<16xf32> to vector<16xf32>
      %mul3A_809 = arith.constant 16 : i32
      %mul3A_810 = arith.muli %scan3A_227, %mul3A_809 : i32
      %add3A_811 = arith.constant 4 : i32
      %add3A_812 = arith.addi %mul3A_810, %add3A_811 : i32
      %get3A_813 = arith.index_cast %add3A_812 : i32 to index
      %get3A_814 = arith.constant 16 : index
      %get3A_815 = tpu.vector_load %arg13[%get3A_813, %get3A_814] {strides = array<i32>} : memref<128x128xf32, #tpu.memory_space<vmem>>, vector<1x16xf32>,
      %get3A_816 = vector.shape_cast %get3A_815 : vector<1x16xf32> to vector<16xf32>
      %mul3A_817 = arith.mulf %broadcast_in_dim3A_788, %get3A_816 : vector<16xf32>
      %add3A_818 = arith.addf %get3A_808, %mul3A_817 : vector<16xf32>
      %swap3A_819 = arith.constant 16 : index
      %swap3A_820 = tpu.vector_load %arg15[%swap3A_819] {strides = array<i32>} : memref<128xf32, #tpu.memory_space<vmem>>, vector<16xf32>,
      %swap3A_821 = vector.shape_cast %swap3A_820 : vector<16xf32> to vector<16xf32>
      %swap3A_822 = vector.shape_cast %add3A_818 : vector<16xf32> to vector<16xf32>
      tpu.vector_store %arg15[%swap3A_819], %swap3A_822 {strides = array<i32>} : memref<128xf32, #tpu.memory_space<vmem>>, vector<16xf32>,
      %get3A_823 = arith.constant 32 : index
      %get3A_824 = tpu.vector_load %arg15[%get3A_823] {strides = array<i32>} : memref<128xf32, #tpu.memory_space<vmem>>, vector<16xf32>,
      %get3A_825 = vector.shape_cast %get3A_824 : vector<16xf32> to vector<16xf32>
      %mul3A_826 = arith.constant 16 : i32
      %mul3A_827 = arith.muli %scan3A_227, %mul3A_826 : i32
      %add3A_828 = arith.constant 4 : i32
      %add3A_829 = arith.addi %mul3A_827, %add3A_828 : i32
      %get3A_830 = arith.index_cast %add3A_829 : i32 to index
      %get3A_831 = arith.constant 32 : index
      %get3A_832 = tpu.vector_load %arg13[%get3A_830, %get3A_831] {strides = array<i32>} : memref<128x128xf32, #tpu.memory_space<vmem>>, vector<1x16xf32>,
      %get3A_833 = vector.shape_cast %get3A_832 : vector<1x16xf32> to vector<16xf32>
      %mul3A_834 = arith.mulf %broadcast_in_dim3A_788, %get3A_833 : vector<16xf32>
      %add3A_835 = arith.addf %get3A_825, %mul3A_834 : vector<16xf32>
      %swap3A_836 = arith.constant 32 : index
      %swap3A_837 = tpu.vector_load %arg15[%swap3A_836] {strides = array<i32>} : memref<128xf32, #tpu.memory_space<vmem>>, vector<16xf32>,
      %swap3A_838 = vector.shape_cast %swap3A_837 : vector<16xf32> to vector<16xf32>
      %swap3A_839 = vector.shape_cast %add3A_835 : vector<16xf32> to vector<16xf32>
      tpu.vector_store %arg15[%swap3A_836], %swap3A_839 {strides = array<i32>} : memref<128xf32, #tpu.memory_space<vmem>>, vector<16xf32>,
      %get3A_840 = arith.constant 48 : index
      %get3A_841 = tpu.vector_load %arg15[%get3A_840] {strides = array<i32>} : memref<128xf32, #tpu.memory_space<vmem>>, vector<16xf32>,
      %get3A_842 = vector.shape_cast %get3A_841 : vector<16xf32> to vector<16xf32>
      %mul3A_843 = arith.constant 16 : i32
      %mul3A_844 = arith.muli %scan3A_227, %mul3A_843 : i32
      %add3A_845 = arith.constant 4 : i32
      %add3A_846 = arith.addi %mul3A_844, %add3A_845 : i32
      %get3A_847 = arith.index_cast %add3A_846 : i32 to index
      %get3A_848 = arith.constant 48 : index
      %get3A_849 = tpu.vector_load %arg13[%get3A_847, %get3A_848] {strides = array<i32>} : memref<128x128xf32, #tpu.memory_space<vmem>>, vector<1x16xf32>,
      %get3A_850 = vector.shape_cast %get3A_849 : vector<1x16xf32> to vector<16xf32>
      %mul3A_851 = arith.mulf %broadcast_in_dim3A_788, %get3A_850 : vector<16xf32>
      %add3A_852 = arith.addf %get3A_842, %mul3A_851 : vector<16xf32>
      %swap3A_853 = arith.constant 48 : index
      %swap3A_854 = tpu.vector_load %arg15[%swap3A_853] {strides = array<i32>} : memref<128xf32, #tpu.memory_space<vmem>>, vector<16xf32>,
      %swap3A_855 = vector.shape_cast %swap3A_854 : vector<16xf32> to vector<16xf32>
      %swap3A_856 = vector.shape_cast %add3A_852 : vector<16xf32> to vector<16xf32>
      tpu.vector_store %arg15[%swap3A_853], %swap3A_856 {strides = array<i32>} : memref<128xf32, #tpu.memory_space<vmem>>, vector<16xf32>,
      %get3A_857 = arith.constant 64 : index
      %get3A_858 = tpu.vector_load %arg15[%get3A_857] {strides = array<i32>} : memref<128xf32, #tpu.memory_space<vmem>>, vector<16xf32>,
      %get3A_859 = vector.shape_cast %get3A_858 : vector<16xf32> to vector<16xf32>
      %mul3A_860 = arith.constant 16 : i32
      %mul3A_861 = arith.muli %scan3A_227, %mul3A_860 : i32
      %add3A_862 = arith.constant 4 : i32
      %add3A_863 = arith.addi %mul3A_861, %add3A_862 : i32
      %get3A_864 = arith.index_cast %add3A_863 : i32 to index
      %get3A_865 = arith.constant 64 : index
      %get3A_866 = tpu.vector_load %arg13[%get3A_864, %get3A_865] {strides = array<i32>} : memref<128x128xf32, #tpu.memory_space<vmem>>, vector<1x16xf32>,
      %get3A_867 = vector.shape_cast %get3A_866 : vector<1x16xf32> to vector<16xf32>
      %mul3A_868 = arith.mulf %broadcast_in_dim3A_788, %get3A_867 : vector<16xf32>
      %add3A_869 = arith.addf %get3A_859, %mul3A_868 : vector<16xf32>
      %swap3A_870 = arith.constant 64 : index
      %swap3A_871 = tpu.vector_load %arg15[%swap3A_870] {strides = array<i32>} : memref<128xf32, #tpu.memory_space<vmem>>, vector<16xf32>,
      %swap3A_872 = vector.shape_cast %swap3A_871 : vector<16xf32> to vector<16xf32>
      %swap3A_873 = vector.shape_cast %add3A_869 : vector<16xf32> to vector<16xf32>
      tpu.vector_store %arg15[%swap3A_870], %swap3A_873 {strides = array<i32>} : memref<128xf32, #tpu.memory_space<vmem>>, vector<16xf32>,
      %get3A_874 = arith.constant 80 : index
      %get3A_875 = tpu.vector_load %arg15[%get3A_874] {strides = array<i32>} : memref<128xf32, #tpu.memory_space<vmem>>, vector<16xf32>,
      %get3A_876 = vector.shape_cast %get3A_875 : vector<16xf32> to vector<16xf32>
      %mul3A_877 = arith.constant 16 : i32
      %mul3A_878 = arith.muli %scan3A_227, %mul3A_877 : i32
      %add3A_879 = arith.constant 4 : i32
      %add3A_880 = arith.addi %mul3A_878, %add3A_879 : i32
      %get3A_881 = arith.index_cast %add3A_880 : i32 to index
      %get3A_882 = arith.constant 80 : index
      %get3A_883 = tpu.vector_load %arg13[%get3A_881, %get3A_882] {strides = array<i32>} : memref<128x128xf32, #tpu.memory_space<vmem>>, vector<1x16xf32>,
      %get3A_884 = vector.shape_cast %get3A_883 : vector<1x16xf32> to vector<16xf32>
      %mul3A_885 = arith.mulf %broadcast_in_dim3A_788, %get3A_884 : vector<16xf32>
      %add3A_886 = arith.addf %get3A_876, %mul3A_885 : vector<16xf32>
      %swap3A_887 = arith.constant 80 : index
      %swap3A_888 = tpu.vector_load %arg15[%swap3A_887] {strides = array<i32>} : memref<128xf32, #tpu.memory_space<vmem>>, vector<16xf32>,
      %swap3A_889 = vector.shape_cast %swap3A_888 : vector<16xf32> to vector<16xf32>
      %swap3A_890 = vector.shape_cast %add3A_886 : vector<16xf32> to vector<16xf32>
      tpu.vector_store %arg15[%swap3A_887], %swap3A_890 {strides = array<i32>} : memref<128xf32, #tpu.memory_space<vmem>>, vector<16xf32>,
      %get3A_891 = arith.constant 96 : index
      %get3A_892 = tpu.vector_load %arg15[%get3A_891] {strides = array<i32>} : memref<128xf32, #tpu.memory_space<vmem>>, vector<16xf32>,
      %get3A_893 = vector.shape_cast %get3A_892 : vector<16xf32> to vector<16xf32>
      %mul3A_894 = arith.constant 16 : i32
      %mul3A_895 = arith.muli %scan3A_227, %mul3A_894 : i32
      %add3A_896 = arith.constant 4 : i32
      %add3A_897 = arith.addi %mul3A_895, %add3A_896 : i32
      %get3A_898 = arith.index_cast %add3A_897 : i32 to index
      %get3A_899 = arith.constant 96 : index
      %get3A_900 = tpu.vector_load %arg13[%get3A_898, %get3A_899] {strides = array<i32>} : memref<128x128xf32, #tpu.memory_space<vmem>>, vector<1x16xf32>,
      %get3A_901 = vector.shape_cast %get3A_900 : vector<1x16xf32> to vector<16xf32>
      %mul3A_902 = arith.mulf %broadcast_in_dim3A_788, %get3A_901 : vector<16xf32>
      %add3A_903 = arith.addf %get3A_893, %mul3A_902 : vector<16xf32>
      %swap3A_904 = arith.constant 96 : index
      %swap3A_905 = tpu.vector_load %arg15[%swap3A_904] {strides = array<i32>} : memref<128xf32, #tpu.memory_space<vmem>>, vector<16xf32>,
      %swap3A_906 = vector.shape_cast %swap3A_905 : vector<16xf32> to vector<16xf32>
      %swap3A_907 = vector.shape_cast %add3A_903 : vector<16xf32> to vector<16xf32>
      tpu.vector_store %arg15[%swap3A_904], %swap3A_907 {strides = array<i32>} : memref<128xf32, #tpu.memory_space<vmem>>, vector<16xf32>,
      %get3A_908 = arith.constant 112 : index
      %get3A_909 = tpu.vector_load %arg15[%get3A_908] {strides = array<i32>} : memref<128xf32, #tpu.memory_space<vmem>>, vector<16xf32>,
      %get3A_910 = vector.shape_cast %get3A_909 : vector<16xf32> to vector<16xf32>
      %mul3A_911 = arith.constant 16 : i32
      %mul3A_912 = arith.muli %scan3A_227, %mul3A_911 : i32
      %add3A_913 = arith.constant 4 : i32
      %add3A_914 = arith.addi %mul3A_912, %add3A_913 : i32
      %get3A_915 = arith.index_cast %add3A_914 : i32 to index
      %get3A_916 = arith.constant 112 : index
      %get3A_917 = tpu.vector_load %arg13[%get3A_915, %get3A_916] {strides = array<i32>} : memref<128x128xf32, #tpu.memory_space<vmem>>, vector<1x16xf32>,
      %get3A_918 = vector.shape_cast %get3A_917 : vector<1x16xf32> to vector<16xf32>
      %mul3A_919 = arith.mulf %broadcast_in_dim3A_788, %get3A_918 : vector<16xf32>
      %add3A_920 = arith.addf %get3A_910, %mul3A_919 : vector<16xf32>
      %swap3A_921 = arith.constant 112 : index
      %swap3A_922 = tpu.vector_load %arg15[%swap3A_921] {strides = array<i32>} : memref<128xf32, #tpu.memory_space<vmem>>, vector<16xf32>,
      %swap3A_923 = vector.shape_cast %swap3A_922 : vector<16xf32> to vector<16xf32>
      %swap3A_924 = vector.shape_cast %add3A_920 : vector<16xf32> to vector<16xf32>
      tpu.vector_store %arg15[%swap3A_921], %swap3A_924 {strides = array<i32>} : memref<128xf32, #tpu.memory_space<vmem>>, vector<16xf32>,
      %slice3A_925 = vector.extract_strided_slice %get3A_231 {offsets = [5], sizes = [1], strides = [1]} : vector<16xf32> to vector<1xf32>
      %squeeze3A_926 = vector.extract %slice3A_925[0] : f32 from vector<1xf32>
      %broadcast_in_dim3A_927 = vector.broadcast %squeeze3A_926 : f32 to vector<16xf32>
      %get3A_928 = arith.constant 0 : index
      %get3A_929 = tpu.vector_load %arg15[%get3A_928] {strides = array<i32>} : memref<128xf32, #tpu.memory_space<vmem>>, vector<16xf32>,
      %get3A_930 = vector.shape_cast %get3A_929 : vector<16xf32> to vector<16xf32>
      %mul3A_931 = arith.constant 16 : i32
      %mul3A_932 = arith.muli %scan3A_227, %mul3A_931 : i32
      %add3A_933 = arith.constant 5 : i32
      %add3A_934 = arith.addi %mul3A_932, %add3A_933 : i32
      %get3A_935 = arith.index_cast %add3A_934 : i32 to index
      %get3A_936 = arith.constant 0 : index
      %get3A_937 = tpu.vector_load %arg13[%get3A_935, %get3A_936] {strides = array<i32>} : memref<128x128xf32, #tpu.memory_space<vmem>>, vector<1x16xf32>,
      %get3A_938 = vector.shape_cast %get3A_937 : vector<1x16xf32> to vector<16xf32>
      %mul3A_939 = arith.mulf %broadcast_in_dim3A_927, %get3A_938 : vector<16xf32>
      %add3A_940 = arith.addf %get3A_930, %mul3A_939 : vector<16xf32>
      %swap3A_941 = arith.constant 0 : index
      %swap3A_942 = tpu.vector_load %arg15[%swap3A_941] {strides = array<i32>} : memref<128xf32, #tpu.memory_space<vmem>>, vector<16xf32>,
      %swap3A_943 = vector.shape_cast %swap3A_942 : vector<16xf32> to vector<16xf32>
      %swap3A_944 = vector.shape_cast %add3A_940 : vector<16xf32> to vector<16xf32>
      tpu.vector_store %arg15[%swap3A_941], %swap3A_944 {strides = array<i32>} : memref<128xf32, #tpu.memory_space<vmem>>, vector<16xf32>,
      %get3A_945 = arith.constant 16 : index
      %get3A_946 = tpu.vector_load %arg15[%get3A_945] {strides = array<i32>} : memref<128xf32, #tpu.memory_space<vmem>>, vector<16xf32>,
      %get3A_947 = vector.shape_cast %get3A_946 : vector<16xf32> to vector<16xf32>
      %mul3A_948 = arith.constant 16 : i32
      %mul3A_949 = arith.muli %scan3A_227, %mul3A_948 : i32
      %add3A_950 = arith.constant 5 : i32
      %add3A_951 = arith.addi %mul3A_949, %add3A_950 : i32
      %get3A_952 = arith.index_cast %add3A_951 : i32 to index
      %get3A_953 = arith.constant 16 : index
      %get3A_954 = tpu.vector_load %arg13[%get3A_952, %get3A_953] {strides = array<i32>} : memref<128x128xf32, #tpu.memory_space<vmem>>, vector<1x16xf32>,
      %get3A_955 = vector.shape_cast %get3A_954 : vector<1x16xf32> to vector<16xf32>
      %mul3A_956 = arith.mulf %broadcast_in_dim3A_927, %get3A_955 : vector<16xf32>
      %add3A_957 = arith.addf %get3A_947, %mul3A_956 : vector<16xf32>
      %swap3A_958 = arith.constant 16 : index
      %swap3A_959 = tpu.vector_load %arg15[%swap3A_958] {strides = array<i32>} : memref<128xf32, #tpu.memory_space<vmem>>, vector<16xf32>,
      %swap3A_960 = vector.shape_cast %swap3A_959 : vector<16xf32> to vector<16xf32>
      %swap3A_961 = vector.shape_cast %add3A_957 : vector<16xf32> to vector<16xf32>
      tpu.vector_store %arg15[%swap3A_958], %swap3A_961 {strides = array<i32>} : memref<128xf32, #tpu.memory_space<vmem>>, vector<16xf32>,
      %get3A_962 = arith.constant 32 : index
      %get3A_963 = tpu.vector_load %arg15[%get3A_962] {strides = array<i32>} : memref<128xf32, #tpu.memory_space<vmem>>, vector<16xf32>,
      %get3A_964 = vector.shape_cast %get3A_963 : vector<16xf32> to vector<16xf32>
      %mul3A_965 = arith.constant 16 : i32
      %mul3A_966 = arith.muli %scan3A_227, %mul3A_965 : i32
      %add3A_967 = arith.constant 5 : i32
      %add3A_968 = arith.addi %mul3A_966, %add3A_967 : i32
      %get3A_969 = arith.index_cast %add3A_968 : i32 to index
      %get3A_970 = arith.constant 32 : index
      %get3A_971 = tpu.vector_load %arg13[%get3A_969, %get3A_970] {strides = array<i32>} : memref<128x128xf32, #tpu.memory_space<vmem>>, vector<1x16xf32>,
      %get3A_972 = vector.shape_cast %get3A_971 : vector<1x16xf32> to vector<16xf32>
      %mul3A_973 = arith.mulf %broadcast_in_dim3A_927, %get3A_972 : vector<16xf32>
      %add3A_974 = arith.addf %get3A_964, %mul3A_973 : vector<16xf32>
      %swap3A_975 = arith.constant 32 : index
      %swap3A_976 = tpu.vector_load %arg15[%swap3A_975] {strides = array<i32>} : memref<128xf32, #tpu.memory_space<vmem>>, vector<16xf32>,
      %swap3A_977 = vector.shape_cast %swap3A_976 : vector<16xf32> to vector<16xf32>
      %swap3A_978 = vector.shape_cast %add3A_974 : vector<16xf32> to vector<16xf32>
      tpu.vector_store %arg15[%swap3A_975], %swap3A_978 {strides = array<i32>} : memref<128xf32, #tpu.memory_space<vmem>>, vector<16xf32>,
      %get3A_979 = arith.constant 48 : index
      %get3A_980 = tpu.vector_load %arg15[%get3A_979] {strides = array<i32>} : memref<128xf32, #tpu.memory_space<vmem>>, vector<16xf32>,
      %get3A_981 = vector.shape_cast %get3A_980 : vector<16xf32> to vector<16xf32>
      %mul3A_982 = arith.constant 16 : i32
      %mul3A_983 = arith.muli %scan3A_227, %mul3A_982 : i32
      %add3A_984 = arith.constant 5 : i32
      %add3A_985 = arith.addi %mul3A_983, %add3A_984 : i32
      %get3A_986 = arith.index_cast %add3A_985 : i32 to index
      %get3A_987 = arith.constant 48 : index
      %get3A_988 = tpu.vector_load %arg13[%get3A_986, %get3A_987] {strides = array<i32>} : memref<128x128xf32, #tpu.memory_space<vmem>>, vector<1x16xf32>,
      %get3A_989 = vector.shape_cast %get3A_988 : vector<1x16xf32> to vector<16xf32>
      %mul3A_990 = arith.mulf %broadcast_in_dim3A_927, %get3A_989 : vector<16xf32>
      %add3A_991 = arith.addf %get3A_981, %mul3A_990 : vector<16xf32>
      %swap3A_992 = arith.constant 48 : index
      %swap3A_993 = tpu.vector_load %arg15[%swap3A_992] {strides = array<i32>} : memref<128xf32, #tpu.memory_space<vmem>>, vector<16xf32>,
      %swap3A_994 = vector.shape_cast %swap3A_993 : vector<16xf32> to vector<16xf32>
      %swap3A_995 = vector.shape_cast %add3A_991 : vector<16xf32> to vector<16xf32>
      tpu.vector_store %arg15[%swap3A_992], %swap3A_995 {strides = array<i32>} : memref<128xf32, #tpu.memory_space<vmem>>, vector<16xf32>,
      %get3A_996 = arith.constant 64 : index
      %get3A_997 = tpu.vector_load %arg15[%get3A_996] {strides = array<i32>} : memref<128xf32, #tpu.memory_space<vmem>>, vector<16xf32>,
      %get3A_998 = vector.shape_cast %get3A_997 : vector<16xf32> to vector<16xf32>
      %mul3A_999 = arith.constant 16 : i32
      %mul3A_1000 = arith.muli %scan3A_227, %mul3A_999 : i32
      %add3A_1001 = arith.constant 5 : i32
      %add3A_1002 = arith.addi %mul3A_1000, %add3A_1001 : i32
      %get3A_1003 = arith.index_cast %add3A_1002 : i32 to index
      %get3A_1004 = arith.constant 64 : index
      %get3A_1005 = tpu.vector_load %arg13[%get3A_1003, %get3A_1004] {strides = array<i32>} : memref<128x128xf32, #tpu.memory_space<vmem>>, vector<1x16xf32>,
      %get3A_1006 = vector.shape_cast %get3A_1005 : vector<1x16xf32> to vector<16xf32>
      %mul3A_1007 = arith.mulf %broadcast_in_dim3A_927, %get3A_1006 : vector<16xf32>
      %add3A_1008 = arith.addf %get3A_998, %mul3A_1007 : vector<16xf32>
      %swap3A_1009 = arith.constant 64 : index
      %swap3A_1010 = tpu.vector_load %arg15[%swap3A_1009] {strides = array<i32>} : memref<128xf32, #tpu.memory_space<vmem>>, vector<16xf32>,
      %swap3A_1011 = vector.shape_cast %swap3A_1010 : vector<16xf32> to vector<16xf32>
      %swap3A_1012 = vector.shape_cast %add3A_1008 : vector<16xf32> to vector<16xf32>
      tpu.vector_store %arg15[%swap3A_1009], %swap3A_1012 {strides = array<i32>} : memref<128xf32, #tpu.memory_space<vmem>>, vector<16xf32>,
      %get3A_1013 = arith.constant 80 : index
      %get3A_1014 = tpu.vector_load %arg15[%get3A_1013] {strides = array<i32>} : memref<128xf32, #tpu.memory_space<vmem>>, vector<16xf32>,
      %get3A_1015 = vector.shape_cast %get3A_1014 : vector<16xf32> to vector<16xf32>
      %mul3A_1016 = arith.constant 16 : i32
      %mul3A_1017 = arith.muli %scan3A_227, %mul3A_1016 : i32
      %add3A_1018 = arith.constant 5 : i32
      %add3A_1019 = arith.addi %mul3A_1017, %add3A_1018 : i32
      %get3A_1020 = arith.index_cast %add3A_1019 : i32 to index
      %get3A_1021 = arith.constant 80 : index
      %get3A_1022 = tpu.vector_load %arg13[%get3A_1020, %get3A_1021] {strides = array<i32>} : memref<128x128xf32, #tpu.memory_space<vmem>>, vector<1x16xf32>,
      %get3A_1023 = vector.shape_cast %get3A_1022 : vector<1x16xf32> to vector<16xf32>
      %mul3A_1024 = arith.mulf %broadcast_in_dim3A_927, %get3A_1023 : vector<16xf32>
      %add3A_1025 = arith.addf %get3A_1015, %mul3A_1024 : vector<16xf32>
      %swap3A_1026 = arith.constant 80 : index
      %swap3A_1027 = tpu.vector_load %arg15[%swap3A_1026] {strides = array<i32>} : memref<128xf32, #tpu.memory_space<vmem>>, vector<16xf32>,
      %swap3A_1028 = vector.shape_cast %swap3A_1027 : vector<16xf32> to vector<16xf32>
      %swap3A_1029 = vector.shape_cast %add3A_1025 : vector<16xf32> to vector<16xf32>
      tpu.vector_store %arg15[%swap3A_1026], %swap3A_1029 {strides = array<i32>} : memref<128xf32, #tpu.memory_space<vmem>>, vector<16xf32>,
      %get3A_1030 = arith.constant 96 : index
      %get3A_1031 = tpu.vector_load %arg15[%get3A_1030] {strides = array<i32>} : memref<128xf32, #tpu.memory_space<vmem>>, vector<16xf32>,
      %get3A_1032 = vector.shape_cast %get3A_1031 : vector<16xf32> to vector<16xf32>
      %mul3A_1033 = arith.constant 16 : i32
      %mul3A_1034 = arith.muli %scan3A_227, %mul3A_1033 : i32
      %add3A_1035 = arith.constant 5 : i32
      %add3A_1036 = arith.addi %mul3A_1034, %add3A_1035 : i32
      %get3A_1037 = arith.index_cast %add3A_1036 : i32 to index
      %get3A_1038 = arith.constant 96 : index
      %get3A_1039 = tpu.vector_load %arg13[%get3A_1037, %get3A_1038] {strides = array<i32>} : memref<128x128xf32, #tpu.memory_space<vmem>>, vector<1x16xf32>,
      %get3A_1040 = vector.shape_cast %get3A_1039 : vector<1x16xf32> to vector<16xf32>
      %mul3A_1041 = arith.mulf %broadcast_in_dim3A_927, %get3A_1040 : vector<16xf32>
      %add3A_1042 = arith.addf %get3A_1032, %mul3A_1041 : vector<16xf32>
      %swap3A_1043 = arith.constant 96 : index
      %swap3A_1044 = tpu.vector_load %arg15[%swap3A_1043] {strides = array<i32>} : memref<128xf32, #tpu.memory_space<vmem>>, vector<16xf32>,
      %swap3A_1045 = vector.shape_cast %swap3A_1044 : vector<16xf32> to vector<16xf32>
      %swap3A_1046 = vector.shape_cast %add3A_1042 : vector<16xf32> to vector<16xf32>
      tpu.vector_store %arg15[%swap3A_1043], %swap3A_1046 {strides = array<i32>} : memref<128xf32, #tpu.memory_space<vmem>>, vector<16xf32>,
      %get3A_1047 = arith.constant 112 : index
      %get3A_1048 = tpu.vector_load %arg15[%get3A_1047] {strides = array<i32>} : memref<128xf32, #tpu.memory_space<vmem>>, vector<16xf32>,
      %get3A_1049 = vector.shape_cast %get3A_1048 : vector<16xf32> to vector<16xf32>
      %mul3A_1050 = arith.constant 16 : i32
      %mul3A_1051 = arith.muli %scan3A_227, %mul3A_1050 : i32
      %add3A_1052 = arith.constant 5 : i32
      %add3A_1053 = arith.addi %mul3A_1051, %add3A_1052 : i32
      %get3A_1054 = arith.index_cast %add3A_1053 : i32 to index
      %get3A_1055 = arith.constant 112 : index
      %get3A_1056 = tpu.vector_load %arg13[%get3A_1054, %get3A_1055] {strides = array<i32>} : memref<128x128xf32, #tpu.memory_space<vmem>>, vector<1x16xf32>,
      %get3A_1057 = vector.shape_cast %get3A_1056 : vector<1x16xf32> to vector<16xf32>
      %mul3A_1058 = arith.mulf %broadcast_in_dim3A_927, %get3A_1057 : vector<16xf32>
      %add3A_1059 = arith.addf %get3A_1049, %mul3A_1058 : vector<16xf32>
      %swap3A_1060 = arith.constant 112 : index
      %swap3A_1061 = tpu.vector_load %arg15[%swap3A_1060] {strides = array<i32>} : memref<128xf32, #tpu.memory_space<vmem>>, vector<16xf32>,
      %swap3A_1062 = vector.shape_cast %swap3A_1061 : vector<16xf32> to vector<16xf32>
      %swap3A_1063 = vector.shape_cast %add3A_1059 : vector<16xf32> to vector<16xf32>
      tpu.vector_store %arg15[%swap3A_1060], %swap3A_1063 {strides = array<i32>} : memref<128xf32, #tpu.memory_space<vmem>>, vector<16xf32>,
      %slice3A_1064 = vector.extract_strided_slice %get3A_231 {offsets = [6], sizes = [1], strides = [1]} : vector<16xf32> to vector<1xf32>
      %squeeze3A_1065 = vector.extract %slice3A_1064[0] : f32 from vector<1xf32>
      %broadcast_in_dim3A_1066 = vector.broadcast %squeeze3A_1065 : f32 to vector<16xf32>
      %get3A_1067 = arith.constant 0 : index
      %get3A_1068 = tpu.vector_load %arg15[%get3A_1067] {strides = array<i32>} : memref<128xf32, #tpu.memory_space<vmem>>, vector<16xf32>,
      %get3A_1069 = vector.shape_cast %get3A_1068 : vector<16xf32> to vector<16xf32>
      %mul3A_1070 = arith.constant 16 : i32
      %mul3A_1071 = arith.muli %scan3A_227, %mul3A_1070 : i32
      %add3A_1072 = arith.constant 6 : i32
      %add3A_1073 = arith.addi %mul3A_1071, %add3A_1072 : i32
      %get3A_1074 = arith.index_cast %add3A_1073 : i32 to index
      %get3A_1075 = arith.constant 0 : index
      %get3A_1076 = tpu.vector_load %arg13[%get3A_1074, %get3A_1075] {strides = array<i32>} : memref<128x128xf32, #tpu.memory_space<vmem>>, vector<1x16xf32>,
      %get3A_1077 = vector.shape_cast %get3A_1076 : vector<1x16xf32> to vector<16xf32>
      %mul3A_1078 = arith.mulf %broadcast_in_dim3A_1066, %get3A_1077 : vector<16xf32>
      %add3A_1079 = arith.addf %get3A_1069, %mul3A_1078 : vector<16xf32>
      %swap3A_1080 = arith.constant 0 : index
      %swap3A_1081 = tpu.vector_load %arg15[%swap3A_1080] {strides = array<i32>} : memref<128xf32, #tpu.memory_space<vmem>>, vector<16xf32>,
      %swap3A_1082 = vector.shape_cast %swap3A_1081 : vector<16xf32> to vector<16xf32>
      %swap3A_1083 = vector.shape_cast %add3A_1079 : vector<16xf32> to vector<16xf32>
      tpu.vector_store %arg15[%swap3A_1080], %swap3A_1083 {strides = array<i32>} : memref<128xf32, #tpu.memory_space<vmem>>, vector<16xf32>,
      %get3A_1084 = arith.constant 16 : index
      %get3A_1085 = tpu.vector_load %arg15[%get3A_1084] {strides = array<i32>} : memref<128xf32, #tpu.memory_space<vmem>>, vector<16xf32>,
      %get3A_1086 = vector.shape_cast %get3A_1085 : vector<16xf32> to vector<16xf32>
      %mul3A_1087 = arith.constant 16 : i32
      %mul3A_1088 = arith.muli %scan3A_227, %mul3A_1087 : i32
      %add3A_1089 = arith.constant 6 : i32
      %add3A_1090 = arith.addi %mul3A_1088, %add3A_1089 : i32
      %get3A_1091 = arith.index_cast %add3A_1090 : i32 to index
      %get3A_1092 = arith.constant 16 : index
      %get3A_1093 = tpu.vector_load %arg13[%get3A_1091, %get3A_1092] {strides = array<i32>} : memref<128x128xf32, #tpu.memory_space<vmem>>, vector<1x16xf32>,
      %get3A_1094 = vector.shape_cast %get3A_1093 : vector<1x16xf32> to vector<16xf32>
      %mul3A_1095 = arith.mulf %broadcast_in_dim3A_1066, %get3A_1094 : vector<16xf32>
      %add3A_1096 = arith.addf %get3A_1086, %mul3A_1095 : vector<16xf32>
      %swap3A_1097 = arith.constant 16 : index
      %swap3A_1098 = tpu.vector_load %arg15[%swap3A_1097] {strides = array<i32>} : memref<128xf32, #tpu.memory_space<vmem>>, vector<16xf32>,
      %swap3A_1099 = vector.shape_cast %swap3A_1098 : vector<16xf32> to vector<16xf32>
      %swap3A_1100 = vector.shape_cast %add3A_1096 : vector<16xf32> to vector<16xf32>
      tpu.vector_store %arg15[%swap3A_1097], %swap3A_1100 {strides = array<i32>} : memref<128xf32, #tpu.memory_space<vmem>>, vector<16xf32>,
      %get3A_1101 = arith.constant 32 : index
      %get3A_1102 = tpu.vector_load %arg15[%get3A_1101] {strides = array<i32>} : memref<128xf32, #tpu.memory_space<vmem>>, vector<16xf32>,
      %get3A_1103 = vector.shape_cast %get3A_1102 : vector<16xf32> to vector<16xf32>
      %mul3A_1104 = arith.constant 16 : i32
      %mul3A_1105 = arith.muli %scan3A_227, %mul3A_1104 : i32
      %add3A_1106 = arith.constant 6 : i32
      %add3A_1107 = arith.addi %mul3A_1105, %add3A_1106 : i32
      %get3A_1108 = arith.index_cast %add3A_1107 : i32 to index
      %get3A_1109 = arith.constant 32 : index
      %get3A_1110 = tpu.vector_load %arg13[%get3A_1108, %get3A_1109] {strides = array<i32>} : memref<128x128xf32, #tpu.memory_space<vmem>>, vector<1x16xf32>,
      %get3A_1111 = vector.shape_cast %get3A_1110 : vector<1x16xf32> to vector<16xf32>
      %mul3A_1112 = arith.mulf %broadcast_in_dim3A_1066, %get3A_1111 : vector<16xf32>
      %add3A_1113 = arith.addf %get3A_1103, %mul3A_1112 : vector<16xf32>
      %swap3A_1114 = arith.constant 32 : index
      %swap3A_1115 = tpu.vector_load %arg15[%swap3A_1114] {strides = array<i32>} : memref<128xf32, #tpu.memory_space<vmem>>, vector<16xf32>,
      %swap3A_1116 = vector.shape_cast %swap3A_1115 : vector<16xf32> to vector<16xf32>
      %swap3A_1117 = vector.shape_cast %add3A_1113 : vector<16xf32> to vector<16xf32>
      tpu.vector_store %arg15[%swap3A_1114], %swap3A_1117 {strides = array<i32>} : memref<128xf32, #tpu.memory_space<vmem>>, vector<16xf32>,
      %get3A_1118 = arith.constant 48 : index
      %get3A_1119 = tpu.vector_load %arg15[%get3A_1118] {strides = array<i32>} : memref<128xf32, #tpu.memory_space<vmem>>, vector<16xf32>,
      %get3A_1120 = vector.shape_cast %get3A_1119 : vector<16xf32> to vector<16xf32>
      %mul3A_1121 = arith.constant 16 : i32
      %mul3A_1122 = arith.muli %scan3A_227, %mul3A_1121 : i32
      %add3A_1123 = arith.constant 6 : i32
      %add3A_1124 = arith.addi %mul3A_1122, %add3A_1123 : i32
      %get3A_1125 = arith.index_cast %add3A_1124 : i32 to index
      %get3A_1126 = arith.constant 48 : index
      %get3A_1127 = tpu.vector_load %arg13[%get3A_1125, %get3A_1126] {strides = array<i32>} : memref<128x128xf32, #tpu.memory_space<vmem>>, vector<1x16xf32>,
      %get3A_1128 = vector.shape_cast %get3A_1127 : vector<1x16xf32> to vector<16xf32>
      %mul3A_1129 = arith.mulf %broadcast_in_dim3A_1066, %get3A_1128 : vector<16xf32>
      %add3A_1130 = arith.addf %get3A_1120, %mul3A_1129 : vector<16xf32>
      %swap3A_1131 = arith.constant 48 : index
      %swap3A_1132 = tpu.vector_load %arg15[%swap3A_1131] {strides = array<i32>} : memref<128xf32, #tpu.memory_space<vmem>>, vector<16xf32>,
      %swap3A_1133 = vector.shape_cast %swap3A_1132 : vector<16xf32> to vector<16xf32>
      %swap3A_1134 = vector.shape_cast %add3A_1130 : vector<16xf32> to vector<16xf32>
      tpu.vector_store %arg15[%swap3A_1131], %swap3A_1134 {strides = array<i32>} : memref<128xf32, #tpu.memory_space<vmem>>, vector<16xf32>,
      %get3A_1135 = arith.constant 64 : index
      %get3A_1136 = tpu.vector_load %arg15[%get3A_1135] {strides = array<i32>} : memref<128xf32, #tpu.memory_space<vmem>>, vector<16xf32>,
      %get3A_1137 = vector.shape_cast %get3A_1136 : vector<16xf32> to vector<16xf32>
      %mul3A_1138 = arith.constant 16 : i32
      %mul3A_1139 = arith.muli %scan3A_227, %mul3A_1138 : i32
      %add3A_1140 = arith.constant 6 : i32
      %add3A_1141 = arith.addi %mul3A_1139, %add3A_1140 : i32
      %get3A_1142 = arith.index_cast %add3A_1141 : i32 to index
      %get3A_1143 = arith.constant 64 : index
      %get3A_1144 = tpu.vector_load %arg13[%get3A_1142, %get3A_1143] {strides = array<i32>} : memref<128x128xf32, #tpu.memory_space<vmem>>, vector<1x16xf32>,
      %get3A_1145 = vector.shape_cast %get3A_1144 : vector<1x16xf32> to vector<16xf32>
      %mul3A_1146 = arith.mulf %broadcast_in_dim3A_1066, %get3A_1145 : vector<16xf32>
      %add3A_1147 = arith.addf %get3A_1137, %mul3A_1146 : vector<16xf32>
      %swap3A_1148 = arith.constant 64 : index
      %swap3A_1149 = tpu.vector_load %arg15[%swap3A_1148] {strides = array<i32>} : memref<128xf32, #tpu.memory_space<vmem>>, vector<16xf32>,
      %swap3A_1150 = vector.shape_cast %swap3A_1149 : vector<16xf32> to vector<16xf32>
      %swap3A_1151 = vector.shape_cast %add3A_1147 : vector<16xf32> to vector<16xf32>
      tpu.vector_store %arg15[%swap3A_1148], %swap3A_1151 {strides = array<i32>} : memref<128xf32, #tpu.memory_space<vmem>>, vector<16xf32>,
      %get3A_1152 = arith.constant 80 : index
      %get3A_1153 = tpu.vector_load %arg15[%get3A_1152] {strides = array<i32>} : memref<128xf32, #tpu.memory_space<vmem>>, vector<16xf32>,
      %get3A_1154 = vector.shape_cast %get3A_1153 : vector<16xf32> to vector<16xf32>
      %mul3A_1155 = arith.constant 16 : i32
      %mul3A_1156 = arith.muli %scan3A_227, %mul3A_1155 : i32
      %add3A_1157 = arith.constant 6 : i32
      %add3A_1158 = arith.addi %mul3A_1156, %add3A_1157 : i32
      %get3A_1159 = arith.index_cast %add3A_1158 : i32 to index
      %get3A_1160 = arith.constant 80 : index
      %get3A_1161 = tpu.vector_load %arg13[%get3A_1159, %get3A_1160] {strides = array<i32>} : memref<128x128xf32, #tpu.memory_space<vmem>>, vector<1x16xf32>,
      %get3A_1162 = vector.shape_cast %get3A_1161 : vector<1x16xf32> to vector<16xf32>
      %mul3A_1163 = arith.mulf %broadcast_in_dim3A_1066, %get3A_1162 : vector<16xf32>
      %add3A_1164 = arith.addf %get3A_1154, %mul3A_1163 : vector<16xf32>
      %swap3A_1165 = arith.constant 80 : index
      %swap3A_1166 = tpu.vector_load %arg15[%swap3A_1165] {strides = array<i32>} : memref<128xf32, #tpu.memory_space<vmem>>, vector<16xf32>,
      %swap3A_1167 = vector.shape_cast %swap3A_1166 : vector<16xf32> to vector<16xf32>
      %swap3A_1168 = vector.shape_cast %add3A_1164 : vector<16xf32> to vector<16xf32>
      tpu.vector_store %arg15[%swap3A_1165], %swap3A_1168 {strides = array<i32>} : memref<128xf32, #tpu.memory_space<vmem>>, vector<16xf32>,
      %get3A_1169 = arith.constant 96 : index
      %get3A_1170 = tpu.vector_load %arg15[%get3A_1169] {strides = array<i32>} : memref<128xf32, #tpu.memory_space<vmem>>, vector<16xf32>,
      %get3A_1171 = vector.shape_cast %get3A_1170 : vector<16xf32> to vector<16xf32>
      %mul3A_1172 = arith.constant 16 : i32
      %mul3A_1173 = arith.muli %scan3A_227, %mul3A_1172 : i32
      %add3A_1174 = arith.constant 6 : i32
      %add3A_1175 = arith.addi %mul3A_1173, %add3A_1174 : i32
      %get3A_1176 = arith.index_cast %add3A_1175 : i32 to index
      %get3A_1177 = arith.constant 96 : index
      %get3A_1178 = tpu.vector_load %arg13[%get3A_1176, %get3A_1177] {strides = array<i32>} : memref<128x128xf32, #tpu.memory_space<vmem>>, vector<1x16xf32>,
      %get3A_1179 = vector.shape_cast %get3A_1178 : vector<1x16xf32> to vector<16xf32>
      %mul3A_1180 = arith.mulf %broadcast_in_dim3A_1066, %get3A_1179 : vector<16xf32>
      %add3A_1181 = arith.addf %get3A_1171, %mul3A_1180 : vector<16xf32>
      %swap3A_1182 = arith.constant 96 : index
      %swap3A_1183 = tpu.vector_load %arg15[%swap3A_1182] {strides = array<i32>} : memref<128xf32, #tpu.memory_space<vmem>>, vector<16xf32>,
      %swap3A_1184 = vector.shape_cast %swap3A_1183 : vector<16xf32> to vector<16xf32>
      %swap3A_1185 = vector.shape_cast %add3A_1181 : vector<16xf32> to vector<16xf32>
      tpu.vector_store %arg15[%swap3A_1182], %swap3A_1185 {strides = array<i32>} : memref<128xf32, #tpu.memory_space<vmem>>, vector<16xf32>,
      %get3A_1186 = arith.constant 112 : index
      %get3A_1187 = tpu.vector_load %arg15[%get3A_1186] {strides = array<i32>} : memref<128xf32, #tpu.memory_space<vmem>>, vector<16xf32>,
      %get3A_1188 = vector.shape_cast %get3A_1187 : vector<16xf32> to vector<16xf32>
      %mul3A_1189 = arith.constant 16 : i32
      %mul3A_1190 = arith.muli %scan3A_227, %mul3A_1189 : i32
      %add3A_1191 = arith.constant 6 : i32
      %add3A_1192 = arith.addi %mul3A_1190, %add3A_1191 : i32
      %get3A_1193 = arith.index_cast %add3A_1192 : i32 to index
      %get3A_1194 = arith.constant 112 : index
      %get3A_1195 = tpu.vector_load %arg13[%get3A_1193, %get3A_1194] {strides = array<i32>} : memref<128x128xf32, #tpu.memory_space<vmem>>, vector<1x16xf32>,
      %get3A_1196 = vector.shape_cast %get3A_1195 : vector<1x16xf32> to vector<16xf32>
      %mul3A_1197 = arith.mulf %broadcast_in_dim3A_1066, %get3A_1196 : vector<16xf32>
      %add3A_1198 = arith.addf %get3A_1188, %mul3A_1197 : vector<16xf32>
      %swap3A_1199 = arith.constant 112 : index
      %swap3A_1200 = tpu.vector_load %arg15[%swap3A_1199] {strides = array<i32>} : memref<128xf32, #tpu.memory_space<vmem>>, vector<16xf32>,
      %swap3A_1201 = vector.shape_cast %swap3A_1200 : vector<16xf32> to vector<16xf32>
      %swap3A_1202 = vector.shape_cast %add3A_1198 : vector<16xf32> to vector<16xf32>
      tpu.vector_store %arg15[%swap3A_1199], %swap3A_1202 {strides = array<i32>} : memref<128xf32, #tpu.memory_space<vmem>>, vector<16xf32>,
      %slice3A_1203 = vector.extract_strided_slice %get3A_231 {offsets = [7], sizes = [1], strides = [1]} : vector<16xf32> to vector<1xf32>
      %squeeze3A_1204 = vector.extract %slice3A_1203[0] : f32 from vector<1xf32>
      %broadcast_in_dim3A_1205 = vector.broadcast %squeeze3A_1204 : f32 to vector<16xf32>
      %get3A_1206 = arith.constant 0 : index
      %get3A_1207 = tpu.vector_load %arg15[%get3A_1206] {strides = array<i32>} : memref<128xf32, #tpu.memory_space<vmem>>, vector<16xf32>,
      %get3A_1208 = vector.shape_cast %get3A_1207 : vector<16xf32> to vector<16xf32>
      %mul3A_1209 = arith.constant 16 : i32
      %mul3A_1210 = arith.muli %scan3A_227, %mul3A_1209 : i32
      %add3A_1211 = arith.constant 7 : i32
      %add3A_1212 = arith.addi %mul3A_1210, %add3A_1211 : i32
      %get3A_1213 = arith.index_cast %add3A_1212 : i32 to index
      %get3A_1214 = arith.constant 0 : index
      %get3A_1215 = tpu.vector_load %arg13[%get3A_1213, %get3A_1214] {strides = array<i32>} : memref<128x128xf32, #tpu.memory_space<vmem>>, vector<1x16xf32>,
      %get3A_1216 = vector.shape_cast %get3A_1215 : vector<1x16xf32> to vector<16xf32>
      %mul3A_1217 = arith.mulf %broadcast_in_dim3A_1205, %get3A_1216 : vector<16xf32>
      %add3A_1218 = arith.addf %get3A_1208, %mul3A_1217 : vector<16xf32>
      %swap3A_1219 = arith.constant 0 : index
      %swap3A_1220 = tpu.vector_load %arg15[%swap3A_1219] {strides = array<i32>} : memref<128xf32, #tpu.memory_space<vmem>>, vector<16xf32>,
      %swap3A_1221 = vector.shape_cast %swap3A_1220 : vector<16xf32> to vector<16xf32>
      %swap3A_1222 = vector.shape_cast %add3A_1218 : vector<16xf32> to vector<16xf32>
      tpu.vector_store %arg15[%swap3A_1219], %swap3A_1222 {strides = array<i32>} : memref<128xf32, #tpu.memory_space<vmem>>, vector<16xf32>,
      %get3A_1223 = arith.constant 16 : index
      %get3A_1224 = tpu.vector_load %arg15[%get3A_1223] {strides = array<i32>} : memref<128xf32, #tpu.memory_space<vmem>>, vector<16xf32>,
      %get3A_1225 = vector.shape_cast %get3A_1224 : vector<16xf32> to vector<16xf32>
      %mul3A_1226 = arith.constant 16 : i32
      %mul3A_1227 = arith.muli %scan3A_227, %mul3A_1226 : i32
      %add3A_1228 = arith.constant 7 : i32
      %add3A_1229 = arith.addi %mul3A_1227, %add3A_1228 : i32
      %get3A_1230 = arith.index_cast %add3A_1229 : i32 to index
      %get3A_1231 = arith.constant 16 : index
      %get3A_1232 = tpu.vector_load %arg13[%get3A_1230, %get3A_1231] {strides = array<i32>} : memref<128x128xf32, #tpu.memory_space<vmem>>, vector<1x16xf32>,
      %get3A_1233 = vector.shape_cast %get3A_1232 : vector<1x16xf32> to vector<16xf32>
      %mul3A_1234 = arith.mulf %broadcast_in_dim3A_1205, %get3A_1233 : vector<16xf32>
      %add3A_1235 = arith.addf %get3A_1225, %mul3A_1234 : vector<16xf32>
      %swap3A_1236 = arith.constant 16 : index
      %swap3A_1237 = tpu.vector_load %arg15[%swap3A_1236] {strides = array<i32>} : memref<128xf32, #tpu.memory_space<vmem>>, vector<16xf32>,
      %swap3A_1238 = vector.shape_cast %swap3A_1237 : vector<16xf32> to vector<16xf32>
      %swap3A_1239 = vector.shape_cast %add3A_1235 : vector<16xf32> to vector<16xf32>
      tpu.vector_store %arg15[%swap3A_1236], %swap3A_1239 {strides = array<i32>} : memref<128xf32, #tpu.memory_space<vmem>>, vector<16xf32>,
      %get3A_1240 = arith.constant 32 : index
      %get3A_1241 = tpu.vector_load %arg15[%get3A_1240] {strides = array<i32>} : memref<128xf32, #tpu.memory_space<vmem>>, vector<16xf32>,
      %get3A_1242 = vector.shape_cast %get3A_1241 : vector<16xf32> to vector<16xf32>
      %mul3A_1243 = arith.constant 16 : i32
      %mul3A_1244 = arith.muli %scan3A_227, %mul3A_1243 : i32
      %add3A_1245 = arith.constant 7 : i32
      %add3A_1246 = arith.addi %mul3A_1244, %add3A_1245 : i32
      %get3A_1247 = arith.index_cast %add3A_1246 : i32 to index
      %get3A_1248 = arith.constant 32 : index
      %get3A_1249 = tpu.vector_load %arg13[%get3A_1247, %get3A_1248] {strides = array<i32>} : memref<128x128xf32, #tpu.memory_space<vmem>>, vector<1x16xf32>,
      %get3A_1250 = vector.shape_cast %get3A_1249 : vector<1x16xf32> to vector<16xf32>
      %mul3A_1251 = arith.mulf %broadcast_in_dim3A_1205, %get3A_1250 : vector<16xf32>
      %add3A_1252 = arith.addf %get3A_1242, %mul3A_1251 : vector<16xf32>
      %swap3A_1253 = arith.constant 32 : index
      %swap3A_1254 = tpu.vector_load %arg15[%swap3A_1253] {strides = array<i32>} : memref<128xf32, #tpu.memory_space<vmem>>, vector<16xf32>,
      %swap3A_1255 = vector.shape_cast %swap3A_1254 : vector<16xf32> to vector<16xf32>
      %swap3A_1256 = vector.shape_cast %add3A_1252 : vector<16xf32> to vector<16xf32>
      tpu.vector_store %arg15[%swap3A_1253], %swap3A_1256 {strides = array<i32>} : memref<128xf32, #tpu.memory_space<vmem>>, vector<16xf32>,
      %get3A_1257 = arith.constant 48 : index
      %get3A_1258 = tpu.vector_load %arg15[%get3A_1257] {strides = array<i32>} : memref<128xf32, #tpu.memory_space<vmem>>, vector<16xf32>,
      %get3A_1259 = vector.shape_cast %get3A_1258 : vector<16xf32> to vector<16xf32>
      %mul3A_1260 = arith.constant 16 : i32
      %mul3A_1261 = arith.muli %scan3A_227, %mul3A_1260 : i32
      %add3A_1262 = arith.constant 7 : i32
      %add3A_1263 = arith.addi %mul3A_1261, %add3A_1262 : i32
      %get3A_1264 = arith.index_cast %add3A_1263 : i32 to index
      %get3A_1265 = arith.constant 48 : index
      %get3A_1266 = tpu.vector_load %arg13[%get3A_1264, %get3A_1265] {strides = array<i32>} : memref<128x128xf32, #tpu.memory_space<vmem>>, vector<1x16xf32>,
      %get3A_1267 = vector.shape_cast %get3A_1266 : vector<1x16xf32> to vector<16xf32>
      %mul3A_1268 = arith.mulf %broadcast_in_dim3A_1205, %get3A_1267 : vector<16xf32>
      %add3A_1269 = arith.addf %get3A_1259, %mul3A_1268 : vector<16xf32>
      %swap3A_1270 = arith.constant 48 : index
      %swap3A_1271 = tpu.vector_load %arg15[%swap3A_1270] {strides = array<i32>} : memref<128xf32, #tpu.memory_space<vmem>>, vector<16xf32>,
      %swap3A_1272 = vector.shape_cast %swap3A_1271 : vector<16xf32> to vector<16xf32>
      %swap3A_1273 = vector.shape_cast %add3A_1269 : vector<16xf32> to vector<16xf32>
      tpu.vector_store %arg15[%swap3A_1270], %swap3A_1273 {strides = array<i32>} : memref<128xf32, #tpu.memory_space<vmem>>, vector<16xf32>,
      %get3A_1274 = arith.constant 64 : index
      %get3A_1275 = tpu.vector_load %arg15[%get3A_1274] {strides = array<i32>} : memref<128xf32, #tpu.memory_space<vmem>>, vector<16xf32>,
      %get3A_1276 = vector.shape_cast %get3A_1275 : vector<16xf32> to vector<16xf32>
      %mul3A_1277 = arith.constant 16 : i32
      %mul3A_1278 = arith.muli %scan3A_227, %mul3A_1277 : i32
      %add3A_1279 = arith.constant 7 : i32
      %add3A_1280 = arith.addi %mul3A_1278, %add3A_1279 : i32
      %get3A_1281 = arith.index_cast %add3A_1280 : i32 to index
      %get3A_1282 = arith.constant 64 : index
      %get3A_1283 = tpu.vector_load %arg13[%get3A_1281, %get3A_1282] {strides = array<i32>} : memref<128x128xf32, #tpu.memory_space<vmem>>, vector<1x16xf32>,
      %get3A_1284 = vector.shape_cast %get3A_1283 : vector<1x16xf32> to vector<16xf32>
      %mul3A_1285 = arith.mulf %broadcast_in_dim3A_1205, %get3A_1284 : vector<16xf32>
      %add3A_1286 = arith.addf %get3A_1276, %mul3A_1285 : vector<16xf32>
      %swap3A_1287 = arith.constant 64 : index
      %swap3A_1288 = tpu.vector_load %arg15[%swap3A_1287] {strides = array<i32>} : memref<128xf32, #tpu.memory_space<vmem>>, vector<16xf32>,
      %swap3A_1289 = vector.shape_cast %swap3A_1288 : vector<16xf32> to vector<16xf32>
      %swap3A_1290 = vector.shape_cast %add3A_1286 : vector<16xf32> to vector<16xf32>
      tpu.vector_store %arg15[%swap3A_1287], %swap3A_1290 {strides = array<i32>} : memref<128xf32, #tpu.memory_space<vmem>>, vector<16xf32>,
      %get3A_1291 = arith.constant 80 : index
      %get3A_1292 = tpu.vector_load %arg15[%get3A_1291] {strides = array<i32>} : memref<128xf32, #tpu.memory_space<vmem>>, vector<16xf32>,
      %get3A_1293 = vector.shape_cast %get3A_1292 : vector<16xf32> to vector<16xf32>
      %mul3A_1294 = arith.constant 16 : i32
      %mul3A_1295 = arith.muli %scan3A_227, %mul3A_1294 : i32
      %add3A_1296 = arith.constant 7 : i32
      %add3A_1297 = arith.addi %mul3A_1295, %add3A_1296 : i32
      %get3A_1298 = arith.index_cast %add3A_1297 : i32 to index
      %get3A_1299 = arith.constant 80 : index
      %get3A_1300 = tpu.vector_load %arg13[%get3A_1298, %get3A_1299] {strides = array<i32>} : memref<128x128xf32, #tpu.memory_space<vmem>>, vector<1x16xf32>,
      %get3A_1301 = vector.shape_cast %get3A_1300 : vector<1x16xf32> to vector<16xf32>
      %mul3A_1302 = arith.mulf %broadcast_in_dim3A_1205, %get3A_1301 : vector<16xf32>
      %add3A_1303 = arith.addf %get3A_1293, %mul3A_1302 : vector<16xf32>
      %swap3A_1304 = arith.constant 80 : index
      %swap3A_1305 = tpu.vector_load %arg15[%swap3A_1304] {strides = array<i32>} : memref<128xf32, #tpu.memory_space<vmem>>, vector<16xf32>,
      %swap3A_1306 = vector.shape_cast %swap3A_1305 : vector<16xf32> to vector<16xf32>
      %swap3A_1307 = vector.shape_cast %add3A_1303 : vector<16xf32> to vector<16xf32>
      tpu.vector_store %arg15[%swap3A_1304], %swap3A_1307 {strides = array<i32>} : memref<128xf32, #tpu.memory_space<vmem>>, vector<16xf32>,
      %get3A_1308 = arith.constant 96 : index
      %get3A_1309 = tpu.vector_load %arg15[%get3A_1308] {strides = array<i32>} : memref<128xf32, #tpu.memory_space<vmem>>, vector<16xf32>,
      %get3A_1310 = vector.shape_cast %get3A_1309 : vector<16xf32> to vector<16xf32>
      %mul3A_1311 = arith.constant 16 : i32
      %mul3A_1312 = arith.muli %scan3A_227, %mul3A_1311 : i32
      %add3A_1313 = arith.constant 7 : i32
      %add3A_1314 = arith.addi %mul3A_1312, %add3A_1313 : i32
      %get3A_1315 = arith.index_cast %add3A_1314 : i32 to index
      %get3A_1316 = arith.constant 96 : index
      %get3A_1317 = tpu.vector_load %arg13[%get3A_1315, %get3A_1316] {strides = array<i32>} : memref<128x128xf32, #tpu.memory_space<vmem>>, vector<1x16xf32>,
      %get3A_1318 = vector.shape_cast %get3A_1317 : vector<1x16xf32> to vector<16xf32>
      %mul3A_1319 = arith.mulf %broadcast_in_dim3A_1205, %get3A_1318 : vector<16xf32>
      %add3A_1320 = arith.addf %get3A_1310, %mul3A_1319 : vector<16xf32>
      %swap3A_1321 = arith.constant 96 : index
      %swap3A_1322 = tpu.vector_load %arg15[%swap3A_1321] {strides = array<i32>} : memref<128xf32, #tpu.memory_space<vmem>>, vector<16xf32>,
      %swap3A_1323 = vector.shape_cast %swap3A_1322 : vector<16xf32> to vector<16xf32>
      %swap3A_1324 = vector.shape_cast %add3A_1320 : vector<16xf32> to vector<16xf32>
      tpu.vector_store %arg15[%swap3A_1321], %swap3A_1324 {strides = array<i32>} : memref<128xf32, #tpu.memory_space<vmem>>, vector<16xf32>,
      %get3A_1325 = arith.constant 112 : index
      %get3A_1326 = tpu.vector_load %arg15[%get3A_1325] {strides = array<i32>} : memref<128xf32, #tpu.memory_space<vmem>>, vector<16xf32>,
      %get3A_1327 = vector.shape_cast %get3A_1326 : vector<16xf32> to vector<16xf32>
      %mul3A_1328 = arith.constant 16 : i32
      %mul3A_1329 = arith.muli %scan3A_227, %mul3A_1328 : i32
      %add3A_1330 = arith.constant 7 : i32
      %add3A_1331 = arith.addi %mul3A_1329, %add3A_1330 : i32
      %get3A_1332 = arith.index_cast %add3A_1331 : i32 to index
      %get3A_1333 = arith.constant 112 : index
      %get3A_1334 = tpu.vector_load %arg13[%get3A_1332, %get3A_1333] {strides = array<i32>} : memref<128x128xf32, #tpu.memory_space<vmem>>, vector<1x16xf32>,
      %get3A_1335 = vector.shape_cast %get3A_1334 : vector<1x16xf32> to vector<16xf32>
      %mul3A_1336 = arith.mulf %broadcast_in_dim3A_1205, %get3A_1335 : vector<16xf32>
      %add3A_1337 = arith.addf %get3A_1327, %mul3A_1336 : vector<16xf32>
      %swap3A_1338 = arith.constant 112 : index
      %swap3A_1339 = tpu.vector_load %arg15[%swap3A_1338] {strides = array<i32>} : memref<128xf32, #tpu.memory_space<vmem>>, vector<16xf32>,
      %swap3A_1340 = vector.shape_cast %swap3A_1339 : vector<16xf32> to vector<16xf32>
      %swap3A_1341 = vector.shape_cast %add3A_1337 : vector<16xf32> to vector<16xf32>
      tpu.vector_store %arg15[%swap3A_1338], %swap3A_1341 {strides = array<i32>} : memref<128xf32, #tpu.memory_space<vmem>>, vector<16xf32>,
      %slice3A_1342 = vector.extract_strided_slice %get3A_231 {offsets = [8], sizes = [1], strides = [1]} : vector<16xf32> to vector<1xf32>
      %squeeze3A_1343 = vector.extract %slice3A_1342[0] : f32 from vector<1xf32>
      %broadcast_in_dim3A_1344 = vector.broadcast %squeeze3A_1343 : f32 to vector<16xf32>
      %get3A_1345 = arith.constant 0 : index
      %get3A_1346 = tpu.vector_load %arg15[%get3A_1345] {strides = array<i32>} : memref<128xf32, #tpu.memory_space<vmem>>, vector<16xf32>,
      %get3A_1347 = vector.shape_cast %get3A_1346 : vector<16xf32> to vector<16xf32>
      %mul3A_1348 = arith.constant 16 : i32
      %mul3A_1349 = arith.muli %scan3A_227, %mul3A_1348 : i32
      %add3A_1350 = arith.constant 8 : i32
      %add3A_1351 = arith.addi %mul3A_1349, %add3A_1350 : i32
      %get3A_1352 = arith.index_cast %add3A_1351 : i32 to index
      %get3A_1353 = arith.constant 0 : index
      %get3A_1354 = tpu.vector_load %arg13[%get3A_1352, %get3A_1353] {strides = array<i32>} : memref<128x128xf32, #tpu.memory_space<vmem>>, vector<1x16xf32>,
      %get3A_1355 = vector.shape_cast %get3A_1354 : vector<1x16xf32> to vector<16xf32>
      %mul3A_1356 = arith.mulf %broadcast_in_dim3A_1344, %get3A_1355 : vector<16xf32>
      %add3A_1357 = arith.addf %get3A_1347, %mul3A_1356 : vector<16xf32>
      %swap3A_1358 = arith.constant 0 : index
      %swap3A_1359 = tpu.vector_load %arg15[%swap3A_1358] {strides = array<i32>} : memref<128xf32, #tpu.memory_space<vmem>>, vector<16xf32>,
      %swap3A_1360 = vector.shape_cast %swap3A_1359 : vector<16xf32> to vector<16xf32>
      %swap3A_1361 = vector.shape_cast %add3A_1357 : vector<16xf32> to vector<16xf32>
      tpu.vector_store %arg15[%swap3A_1358], %swap3A_1361 {strides = array<i32>} : memref<128xf32, #tpu.memory_space<vmem>>, vector<16xf32>,
      %get3A_1362 = arith.constant 16 : index
      %get3A_1363 = tpu.vector_load %arg15[%get3A_1362] {strides = array<i32>} : memref<128xf32, #tpu.memory_space<vmem>>, vector<16xf32>,
      %get3A_1364 = vector.shape_cast %get3A_1363 : vector<16xf32> to vector<16xf32>
      %mul3A_1365 = arith.constant 16 : i32
      %mul3A_1366 = arith.muli %scan3A_227, %mul3A_1365 : i32
      %add3A_1367 = arith.constant 8 : i32
      %add3A_1368 = arith.addi %mul3A_1366, %add3A_1367 : i32
      %get3A_1369 = arith.index_cast %add3A_1368 : i32 to index
      %get3A_1370 = arith.constant 16 : index
      %get3A_1371 = tpu.vector_load %arg13[%get3A_1369, %get3A_1370] {strides = array<i32>} : memref<128x128xf32, #tpu.memory_space<vmem>>, vector<1x16xf32>,
      %get3A_1372 = vector.shape_cast %get3A_1371 : vector<1x16xf32> to vector<16xf32>
      %mul3A_1373 = arith.mulf %broadcast_in_dim3A_1344, %get3A_1372 : vector<16xf32>
      %add3A_1374 = arith.addf %get3A_1364, %mul3A_1373 : vector<16xf32>
      %swap3A_1375 = arith.constant 16 : index
      %swap3A_1376 = tpu.vector_load %arg15[%swap3A_1375] {strides = array<i32>} : memref<128xf32, #tpu.memory_space<vmem>>, vector<16xf32>,
      %swap3A_1377 = vector.shape_cast %swap3A_1376 : vector<16xf32> to vector<16xf32>
      %swap3A_1378 = vector.shape_cast %add3A_1374 : vector<16xf32> to vector<16xf32>
      tpu.vector_store %arg15[%swap3A_1375], %swap3A_1378 {strides = array<i32>} : memref<128xf32, #tpu.memory_space<vmem>>, vector<16xf32>,
      %get3A_1379 = arith.constant 32 : index
      %get3A_1380 = tpu.vector_load %arg15[%get3A_1379] {strides = array<i32>} : memref<128xf32, #tpu.memory_space<vmem>>, vector<16xf32>,
      %get3A_1381 = vector.shape_cast %get3A_1380 : vector<16xf32> to vector<16xf32>
      %mul3A_1382 = arith.constant 16 : i32
      %mul3A_1383 = arith.muli %scan3A_227, %mul3A_1382 : i32
      %add3A_1384 = arith.constant 8 : i32
      %add3A_1385 = arith.addi %mul3A_1383, %add3A_1384 : i32
      %get3A_1386 = arith.index_cast %add3A_1385 : i32 to index
      %get3A_1387 = arith.constant 32 : index
      %get3A_1388 = tpu.vector_load %arg13[%get3A_1386, %get3A_1387] {strides = array<i32>} : memref<128x128xf32, #tpu.memory_space<vmem>>, vector<1x16xf32>,
      %get3A_1389 = vector.shape_cast %get3A_1388 : vector<1x16xf32> to vector<16xf32>
      %mul3A_1390 = arith.mulf %broadcast_in_dim3A_1344, %get3A_1389 : vector<16xf32>
      %add3A_1391 = arith.addf %get3A_1381, %mul3A_1390 : vector<16xf32>
      %swap3A_1392 = arith.constant 32 : index
      %swap3A_1393 = tpu.vector_load %arg15[%swap3A_1392] {strides = array<i32>} : memref<128xf32, #tpu.memory_space<vmem>>, vector<16xf32>,
      %swap3A_1394 = vector.shape_cast %swap3A_1393 : vector<16xf32> to vector<16xf32>
      %swap3A_1395 = vector.shape_cast %add3A_1391 : vector<16xf32> to vector<16xf32>
      tpu.vector_store %arg15[%swap3A_1392], %swap3A_1395 {strides = array<i32>} : memref<128xf32, #tpu.memory_space<vmem>>, vector<16xf32>,
      %get3A_1396 = arith.constant 48 : index
      %get3A_1397 = tpu.vector_load %arg15[%get3A_1396] {strides = array<i32>} : memref<128xf32, #tpu.memory_space<vmem>>, vector<16xf32>,
      %get3A_1398 = vector.shape_cast %get3A_1397 : vector<16xf32> to vector<16xf32>
      %mul3A_1399 = arith.constant 16 : i32
      %mul3A_1400 = arith.muli %scan3A_227, %mul3A_1399 : i32
      %add3A_1401 = arith.constant 8 : i32
      %add3A_1402 = arith.addi %mul3A_1400, %add3A_1401 : i32
      %get3A_1403 = arith.index_cast %add3A_1402 : i32 to index
      %get3A_1404 = arith.constant 48 : index
      %get3A_1405 = tpu.vector_load %arg13[%get3A_1403, %get3A_1404] {strides = array<i32>} : memref<128x128xf32, #tpu.memory_space<vmem>>, vector<1x16xf32>,
      %get3A_1406 = vector.shape_cast %get3A_1405 : vector<1x16xf32> to vector<16xf32>
      %mul3A_1407 = arith.mulf %broadcast_in_dim3A_1344, %get3A_1406 : vector<16xf32>
      %add3A_1408 = arith.addf %get3A_1398, %mul3A_1407 : vector<16xf32>
      %swap3A_1409 = arith.constant 48 : index
      %swap3A_1410 = tpu.vector_load %arg15[%swap3A_1409] {strides = array<i32>} : memref<128xf32, #tpu.memory_space<vmem>>, vector<16xf32>,
      %swap3A_1411 = vector.shape_cast %swap3A_1410 : vector<16xf32> to vector<16xf32>
      %swap3A_1412 = vector.shape_cast %add3A_1408 : vector<16xf32> to vector<16xf32>
      tpu.vector_store %arg15[%swap3A_1409], %swap3A_1412 {strides = array<i32>} : memref<128xf32, #tpu.memory_space<vmem>>, vector<16xf32>,
      %get3A_1413 = arith.constant 64 : index
      %get3A_1414 = tpu.vector_load %arg15[%get3A_1413] {strides = array<i32>} : memref<128xf32, #tpu.memory_space<vmem>>, vector<16xf32>,
      %get3A_1415 = vector.shape_cast %get3A_1414 : vector<16xf32> to vector<16xf32>
      %mul3A_1416 = arith.constant 16 : i32
      %mul3A_1417 = arith.muli %scan3A_227, %mul3A_1416 : i32
      %add3A_1418 = arith.constant 8 : i32
      %add3A_1419 = arith.addi %mul3A_1417, %add3A_1418 : i32
      %get3A_1420 = arith.index_cast %add3A_1419 : i32 to index
      %get3A_1421 = arith.constant 64 : index
      %get3A_1422 = tpu.vector_load %arg13[%get3A_1420, %get3A_1421] {strides = array<i32>} : memref<128x128xf32, #tpu.memory_space<vmem>>, vector<1x16xf32>,
      %get3A_1423 = vector.shape_cast %get3A_1422 : vector<1x16xf32> to vector<16xf32>
      %mul3A_1424 = arith.mulf %broadcast_in_dim3A_1344, %get3A_1423 : vector<16xf32>
      %add3A_1425 = arith.addf %get3A_1415, %mul3A_1424 : vector<16xf32>
      %swap3A_1426 = arith.constant 64 : index
      %swap3A_1427 = tpu.vector_load %arg15[%swap3A_1426] {strides = array<i32>} : memref<128xf32, #tpu.memory_space<vmem>>, vector<16xf32>,
      %swap3A_1428 = vector.shape_cast %swap3A_1427 : vector<16xf32> to vector<16xf32>
      %swap3A_1429 = vector.shape_cast %add3A_1425 : vector<16xf32> to vector<16xf32>
      tpu.vector_store %arg15[%swap3A_1426], %swap3A_1429 {strides = array<i32>} : memref<128xf32, #tpu.memory_space<vmem>>, vector<16xf32>,
      %get3A_1430 = arith.constant 80 : index
      %get3A_1431 = tpu.vector_load %arg15[%get3A_1430] {strides = array<i32>} : memref<128xf32, #tpu.memory_space<vmem>>, vector<16xf32>,
      %get3A_1432 = vector.shape_cast %get3A_1431 : vector<16xf32> to vector<16xf32>
      %mul3A_1433 = arith.constant 16 : i32
      %mul3A_1434 = arith.muli %scan3A_227, %mul3A_1433 : i32
      %add3A_1435 = arith.constant 8 : i32
      %add3A_1436 = arith.addi %mul3A_1434, %add3A_1435 : i32
      %get3A_1437 = arith.index_cast %add3A_1436 : i32 to index
      %get3A_1438 = arith.constant 80 : index
      %get3A_1439 = tpu.vector_load %arg13[%get3A_1437, %get3A_1438] {strides = array<i32>} : memref<128x128xf32, #tpu.memory_space<vmem>>, vector<1x16xf32>,
      %get3A_1440 = vector.shape_cast %get3A_1439 : vector<1x16xf32> to vector<16xf32>
      %mul3A_1441 = arith.mulf %broadcast_in_dim3A_1344, %get3A_1440 : vector<16xf32>
      %add3A_1442 = arith.addf %get3A_1432, %mul3A_1441 : vector<16xf32>
      %swap3A_1443 = arith.constant 80 : index
      %swap3A_1444 = tpu.vector_load %arg15[%swap3A_1443] {strides = array<i32>} : memref<128xf32, #tpu.memory_space<vmem>>, vector<16xf32>,
      %swap3A_1445 = vector.shape_cast %swap3A_1444 : vector<16xf32> to vector<16xf32>
      %swap3A_1446 = vector.shape_cast %add3A_1442 : vector<16xf32> to vector<16xf32>
      tpu.vector_store %arg15[%swap3A_1443], %swap3A_1446 {strides = array<i32>} : memref<128xf32, #tpu.memory_space<vmem>>, vector<16xf32>,
      %get3A_1447 = arith.constant 96 : index
      %get3A_1448 = tpu.vector_load %arg15[%get3A_1447] {strides = array<i32>} : memref<128xf32, #tpu.memory_space<vmem>>, vector<16xf32>,
      %get3A_1449 = vector.shape_cast %get3A_1448 : vector<16xf32> to vector<16xf32>
      %mul3A_1450 = arith.constant 16 : i32
      %mul3A_1451 = arith.muli %scan3A_227, %mul3A_1450 : i32
      %add3A_1452 = arith.constant 8 : i32
      %add3A_1453 = arith.addi %mul3A_1451, %add3A_1452 : i32
      %get3A_1454 = arith.index_cast %add3A_1453 : i32 to index
      %get3A_1455 = arith.constant 96 : index
      %get3A_1456 = tpu.vector_load %arg13[%get3A_1454, %get3A_1455] {strides = array<i32>} : memref<128x128xf32, #tpu.memory_space<vmem>>, vector<1x16xf32>,
      %get3A_1457 = vector.shape_cast %get3A_1456 : vector<1x16xf32> to vector<16xf32>
      %mul3A_1458 = arith.mulf %broadcast_in_dim3A_1344, %get3A_1457 : vector<16xf32>
      %add3A_1459 = arith.addf %get3A_1449, %mul3A_1458 : vector<16xf32>
      %swap3A_1460 = arith.constant 96 : index
      %swap3A_1461 = tpu.vector_load %arg15[%swap3A_1460] {strides = array<i32>} : memref<128xf32, #tpu.memory_space<vmem>>, vector<16xf32>,
      %swap3A_1462 = vector.shape_cast %swap3A_1461 : vector<16xf32> to vector<16xf32>
      %swap3A_1463 = vector.shape_cast %add3A_1459 : vector<16xf32> to vector<16xf32>
      tpu.vector_store %arg15[%swap3A_1460], %swap3A_1463 {strides = array<i32>} : memref<128xf32, #tpu.memory_space<vmem>>, vector<16xf32>,
      %get3A_1464 = arith.constant 112 : index
      %get3A_1465 = tpu.vector_load %arg15[%get3A_1464] {strides = array<i32>} : memref<128xf32, #tpu.memory_space<vmem>>, vector<16xf32>,
      %get3A_1466 = vector.shape_cast %get3A_1465 : vector<16xf32> to vector<16xf32>
      %mul3A_1467 = arith.constant 16 : i32
      %mul3A_1468 = arith.muli %scan3A_227, %mul3A_1467 : i32
      %add3A_1469 = arith.constant 8 : i32
      %add3A_1470 = arith.addi %mul3A_1468, %add3A_1469 : i32
      %get3A_1471 = arith.index_cast %add3A_1470 : i32 to index
      %get3A_1472 = arith.constant 112 : index
      %get3A_1473 = tpu.vector_load %arg13[%get3A_1471, %get3A_1472] {strides = array<i32>} : memref<128x128xf32, #tpu.memory_space<vmem>>, vector<1x16xf32>,
      %get3A_1474 = vector.shape_cast %get3A_1473 : vector<1x16xf32> to vector<16xf32>
      %mul3A_1475 = arith.mulf %broadcast_in_dim3A_1344, %get3A_1474 : vector<16xf32>
      %add3A_1476 = arith.addf %get3A_1466, %mul3A_1475 : vector<16xf32>
      %swap3A_1477 = arith.constant 112 : index
      %swap3A_1478 = tpu.vector_load %arg15[%swap3A_1477] {strides = array<i32>} : memref<128xf32, #tpu.memory_space<vmem>>, vector<16xf32>,
      %swap3A_1479 = vector.shape_cast %swap3A_1478 : vector<16xf32> to vector<16xf32>
      %swap3A_1480 = vector.shape_cast %add3A_1476 : vector<16xf32> to vector<16xf32>
      tpu.vector_store %arg15[%swap3A_1477], %swap3A_1480 {strides = array<i32>} : memref<128xf32, #tpu.memory_space<vmem>>, vector<16xf32>,
      %slice3A_1481 = vector.extract_strided_slice %get3A_231 {offsets = [9], sizes = [1], strides = [1]} : vector<16xf32> to vector<1xf32>
      %squeeze3A_1482 = vector.extract %slice3A_1481[0] : f32 from vector<1xf32>
      %broadcast_in_dim3A_1483 = vector.broadcast %squeeze3A_1482 : f32 to vector<16xf32>
      %get3A_1484 = arith.constant 0 : index
      %get3A_1485 = tpu.vector_load %arg15[%get3A_1484] {strides = array<i32>} : memref<128xf32, #tpu.memory_space<vmem>>, vector<16xf32>,
      %get3A_1486 = vector.shape_cast %get3A_1485 : vector<16xf32> to vector<16xf32>
      %mul3A_1487 = arith.constant 16 : i32
      %mul3A_1488 = arith.muli %scan3A_227, %mul3A_1487 : i32
      %add3A_1489 = arith.constant 9 : i32
      %add3A_1490 = arith.addi %mul3A_1488, %add3A_1489 : i32
      %get3A_1491 = arith.index_cast %add3A_1490 : i32 to index
      %get3A_1492 = arith.constant 0 : index
      %get3A_1493 = tpu.vector_load %arg13[%get3A_1491, %get3A_1492] {strides = array<i32>} : memref<128x128xf32, #tpu.memory_space<vmem>>, vector<1x16xf32>,
      %get3A_1494 = vector.shape_cast %get3A_1493 : vector<1x16xf32> to vector<16xf32>
      %mul3A_1495 = arith.mulf %broadcast_in_dim3A_1483, %get3A_1494 : vector<16xf32>
      %add3A_1496 = arith.addf %get3A_1486, %mul3A_1495 : vector<16xf32>
      %swap3A_1497 = arith.constant 0 : index
      %swap3A_1498 = tpu.vector_load %arg15[%swap3A_1497] {strides = array<i32>} : memref<128xf32, #tpu.memory_space<vmem>>, vector<16xf32>,
      %swap3A_1499 = vector.shape_cast %swap3A_1498 : vector<16xf32> to vector<16xf32>
      %swap3A_1500 = vector.shape_cast %add3A_1496 : vector<16xf32> to vector<16xf32>
      tpu.vector_store %arg15[%swap3A_1497], %swap3A_1500 {strides = array<i32>} : memref<128xf32, #tpu.memory_space<vmem>>, vector<16xf32>,
      %get3A_1501 = arith.constant 16 : index
      %get3A_1502 = tpu.vector_load %arg15[%get3A_1501] {strides = array<i32>} : memref<128xf32, #tpu.memory_space<vmem>>, vector<16xf32>,
      %get3A_1503 = vector.shape_cast %get3A_1502 : vector<16xf32> to vector<16xf32>
      %mul3A_1504 = arith.constant 16 : i32
      %mul3A_1505 = arith.muli %scan3A_227, %mul3A_1504 : i32
      %add3A_1506 = arith.constant 9 : i32
      %add3A_1507 = arith.addi %mul3A_1505, %add3A_1506 : i32
      %get3A_1508 = arith.index_cast %add3A_1507 : i32 to index
      %get3A_1509 = arith.constant 16 : index
      %get3A_1510 = tpu.vector_load %arg13[%get3A_1508, %get3A_1509] {strides = array<i32>} : memref<128x128xf32, #tpu.memory_space<vmem>>, vector<1x16xf32>,
      %get3A_1511 = vector.shape_cast %get3A_1510 : vector<1x16xf32> to vector<16xf32>
      %mul3A_1512 = arith.mulf %broadcast_in_dim3A_1483, %get3A_1511 : vector<16xf32>
      %add3A_1513 = arith.addf %get3A_1503, %mul3A_1512 : vector<16xf32>
      %swap3A_1514 = arith.constant 16 : index
      %swap3A_1515 = tpu.vector_load %arg15[%swap3A_1514] {strides = array<i32>} : memref<128xf32, #tpu.memory_space<vmem>>, vector<16xf32>,
      %swap3A_1516 = vector.shape_cast %swap3A_1515 : vector<16xf32> to vector<16xf32>
      %swap3A_1517 = vector.shape_cast %add3A_1513 : vector<16xf32> to vector<16xf32>
      tpu.vector_store %arg15[%swap3A_1514], %swap3A_1517 {strides = array<i32>} : memref<128xf32, #tpu.memory_space<vmem>>, vector<16xf32>,
      %get3A_1518 = arith.constant 32 : index
      %get3A_1519 = tpu.vector_load %arg15[%get3A_1518] {strides = array<i32>} : memref<128xf32, #tpu.memory_space<vmem>>, vector<16xf32>,
      %get3A_1520 = vector.shape_cast %get3A_1519 : vector<16xf32> to vector<16xf32>
      %mul3A_1521 = arith.constant 16 : i32
      %mul3A_1522 = arith.muli %scan3A_227, %mul3A_1521 : i32
      %add3A_1523 = arith.constant 9 : i32
      %add3A_1524 = arith.addi %mul3A_1522, %add3A_1523 : i32
      %get3A_1525 = arith.index_cast %add3A_1524 : i32 to index
      %get3A_1526 = arith.constant 32 : index
      %get3A_1527 = tpu.vector_load %arg13[%get3A_1525, %get3A_1526] {strides = array<i32>} : memref<128x128xf32, #tpu.memory_space<vmem>>, vector<1x16xf32>,
      %get3A_1528 = vector.shape_cast %get3A_1527 : vector<1x16xf32> to vector<16xf32>
      %mul3A_1529 = arith.mulf %broadcast_in_dim3A_1483, %get3A_1528 : vector<16xf32>
      %add3A_1530 = arith.addf %get3A_1520, %mul3A_1529 : vector<16xf32>
      %swap3A_1531 = arith.constant 32 : index
      %swap3A_1532 = tpu.vector_load %arg15[%swap3A_1531] {strides = array<i32>} : memref<128xf32, #tpu.memory_space<vmem>>, vector<16xf32>,
      %swap3A_1533 = vector.shape_cast %swap3A_1532 : vector<16xf32> to vector<16xf32>
      %swap3A_1534 = vector.shape_cast %add3A_1530 : vector<16xf32> to vector<16xf32>
      tpu.vector_store %arg15[%swap3A_1531], %swap3A_1534 {strides = array<i32>} : memref<128xf32, #tpu.memory_space<vmem>>, vector<16xf32>,
      %get3A_1535 = arith.constant 48 : index
      %get3A_1536 = tpu.vector_load %arg15[%get3A_1535] {strides = array<i32>} : memref<128xf32, #tpu.memory_space<vmem>>, vector<16xf32>,
      %get3A_1537 = vector.shape_cast %get3A_1536 : vector<16xf32> to vector<16xf32>
      %mul3A_1538 = arith.constant 16 : i32
      %mul3A_1539 = arith.muli %scan3A_227, %mul3A_1538 : i32
      %add3A_1540 = arith.constant 9 : i32
      %add3A_1541 = arith.addi %mul3A_1539, %add3A_1540 : i32
      %get3A_1542 = arith.index_cast %add3A_1541 : i32 to index
      %get3A_1543 = arith.constant 48 : index
      %get3A_1544 = tpu.vector_load %arg13[%get3A_1542, %get3A_1543] {strides = array<i32>} : memref<128x128xf32, #tpu.memory_space<vmem>>, vector<1x16xf32>,
      %get3A_1545 = vector.shape_cast %get3A_1544 : vector<1x16xf32> to vector<16xf32>
      %mul3A_1546 = arith.mulf %broadcast_in_dim3A_1483, %get3A_1545 : vector<16xf32>
      %add3A_1547 = arith.addf %get3A_1537, %mul3A_1546 : vector<16xf32>
      %swap3A_1548 = arith.constant 48 : index
      %swap3A_1549 = tpu.vector_load %arg15[%swap3A_1548] {strides = array<i32>} : memref<128xf32, #tpu.memory_space<vmem>>, vector<16xf32>,
      %swap3A_1550 = vector.shape_cast %swap3A_1549 : vector<16xf32> to vector<16xf32>
      %swap3A_1551 = vector.shape_cast %add3A_1547 : vector<16xf32> to vector<16xf32>
      tpu.vector_store %arg15[%swap3A_1548], %swap3A_1551 {strides = array<i32>} : memref<128xf32, #tpu.memory_space<vmem>>, vector<16xf32>,
      %get3A_1552 = arith.constant 64 : index
      %get3A_1553 = tpu.vector_load %arg15[%get3A_1552] {strides = array<i32>} : memref<128xf32, #tpu.memory_space<vmem>>, vector<16xf32>,
      %get3A_1554 = vector.shape_cast %get3A_1553 : vector<16xf32> to vector<16xf32>
      %mul3A_1555 = arith.constant 16 : i32
      %mul3A_1556 = arith.muli %scan3A_227, %mul3A_1555 : i32
      %add3A_1557 = arith.constant 9 : i32
      %add3A_1558 = arith.addi %mul3A_1556, %add3A_1557 : i32
      %get3A_1559 = arith.index_cast %add3A_1558 : i32 to index
      %get3A_1560 = arith.constant 64 : index
      %get3A_1561 = tpu.vector_load %arg13[%get3A_1559, %get3A_1560] {strides = array<i32>} : memref<128x128xf32, #tpu.memory_space<vmem>>, vector<1x16xf32>,
      %get3A_1562 = vector.shape_cast %get3A_1561 : vector<1x16xf32> to vector<16xf32>
      %mul3A_1563 = arith.mulf %broadcast_in_dim3A_1483, %get3A_1562 : vector<16xf32>
      %add3A_1564 = arith.addf %get3A_1554, %mul3A_1563 : vector<16xf32>
      %swap3A_1565 = arith.constant 64 : index
      %swap3A_1566 = tpu.vector_load %arg15[%swap3A_1565] {strides = array<i32>} : memref<128xf32, #tpu.memory_space<vmem>>, vector<16xf32>,
      %swap3A_1567 = vector.shape_cast %swap3A_1566 : vector<16xf32> to vector<16xf32>
      %swap3A_1568 = vector.shape_cast %add3A_1564 : vector<16xf32> to vector<16xf32>
      tpu.vector_store %arg15[%swap3A_1565], %swap3A_1568 {strides = array<i32>} : memref<128xf32, #tpu.memory_space<vmem>>, vector<16xf32>,
      %get3A_1569 = arith.constant 80 : index
      %get3A_1570 = tpu.vector_load %arg15[%get3A_1569] {strides = array<i32>} : memref<128xf32, #tpu.memory_space<vmem>>, vector<16xf32>,
      %get3A_1571 = vector.shape_cast %get3A_1570 : vector<16xf32> to vector<16xf32>
      %mul3A_1572 = arith.constant 16 : i32
      %mul3A_1573 = arith.muli %scan3A_227, %mul3A_1572 : i32
      %add3A_1574 = arith.constant 9 : i32
      %add3A_1575 = arith.addi %mul3A_1573, %add3A_1574 : i32
      %get3A_1576 = arith.index_cast %add3A_1575 : i32 to index
      %get3A_1577 = arith.constant 80 : index
      %get3A_1578 = tpu.vector_load %arg13[%get3A_1576, %get3A_1577] {strides = array<i32>} : memref<128x128xf32, #tpu.memory_space<vmem>>, vector<1x16xf32>,
      %get3A_1579 = vector.shape_cast %get3A_1578 : vector<1x16xf32> to vector<16xf32>
      %mul3A_1580 = arith.mulf %broadcast_in_dim3A_1483, %get3A_1579 : vector<16xf32>
      %add3A_1581 = arith.addf %get3A_1571, %mul3A_1580 : vector<16xf32>
      %swap3A_1582 = arith.constant 80 : index
      %swap3A_1583 = tpu.vector_load %arg15[%swap3A_1582] {strides = array<i32>} : memref<128xf32, #tpu.memory_space<vmem>>, vector<16xf32>,
      %swap3A_1584 = vector.shape_cast %swap3A_1583 : vector<16xf32> to vector<16xf32>
      %swap3A_1585 = vector.shape_cast %add3A_1581 : vector<16xf32> to vector<16xf32>
      tpu.vector_store %arg15[%swap3A_1582], %swap3A_1585 {strides = array<i32>} : memref<128xf32, #tpu.memory_space<vmem>>, vector<16xf32>,
      %get3A_1586 = arith.constant 96 : index
      %get3A_1587 = tpu.vector_load %arg15[%get3A_1586] {strides = array<i32>} : memref<128xf32, #tpu.memory_space<vmem>>, vector<16xf32>,
      %get3A_1588 = vector.shape_cast %get3A_1587 : vector<16xf32> to vector<16xf32>
      %mul3A_1589 = arith.constant 16 : i32
      %mul3A_1590 = arith.muli %scan3A_227, %mul3A_1589 : i32
      %add3A_1591 = arith.constant 9 : i32
      %add3A_1592 = arith.addi %mul3A_1590, %add3A_1591 : i32
      %get3A_1593 = arith.index_cast %add3A_1592 : i32 to index
      %get3A_1594 = arith.constant 96 : index
      %get3A_1595 = tpu.vector_load %arg13[%get3A_1593, %get3A_1594] {strides = array<i32>} : memref<128x128xf32, #tpu.memory_space<vmem>>, vector<1x16xf32>,
      %get3A_1596 = vector.shape_cast %get3A_1595 : vector<1x16xf32> to vector<16xf32>
      %mul3A_1597 = arith.mulf %broadcast_in_dim3A_1483, %get3A_1596 : vector<16xf32>
      %add3A_1598 = arith.addf %get3A_1588, %mul3A_1597 : vector<16xf32>
      %swap3A_1599 = arith.constant 96 : index
      %swap3A_1600 = tpu.vector_load %arg15[%swap3A_1599] {strides = array<i32>} : memref<128xf32, #tpu.memory_space<vmem>>, vector<16xf32>,
      %swap3A_1601 = vector.shape_cast %swap3A_1600 : vector<16xf32> to vector<16xf32>
      %swap3A_1602 = vector.shape_cast %add3A_1598 : vector<16xf32> to vector<16xf32>
      tpu.vector_store %arg15[%swap3A_1599], %swap3A_1602 {strides = array<i32>} : memref<128xf32, #tpu.memory_space<vmem>>, vector<16xf32>,
      %get3A_1603 = arith.constant 112 : index
      %get3A_1604 = tpu.vector_load %arg15[%get3A_1603] {strides = array<i32>} : memref<128xf32, #tpu.memory_space<vmem>>, vector<16xf32>,
      %get3A_1605 = vector.shape_cast %get3A_1604 : vector<16xf32> to vector<16xf32>
      %mul3A_1606 = arith.constant 16 : i32
      %mul3A_1607 = arith.muli %scan3A_227, %mul3A_1606 : i32
      %add3A_1608 = arith.constant 9 : i32
      %add3A_1609 = arith.addi %mul3A_1607, %add3A_1608 : i32
      %get3A_1610 = arith.index_cast %add3A_1609 : i32 to index
      %get3A_1611 = arith.constant 112 : index
      %get3A_1612 = tpu.vector_load %arg13[%get3A_1610, %get3A_1611] {strides = array<i32>} : memref<128x128xf32, #tpu.memory_space<vmem>>, vector<1x16xf32>,
      %get3A_1613 = vector.shape_cast %get3A_1612 : vector<1x16xf32> to vector<16xf32>
      %mul3A_1614 = arith.mulf %broadcast_in_dim3A_1483, %get3A_1613 : vector<16xf32>
      %add3A_1615 = arith.addf %get3A_1605, %mul3A_1614 : vector<16xf32>
      %swap3A_1616 = arith.constant 112 : index
      %swap3A_1617 = tpu.vector_load %arg15[%swap3A_1616] {strides = array<i32>} : memref<128xf32, #tpu.memory_space<vmem>>, vector<16xf32>,
      %swap3A_1618 = vector.shape_cast %swap3A_1617 : vector<16xf32> to vector<16xf32>
      %swap3A_1619 = vector.shape_cast %add3A_1615 : vector<16xf32> to vector<16xf32>
      tpu.vector_store %arg15[%swap3A_1616], %swap3A_1619 {strides = array<i32>} : memref<128xf32, #tpu.memory_space<vmem>>, vector<16xf32>,
      %slice3A_1620 = vector.extract_strided_slice %get3A_231 {offsets = [10], sizes = [1], strides = [1]} : vector<16xf32> to vector<1xf32>
      %squeeze3A_1621 = vector.extract %slice3A_1620[0] : f32 from vector<1xf32>
      %broadcast_in_dim3A_1622 = vector.broadcast %squeeze3A_1621 : f32 to vector<16xf32>
      %get3A_1623 = arith.constant 0 : index
      %get3A_1624 = tpu.vector_load %arg15[%get3A_1623] {strides = array<i32>} : memref<128xf32, #tpu.memory_space<vmem>>, vector<16xf32>,
      %get3A_1625 = vector.shape_cast %get3A_1624 : vector<16xf32> to vector<16xf32>
      %mul3A_1626 = arith.constant 16 : i32
      %mul3A_1627 = arith.muli %scan3A_227, %mul3A_1626 : i32
      %add3A_1628 = arith.constant 10 : i32
      %add3A_1629 = arith.addi %mul3A_1627, %add3A_1628 : i32
      %get3A_1630 = arith.index_cast %add3A_1629 : i32 to index
      %get3A_1631 = arith.constant 0 : index
      %get3A_1632 = tpu.vector_load %arg13[%get3A_1630, %get3A_1631] {strides = array<i32>} : memref<128x128xf32, #tpu.memory_space<vmem>>, vector<1x16xf32>,
      %get3A_1633 = vector.shape_cast %get3A_1632 : vector<1x16xf32> to vector<16xf32>
      %mul3A_1634 = arith.mulf %broadcast_in_dim3A_1622, %get3A_1633 : vector<16xf32>
      %add3A_1635 = arith.addf %get3A_1625, %mul3A_1634 : vector<16xf32>
      %swap3A_1636 = arith.constant 0 : index
      %swap3A_1637 = tpu.vector_load %arg15[%swap3A_1636] {strides = array<i32>} : memref<128xf32, #tpu.memory_space<vmem>>, vector<16xf32>,
      %swap3A_1638 = vector.shape_cast %swap3A_1637 : vector<16xf32> to vector<16xf32>
      %swap3A_1639 = vector.shape_cast %add3A_1635 : vector<16xf32> to vector<16xf32>
      tpu.vector_store %arg15[%swap3A_1636], %swap3A_1639 {strides = array<i32>} : memref<128xf32, #tpu.memory_space<vmem>>, vector<16xf32>,
      %get3A_1640 = arith.constant 16 : index
      %get3A_1641 = tpu.vector_load %arg15[%get3A_1640] {strides = array<i32>} : memref<128xf32, #tpu.memory_space<vmem>>, vector<16xf32>,
      %get3A_1642 = vector.shape_cast %get3A_1641 : vector<16xf32> to vector<16xf32>
      %mul3A_1643 = arith.constant 16 : i32
      %mul3A_1644 = arith.muli %scan3A_227, %mul3A_1643 : i32
      %add3A_1645 = arith.constant 10 : i32
      %add3A_1646 = arith.addi %mul3A_1644, %add3A_1645 : i32
      %get3A_1647 = arith.index_cast %add3A_1646 : i32 to index
      %get3A_1648 = arith.constant 16 : index
      %get3A_1649 = tpu.vector_load %arg13[%get3A_1647, %get3A_1648] {strides = array<i32>} : memref<128x128xf32, #tpu.memory_space<vmem>>, vector<1x16xf32>,
      %get3A_1650 = vector.shape_cast %get3A_1649 : vector<1x16xf32> to vector<16xf32>
      %mul3A_1651 = arith.mulf %broadcast_in_dim3A_1622, %get3A_1650 : vector<16xf32>
      %add3A_1652 = arith.addf %get3A_1642, %mul3A_1651 : vector<16xf32>
      %swap3A_1653 = arith.constant 16 : index
      %swap3A_1654 = tpu.vector_load %arg15[%swap3A_1653] {strides = array<i32>} : memref<128xf32, #tpu.memory_space<vmem>>, vector<16xf32>,
      %swap3A_1655 = vector.shape_cast %swap3A_1654 : vector<16xf32> to vector<16xf32>
      %swap3A_1656 = vector.shape_cast %add3A_1652 : vector<16xf32> to vector<16xf32>
      tpu.vector_store %arg15[%swap3A_1653], %swap3A_1656 {strides = array<i32>} : memref<128xf32, #tpu.memory_space<vmem>>, vector<16xf32>,
      %get3A_1657 = arith.constant 32 : index
      %get3A_1658 = tpu.vector_load %arg15[%get3A_1657] {strides = array<i32>} : memref<128xf32, #tpu.memory_space<vmem>>, vector<16xf32>,
      %get3A_1659 = vector.shape_cast %get3A_1658 : vector<16xf32> to vector<16xf32>
      %mul3A_1660 = arith.constant 16 : i32
      %mul3A_1661 = arith.muli %scan3A_227, %mul3A_1660 : i32
      %add3A_1662 = arith.constant 10 : i32
      %add3A_1663 = arith.addi %mul3A_1661, %add3A_1662 : i32
      %get3A_1664 = arith.index_cast %add3A_1663 : i32 to index
      %get3A_1665 = arith.constant 32 : index
      %get3A_1666 = tpu.vector_load %arg13[%get3A_1664, %get3A_1665] {strides = array<i32>} : memref<128x128xf32, #tpu.memory_space<vmem>>, vector<1x16xf32>,
      %get3A_1667 = vector.shape_cast %get3A_1666 : vector<1x16xf32> to vector<16xf32>
      %mul3A_1668 = arith.mulf %broadcast_in_dim3A_1622, %get3A_1667 : vector<16xf32>
      %add3A_1669 = arith.addf %get3A_1659, %mul3A_1668 : vector<16xf32>
      %swap3A_1670 = arith.constant 32 : index
      %swap3A_1671 = tpu.vector_load %arg15[%swap3A_1670] {strides = array<i32>} : memref<128xf32, #tpu.memory_space<vmem>>, vector<16xf32>,
      %swap3A_1672 = vector.shape_cast %swap3A_1671 : vector<16xf32> to vector<16xf32>
      %swap3A_1673 = vector.shape_cast %add3A_1669 : vector<16xf32> to vector<16xf32>
      tpu.vector_store %arg15[%swap3A_1670], %swap3A_1673 {strides = array<i32>} : memref<128xf32, #tpu.memory_space<vmem>>, vector<16xf32>,
      %get3A_1674 = arith.constant 48 : index
      %get3A_1675 = tpu.vector_load %arg15[%get3A_1674] {strides = array<i32>} : memref<128xf32, #tpu.memory_space<vmem>>, vector<16xf32>,
      %get3A_1676 = vector.shape_cast %get3A_1675 : vector<16xf32> to vector<16xf32>
      %mul3A_1677 = arith.constant 16 : i32
      %mul3A_1678 = arith.muli %scan3A_227, %mul3A_1677 : i32
      %add3A_1679 = arith.constant 10 : i32
      %add3A_1680 = arith.addi %mul3A_1678, %add3A_1679 : i32
      %get3A_1681 = arith.index_cast %add3A_1680 : i32 to index
      %get3A_1682 = arith.constant 48 : index
      %get3A_1683 = tpu.vector_load %arg13[%get3A_1681, %get3A_1682] {strides = array<i32>} : memref<128x128xf32, #tpu.memory_space<vmem>>, vector<1x16xf32>,
      %get3A_1684 = vector.shape_cast %get3A_1683 : vector<1x16xf32> to vector<16xf32>
      %mul3A_1685 = arith.mulf %broadcast_in_dim3A_1622, %get3A_1684 : vector<16xf32>
      %add3A_1686 = arith.addf %get3A_1676, %mul3A_1685 : vector<16xf32>
      %swap3A_1687 = arith.constant 48 : index
      %swap3A_1688 = tpu.vector_load %arg15[%swap3A_1687] {strides = array<i32>} : memref<128xf32, #tpu.memory_space<vmem>>, vector<16xf32>,
      %swap3A_1689 = vector.shape_cast %swap3A_1688 : vector<16xf32> to vector<16xf32>
      %swap3A_1690 = vector.shape_cast %add3A_1686 : vector<16xf32> to vector<16xf32>
      tpu.vector_store %arg15[%swap3A_1687], %swap3A_1690 {strides = array<i32>} : memref<128xf32, #tpu.memory_space<vmem>>, vector<16xf32>,
      %get3A_1691 = arith.constant 64 : index
      %get3A_1692 = tpu.vector_load %arg15[%get3A_1691] {strides = array<i32>} : memref<128xf32, #tpu.memory_space<vmem>>, vector<16xf32>,
      %get3A_1693 = vector.shape_cast %get3A_1692 : vector<16xf32> to vector<16xf32>
      %mul3A_1694 = arith.constant 16 : i32
      %mul3A_1695 = arith.muli %scan3A_227, %mul3A_1694 : i32
      %add3A_1696 = arith.constant 10 : i32
      %add3A_1697 = arith.addi %mul3A_1695, %add3A_1696 : i32
      %get3A_1698 = arith.index_cast %add3A_1697 : i32 to index
      %get3A_1699 = arith.constant 64 : index
      %get3A_1700 = tpu.vector_load %arg13[%get3A_1698, %get3A_1699] {strides = array<i32>} : memref<128x128xf32, #tpu.memory_space<vmem>>, vector<1x16xf32>,
      %get3A_1701 = vector.shape_cast %get3A_1700 : vector<1x16xf32> to vector<16xf32>
      %mul3A_1702 = arith.mulf %broadcast_in_dim3A_1622, %get3A_1701 : vector<16xf32>
      %add3A_1703 = arith.addf %get3A_1693, %mul3A_1702 : vector<16xf32>
      %swap3A_1704 = arith.constant 64 : index
      %swap3A_1705 = tpu.vector_load %arg15[%swap3A_1704] {strides = array<i32>} : memref<128xf32, #tpu.memory_space<vmem>>, vector<16xf32>,
      %swap3A_1706 = vector.shape_cast %swap3A_1705 : vector<16xf32> to vector<16xf32>
      %swap3A_1707 = vector.shape_cast %add3A_1703 : vector<16xf32> to vector<16xf32>
      tpu.vector_store %arg15[%swap3A_1704], %swap3A_1707 {strides = array<i32>} : memref<128xf32, #tpu.memory_space<vmem>>, vector<16xf32>,
      %get3A_1708 = arith.constant 80 : index
      %get3A_1709 = tpu.vector_load %arg15[%get3A_1708] {strides = array<i32>} : memref<128xf32, #tpu.memory_space<vmem>>, vector<16xf32>,
      %get3A_1710 = vector.shape_cast %get3A_1709 : vector<16xf32> to vector<16xf32>
      %mul3A_1711 = arith.constant 16 : i32
      %mul3A_1712 = arith.muli %scan3A_227, %mul3A_1711 : i32
      %add3A_1713 = arith.constant 10 : i32
      %add3A_1714 = arith.addi %mul3A_1712, %add3A_1713 : i32
      %get3A_1715 = arith.index_cast %add3A_1714 : i32 to index
      %get3A_1716 = arith.constant 80 : index
      %get3A_1717 = tpu.vector_load %arg13[%get3A_1715, %get3A_1716] {strides = array<i32>} : memref<128x128xf32, #tpu.memory_space<vmem>>, vector<1x16xf32>,
      %get3A_1718 = vector.shape_cast %get3A_1717 : vector<1x16xf32> to vector<16xf32>
      %mul3A_1719 = arith.mulf %broadcast_in_dim3A_1622, %get3A_1718 : vector<16xf32>
      %add3A_1720 = arith.addf %get3A_1710, %mul3A_1719 : vector<16xf32>
      %swap3A_1721 = arith.constant 80 : index
      %swap3A_1722 = tpu.vector_load %arg15[%swap3A_1721] {strides = array<i32>} : memref<128xf32, #tpu.memory_space<vmem>>, vector<16xf32>,
      %swap3A_1723 = vector.shape_cast %swap3A_1722 : vector<16xf32> to vector<16xf32>
      %swap3A_1724 = vector.shape_cast %add3A_1720 : vector<16xf32> to vector<16xf32>
      tpu.vector_store %arg15[%swap3A_1721], %swap3A_1724 {strides = array<i32>} : memref<128xf32, #tpu.memory_space<vmem>>, vector<16xf32>,
      %get3A_1725 = arith.constant 96 : index
      %get3A_1726 = tpu.vector_load %arg15[%get3A_1725] {strides = array<i32>} : memref<128xf32, #tpu.memory_space<vmem>>, vector<16xf32>,
      %get3A_1727 = vector.shape_cast %get3A_1726 : vector<16xf32> to vector<16xf32>
      %mul3A_1728 = arith.constant 16 : i32
      %mul3A_1729 = arith.muli %scan3A_227, %mul3A_1728 : i32
      %add3A_1730 = arith.constant 10 : i32
      %add3A_1731 = arith.addi %mul3A_1729, %add3A_1730 : i32
      %get3A_1732 = arith.index_cast %add3A_1731 : i32 to index
      %get3A_1733 = arith.constant 96 : index
      %get3A_1734 = tpu.vector_load %arg13[%get3A_1732, %get3A_1733] {strides = array<i32>} : memref<128x128xf32, #tpu.memory_space<vmem>>, vector<1x16xf32>,
      %get3A_1735 = vector.shape_cast %get3A_1734 : vector<1x16xf32> to vector<16xf32>
      %mul3A_1736 = arith.mulf %broadcast_in_dim3A_1622, %get3A_1735 : vector<16xf32>
      %add3A_1737 = arith.addf %get3A_1727, %mul3A_1736 : vector<16xf32>
      %swap3A_1738 = arith.constant 96 : index
      %swap3A_1739 = tpu.vector_load %arg15[%swap3A_1738] {strides = array<i32>} : memref<128xf32, #tpu.memory_space<vmem>>, vector<16xf32>,
      %swap3A_1740 = vector.shape_cast %swap3A_1739 : vector<16xf32> to vector<16xf32>
      %swap3A_1741 = vector.shape_cast %add3A_1737 : vector<16xf32> to vector<16xf32>
      tpu.vector_store %arg15[%swap3A_1738], %swap3A_1741 {strides = array<i32>} : memref<128xf32, #tpu.memory_space<vmem>>, vector<16xf32>,
      %get3A_1742 = arith.constant 112 : index
      %get3A_1743 = tpu.vector_load %arg15[%get3A_1742] {strides = array<i32>} : memref<128xf32, #tpu.memory_space<vmem>>, vector<16xf32>,
      %get3A_1744 = vector.shape_cast %get3A_1743 : vector<16xf32> to vector<16xf32>
      %mul3A_1745 = arith.constant 16 : i32
      %mul3A_1746 = arith.muli %scan3A_227, %mul3A_1745 : i32
      %add3A_1747 = arith.constant 10 : i32
      %add3A_1748 = arith.addi %mul3A_1746, %add3A_1747 : i32
      %get3A_1749 = arith.index_cast %add3A_1748 : i32 to index
      %get3A_1750 = arith.constant 112 : index
      %get3A_1751 = tpu.vector_load %arg13[%get3A_1749, %get3A_1750] {strides = array<i32>} : memref<128x128xf32, #tpu.memory_space<vmem>>, vector<1x16xf32>,
      %get3A_1752 = vector.shape_cast %get3A_1751 : vector<1x16xf32> to vector<16xf32>
      %mul3A_1753 = arith.mulf %broadcast_in_dim3A_1622, %get3A_1752 : vector<16xf32>
      %add3A_1754 = arith.addf %get3A_1744, %mul3A_1753 : vector<16xf32>
      %swap3A_1755 = arith.constant 112 : index
      %swap3A_1756 = tpu.vector_load %arg15[%swap3A_1755] {strides = array<i32>} : memref<128xf32, #tpu.memory_space<vmem>>, vector<16xf32>,
      %swap3A_1757 = vector.shape_cast %swap3A_1756 : vector<16xf32> to vector<16xf32>
      %swap3A_1758 = vector.shape_cast %add3A_1754 : vector<16xf32> to vector<16xf32>
      tpu.vector_store %arg15[%swap3A_1755], %swap3A_1758 {strides = array<i32>} : memref<128xf32, #tpu.memory_space<vmem>>, vector<16xf32>,
      %slice3A_1759 = vector.extract_strided_slice %get3A_231 {offsets = [11], sizes = [1], strides = [1]} : vector<16xf32> to vector<1xf32>
      %squeeze3A_1760 = vector.extract %slice3A_1759[0] : f32 from vector<1xf32>
      %broadcast_in_dim3A_1761 = vector.broadcast %squeeze3A_1760 : f32 to vector<16xf32>
      %get3A_1762 = arith.constant 0 : index
      %get3A_1763 = tpu.vector_load %arg15[%get3A_1762] {strides = array<i32>} : memref<128xf32, #tpu.memory_space<vmem>>, vector<16xf32>,
      %get3A_1764 = vector.shape_cast %get3A_1763 : vector<16xf32> to vector<16xf32>
      %mul3A_1765 = arith.constant 16 : i32
      %mul3A_1766 = arith.muli %scan3A_227, %mul3A_1765 : i32
      %add3A_1767 = arith.constant 11 : i32
      %add3A_1768 = arith.addi %mul3A_1766, %add3A_1767 : i32
      %get3A_1769 = arith.index_cast %add3A_1768 : i32 to index
      %get3A_1770 = arith.constant 0 : index
      %get3A_1771 = tpu.vector_load %arg13[%get3A_1769, %get3A_1770] {strides = array<i32>} : memref<128x128xf32, #tpu.memory_space<vmem>>, vector<1x16xf32>,
      %get3A_1772 = vector.shape_cast %get3A_1771 : vector<1x16xf32> to vector<16xf32>
      %mul3A_1773 = arith.mulf %broadcast_in_dim3A_1761, %get3A_1772 : vector<16xf32>
      %add3A_1774 = arith.addf %get3A_1764, %mul3A_1773 : vector<16xf32>
      %swap3A_1775 = arith.constant 0 : index
      %swap3A_1776 = tpu.vector_load %arg15[%swap3A_1775] {strides = array<i32>} : memref<128xf32, #tpu.memory_space<vmem>>, vector<16xf32>,
      %swap3A_1777 = vector.shape_cast %swap3A_1776 : vector<16xf32> to vector<16xf32>
      %swap3A_1778 = vector.shape_cast %add3A_1774 : vector<16xf32> to vector<16xf32>
      tpu.vector_store %arg15[%swap3A_1775], %swap3A_1778 {strides = array<i32>} : memref<128xf32, #tpu.memory_space<vmem>>, vector<16xf32>,
      %get3A_1779 = arith.constant 16 : index
      %get3A_1780 = tpu.vector_load %arg15[%get3A_1779] {strides = array<i32>} : memref<128xf32, #tpu.memory_space<vmem>>, vector<16xf32>,
      %get3A_1781 = vector.shape_cast %get3A_1780 : vector<16xf32> to vector<16xf32>
      %mul3A_1782 = arith.constant 16 : i32
      %mul3A_1783 = arith.muli %scan3A_227, %mul3A_1782 : i32
      %add3A_1784 = arith.constant 11 : i32
      %add3A_1785 = arith.addi %mul3A_1783, %add3A_1784 : i32
      %get3A_1786 = arith.index_cast %add3A_1785 : i32 to index
      %get3A_1787 = arith.constant 16 : index
      %get3A_1788 = tpu.vector_load %arg13[%get3A_1786, %get3A_1787] {strides = array<i32>} : memref<128x128xf32, #tpu.memory_space<vmem>>, vector<1x16xf32>,
      %get3A_1789 = vector.shape_cast %get3A_1788 : vector<1x16xf32> to vector<16xf32>
      %mul3A_1790 = arith.mulf %broadcast_in_dim3A_1761, %get3A_1789 : vector<16xf32>
      %add3A_1791 = arith.addf %get3A_1781, %mul3A_1790 : vector<16xf32>
      %swap3A_1792 = arith.constant 16 : index
      %swap3A_1793 = tpu.vector_load %arg15[%swap3A_1792] {strides = array<i32>} : memref<128xf32, #tpu.memory_space<vmem>>, vector<16xf32>,
      %swap3A_1794 = vector.shape_cast %swap3A_1793 : vector<16xf32> to vector<16xf32>
      %swap3A_1795 = vector.shape_cast %add3A_1791 : vector<16xf32> to vector<16xf32>
      tpu.vector_store %arg15[%swap3A_1792], %swap3A_1795 {strides = array<i32>} : memref<128xf32, #tpu.memory_space<vmem>>, vector<16xf32>,
      %get3A_1796 = arith.constant 32 : index
      %get3A_1797 = tpu.vector_load %arg15[%get3A_1796] {strides = array<i32>} : memref<128xf32, #tpu.memory_space<vmem>>, vector<16xf32>,
      %get3A_1798 = vector.shape_cast %get3A_1797 : vector<16xf32> to vector<16xf32>
      %mul3A_1799 = arith.constant 16 : i32
      %mul3A_1800 = arith.muli %scan3A_227, %mul3A_1799 : i32
      %add3A_1801 = arith.constant 11 : i32
      %add3A_1802 = arith.addi %mul3A_1800, %add3A_1801 : i32
      %get3A_1803 = arith.index_cast %add3A_1802 : i32 to index
      %get3A_1804 = arith.constant 32 : index
      %get3A_1805 = tpu.vector_load %arg13[%get3A_1803, %get3A_1804] {strides = array<i32>} : memref<128x128xf32, #tpu.memory_space<vmem>>, vector<1x16xf32>,
      %get3A_1806 = vector.shape_cast %get3A_1805 : vector<1x16xf32> to vector<16xf32>
      %mul3A_1807 = arith.mulf %broadcast_in_dim3A_1761, %get3A_1806 : vector<16xf32>
      %add3A_1808 = arith.addf %get3A_1798, %mul3A_1807 : vector<16xf32>
      %swap3A_1809 = arith.constant 32 : index
      %swap3A_1810 = tpu.vector_load %arg15[%swap3A_1809] {strides = array<i32>} : memref<128xf32, #tpu.memory_space<vmem>>, vector<16xf32>,
      %swap3A_1811 = vector.shape_cast %swap3A_1810 : vector<16xf32> to vector<16xf32>
      %swap3A_1812 = vector.shape_cast %add3A_1808 : vector<16xf32> to vector<16xf32>
      tpu.vector_store %arg15[%swap3A_1809], %swap3A_1812 {strides = array<i32>} : memref<128xf32, #tpu.memory_space<vmem>>, vector<16xf32>,
      %get3A_1813 = arith.constant 48 : index
      %get3A_1814 = tpu.vector_load %arg15[%get3A_1813] {strides = array<i32>} : memref<128xf32, #tpu.memory_space<vmem>>, vector<16xf32>,
      %get3A_1815 = vector.shape_cast %get3A_1814 : vector<16xf32> to vector<16xf32>
      %mul3A_1816 = arith.constant 16 : i32
      %mul3A_1817 = arith.muli %scan3A_227, %mul3A_1816 : i32
      %add3A_1818 = arith.constant 11 : i32
      %add3A_1819 = arith.addi %mul3A_1817, %add3A_1818 : i32
      %get3A_1820 = arith.index_cast %add3A_1819 : i32 to index
      %get3A_1821 = arith.constant 48 : index
      %get3A_1822 = tpu.vector_load %arg13[%get3A_1820, %get3A_1821] {strides = array<i32>} : memref<128x128xf32, #tpu.memory_space<vmem>>, vector<1x16xf32>,
      %get3A_1823 = vector.shape_cast %get3A_1822 : vector<1x16xf32> to vector<16xf32>
      %mul3A_1824 = arith.mulf %broadcast_in_dim3A_1761, %get3A_1823 : vector<16xf32>
      %add3A_1825 = arith.addf %get3A_1815, %mul3A_1824 : vector<16xf32>
      %swap3A_1826 = arith.constant 48 : index
      %swap3A_1827 = tpu.vector_load %arg15[%swap3A_1826] {strides = array<i32>} : memref<128xf32, #tpu.memory_space<vmem>>, vector<16xf32>,
      %swap3A_1828 = vector.shape_cast %swap3A_1827 : vector<16xf32> to vector<16xf32>
      %swap3A_1829 = vector.shape_cast %add3A_1825 : vector<16xf32> to vector<16xf32>
      tpu.vector_store %arg15[%swap3A_1826], %swap3A_1829 {strides = array<i32>} : memref<128xf32, #tpu.memory_space<vmem>>, vector<16xf32>,
      %get3A_1830 = arith.constant 64 : index
      %get3A_1831 = tpu.vector_load %arg15[%get3A_1830] {strides = array<i32>} : memref<128xf32, #tpu.memory_space<vmem>>, vector<16xf32>,
      %get3A_1832 = vector.shape_cast %get3A_1831 : vector<16xf32> to vector<16xf32>
      %mul3A_1833 = arith.constant 16 : i32
      %mul3A_1834 = arith.muli %scan3A_227, %mul3A_1833 : i32
      %add3A_1835 = arith.constant 11 : i32
      %add3A_1836 = arith.addi %mul3A_1834, %add3A_1835 : i32
      %get3A_1837 = arith.index_cast %add3A_1836 : i32 to index
      %get3A_1838 = arith.constant 64 : index
      %get3A_1839 = tpu.vector_load %arg13[%get3A_1837, %get3A_1838] {strides = array<i32>} : memref<128x128xf32, #tpu.memory_space<vmem>>, vector<1x16xf32>,
      %get3A_1840 = vector.shape_cast %get3A_1839 : vector<1x16xf32> to vector<16xf32>
      %mul3A_1841 = arith.mulf %broadcast_in_dim3A_1761, %get3A_1840 : vector<16xf32>
      %add3A_1842 = arith.addf %get3A_1832, %mul3A_1841 : vector<16xf32>
      %swap3A_1843 = arith.constant 64 : index
      %swap3A_1844 = tpu.vector_load %arg15[%swap3A_1843] {strides = array<i32>} : memref<128xf32, #tpu.memory_space<vmem>>, vector<16xf32>,
      %swap3A_1845 = vector.shape_cast %swap3A_1844 : vector<16xf32> to vector<16xf32>
      %swap3A_1846 = vector.shape_cast %add3A_1842 : vector<16xf32> to vector<16xf32>
      tpu.vector_store %arg15[%swap3A_1843], %swap3A_1846 {strides = array<i32>} : memref<128xf32, #tpu.memory_space<vmem>>, vector<16xf32>,
      %get3A_1847 = arith.constant 80 : index
      %get3A_1848 = tpu.vector_load %arg15[%get3A_1847] {strides = array<i32>} : memref<128xf32, #tpu.memory_space<vmem>>, vector<16xf32>,
      %get3A_1849 = vector.shape_cast %get3A_1848 : vector<16xf32> to vector<16xf32>
      %mul3A_1850 = arith.constant 16 : i32
      %mul3A_1851 = arith.muli %scan3A_227, %mul3A_1850 : i32
      %add3A_1852 = arith.constant 11 : i32
      %add3A_1853 = arith.addi %mul3A_1851, %add3A_1852 : i32
      %get3A_1854 = arith.index_cast %add3A_1853 : i32 to index
      %get3A_1855 = arith.constant 80 : index
      %get3A_1856 = tpu.vector_load %arg13[%get3A_1854, %get3A_1855] {strides = array<i32>} : memref<128x128xf32, #tpu.memory_space<vmem>>, vector<1x16xf32>,
      %get3A_1857 = vector.shape_cast %get3A_1856 : vector<1x16xf32> to vector<16xf32>
      %mul3A_1858 = arith.mulf %broadcast_in_dim3A_1761, %get3A_1857 : vector<16xf32>
      %add3A_1859 = arith.addf %get3A_1849, %mul3A_1858 : vector<16xf32>
      %swap3A_1860 = arith.constant 80 : index
      %swap3A_1861 = tpu.vector_load %arg15[%swap3A_1860] {strides = array<i32>} : memref<128xf32, #tpu.memory_space<vmem>>, vector<16xf32>,
      %swap3A_1862 = vector.shape_cast %swap3A_1861 : vector<16xf32> to vector<16xf32>
      %swap3A_1863 = vector.shape_cast %add3A_1859 : vector<16xf32> to vector<16xf32>
      tpu.vector_store %arg15[%swap3A_1860], %swap3A_1863 {strides = array<i32>} : memref<128xf32, #tpu.memory_space<vmem>>, vector<16xf32>,
      %get3A_1864 = arith.constant 96 : index
      %get3A_1865 = tpu.vector_load %arg15[%get3A_1864] {strides = array<i32>} : memref<128xf32, #tpu.memory_space<vmem>>, vector<16xf32>,
      %get3A_1866 = vector.shape_cast %get3A_1865 : vector<16xf32> to vector<16xf32>
      %mul3A_1867 = arith.constant 16 : i32
      %mul3A_1868 = arith.muli %scan3A_227, %mul3A_1867 : i32
      %add3A_1869 = arith.constant 11 : i32
      %add3A_1870 = arith.addi %mul3A_1868, %add3A_1869 : i32
      %get3A_1871 = arith.index_cast %add3A_1870 : i32 to index
      %get3A_1872 = arith.constant 96 : index
      %get3A_1873 = tpu.vector_load %arg13[%get3A_1871, %get3A_1872] {strides = array<i32>} : memref<128x128xf32, #tpu.memory_space<vmem>>, vector<1x16xf32>,
      %get3A_1874 = vector.shape_cast %get3A_1873 : vector<1x16xf32> to vector<16xf32>
      %mul3A_1875 = arith.mulf %broadcast_in_dim3A_1761, %get3A_1874 : vector<16xf32>
      %add3A_1876 = arith.addf %get3A_1866, %mul3A_1875 : vector<16xf32>
      %swap3A_1877 = arith.constant 96 : index
      %swap3A_1878 = tpu.vector_load %arg15[%swap3A_1877] {strides = array<i32>} : memref<128xf32, #tpu.memory_space<vmem>>, vector<16xf32>,
      %swap3A_1879 = vector.shape_cast %swap3A_1878 : vector<16xf32> to vector<16xf32>
      %swap3A_1880 = vector.shape_cast %add3A_1876 : vector<16xf32> to vector<16xf32>
      tpu.vector_store %arg15[%swap3A_1877], %swap3A_1880 {strides = array<i32>} : memref<128xf32, #tpu.memory_space<vmem>>, vector<16xf32>,
      %get3A_1881 = arith.constant 112 : index
      %get3A_1882 = tpu.vector_load %arg15[%get3A_1881] {strides = array<i32>} : memref<128xf32, #tpu.memory_space<vmem>>, vector<16xf32>,
      %get3A_1883 = vector.shape_cast %get3A_1882 : vector<16xf32> to vector<16xf32>
      %mul3A_1884 = arith.constant 16 : i32
      %mul3A_1885 = arith.muli %scan3A_227, %mul3A_1884 : i32
      %add3A_1886 = arith.constant 11 : i32
      %add3A_1887 = arith.addi %mul3A_1885, %add3A_1886 : i32
      %get3A_1888 = arith.index_cast %add3A_1887 : i32 to index
      %get3A_1889 = arith.constant 112 : index
      %get3A_1890 = tpu.vector_load %arg13[%get3A_1888, %get3A_1889] {strides = array<i32>} : memref<128x128xf32, #tpu.memory_space<vmem>>, vector<1x16xf32>,
      %get3A_1891 = vector.shape_cast %get3A_1890 : vector<1x16xf32> to vector<16xf32>
      %mul3A_1892 = arith.mulf %broadcast_in_dim3A_1761, %get3A_1891 : vector<16xf32>
      %add3A_1893 = arith.addf %get3A_1883, %mul3A_1892 : vector<16xf32>
      %swap3A_1894 = arith.constant 112 : index
      %swap3A_1895 = tpu.vector_load %arg15[%swap3A_1894] {strides = array<i32>} : memref<128xf32, #tpu.memory_space<vmem>>, vector<16xf32>,
      %swap3A_1896 = vector.shape_cast %swap3A_1895 : vector<16xf32> to vector<16xf32>
      %swap3A_1897 = vector.shape_cast %add3A_1893 : vector<16xf32> to vector<16xf32>
      tpu.vector_store %arg15[%swap3A_1894], %swap3A_1897 {strides = array<i32>} : memref<128xf32, #tpu.memory_space<vmem>>, vector<16xf32>,
      %slice3A_1898 = vector.extract_strided_slice %get3A_231 {offsets = [12], sizes = [1], strides = [1]} : vector<16xf32> to vector<1xf32>
      %squeeze3A_1899 = vector.extract %slice3A_1898[0] : f32 from vector<1xf32>
      %broadcast_in_dim3A_1900 = vector.broadcast %squeeze3A_1899 : f32 to vector<16xf32>
      %get3A_1901 = arith.constant 0 : index
      %get3A_1902 = tpu.vector_load %arg15[%get3A_1901] {strides = array<i32>} : memref<128xf32, #tpu.memory_space<vmem>>, vector<16xf32>,
      %get3A_1903 = vector.shape_cast %get3A_1902 : vector<16xf32> to vector<16xf32>
      %mul3A_1904 = arith.constant 16 : i32
      %mul3A_1905 = arith.muli %scan3A_227, %mul3A_1904 : i32
      %add3A_1906 = arith.constant 12 : i32
      %add3A_1907 = arith.addi %mul3A_1905, %add3A_1906 : i32
      %get3A_1908 = arith.index_cast %add3A_1907 : i32 to index
      %get3A_1909 = arith.constant 0 : index
      %get3A_1910 = tpu.vector_load %arg13[%get3A_1908, %get3A_1909] {strides = array<i32>} : memref<128x128xf32, #tpu.memory_space<vmem>>, vector<1x16xf32>,
      %get3A_1911 = vector.shape_cast %get3A_1910 : vector<1x16xf32> to vector<16xf32>
      %mul3A_1912 = arith.mulf %broadcast_in_dim3A_1900, %get3A_1911 : vector<16xf32>
      %add3A_1913 = arith.addf %get3A_1903, %mul3A_1912 : vector<16xf32>
      %swap3A_1914 = arith.constant 0 : index
      %swap3A_1915 = tpu.vector_load %arg15[%swap3A_1914] {strides = array<i32>} : memref<128xf32, #tpu.memory_space<vmem>>, vector<16xf32>,
      %swap3A_1916 = vector.shape_cast %swap3A_1915 : vector<16xf32> to vector<16xf32>
      %swap3A_1917 = vector.shape_cast %add3A_1913 : vector<16xf32> to vector<16xf32>
      tpu.vector_store %arg15[%swap3A_1914], %swap3A_1917 {strides = array<i32>} : memref<128xf32, #tpu.memory_space<vmem>>, vector<16xf32>,
      %get3A_1918 = arith.constant 16 : index
      %get3A_1919 = tpu.vector_load %arg15[%get3A_1918] {strides = array<i32>} : memref<128xf32, #tpu.memory_space<vmem>>, vector<16xf32>,
      %get3A_1920 = vector.shape_cast %get3A_1919 : vector<16xf32> to vector<16xf32>
      %mul3A_1921 = arith.constant 16 : i32
      %mul3A_1922 = arith.muli %scan3A_227, %mul3A_1921 : i32
      %add3A_1923 = arith.constant 12 : i32
      %add3A_1924 = arith.addi %mul3A_1922, %add3A_1923 : i32
      %get3A_1925 = arith.index_cast %add3A_1924 : i32 to index
      %get3A_1926 = arith.constant 16 : index
      %get3A_1927 = tpu.vector_load %arg13[%get3A_1925, %get3A_1926] {strides = array<i32>} : memref<128x128xf32, #tpu.memory_space<vmem>>, vector<1x16xf32>,
      %get3A_1928 = vector.shape_cast %get3A_1927 : vector<1x16xf32> to vector<16xf32>
      %mul3A_1929 = arith.mulf %broadcast_in_dim3A_1900, %get3A_1928 : vector<16xf32>
      %add3A_1930 = arith.addf %get3A_1920, %mul3A_1929 : vector<16xf32>
      %swap3A_1931 = arith.constant 16 : index
      %swap3A_1932 = tpu.vector_load %arg15[%swap3A_1931] {strides = array<i32>} : memref<128xf32, #tpu.memory_space<vmem>>, vector<16xf32>,
      %swap3A_1933 = vector.shape_cast %swap3A_1932 : vector<16xf32> to vector<16xf32>
      %swap3A_1934 = vector.shape_cast %add3A_1930 : vector<16xf32> to vector<16xf32>
      tpu.vector_store %arg15[%swap3A_1931], %swap3A_1934 {strides = array<i32>} : memref<128xf32, #tpu.memory_space<vmem>>, vector<16xf32>,
      %get3A_1935 = arith.constant 32 : index
      %get3A_1936 = tpu.vector_load %arg15[%get3A_1935] {strides = array<i32>} : memref<128xf32, #tpu.memory_space<vmem>>, vector<16xf32>,
      %get3A_1937 = vector.shape_cast %get3A_1936 : vector<16xf32> to vector<16xf32>
      %mul3A_1938 = arith.constant 16 : i32
      %mul3A_1939 = arith.muli %scan3A_227, %mul3A_1938 : i32
      %add3A_1940 = arith.constant 12 : i32
      %add3A_1941 = arith.addi %mul3A_1939, %add3A_1940 : i32
      %get3A_1942 = arith.index_cast %add3A_1941 : i32 to index
      %get3A_1943 = arith.constant 32 : index
      %get3A_1944 = tpu.vector_load %arg13[%get3A_1942, %get3A_1943] {strides = array<i32>} : memref<128x128xf32, #tpu.memory_space<vmem>>, vector<1x16xf32>,
      %get3A_1945 = vector.shape_cast %get3A_1944 : vector<1x16xf32> to vector<16xf32>
      %mul3A_1946 = arith.mulf %broadcast_in_dim3A_1900, %get3A_1945 : vector<16xf32>
      %add3A_1947 = arith.addf %get3A_1937, %mul3A_1946 : vector<16xf32>
      %swap3A_1948 = arith.constant 32 : index
      %swap3A_1949 = tpu.vector_load %arg15[%swap3A_1948] {strides = array<i32>} : memref<128xf32, #tpu.memory_space<vmem>>, vector<16xf32>,
      %swap3A_1950 = vector.shape_cast %swap3A_1949 : vector<16xf32> to vector<16xf32>
      %swap3A_1951 = vector.shape_cast %add3A_1947 : vector<16xf32> to vector<16xf32>
      tpu.vector_store %arg15[%swap3A_1948], %swap3A_1951 {strides = array<i32>} : memref<128xf32, #tpu.memory_space<vmem>>, vector<16xf32>,
      %get3A_1952 = arith.constant 48 : index
      %get3A_1953 = tpu.vector_load %arg15[%get3A_1952] {strides = array<i32>} : memref<128xf32, #tpu.memory_space<vmem>>, vector<16xf32>,
      %get3A_1954 = vector.shape_cast %get3A_1953 : vector<16xf32> to vector<16xf32>
      %mul3A_1955 = arith.constant 16 : i32
      %mul3A_1956 = arith.muli %scan3A_227, %mul3A_1955 : i32
      %add3A_1957 = arith.constant 12 : i32
      %add3A_1958 = arith.addi %mul3A_1956, %add3A_1957 : i32
      %get3A_1959 = arith.index_cast %add3A_1958 : i32 to index
      %get3A_1960 = arith.constant 48 : index
      %get3A_1961 = tpu.vector_load %arg13[%get3A_1959, %get3A_1960] {strides = array<i32>} : memref<128x128xf32, #tpu.memory_space<vmem>>, vector<1x16xf32>,
      %get3A_1962 = vector.shape_cast %get3A_1961 : vector<1x16xf32> to vector<16xf32>
      %mul3A_1963 = arith.mulf %broadcast_in_dim3A_1900, %get3A_1962 : vector<16xf32>
      %add3A_1964 = arith.addf %get3A_1954, %mul3A_1963 : vector<16xf32>
      %swap3A_1965 = arith.constant 48 : index
      %swap3A_1966 = tpu.vector_load %arg15[%swap3A_1965] {strides = array<i32>} : memref<128xf32, #tpu.memory_space<vmem>>, vector<16xf32>,
      %swap3A_1967 = vector.shape_cast %swap3A_1966 : vector<16xf32> to vector<16xf32>
      %swap3A_1968 = vector.shape_cast %add3A_1964 : vector<16xf32> to vector<16xf32>
      tpu.vector_store %arg15[%swap3A_1965], %swap3A_1968 {strides = array<i32>} : memref<128xf32, #tpu.memory_space<vmem>>, vector<16xf32>,
      %get3A_1969 = arith.constant 64 : index
      %get3A_1970 = tpu.vector_load %arg15[%get3A_1969] {strides = array<i32>} : memref<128xf32, #tpu.memory_space<vmem>>, vector<16xf32>,
      %get3A_1971 = vector.shape_cast %get3A_1970 : vector<16xf32> to vector<16xf32>
      %mul3A_1972 = arith.constant 16 : i32
      %mul3A_1973 = arith.muli %scan3A_227, %mul3A_1972 : i32
      %add3A_1974 = arith.constant 12 : i32
      %add3A_1975 = arith.addi %mul3A_1973, %add3A_1974 : i32
      %get3A_1976 = arith.index_cast %add3A_1975 : i32 to index
      %get3A_1977 = arith.constant 64 : index
      %get3A_1978 = tpu.vector_load %arg13[%get3A_1976, %get3A_1977] {strides = array<i32>} : memref<128x128xf32, #tpu.memory_space<vmem>>, vector<1x16xf32>,
      %get3A_1979 = vector.shape_cast %get3A_1978 : vector<1x16xf32> to vector<16xf32>
      %mul3A_1980 = arith.mulf %broadcast_in_dim3A_1900, %get3A_1979 : vector<16xf32>
      %add3A_1981 = arith.addf %get3A_1971, %mul3A_1980 : vector<16xf32>
      %swap3A_1982 = arith.constant 64 : index
      %swap3A_1983 = tpu.vector_load %arg15[%swap3A_1982] {strides = array<i32>} : memref<128xf32, #tpu.memory_space<vmem>>, vector<16xf32>,
      %swap3A_1984 = vector.shape_cast %swap3A_1983 : vector<16xf32> to vector<16xf32>
      %swap3A_1985 = vector.shape_cast %add3A_1981 : vector<16xf32> to vector<16xf32>
      tpu.vector_store %arg15[%swap3A_1982], %swap3A_1985 {strides = array<i32>} : memref<128xf32, #tpu.memory_space<vmem>>, vector<16xf32>,
      %get3A_1986 = arith.constant 80 : index
      %get3A_1987 = tpu.vector_load %arg15[%get3A_1986] {strides = array<i32>} : memref<128xf32, #tpu.memory_space<vmem>>, vector<16xf32>,
      %get3A_1988 = vector.shape_cast %get3A_1987 : vector<16xf32> to vector<16xf32>
      %mul3A_1989 = arith.constant 16 : i32
      %mul3A_1990 = arith.muli %scan3A_227, %mul3A_1989 : i32
      %add3A_1991 = arith.constant 12 : i32
      %add3A_1992 = arith.addi %mul3A_1990, %add3A_1991 : i32
      %get3A_1993 = arith.index_cast %add3A_1992 : i32 to index
      %get3A_1994 = arith.constant 80 : index
      %get3A_1995 = tpu.vector_load %arg13[%get3A_1993, %get3A_1994] {strides = array<i32>} : memref<128x128xf32, #tpu.memory_space<vmem>>, vector<1x16xf32>,
      %get3A_1996 = vector.shape_cast %get3A_1995 : vector<1x16xf32> to vector<16xf32>
      %mul3A_1997 = arith.mulf %broadcast_in_dim3A_1900, %get3A_1996 : vector<16xf32>
      %add3A_1998 = arith.addf %get3A_1988, %mul3A_1997 : vector<16xf32>
      %swap3A_1999 = arith.constant 80 : index
      %swap3A_2000 = tpu.vector_load %arg15[%swap3A_1999] {strides = array<i32>} : memref<128xf32, #tpu.memory_space<vmem>>, vector<16xf32>,
      %swap3A_2001 = vector.shape_cast %swap3A_2000 : vector<16xf32> to vector<16xf32>
      %swap3A_2002 = vector.shape_cast %add3A_1998 : vector<16xf32> to vector<16xf32>
      tpu.vector_store %arg15[%swap3A_1999], %swap3A_2002 {strides = array<i32>} : memref<128xf32, #tpu.memory_space<vmem>>, vector<16xf32>,
      %get3A_2003 = arith.constant 96 : index
      %get3A_2004 = tpu.vector_load %arg15[%get3A_2003] {strides = array<i32>} : memref<128xf32, #tpu.memory_space<vmem>>, vector<16xf32>,
      %get3A_2005 = vector.shape_cast %get3A_2004 : vector<16xf32> to vector<16xf32>
      %mul3A_2006 = arith.constant 16 : i32
      %mul3A_2007 = arith.muli %scan3A_227, %mul3A_2006 : i32
      %add3A_2008 = arith.constant 12 : i32
      %add3A_2009 = arith.addi %mul3A_2007, %add3A_2008 : i32
      %get3A_2010 = arith.index_cast %add3A_2009 : i32 to index
      %get3A_2011 = arith.constant 96 : index
      %get3A_2012 = tpu.vector_load %arg13[%get3A_2010, %get3A_2011] {strides = array<i32>} : memref<128x128xf32, #tpu.memory_space<vmem>>, vector<1x16xf32>,
      %get3A_2013 = vector.shape_cast %get3A_2012 : vector<1x16xf32> to vector<16xf32>
      %mul3A_2014 = arith.mulf %broadcast_in_dim3A_1900, %get3A_2013 : vector<16xf32>
      %add3A_2015 = arith.addf %get3A_2005, %mul3A_2014 : vector<16xf32>
      %swap3A_2016 = arith.constant 96 : index
      %swap3A_2017 = tpu.vector_load %arg15[%swap3A_2016] {strides = array<i32>} : memref<128xf32, #tpu.memory_space<vmem>>, vector<16xf32>,
      %swap3A_2018 = vector.shape_cast %swap3A_2017 : vector<16xf32> to vector<16xf32>
      %swap3A_2019 = vector.shape_cast %add3A_2015 : vector<16xf32> to vector<16xf32>
      tpu.vector_store %arg15[%swap3A_2016], %swap3A_2019 {strides = array<i32>} : memref<128xf32, #tpu.memory_space<vmem>>, vector<16xf32>,
      %get3A_2020 = arith.constant 112 : index
      %get3A_2021 = tpu.vector_load %arg15[%get3A_2020] {strides = array<i32>} : memref<128xf32, #tpu.memory_space<vmem>>, vector<16xf32>,
      %get3A_2022 = vector.shape_cast %get3A_2021 : vector<16xf32> to vector<16xf32>
      %mul3A_2023 = arith.constant 16 : i32
      %mul3A_2024 = arith.muli %scan3A_227, %mul3A_2023 : i32
      %add3A_2025 = arith.constant 12 : i32
      %add3A_2026 = arith.addi %mul3A_2024, %add3A_2025 : i32
      %get3A_2027 = arith.index_cast %add3A_2026 : i32 to index
      %get3A_2028 = arith.constant 112 : index
      %get3A_2029 = tpu.vector_load %arg13[%get3A_2027, %get3A_2028] {strides = array<i32>} : memref<128x128xf32, #tpu.memory_space<vmem>>, vector<1x16xf32>,
      %get3A_2030 = vector.shape_cast %get3A_2029 : vector<1x16xf32> to vector<16xf32>
      %mul3A_2031 = arith.mulf %broadcast_in_dim3A_1900, %get3A_2030 : vector<16xf32>
      %add3A_2032 = arith.addf %get3A_2022, %mul3A_2031 : vector<16xf32>
      %swap3A_2033 = arith.constant 112 : index
      %swap3A_2034 = tpu.vector_load %arg15[%swap3A_2033] {strides = array<i32>} : memref<128xf32, #tpu.memory_space<vmem>>, vector<16xf32>,
      %swap3A_2035 = vector.shape_cast %swap3A_2034 : vector<16xf32> to vector<16xf32>
      %swap3A_2036 = vector.shape_cast %add3A_2032 : vector<16xf32> to vector<16xf32>
      tpu.vector_store %arg15[%swap3A_2033], %swap3A_2036 {strides = array<i32>} : memref<128xf32, #tpu.memory_space<vmem>>, vector<16xf32>,
      %slice3A_2037 = vector.extract_strided_slice %get3A_231 {offsets = [13], sizes = [1], strides = [1]} : vector<16xf32> to vector<1xf32>
      %squeeze3A_2038 = vector.extract %slice3A_2037[0] : f32 from vector<1xf32>
      %broadcast_in_dim3A_2039 = vector.broadcast %squeeze3A_2038 : f32 to vector<16xf32>
      %get3A_2040 = arith.constant 0 : index
      %get3A_2041 = tpu.vector_load %arg15[%get3A_2040] {strides = array<i32>} : memref<128xf32, #tpu.memory_space<vmem>>, vector<16xf32>,
      %get3A_2042 = vector.shape_cast %get3A_2041 : vector<16xf32> to vector<16xf32>
      %mul3A_2043 = arith.constant 16 : i32
      %mul3A_2044 = arith.muli %scan3A_227, %mul3A_2043 : i32
      %add3A_2045 = arith.constant 13 : i32
      %add3A_2046 = arith.addi %mul3A_2044, %add3A_2045 : i32
      %get3A_2047 = arith.index_cast %add3A_2046 : i32 to index
      %get3A_2048 = arith.constant 0 : index
      %get3A_2049 = tpu.vector_load %arg13[%get3A_2047, %get3A_2048] {strides = array<i32>} : memref<128x128xf32, #tpu.memory_space<vmem>>, vector<1x16xf32>,
      %get3A_2050 = vector.shape_cast %get3A_2049 : vector<1x16xf32> to vector<16xf32>
      %mul3A_2051 = arith.mulf %broadcast_in_dim3A_2039, %get3A_2050 : vector<16xf32>
      %add3A_2052 = arith.addf %get3A_2042, %mul3A_2051 : vector<16xf32>
      %swap3A_2053 = arith.constant 0 : index
      %swap3A_2054 = tpu.vector_load %arg15[%swap3A_2053] {strides = array<i32>} : memref<128xf32, #tpu.memory_space<vmem>>, vector<16xf32>,
      %swap3A_2055 = vector.shape_cast %swap3A_2054 : vector<16xf32> to vector<16xf32>
      %swap3A_2056 = vector.shape_cast %add3A_2052 : vector<16xf32> to vector<16xf32>
      tpu.vector_store %arg15[%swap3A_2053], %swap3A_2056 {strides = array<i32>} : memref<128xf32, #tpu.memory_space<vmem>>, vector<16xf32>,
      %get3A_2057 = arith.constant 16 : index
      %get3A_2058 = tpu.vector_load %arg15[%get3A_2057] {strides = array<i32>} : memref<128xf32, #tpu.memory_space<vmem>>, vector<16xf32>,
      %get3A_2059 = vector.shape_cast %get3A_2058 : vector<16xf32> to vector<16xf32>
      %mul3A_2060 = arith.constant 16 : i32
      %mul3A_2061 = arith.muli %scan3A_227, %mul3A_2060 : i32
      %add3A_2062 = arith.constant 13 : i32
      %add3A_2063 = arith.addi %mul3A_2061, %add3A_2062 : i32
      %get3A_2064 = arith.index_cast %add3A_2063 : i32 to index
      %get3A_2065 = arith.constant 16 : index
      %get3A_2066 = tpu.vector_load %arg13[%get3A_2064, %get3A_2065] {strides = array<i32>} : memref<128x128xf32, #tpu.memory_space<vmem>>, vector<1x16xf32>,
      %get3A_2067 = vector.shape_cast %get3A_2066 : vector<1x16xf32> to vector<16xf32>
      %mul3A_2068 = arith.mulf %broadcast_in_dim3A_2039, %get3A_2067 : vector<16xf32>
      %add3A_2069 = arith.addf %get3A_2059, %mul3A_2068 : vector<16xf32>
      %swap3A_2070 = arith.constant 16 : index
      %swap3A_2071 = tpu.vector_load %arg15[%swap3A_2070] {strides = array<i32>} : memref<128xf32, #tpu.memory_space<vmem>>, vector<16xf32>,
      %swap3A_2072 = vector.shape_cast %swap3A_2071 : vector<16xf32> to vector<16xf32>
      %swap3A_2073 = vector.shape_cast %add3A_2069 : vector<16xf32> to vector<16xf32>
      tpu.vector_store %arg15[%swap3A_2070], %swap3A_2073 {strides = array<i32>} : memref<128xf32, #tpu.memory_space<vmem>>, vector<16xf32>,
      %get3A_2074 = arith.constant 32 : index
      %get3A_2075 = tpu.vector_load %arg15[%get3A_2074] {strides = array<i32>} : memref<128xf32, #tpu.memory_space<vmem>>, vector<16xf32>,
      %get3A_2076 = vector.shape_cast %get3A_2075 : vector<16xf32> to vector<16xf32>
      %mul3A_2077 = arith.constant 16 : i32
      %mul3A_2078 = arith.muli %scan3A_227, %mul3A_2077 : i32
      %add3A_2079 = arith.constant 13 : i32
      %add3A_2080 = arith.addi %mul3A_2078, %add3A_2079 : i32
      %get3A_2081 = arith.index_cast %add3A_2080 : i32 to index
      %get3A_2082 = arith.constant 32 : index
      %get3A_2083 = tpu.vector_load %arg13[%get3A_2081, %get3A_2082] {strides = array<i32>} : memref<128x128xf32, #tpu.memory_space<vmem>>, vector<1x16xf32>,
      %get3A_2084 = vector.shape_cast %get3A_2083 : vector<1x16xf32> to vector<16xf32>
      %mul3A_2085 = arith.mulf %broadcast_in_dim3A_2039, %get3A_2084 : vector<16xf32>
      %add3A_2086 = arith.addf %get3A_2076, %mul3A_2085 : vector<16xf32>
      %swap3A_2087 = arith.constant 32 : index
      %swap3A_2088 = tpu.vector_load %arg15[%swap3A_2087] {strides = array<i32>} : memref<128xf32, #tpu.memory_space<vmem>>, vector<16xf32>,
      %swap3A_2089 = vector.shape_cast %swap3A_2088 : vector<16xf32> to vector<16xf32>
      %swap3A_2090 = vector.shape_cast %add3A_2086 : vector<16xf32> to vector<16xf32>
      tpu.vector_store %arg15[%swap3A_2087], %swap3A_2090 {strides = array<i32>} : memref<128xf32, #tpu.memory_space<vmem>>, vector<16xf32>,
      %get3A_2091 = arith.constant 48 : index
      %get3A_2092 = tpu.vector_load %arg15[%get3A_2091] {strides = array<i32>} : memref<128xf32, #tpu.memory_space<vmem>>, vector<16xf32>,
      %get3A_2093 = vector.shape_cast %get3A_2092 : vector<16xf32> to vector<16xf32>
      %mul3A_2094 = arith.constant 16 : i32
      %mul3A_2095 = arith.muli %scan3A_227, %mul3A_2094 : i32
      %add3A_2096 = arith.constant 13 : i32
      %add3A_2097 = arith.addi %mul3A_2095, %add3A_2096 : i32
      %get3A_2098 = arith.index_cast %add3A_2097 : i32 to index
      %get3A_2099 = arith.constant 48 : index
      %get3A_2100 = tpu.vector_load %arg13[%get3A_2098, %get3A_2099] {strides = array<i32>} : memref<128x128xf32, #tpu.memory_space<vmem>>, vector<1x16xf32>,
      %get3A_2101 = vector.shape_cast %get3A_2100 : vector<1x16xf32> to vector<16xf32>
      %mul3A_2102 = arith.mulf %broadcast_in_dim3A_2039, %get3A_2101 : vector<16xf32>
      %add3A_2103 = arith.addf %get3A_2093, %mul3A_2102 : vector<16xf32>
      %swap3A_2104 = arith.constant 48 : index
      %swap3A_2105 = tpu.vector_load %arg15[%swap3A_2104] {strides = array<i32>} : memref<128xf32, #tpu.memory_space<vmem>>, vector<16xf32>,
      %swap3A_2106 = vector.shape_cast %swap3A_2105 : vector<16xf32> to vector<16xf32>
      %swap3A_2107 = vector.shape_cast %add3A_2103 : vector<16xf32> to vector<16xf32>
      tpu.vector_store %arg15[%swap3A_2104], %swap3A_2107 {strides = array<i32>} : memref<128xf32, #tpu.memory_space<vmem>>, vector<16xf32>,
      %get3A_2108 = arith.constant 64 : index
      %get3A_2109 = tpu.vector_load %arg15[%get3A_2108] {strides = array<i32>} : memref<128xf32, #tpu.memory_space<vmem>>, vector<16xf32>,
      %get3A_2110 = vector.shape_cast %get3A_2109 : vector<16xf32> to vector<16xf32>
      %mul3A_2111 = arith.constant 16 : i32
      %mul3A_2112 = arith.muli %scan3A_227, %mul3A_2111 : i32
      %add3A_2113 = arith.constant 13 : i32
      %add3A_2114 = arith.addi %mul3A_2112, %add3A_2113 : i32
      %get3A_2115 = arith.index_cast %add3A_2114 : i32 to index
      %get3A_2116 = arith.constant 64 : index
      %get3A_2117 = tpu.vector_load %arg13[%get3A_2115, %get3A_2116] {strides = array<i32>} : memref<128x128xf32, #tpu.memory_space<vmem>>, vector<1x16xf32>,
      %get3A_2118 = vector.shape_cast %get3A_2117 : vector<1x16xf32> to vector<16xf32>
      %mul3A_2119 = arith.mulf %broadcast_in_dim3A_2039, %get3A_2118 : vector<16xf32>
      %add3A_2120 = arith.addf %get3A_2110, %mul3A_2119 : vector<16xf32>
      %swap3A_2121 = arith.constant 64 : index
      %swap3A_2122 = tpu.vector_load %arg15[%swap3A_2121] {strides = array<i32>} : memref<128xf32, #tpu.memory_space<vmem>>, vector<16xf32>,
      %swap3A_2123 = vector.shape_cast %swap3A_2122 : vector<16xf32> to vector<16xf32>
      %swap3A_2124 = vector.shape_cast %add3A_2120 : vector<16xf32> to vector<16xf32>
      tpu.vector_store %arg15[%swap3A_2121], %swap3A_2124 {strides = array<i32>} : memref<128xf32, #tpu.memory_space<vmem>>, vector<16xf32>,
      %get3A_2125 = arith.constant 80 : index
      %get3A_2126 = tpu.vector_load %arg15[%get3A_2125] {strides = array<i32>} : memref<128xf32, #tpu.memory_space<vmem>>, vector<16xf32>,
      %get3A_2127 = vector.shape_cast %get3A_2126 : vector<16xf32> to vector<16xf32>
      %mul3A_2128 = arith.constant 16 : i32
      %mul3A_2129 = arith.muli %scan3A_227, %mul3A_2128 : i32
      %add3A_2130 = arith.constant 13 : i32
      %add3A_2131 = arith.addi %mul3A_2129, %add3A_2130 : i32
      %get3A_2132 = arith.index_cast %add3A_2131 : i32 to index
      %get3A_2133 = arith.constant 80 : index
      %get3A_2134 = tpu.vector_load %arg13[%get3A_2132, %get3A_2133] {strides = array<i32>} : memref<128x128xf32, #tpu.memory_space<vmem>>, vector<1x16xf32>,
      %get3A_2135 = vector.shape_cast %get3A_2134 : vector<1x16xf32> to vector<16xf32>
      %mul3A_2136 = arith.mulf %broadcast_in_dim3A_2039, %get3A_2135 : vector<16xf32>
      %add3A_2137 = arith.addf %get3A_2127, %mul3A_2136 : vector<16xf32>
      %swap3A_2138 = arith.constant 80 : index
      %swap3A_2139 = tpu.vector_load %arg15[%swap3A_2138] {strides = array<i32>} : memref<128xf32, #tpu.memory_space<vmem>>, vector<16xf32>,
      %swap3A_2140 = vector.shape_cast %swap3A_2139 : vector<16xf32> to vector<16xf32>
      %swap3A_2141 = vector.shape_cast %add3A_2137 : vector<16xf32> to vector<16xf32>
      tpu.vector_store %arg15[%swap3A_2138], %swap3A_2141 {strides = array<i32>} : memref<128xf32, #tpu.memory_space<vmem>>, vector<16xf32>,
      %get3A_2142 = arith.constant 96 : index
      %get3A_2143 = tpu.vector_load %arg15[%get3A_2142] {strides = array<i32>} : memref<128xf32, #tpu.memory_space<vmem>>, vector<16xf32>,
      %get3A_2144 = vector.shape_cast %get3A_2143 : vector<16xf32> to vector<16xf32>
      %mul3A_2145 = arith.constant 16 : i32
      %mul3A_2146 = arith.muli %scan3A_227, %mul3A_2145 : i32
      %add3A_2147 = arith.constant 13 : i32
      %add3A_2148 = arith.addi %mul3A_2146, %add3A_2147 : i32
      %get3A_2149 = arith.index_cast %add3A_2148 : i32 to index
      %get3A_2150 = arith.constant 96 : index
      %get3A_2151 = tpu.vector_load %arg13[%get3A_2149, %get3A_2150] {strides = array<i32>} : memref<128x128xf32, #tpu.memory_space<vmem>>, vector<1x16xf32>,
      %get3A_2152 = vector.shape_cast %get3A_2151 : vector<1x16xf32> to vector<16xf32>
      %mul3A_2153 = arith.mulf %broadcast_in_dim3A_2039, %get3A_2152 : vector<16xf32>
      %add3A_2154 = arith.addf %get3A_2144, %mul3A_2153 : vector<16xf32>
      %swap3A_2155 = arith.constant 96 : index
      %swap3A_2156 = tpu.vector_load %arg15[%swap3A_2155] {strides = array<i32>} : memref<128xf32, #tpu.memory_space<vmem>>, vector<16xf32>,
      %swap3A_2157 = vector.shape_cast %swap3A_2156 : vector<16xf32> to vector<16xf32>
      %swap3A_2158 = vector.shape_cast %add3A_2154 : vector<16xf32> to vector<16xf32>
      tpu.vector_store %arg15[%swap3A_2155], %swap3A_2158 {strides = array<i32>} : memref<128xf32, #tpu.memory_space<vmem>>, vector<16xf32>,
      %get3A_2159 = arith.constant 112 : index
      %get3A_2160 = tpu.vector_load %arg15[%get3A_2159] {strides = array<i32>} : memref<128xf32, #tpu.memory_space<vmem>>, vector<16xf32>,
      %get3A_2161 = vector.shape_cast %get3A_2160 : vector<16xf32> to vector<16xf32>
      %mul3A_2162 = arith.constant 16 : i32
      %mul3A_2163 = arith.muli %scan3A_227, %mul3A_2162 : i32
      %add3A_2164 = arith.constant 13 : i32
      %add3A_2165 = arith.addi %mul3A_2163, %add3A_2164 : i32
      %get3A_2166 = arith.index_cast %add3A_2165 : i32 to index
      %get3A_2167 = arith.constant 112 : index
      %get3A_2168 = tpu.vector_load %arg13[%get3A_2166, %get3A_2167] {strides = array<i32>} : memref<128x128xf32, #tpu.memory_space<vmem>>, vector<1x16xf32>,
      %get3A_2169 = vector.shape_cast %get3A_2168 : vector<1x16xf32> to vector<16xf32>
      %mul3A_2170 = arith.mulf %broadcast_in_dim3A_2039, %get3A_2169 : vector<16xf32>
      %add3A_2171 = arith.addf %get3A_2161, %mul3A_2170 : vector<16xf32>
      %swap3A_2172 = arith.constant 112 : index
      %swap3A_2173 = tpu.vector_load %arg15[%swap3A_2172] {strides = array<i32>} : memref<128xf32, #tpu.memory_space<vmem>>, vector<16xf32>,
      %swap3A_2174 = vector.shape_cast %swap3A_2173 : vector<16xf32> to vector<16xf32>
      %swap3A_2175 = vector.shape_cast %add3A_2171 : vector<16xf32> to vector<16xf32>
      tpu.vector_store %arg15[%swap3A_2172], %swap3A_2175 {strides = array<i32>} : memref<128xf32, #tpu.memory_space<vmem>>, vector<16xf32>,
      %slice3A_2176 = vector.extract_strided_slice %get3A_231 {offsets = [14], sizes = [1], strides = [1]} : vector<16xf32> to vector<1xf32>
      %squeeze3A_2177 = vector.extract %slice3A_2176[0] : f32 from vector<1xf32>
      %broadcast_in_dim3A_2178 = vector.broadcast %squeeze3A_2177 : f32 to vector<16xf32>
      %get3A_2179 = arith.constant 0 : index
      %get3A_2180 = tpu.vector_load %arg15[%get3A_2179] {strides = array<i32>} : memref<128xf32, #tpu.memory_space<vmem>>, vector<16xf32>,
      %get3A_2181 = vector.shape_cast %get3A_2180 : vector<16xf32> to vector<16xf32>
      %mul3A_2182 = arith.constant 16 : i32
      %mul3A_2183 = arith.muli %scan3A_227, %mul3A_2182 : i32
      %add3A_2184 = arith.constant 14 : i32
      %add3A_2185 = arith.addi %mul3A_2183, %add3A_2184 : i32
      %get3A_2186 = arith.index_cast %add3A_2185 : i32 to index
      %get3A_2187 = arith.constant 0 : index
      %get3A_2188 = tpu.vector_load %arg13[%get3A_2186, %get3A_2187] {strides = array<i32>} : memref<128x128xf32, #tpu.memory_space<vmem>>, vector<1x16xf32>,
      %get3A_2189 = vector.shape_cast %get3A_2188 : vector<1x16xf32> to vector<16xf32>
      %mul3A_2190 = arith.mulf %broadcast_in_dim3A_2178, %get3A_2189 : vector<16xf32>
      %add3A_2191 = arith.addf %get3A_2181, %mul3A_2190 : vector<16xf32>
      %swap3A_2192 = arith.constant 0 : index
      %swap3A_2193 = tpu.vector_load %arg15[%swap3A_2192] {strides = array<i32>} : memref<128xf32, #tpu.memory_space<vmem>>, vector<16xf32>,
      %swap3A_2194 = vector.shape_cast %swap3A_2193 : vector<16xf32> to vector<16xf32>
      %swap3A_2195 = vector.shape_cast %add3A_2191 : vector<16xf32> to vector<16xf32>
      tpu.vector_store %arg15[%swap3A_2192], %swap3A_2195 {strides = array<i32>} : memref<128xf32, #tpu.memory_space<vmem>>, vector<16xf32>,
      %get3A_2196 = arith.constant 16 : index
      %get3A_2197 = tpu.vector_load %arg15[%get3A_2196] {strides = array<i32>} : memref<128xf32, #tpu.memory_space<vmem>>, vector<16xf32>,
      %get3A_2198 = vector.shape_cast %get3A_2197 : vector<16xf32> to vector<16xf32>
      %mul3A_2199 = arith.constant 16 : i32
      %mul3A_2200 = arith.muli %scan3A_227, %mul3A_2199 : i32
      %add3A_2201 = arith.constant 14 : i32
      %add3A_2202 = arith.addi %mul3A_2200, %add3A_2201 : i32
      %get3A_2203 = arith.index_cast %add3A_2202 : i32 to index
      %get3A_2204 = arith.constant 16 : index
      %get3A_2205 = tpu.vector_load %arg13[%get3A_2203, %get3A_2204] {strides = array<i32>} : memref<128x128xf32, #tpu.memory_space<vmem>>, vector<1x16xf32>,
      %get3A_2206 = vector.shape_cast %get3A_2205 : vector<1x16xf32> to vector<16xf32>
      %mul3A_2207 = arith.mulf %broadcast_in_dim3A_2178, %get3A_2206 : vector<16xf32>
      %add3A_2208 = arith.addf %get3A_2198, %mul3A_2207 : vector<16xf32>
      %swap3A_2209 = arith.constant 16 : index
      %swap3A_2210 = tpu.vector_load %arg15[%swap3A_2209] {strides = array<i32>} : memref<128xf32, #tpu.memory_space<vmem>>, vector<16xf32>,
      %swap3A_2211 = vector.shape_cast %swap3A_2210 : vector<16xf32> to vector<16xf32>
      %swap3A_2212 = vector.shape_cast %add3A_2208 : vector<16xf32> to vector<16xf32>
      tpu.vector_store %arg15[%swap3A_2209], %swap3A_2212 {strides = array<i32>} : memref<128xf32, #tpu.memory_space<vmem>>, vector<16xf32>,
      %get3A_2213 = arith.constant 32 : index
      %get3A_2214 = tpu.vector_load %arg15[%get3A_2213] {strides = array<i32>} : memref<128xf32, #tpu.memory_space<vmem>>, vector<16xf32>,
      %get3A_2215 = vector.shape_cast %get3A_2214 : vector<16xf32> to vector<16xf32>
      %mul3A_2216 = arith.constant 16 : i32
      %mul3A_2217 = arith.muli %scan3A_227, %mul3A_2216 : i32
      %add3A_2218 = arith.constant 14 : i32
      %add3A_2219 = arith.addi %mul3A_2217, %add3A_2218 : i32
      %get3A_2220 = arith.index_cast %add3A_2219 : i32 to index
      %get3A_2221 = arith.constant 32 : index
      %get3A_2222 = tpu.vector_load %arg13[%get3A_2220, %get3A_2221] {strides = array<i32>} : memref<128x128xf32, #tpu.memory_space<vmem>>, vector<1x16xf32>,
      %get3A_2223 = vector.shape_cast %get3A_2222 : vector<1x16xf32> to vector<16xf32>
      %mul3A_2224 = arith.mulf %broadcast_in_dim3A_2178, %get3A_2223 : vector<16xf32>
      %add3A_2225 = arith.addf %get3A_2215, %mul3A_2224 : vector<16xf32>
      %swap3A_2226 = arith.constant 32 : index
      %swap3A_2227 = tpu.vector_load %arg15[%swap3A_2226] {strides = array<i32>} : memref<128xf32, #tpu.memory_space<vmem>>, vector<16xf32>,
      %swap3A_2228 = vector.shape_cast %swap3A_2227 : vector<16xf32> to vector<16xf32>
      %swap3A_2229 = vector.shape_cast %add3A_2225 : vector<16xf32> to vector<16xf32>
      tpu.vector_store %arg15[%swap3A_2226], %swap3A_2229 {strides = array<i32>} : memref<128xf32, #tpu.memory_space<vmem>>, vector<16xf32>,
      %get3A_2230 = arith.constant 48 : index
      %get3A_2231 = tpu.vector_load %arg15[%get3A_2230] {strides = array<i32>} : memref<128xf32, #tpu.memory_space<vmem>>, vector<16xf32>,
      %get3A_2232 = vector.shape_cast %get3A_2231 : vector<16xf32> to vector<16xf32>
      %mul3A_2233 = arith.constant 16 : i32
      %mul3A_2234 = arith.muli %scan3A_227, %mul3A_2233 : i32
      %add3A_2235 = arith.constant 14 : i32
      %add3A_2236 = arith.addi %mul3A_2234, %add3A_2235 : i32
      %get3A_2237 = arith.index_cast %add3A_2236 : i32 to index
      %get3A_2238 = arith.constant 48 : index
      %get3A_2239 = tpu.vector_load %arg13[%get3A_2237, %get3A_2238] {strides = array<i32>} : memref<128x128xf32, #tpu.memory_space<vmem>>, vector<1x16xf32>,
      %get3A_2240 = vector.shape_cast %get3A_2239 : vector<1x16xf32> to vector<16xf32>
      %mul3A_2241 = arith.mulf %broadcast_in_dim3A_2178, %get3A_2240 : vector<16xf32>
      %add3A_2242 = arith.addf %get3A_2232, %mul3A_2241 : vector<16xf32>
      %swap3A_2243 = arith.constant 48 : index
      %swap3A_2244 = tpu.vector_load %arg15[%swap3A_2243] {strides = array<i32>} : memref<128xf32, #tpu.memory_space<vmem>>, vector<16xf32>,
      %swap3A_2245 = vector.shape_cast %swap3A_2244 : vector<16xf32> to vector<16xf32>
      %swap3A_2246 = vector.shape_cast %add3A_2242 : vector<16xf32> to vector<16xf32>
      tpu.vector_store %arg15[%swap3A_2243], %swap3A_2246 {strides = array<i32>} : memref<128xf32, #tpu.memory_space<vmem>>, vector<16xf32>,
      %get3A_2247 = arith.constant 64 : index
      %get3A_2248 = tpu.vector_load %arg15[%get3A_2247] {strides = array<i32>} : memref<128xf32, #tpu.memory_space<vmem>>, vector<16xf32>,
      %get3A_2249 = vector.shape_cast %get3A_2248 : vector<16xf32> to vector<16xf32>
      %mul3A_2250 = arith.constant 16 : i32
      %mul3A_2251 = arith.muli %scan3A_227, %mul3A_2250 : i32
      %add3A_2252 = arith.constant 14 : i32
      %add3A_2253 = arith.addi %mul3A_2251, %add3A_2252 : i32
      %get3A_2254 = arith.index_cast %add3A_2253 : i32 to index
      %get3A_2255 = arith.constant 64 : index
      %get3A_2256 = tpu.vector_load %arg13[%get3A_2254, %get3A_2255] {strides = array<i32>} : memref<128x128xf32, #tpu.memory_space<vmem>>, vector<1x16xf32>,
      %get3A_2257 = vector.shape_cast %get3A_2256 : vector<1x16xf32> to vector<16xf32>
      %mul3A_2258 = arith.mulf %broadcast_in_dim3A_2178, %get3A_2257 : vector<16xf32>
      %add3A_2259 = arith.addf %get3A_2249, %mul3A_2258 : vector<16xf32>
      %swap3A_2260 = arith.constant 64 : index
      %swap3A_2261 = tpu.vector_load %arg15[%swap3A_2260] {strides = array<i32>} : memref<128xf32, #tpu.memory_space<vmem>>, vector<16xf32>,
      %swap3A_2262 = vector.shape_cast %swap3A_2261 : vector<16xf32> to vector<16xf32>
      %swap3A_2263 = vector.shape_cast %add3A_2259 : vector<16xf32> to vector<16xf32>
      tpu.vector_store %arg15[%swap3A_2260], %swap3A_2263 {strides = array<i32>} : memref<128xf32, #tpu.memory_space<vmem>>, vector<16xf32>,
      %get3A_2264 = arith.constant 80 : index
      %get3A_2265 = tpu.vector_load %arg15[%get3A_2264] {strides = array<i32>} : memref<128xf32, #tpu.memory_space<vmem>>, vector<16xf32>,
      %get3A_2266 = vector.shape_cast %get3A_2265 : vector<16xf32> to vector<16xf32>
      %mul3A_2267 = arith.constant 16 : i32
      %mul3A_2268 = arith.muli %scan3A_227, %mul3A_2267 : i32
      %add3A_2269 = arith.constant 14 : i32
      %add3A_2270 = arith.addi %mul3A_2268, %add3A_2269 : i32
      %get3A_2271 = arith.index_cast %add3A_2270 : i32 to index
      %get3A_2272 = arith.constant 80 : index
      %get3A_2273 = tpu.vector_load %arg13[%get3A_2271, %get3A_2272] {strides = array<i32>} : memref<128x128xf32, #tpu.memory_space<vmem>>, vector<1x16xf32>,
      %get3A_2274 = vector.shape_cast %get3A_2273 : vector<1x16xf32> to vector<16xf32>
      %mul3A_2275 = arith.mulf %broadcast_in_dim3A_2178, %get3A_2274 : vector<16xf32>
      %add3A_2276 = arith.addf %get3A_2266, %mul3A_2275 : vector<16xf32>
      %swap3A_2277 = arith.constant 80 : index
      %swap3A_2278 = tpu.vector_load %arg15[%swap3A_2277] {strides = array<i32>} : memref<128xf32, #tpu.memory_space<vmem>>, vector<16xf32>,
      %swap3A_2279 = vector.shape_cast %swap3A_2278 : vector<16xf32> to vector<16xf32>
      %swap3A_2280 = vector.shape_cast %add3A_2276 : vector<16xf32> to vector<16xf32>
      tpu.vector_store %arg15[%swap3A_2277], %swap3A_2280 {strides = array<i32>} : memref<128xf32, #tpu.memory_space<vmem>>, vector<16xf32>,
      %get3A_2281 = arith.constant 96 : index
      %get3A_2282 = tpu.vector_load %arg15[%get3A_2281] {strides = array<i32>} : memref<128xf32, #tpu.memory_space<vmem>>, vector<16xf32>,
      %get3A_2283 = vector.shape_cast %get3A_2282 : vector<16xf32> to vector<16xf32>
      %mul3A_2284 = arith.constant 16 : i32
      %mul3A_2285 = arith.muli %scan3A_227, %mul3A_2284 : i32
      %add3A_2286 = arith.constant 14 : i32
      %add3A_2287 = arith.addi %mul3A_2285, %add3A_2286 : i32
      %get3A_2288 = arith.index_cast %add3A_2287 : i32 to index
      %get3A_2289 = arith.constant 96 : index
      %get3A_2290 = tpu.vector_load %arg13[%get3A_2288, %get3A_2289] {strides = array<i32>} : memref<128x128xf32, #tpu.memory_space<vmem>>, vector<1x16xf32>,
      %get3A_2291 = vector.shape_cast %get3A_2290 : vector<1x16xf32> to vector<16xf32>
      %mul3A_2292 = arith.mulf %broadcast_in_dim3A_2178, %get3A_2291 : vector<16xf32>
      %add3A_2293 = arith.addf %get3A_2283, %mul3A_2292 : vector<16xf32>
      %swap3A_2294 = arith.constant 96 : index
      %swap3A_2295 = tpu.vector_load %arg15[%swap3A_2294] {strides = array<i32>} : memref<128xf32, #tpu.memory_space<vmem>>, vector<16xf32>,
      %swap3A_2296 = vector.shape_cast %swap3A_2295 : vector<16xf32> to vector<16xf32>
      %swap3A_2297 = vector.shape_cast %add3A_2293 : vector<16xf32> to vector<16xf32>
      tpu.vector_store %arg15[%swap3A_2294], %swap3A_2297 {strides = array<i32>} : memref<128xf32, #tpu.memory_space<vmem>>, vector<16xf32>,
      %get3A_2298 = arith.constant 112 : index
      %get3A_2299 = tpu.vector_load %arg15[%get3A_2298] {strides = array<i32>} : memref<128xf32, #tpu.memory_space<vmem>>, vector<16xf32>,
      %get3A_2300 = vector.shape_cast %get3A_2299 : vector<16xf32> to vector<16xf32>
      %mul3A_2301 = arith.constant 16 : i32
      %mul3A_2302 = arith.muli %scan3A_227, %mul3A_2301 : i32
      %add3A_2303 = arith.constant 14 : i32
      %add3A_2304 = arith.addi %mul3A_2302, %add3A_2303 : i32
      %get3A_2305 = arith.index_cast %add3A_2304 : i32 to index
      %get3A_2306 = arith.constant 112 : index
      %get3A_2307 = tpu.vector_load %arg13[%get3A_2305, %get3A_2306] {strides = array<i32>} : memref<128x128xf32, #tpu.memory_space<vmem>>, vector<1x16xf32>,
      %get3A_2308 = vector.shape_cast %get3A_2307 : vector<1x16xf32> to vector<16xf32>
      %mul3A_2309 = arith.mulf %broadcast_in_dim3A_2178, %get3A_2308 : vector<16xf32>
      %add3A_2310 = arith.addf %get3A_2300, %mul3A_2309 : vector<16xf32>
      %swap3A_2311 = arith.constant 112 : index
      %swap3A_2312 = tpu.vector_load %arg15[%swap3A_2311] {strides = array<i32>} : memref<128xf32, #tpu.memory_space<vmem>>, vector<16xf32>,
      %swap3A_2313 = vector.shape_cast %swap3A_2312 : vector<16xf32> to vector<16xf32>
      %swap3A_2314 = vector.shape_cast %add3A_2310 : vector<16xf32> to vector<16xf32>
      tpu.vector_store %arg15[%swap3A_2311], %swap3A_2314 {strides = array<i32>} : memref<128xf32, #tpu.memory_space<vmem>>, vector<16xf32>,
      %slice3A_2315 = vector.extract_strided_slice %get3A_231 {offsets = [15], sizes = [1], strides = [1]} : vector<16xf32> to vector<1xf32>
      %squeeze3A_2316 = vector.extract %slice3A_2315[0] : f32 from vector<1xf32>
      %broadcast_in_dim3A_2317 = vector.broadcast %squeeze3A_2316 : f32 to vector<16xf32>
      %get3A_2318 = arith.constant 0 : index
      %get3A_2319 = tpu.vector_load %arg15[%get3A_2318] {strides = array<i32>} : memref<128xf32, #tpu.memory_space<vmem>>, vector<16xf32>,
      %get3A_2320 = vector.shape_cast %get3A_2319 : vector<16xf32> to vector<16xf32>
      %mul3A_2321 = arith.constant 16 : i32
      %mul3A_2322 = arith.muli %scan3A_227, %mul3A_2321 : i32
      %add3A_2323 = arith.constant 15 : i32
      %add3A_2324 = arith.addi %mul3A_2322, %add3A_2323 : i32
      %get3A_2325 = arith.index_cast %add3A_2324 : i32 to index
      %get3A_2326 = arith.constant 0 : index
      %get3A_2327 = tpu.vector_load %arg13[%get3A_2325, %get3A_2326] {strides = array<i32>} : memref<128x128xf32, #tpu.memory_space<vmem>>, vector<1x16xf32>,
      %get3A_2328 = vector.shape_cast %get3A_2327 : vector<1x16xf32> to vector<16xf32>
      %mul3A_2329 = arith.mulf %broadcast_in_dim3A_2317, %get3A_2328 : vector<16xf32>
      %add3A_2330 = arith.addf %get3A_2320, %mul3A_2329 : vector<16xf32>
      %swap3A_2331 = arith.constant 0 : index
      %swap3A_2332 = tpu.vector_load %arg15[%swap3A_2331] {strides = array<i32>} : memref<128xf32, #tpu.memory_space<vmem>>, vector<16xf32>,
      %swap3A_2333 = vector.shape_cast %swap3A_2332 : vector<16xf32> to vector<16xf32>
      %swap3A_2334 = vector.shape_cast %add3A_2330 : vector<16xf32> to vector<16xf32>
      tpu.vector_store %arg15[%swap3A_2331], %swap3A_2334 {strides = array<i32>} : memref<128xf32, #tpu.memory_space<vmem>>, vector<16xf32>,
      %get3A_2335 = arith.constant 16 : index
      %get3A_2336 = tpu.vector_load %arg15[%get3A_2335] {strides = array<i32>} : memref<128xf32, #tpu.memory_space<vmem>>, vector<16xf32>,
      %get3A_2337 = vector.shape_cast %get3A_2336 : vector<16xf32> to vector<16xf32>
      %mul3A_2338 = arith.constant 16 : i32
      %mul3A_2339 = arith.muli %scan3A_227, %mul3A_2338 : i32
      %add3A_2340 = arith.constant 15 : i32
      %add3A_2341 = arith.addi %mul3A_2339, %add3A_2340 : i32
      %get3A_2342 = arith.index_cast %add3A_2341 : i32 to index
      %get3A_2343 = arith.constant 16 : index
      %get3A_2344 = tpu.vector_load %arg13[%get3A_2342, %get3A_2343] {strides = array<i32>} : memref<128x128xf32, #tpu.memory_space<vmem>>, vector<1x16xf32>,
      %get3A_2345 = vector.shape_cast %get3A_2344 : vector<1x16xf32> to vector<16xf32>
      %mul3A_2346 = arith.mulf %broadcast_in_dim3A_2317, %get3A_2345 : vector<16xf32>
      %add3A_2347 = arith.addf %get3A_2337, %mul3A_2346 : vector<16xf32>
      %swap3A_2348 = arith.constant 16 : index
      %swap3A_2349 = tpu.vector_load %arg15[%swap3A_2348] {strides = array<i32>} : memref<128xf32, #tpu.memory_space<vmem>>, vector<16xf32>,
      %swap3A_2350 = vector.shape_cast %swap3A_2349 : vector<16xf32> to vector<16xf32>
      %swap3A_2351 = vector.shape_cast %add3A_2347 : vector<16xf32> to vector<16xf32>
      tpu.vector_store %arg15[%swap3A_2348], %swap3A_2351 {strides = array<i32>} : memref<128xf32, #tpu.memory_space<vmem>>, vector<16xf32>,
      %get3A_2352 = arith.constant 32 : index
      %get3A_2353 = tpu.vector_load %arg15[%get3A_2352] {strides = array<i32>} : memref<128xf32, #tpu.memory_space<vmem>>, vector<16xf32>,
      %get3A_2354 = vector.shape_cast %get3A_2353 : vector<16xf32> to vector<16xf32>
      %mul3A_2355 = arith.constant 16 : i32
      %mul3A_2356 = arith.muli %scan3A_227, %mul3A_2355 : i32
      %add3A_2357 = arith.constant 15 : i32
      %add3A_2358 = arith.addi %mul3A_2356, %add3A_2357 : i32
      %get3A_2359 = arith.index_cast %add3A_2358 : i32 to index
      %get3A_2360 = arith.constant 32 : index
      %get3A_2361 = tpu.vector_load %arg13[%get3A_2359, %get3A_2360] {strides = array<i32>} : memref<128x128xf32, #tpu.memory_space<vmem>>, vector<1x16xf32>,
      %get3A_2362 = vector.shape_cast %get3A_2361 : vector<1x16xf32> to vector<16xf32>
      %mul3A_2363 = arith.mulf %broadcast_in_dim3A_2317, %get3A_2362 : vector<16xf32>
      %add3A_2364 = arith.addf %get3A_2354, %mul3A_2363 : vector<16xf32>
      %swap3A_2365 = arith.constant 32 : index
      %swap3A_2366 = tpu.vector_load %arg15[%swap3A_2365] {strides = array<i32>} : memref<128xf32, #tpu.memory_space<vmem>>, vector<16xf32>,
      %swap3A_2367 = vector.shape_cast %swap3A_2366 : vector<16xf32> to vector<16xf32>
      %swap3A_2368 = vector.shape_cast %add3A_2364 : vector<16xf32> to vector<16xf32>
      tpu.vector_store %arg15[%swap3A_2365], %swap3A_2368 {strides = array<i32>} : memref<128xf32, #tpu.memory_space<vmem>>, vector<16xf32>,
      %get3A_2369 = arith.constant 48 : index
      %get3A_2370 = tpu.vector_load %arg15[%get3A_2369] {strides = array<i32>} : memref<128xf32, #tpu.memory_space<vmem>>, vector<16xf32>,
      %get3A_2371 = vector.shape_cast %get3A_2370 : vector<16xf32> to vector<16xf32>
      %mul3A_2372 = arith.constant 16 : i32
      %mul3A_2373 = arith.muli %scan3A_227, %mul3A_2372 : i32
      %add3A_2374 = arith.constant 15 : i32
      %add3A_2375 = arith.addi %mul3A_2373, %add3A_2374 : i32
      %get3A_2376 = arith.index_cast %add3A_2375 : i32 to index
      %get3A_2377 = arith.constant 48 : index
      %get3A_2378 = tpu.vector_load %arg13[%get3A_2376, %get3A_2377] {strides = array<i32>} : memref<128x128xf32, #tpu.memory_space<vmem>>, vector<1x16xf32>,
      %get3A_2379 = vector.shape_cast %get3A_2378 : vector<1x16xf32> to vector<16xf32>
      %mul3A_2380 = arith.mulf %broadcast_in_dim3A_2317, %get3A_2379 : vector<16xf32>
      %add3A_2381 = arith.addf %get3A_2371, %mul3A_2380 : vector<16xf32>
      %swap3A_2382 = arith.constant 48 : index
      %swap3A_2383 = tpu.vector_load %arg15[%swap3A_2382] {strides = array<i32>} : memref<128xf32, #tpu.memory_space<vmem>>, vector<16xf32>,
      %swap3A_2384 = vector.shape_cast %swap3A_2383 : vector<16xf32> to vector<16xf32>
      %swap3A_2385 = vector.shape_cast %add3A_2381 : vector<16xf32> to vector<16xf32>
      tpu.vector_store %arg15[%swap3A_2382], %swap3A_2385 {strides = array<i32>} : memref<128xf32, #tpu.memory_space<vmem>>, vector<16xf32>,
      %get3A_2386 = arith.constant 64 : index
      %get3A_2387 = tpu.vector_load %arg15[%get3A_2386] {strides = array<i32>} : memref<128xf32, #tpu.memory_space<vmem>>, vector<16xf32>,
      %get3A_2388 = vector.shape_cast %get3A_2387 : vector<16xf32> to vector<16xf32>
      %mul3A_2389 = arith.constant 16 : i32
      %mul3A_2390 = arith.muli %scan3A_227, %mul3A_2389 : i32
      %add3A_2391 = arith.constant 15 : i32
      %add3A_2392 = arith.addi %mul3A_2390, %add3A_2391 : i32
      %get3A_2393 = arith.index_cast %add3A_2392 : i32 to index
      %get3A_2394 = arith.constant 64 : index
      %get3A_2395 = tpu.vector_load %arg13[%get3A_2393, %get3A_2394] {strides = array<i32>} : memref<128x128xf32, #tpu.memory_space<vmem>>, vector<1x16xf32>,
      %get3A_2396 = vector.shape_cast %get3A_2395 : vector<1x16xf32> to vector<16xf32>
      %mul3A_2397 = arith.mulf %broadcast_in_dim3A_2317, %get3A_2396 : vector<16xf32>
      %add3A_2398 = arith.addf %get3A_2388, %mul3A_2397 : vector<16xf32>
      %swap3A_2399 = arith.constant 64 : index
      %swap3A_2400 = tpu.vector_load %arg15[%swap3A_2399] {strides = array<i32>} : memref<128xf32, #tpu.memory_space<vmem>>, vector<16xf32>,
      %swap3A_2401 = vector.shape_cast %swap3A_2400 : vector<16xf32> to vector<16xf32>
      %swap3A_2402 = vector.shape_cast %add3A_2398 : vector<16xf32> to vector<16xf32>
      tpu.vector_store %arg15[%swap3A_2399], %swap3A_2402 {strides = array<i32>} : memref<128xf32, #tpu.memory_space<vmem>>, vector<16xf32>,
      %get3A_2403 = arith.constant 80 : index
      %get3A_2404 = tpu.vector_load %arg15[%get3A_2403] {strides = array<i32>} : memref<128xf32, #tpu.memory_space<vmem>>, vector<16xf32>,
      %get3A_2405 = vector.shape_cast %get3A_2404 : vector<16xf32> to vector<16xf32>
      %mul3A_2406 = arith.constant 16 : i32
      %mul3A_2407 = arith.muli %scan3A_227, %mul3A_2406 : i32
      %add3A_2408 = arith.constant 15 : i32
      %add3A_2409 = arith.addi %mul3A_2407, %add3A_2408 : i32
      %get3A_2410 = arith.index_cast %add3A_2409 : i32 to index
      %get3A_2411 = arith.constant 80 : index
      %get3A_2412 = tpu.vector_load %arg13[%get3A_2410, %get3A_2411] {strides = array<i32>} : memref<128x128xf32, #tpu.memory_space<vmem>>, vector<1x16xf32>,
      %get3A_2413 = vector.shape_cast %get3A_2412 : vector<1x16xf32> to vector<16xf32>
      %mul3A_2414 = arith.mulf %broadcast_in_dim3A_2317, %get3A_2413 : vector<16xf32>
      %add3A_2415 = arith.addf %get3A_2405, %mul3A_2414 : vector<16xf32>
      %swap3A_2416 = arith.constant 80 : index
      %swap3A_2417 = tpu.vector_load %arg15[%swap3A_2416] {strides = array<i32>} : memref<128xf32, #tpu.memory_space<vmem>>, vector<16xf32>,
      %swap3A_2418 = vector.shape_cast %swap3A_2417 : vector<16xf32> to vector<16xf32>
      %swap3A_2419 = vector.shape_cast %add3A_2415 : vector<16xf32> to vector<16xf32>
      tpu.vector_store %arg15[%swap3A_2416], %swap3A_2419 {strides = array<i32>} : memref<128xf32, #tpu.memory_space<vmem>>, vector<16xf32>,
      %get3A_2420 = arith.constant 96 : index
      %get3A_2421 = tpu.vector_load %arg15[%get3A_2420] {strides = array<i32>} : memref<128xf32, #tpu.memory_space<vmem>>, vector<16xf32>,
      %get3A_2422 = vector.shape_cast %get3A_2421 : vector<16xf32> to vector<16xf32>
      %mul3A_2423 = arith.constant 16 : i32
      %mul3A_2424 = arith.muli %scan3A_227, %mul3A_2423 : i32
      %add3A_2425 = arith.constant 15 : i32
      %add3A_2426 = arith.addi %mul3A_2424, %add3A_2425 : i32
      %get3A_2427 = arith.index_cast %add3A_2426 : i32 to index
      %get3A_2428 = arith.constant 96 : index
      %get3A_2429 = tpu.vector_load %arg13[%get3A_2427, %get3A_2428] {strides = array<i32>} : memref<128x128xf32, #tpu.memory_space<vmem>>, vector<1x16xf32>,
      %get3A_2430 = vector.shape_cast %get3A_2429 : vector<1x16xf32> to vector<16xf32>
      %mul3A_2431 = arith.mulf %broadcast_in_dim3A_2317, %get3A_2430 : vector<16xf32>
      %add3A_2432 = arith.addf %get3A_2422, %mul3A_2431 : vector<16xf32>
      %swap3A_2433 = arith.constant 96 : index
      %swap3A_2434 = tpu.vector_load %arg15[%swap3A_2433] {strides = array<i32>} : memref<128xf32, #tpu.memory_space<vmem>>, vector<16xf32>,
      %swap3A_2435 = vector.shape_cast %swap3A_2434 : vector<16xf32> to vector<16xf32>
      %swap3A_2436 = vector.shape_cast %add3A_2432 : vector<16xf32> to vector<16xf32>
      tpu.vector_store %arg15[%swap3A_2433], %swap3A_2436 {strides = array<i32>} : memref<128xf32, #tpu.memory_space<vmem>>, vector<16xf32>,
      %get3A_2437 = arith.constant 112 : index
      %get3A_2438 = tpu.vector_load %arg15[%get3A_2437] {strides = array<i32>} : memref<128xf32, #tpu.memory_space<vmem>>, vector<16xf32>,
      %get3A_2439 = vector.shape_cast %get3A_2438 : vector<16xf32> to vector<16xf32>
      %mul3A_2440 = arith.constant 16 : i32
      %mul3A_2441 = arith.muli %scan3A_227, %mul3A_2440 : i32
      %add3A_2442 = arith.constant 15 : i32
      %add3A_2443 = arith.addi %mul3A_2441, %add3A_2442 : i32
      %get3A_2444 = arith.index_cast %add3A_2443 : i32 to index
      %get3A_2445 = arith.constant 112 : index
      %get3A_2446 = tpu.vector_load %arg13[%get3A_2444, %get3A_2445] {strides = array<i32>} : memref<128x128xf32, #tpu.memory_space<vmem>>, vector<1x16xf32>,
      %get3A_2447 = vector.shape_cast %get3A_2446 : vector<1x16xf32> to vector<16xf32>
      %mul3A_2448 = arith.mulf %broadcast_in_dim3A_2317, %get3A_2447 : vector<16xf32>
      %add3A_2449 = arith.addf %get3A_2439, %mul3A_2448 : vector<16xf32>
      %swap3A_2450 = arith.constant 112 : index
      %swap3A_2451 = tpu.vector_load %arg15[%swap3A_2450] {strides = array<i32>} : memref<128xf32, #tpu.memory_space<vmem>>, vector<16xf32>,
      %swap3A_2452 = vector.shape_cast %swap3A_2451 : vector<16xf32> to vector<16xf32>
      %swap3A_2453 = vector.shape_cast %add3A_2449 : vector<16xf32> to vector<16xf32>
      tpu.vector_store %arg15[%swap3A_2450], %swap3A_2453 {strides = array<i32>} : memref<128xf32, #tpu.memory_space<vmem>>, vector<16xf32>,
    }
    %scan3A_220 = arith.constant 8 : i32
    "tpu.region"() ({
      %run_scoped3A = tpu.sem_alloc : memref<!tpu.dma_semaphore, #tpu.memory_space<semaphore_mem>>
      %dma_start3A_227 = arith.constant 0 : i32
      %dma_start3A_228 = tpu.memref_slice %arg20[%dma_start3A_227] : memref<128xf32, #tpu.memory_space<vmem_shared>> -> memref<128xf32, #tpu.memory_space<vmem_shared>>
      tpu.enqueue_indirect_dma source(%arg15 : memref<128xf32, #tpu.memory_space<vmem>>) target(%dma_start3A_228 : memref<128xf32, #tpu.memory_space<vmem_shared>>) offsets(%arg16 : memref<128xi32, #tpu.memory_space<vmem>>) semaphore(%run_scoped3A : memref<!tpu.dma_semaphore, #tpu.memory_space<semaphore_mem>>) {add = true}
      %dma_wait3A_229 = arith.constant 0 : i32
      %dma_wait3A_230 = tpu.memref_slice %arg20[%dma_wait3A_229] : memref<128xf32, #tpu.memory_space<vmem_shared>> -> memref<128xf32, #tpu.memory_space<vmem_shared>>
      tpu.wait_indirect_dma semaphore(%run_scoped3A : memref<!tpu.dma_semaphore, #tpu.memory_space<semaphore_mem>>) src(%arg15 : memref<128xf32, #tpu.memory_space<vmem>>) dst(%dma_wait3A_230 : memref<128xf32, #tpu.memory_space<vmem_shared>>)
      tpu.yield
    }) : () -> ()
    %barrier3A_221 = arith.constant 0 : index
    tpu.barrier barrier_id(%barrier3A_221)
    %eq3A_222 = arith.constant 0 : i32
    %eq3A_223 = arith.cmpi eq, %arg1, %eq3A_222 : i32
    %convert_element_type3A_224 = arith.extui %eq3A_223 : i1 to i32
    %cond3A_225 = arith.constant 0 : i32
    %cond3A_226 = arith.cmpi ne, %convert_element_type3A_224, %cond3A_225 : i32
    scf.if %cond3A_226 {
      "tpu.region"() ({
        %run_scoped3A = tpu.sem_alloc : memref<!tpu.dma_semaphore, #tpu.memory_space<semaphore_mem>>
        %dma_start3A_227 = arith.constant 0 : i32
        %dma_start3A_228 = tpu.memref_slice %arg5[%arg0, %dma_start3A_227] : memref<2x4096xf32, #tpu.memory_space<hbm>> -> memref<1x4096xf32, #tpu.memory_space<hbm>>
        %dma_start3A_229 = tpu.memref_squeeze %dma_start3A_228 : memref<1x4096xf32, #tpu.memory_space<hbm>> -> memref<4096xf32, #tpu.memory_space<hbm>>
        tpu.enqueue_dma source(%arg19 : memref<4096xf32, #tpu.memory_space<vmem_shared>>) target(%dma_start3A_229 : memref<4096xf32, #tpu.memory_space<hbm>>) target_semaphore(%run_scoped3A : memref<!tpu.dma_semaphore, #tpu.memory_space<semaphore_mem>>)
        %dma_wait3A_230 = arith.constant 0 : i32
        %dma_wait3A_231 = tpu.memref_slice %arg5[%arg0, %dma_wait3A_230] : memref<2x4096xf32, #tpu.memory_space<hbm>> -> memref<1x4096xf32, #tpu.memory_space<hbm>>
        %dma_wait3A_232 = tpu.memref_squeeze %dma_wait3A_231 : memref<1x4096xf32, #tpu.memory_space<hbm>> -> memref<4096xf32, #tpu.memory_space<hbm>>
        tpu.wait_dma2 semaphore(%run_scoped3A : memref<!tpu.dma_semaphore, #tpu.memory_space<semaphore_mem>>) src(%arg19 : memref<4096xf32, #tpu.memory_space<vmem_shared>>) dst(%dma_wait3A_232 : memref<4096xf32, #tpu.memory_space<hbm>>)
        tpu.yield
      }) : () -> ()
      "tpu.region"() ({
        %run_scoped3A = tpu.sem_alloc : memref<!tpu.dma_semaphore, #tpu.memory_space<semaphore_mem>>
        %dma_start3A_227 = arith.constant 0 : i32
        %dma_start3A_228 = tpu.memref_slice %arg6[%arg0, %dma_start3A_227] : memref<2x128xf32, #tpu.memory_space<hbm>> -> memref<1x128xf32, #tpu.memory_space<hbm>>
        %dma_start3A_229 = tpu.memref_squeeze %dma_start3A_228 : memref<1x128xf32, #tpu.memory_space<hbm>> -> memref<128xf32, #tpu.memory_space<hbm>>
        tpu.enqueue_dma source(%arg20 : memref<128xf32, #tpu.memory_space<vmem_shared>>) target(%dma_start3A_229 : memref<128xf32, #tpu.memory_space<hbm>>) target_semaphore(%run_scoped3A : memref<!tpu.dma_semaphore, #tpu.memory_space<semaphore_mem>>)
        %dma_wait3A_230 = arith.constant 0 : i32
        %dma_wait3A_231 = tpu.memref_slice %arg6[%arg0, %dma_wait3A_230] : memref<2x128xf32, #tpu.memory_space<hbm>> -> memref<1x128xf32, #tpu.memory_space<hbm>>
        %dma_wait3A_232 = tpu.memref_squeeze %dma_wait3A_231 : memref<1x128xf32, #tpu.memory_space<hbm>> -> memref<128xf32, #tpu.memory_space<hbm>>
        tpu.wait_dma2 semaphore(%run_scoped3A : memref<!tpu.dma_semaphore, #tpu.memory_space<semaphore_mem>>) src(%arg20 : memref<128xf32, #tpu.memory_space<vmem_shared>>) dst(%dma_wait3A_232 : memref<128xf32, #tpu.memory_space<hbm>>)
        tpu.yield
      }) : () -> ()
    } else {
    }
    return
  }
}

module attributes {stable_mosaic.version = 14 : i64} {
  func.func @_pre0_body(%arg0: memref<4096x128xf32, #tpu.memory_space<vmem>>, %arg1: memref<2x4096xf32, #tpu.memory_space<vmem>>, %arg2: memref<128x4096xf32, #tpu.memory_space<vmem>>, %arg3: memref<1x4096xf32, #tpu.memory_space<vmem>>, %arg4: memref<1x4096xf32, #tpu.memory_space<vmem>>) attributes {dimension_semantics = [], scalar_prefetch = 0 : i64, scratch_operands = 0 : i64, tpu.core_type = #tpu.core_type<tc>} {
    %get3A = arith.constant 0 : index
    %get3A_0 = arith.constant 0 : index
    %get3A_1 = vector.load %arg1[%get3A, %get3A_0] : memref<2x4096xf32, #tpu.memory_space<vmem>>, vector<1x4096xf32>
    %get3A_2 = arith.constant 0 : index
    %get3A_3 = arith.constant 0 : index
    %get3A_4 = vector.load %arg2[%get3A_2, %get3A_3] : memref<128x4096xf32, #tpu.memory_space<vmem>>, vector<128x4096xf32>
    %dot_general3A = arith.constant dense<0.000000e+00> : vector<1x128xf32>
    %dot_general3A_5 = tpu.matmul %get3A_1, %get3A_4, %dot_general3A {dimension_numbers = #tpu.dot_dimension_numbers<[1], [1], [0], [0], [0, 0, 1, 0], [], []>, precision = #tpu.contract_precision<fp32>, transpose_lhs_hint = false} : vector<1x4096xf32>, vector<128x4096xf32>, vector<1x128xf32> -> vector<1x128xf32>
    %get3A_6 = arith.constant 0 : index
    %get3A_7 = arith.constant 0 : index
    %get3A_8 = vector.load %arg3[%get3A_6, %get3A_7] : memref<1x4096xf32, #tpu.memory_space<vmem>>, vector<1x4096xf32>
    %mul3A = arith.mulf %get3A_8, %get3A_1 : vector<1x4096xf32>
    %reduce_sum3A = vector.shape_cast %mul3A : vector<1x4096xf32> to vector<1x1x4096xf32>
    %reduce_sum3A_9 = arith.constant dense<0.000000e+00> : vector<1xf32>
    %reduce_sum3A_10 = vector.multi_reduction <add>, %reduce_sum3A, %reduce_sum3A_9 [1, 2] : vector<1x1x4096xf32> to vector<1xf32>
    %reduce_sum3A_11 = vector.shape_cast %reduce_sum3A_10 : vector<1xf32> to vector<1x1x1xf32>
    %reduce_sum3A_12 = vector.extract %reduce_sum3A_11[0, 0, 0] : f32 from vector<1x1x1xf32>
    %broadcast_in_dim3A = vector.broadcast %reduce_sum3A_12 : f32 to vector<1x1xf32>
    %get3A_13 = arith.constant 0 : index
    %get3A_14 = arith.constant 0 : index
    %get3A_15 = vector.load %arg0[%get3A_13, %get3A_14] : memref<4096x128xf32, #tpu.memory_space<vmem>>, vector<4096x128xf32>
    %dot_general3A_16 = arith.constant dense<0.000000e+00> : vector<1x4096xf32>
    %dot_general3A_17 = tpu.matmul %dot_general3A_5, %get3A_15, %dot_general3A_16 {dimension_numbers = #tpu.dot_dimension_numbers<[1], [1], [0], [0], [0, 0, 1, 0], [], []>, precision = #tpu.contract_precision<fp32>, transpose_lhs_hint = false} : vector<1x128xf32>, vector<4096x128xf32>, vector<1x4096xf32> -> vector<1x4096xf32>
    %add3A = vector.broadcast %broadcast_in_dim3A : vector<1x1xf32> to vector<1x4096xf32>
    %add3A_18 = arith.addf %dot_general3A_17, %add3A : vector<1x4096xf32>
    %swap3A = arith.constant 0 : index
    %swap3A_19 = arith.constant 0 : index
    %swap3A_20 = vector.load %arg4[%swap3A, %swap3A_19] : memref<1x4096xf32, #tpu.memory_space<vmem>>, vector<1x4096xf32>
    tpu.vector_store %arg4[%swap3A, %swap3A_19], %add3A_18 {strides = array<i32>} : memref<1x4096xf32, #tpu.memory_space<vmem>>, vector<1x4096xf32>,
    return
  }
}

module attributes {stable_mosaic.version = 14 : i64} {
  func.func @_final_body(%arg0: memref<128x4096xf32, #tpu.memory_space<vmem>>, %arg1: memref<2x4096xf32, #tpu.memory_space<vmem>>, %arg2: memref<1x4096xf32, #tpu.memory_space<vmem>>, %arg3: memref<1x4096xf32, #tpu.memory_space<vmem>>, %arg4: memref<2x4096xf32, #tpu.memory_space<vmem>>, %arg5: memref<2x128xf32, #tpu.memory_space<vmem>>, %arg6: memref<1x4096xf32, #tpu.memory_space<vmem>>) attributes {dimension_semantics = [], scalar_prefetch = 0 : i64, scratch_operands = 0 : i64, tpu.core_type = #tpu.core_type<tc>} {
    %get3A = arith.constant 0 : index
    %get3A_0 = arith.constant 0 : index
    %get3A_1 = vector.load %arg4[%get3A, %get3A_0] : memref<2x4096xf32, #tpu.memory_space<vmem>>, vector<1x4096xf32>
    %get3A_2 = arith.constant 1 : index
    %get3A_3 = arith.constant 0 : index
    %get3A_4 = vector.load %arg4[%get3A_2, %get3A_3] : memref<2x4096xf32, #tpu.memory_space<vmem>>, vector<1x4096xf32>
    %add3A = arith.addf %get3A_1, %get3A_4 : vector<1x4096xf32>
    %get3A_5 = arith.constant 0 : index
    %get3A_6 = arith.constant 0 : index
    %get3A_7 = vector.load %arg5[%get3A_5, %get3A_6] : memref<2x128xf32, #tpu.memory_space<vmem>>, vector<1x128xf32>
    %get3A_8 = arith.constant 1 : index
    %get3A_9 = arith.constant 0 : index
    %get3A_10 = vector.load %arg5[%get3A_8, %get3A_9] : memref<2x128xf32, #tpu.memory_space<vmem>>, vector<1x128xf32>
    %add3A_11 = arith.addf %get3A_7, %get3A_10 : vector<1x128xf32>
    %get3A_12 = arith.constant 0 : index
    %get3A_13 = arith.constant 0 : index
    %get3A_14 = vector.load %arg0[%get3A_12, %get3A_13] : memref<128x4096xf32, #tpu.memory_space<vmem>>, vector<128x4096xf32>
    %dot_general3A = arith.constant dense<0.000000e+00> : vector<1x4096xf32>
    %dot_general3A_15 = tpu.matmul %add3A_11, %get3A_14, %dot_general3A {dimension_numbers = #tpu.dot_dimension_numbers<[1], [0], [0], [1], [0, 0, 1, 1], [], []>, precision = #tpu.contract_precision<fp32>, transpose_lhs_hint = false} : vector<1x128xf32>, vector<128x4096xf32>, vector<1x4096xf32> -> vector<1x4096xf32>
    %get3A_16 = arith.constant 1 : index
    %get3A_17 = arith.constant 0 : index
    %get3A_18 = vector.load %arg1[%get3A_16, %get3A_17] : memref<2x4096xf32, #tpu.memory_space<vmem>>, vector<1x4096xf32>
    %mul3A = arith.mulf %dot_general3A_15, %get3A_18 : vector<1x4096xf32>
    %reduce_sum3A = vector.shape_cast %mul3A : vector<1x4096xf32> to vector<1x1x4096xf32>
    %reduce_sum3A_19 = arith.constant dense<0.000000e+00> : vector<1xf32>
    %reduce_sum3A_20 = vector.multi_reduction <add>, %reduce_sum3A, %reduce_sum3A_19 [1, 2] : vector<1x1x4096xf32> to vector<1xf32>
    %reduce_sum3A_21 = vector.shape_cast %reduce_sum3A_20 : vector<1xf32> to vector<1x1x1xf32>
    %reduce_sum3A_22 = vector.extract %reduce_sum3A_21[0, 0, 0] : f32 from vector<1x1x1xf32>
    %broadcast_in_dim3A = vector.broadcast %reduce_sum3A_22 : f32 to vector<1x1xf32>
    %get3A_23 = arith.constant 0 : index
    %get3A_24 = arith.constant 0 : index
    %get3A_25 = vector.load %arg3[%get3A_23, %get3A_24] : memref<1x4096xf32, #tpu.memory_space<vmem>>, vector<1x4096xf32>
    %mul3A_26 = vector.broadcast %broadcast_in_dim3A : vector<1x1xf32> to vector<1x4096xf32>
    %mul3A_27 = arith.mulf %add3A, %mul3A_26 : vector<1x4096xf32>
    %add3A_28 = arith.addf %get3A_25, %mul3A_27 : vector<1x4096xf32>
    %ge3A = arith.constant 0.000000e+00 : f32
    %ge3A_29 = vector.broadcast %ge3A : f32 to vector<1x4096xf32>
    %ge3A_30 = arith.cmpf oge, %add3A_28, %ge3A_29 : vector<1x4096xf32>
    %mul3A_31 = arith.constant 2.000000e-01 : f32
    %mul3A_32 = vector.broadcast %mul3A_31 : f32 to vector<1x4096xf32>
    %mul3A_33 = arith.mulf %mul3A_32, %add3A_28 : vector<1x4096xf32>
    %select_n3A = arith.select %ge3A_30, %add3A_28, %mul3A_33 : vector<1x4096xi1>, vector<1x4096xf32>
    %mul3A_34 = arith.mulf %dot_general3A_15, %select_n3A : vector<1x4096xf32>
    %reduce_sum3A_35 = vector.shape_cast %mul3A_34 : vector<1x4096xf32> to vector<1x1x4096xf32>
    %reduce_sum3A_36 = arith.constant dense<0.000000e+00> : vector<1xf32>
    %reduce_sum3A_37 = vector.multi_reduction <add>, %reduce_sum3A_35, %reduce_sum3A_36 [1, 2] : vector<1x1x4096xf32> to vector<1xf32>
    %reduce_sum3A_38 = vector.shape_cast %reduce_sum3A_37 : vector<1xf32> to vector<1x1x1xf32>
    %reduce_sum3A_39 = vector.extract %reduce_sum3A_38[0, 0, 0] : f32 from vector<1x1x1xf32>
    %broadcast_in_dim3A_40 = vector.broadcast %reduce_sum3A_39 : f32 to vector<1x1xf32>
    %mul3A_41 = vector.broadcast %broadcast_in_dim3A_40 : vector<1x1xf32> to vector<1x4096xf32>
    %mul3A_42 = arith.mulf %add3A, %mul3A_41 : vector<1x4096xf32>
    %get3A_43 = arith.constant 0 : index
    %get3A_44 = arith.constant 0 : index
    %get3A_45 = vector.load %arg2[%get3A_43, %get3A_44] : memref<1x4096xf32, #tpu.memory_space<vmem>>, vector<1x4096xf32>
    %add3A_46 = arith.addf %mul3A_42, %get3A_45 : vector<1x4096xf32>
    %max3A = arith.constant 0.000000e+00 : f32
    %max3A_47 = vector.broadcast %max3A : f32 to vector<1x4096xf32>
    %max3A_48 = arith.maximumf %add3A_46, %max3A_47 : vector<1x4096xf32>
    %swap3A = arith.constant 0 : index
    %swap3A_49 = arith.constant 0 : index
    %swap3A_50 = vector.load %arg6[%swap3A, %swap3A_49] : memref<1x4096xf32, #tpu.memory_space<vmem>>, vector<1x4096xf32>
    tpu.vector_store %arg6[%swap3A, %swap3A_49], %max3A_48 {strides = array<i32>} : memref<1x4096xf32, #tpu.memory_space<vmem>>, vector<1x4096xf32>,
    return
  }
}

</mosaic_0001>

<sc_bundles>
// kernel: kernel.5.cloned.1.call-start
scs
__scs_entry_jumppad:
0x0: {  	(pc) =	sbr.rel $0x88, $3  }
0x1: {  	(tag) =	ssettag $0x0;
	lr =	simm.s32 $0x1  }
0x2: {  	[smem:$0x3F9A] =	sst lr;
	_ =	strace $0xD0000000  }
0x3: {  	_ = 	snop  }
0x4: {  	_ = 	snop  }
0x5: {  	_ = 	snop  }
0x6: {  	_ = 	snop  }
0x7: {  	_ = 	snop  }
__scs_overlays_trampoline_lowered:
0x8: {  	[smem:$0x3FA9] =	sst s0  }
0x9: {  	[smem:$0x3FAA] =	sst s1  }
0xa: {  	[smem:$0x3FAB] =	sst s2  }
0xb: {  	[smem:$0x3FAC] =	sst s3  }
0xc: {  	[smem:$0x3FAD] =	sst s4  }
0xd: {  	[smem:$0x3FAE] =	sst s5  }
0xe: {  	[smem:$0x3FAF] =	sst s6  }
0xf: {  	[smem:$0x3FB0] =	sst s7  }
0x10: {  	[smem:$0x3FB1] =	sst s8  }
0x11: {  	[smem:$0x3FB2] =	sst s9;
	s0 =	simm.s32 @!p0 $0x0  }
0x12: {  	s1 =	sld [smem:$0x3F98];
	s0 =	simm.s32 @p0 $0x1  }
0x13: {  	[smem:$0x3FB3] =	sst s0;
	s0 =	simm.s32 @!p1 $0x0  }
0x14: {  	s2 =	sld [smem:$0x3F97];
	s0 =	simm.s32 @p1 $0x1  }
0x15: {  	[smem:$0x3FB4] =	sst s0;
	s0 =	simm.s32 @!p2 $0x0  }
0x16: {  	s3 =	sld [smem:$0x3FDB];
	s0 =	simm.s32 @p2 $0x1  }
0x17: {  	s4 =	simm.s32 $0x1BF5;
	[smem:$0x3FB6] =	sst s0  }
0x18: {  	s0 =	sld [smem:$0x3F99];
	_ =	swait.ge [sflag:s4], $0x0  }
0x19: {  	s7 =	sld [smem:$0x3F9A]  }
0x1a: {  	s8 =	sadd.s32 $0xFFFFE003, lr  }
0x1b: {  	s9 =	sadd.s32 $0xFFFFFEF7, lr;
	s5 =	simm.s32 $0xFFFFFFFF;
	p2 =	slt.u32 s8, $0xFFFFF086  }
0x1c: {  	p1 =	slt.u32 s9, $0xF7A;
	s5 =	simm.s32 @!p2 $0x0  }
0x1d: {  	s5 =	simm.s32 @p1 $0x1;
	p0 =	seq.s32 s7, s2  }
0x1e: {  	s7 =	smul.u32 @!p0 $0xF7A, s2;
	p2 =	seq.s32 @!p0 s5, $0x0  }
0x1f: {  	s9 =	smul.u32 $0xF7A, s1;
	s8 =	simm.s32 @!p0 $0x1BF5;
	p2 =	por !p2, p0  }
0x20: {  	[sflag:s8] =	ssyncset.s32 @!p0 $0xFFFFF086;
	s6 =	sadd.s32 @!p0 s3, s7;
	s7 =	simm.s32 @!p0 $0x108  }
0x21: {  	s3 =	sadd.s32 s3, s9;
	s6 =	sadd.s32 @!p0 $0x88, s6;
	s7 =	simm.s32 @p2 $0x1082  }
0x22: {  	[simem:s7], [sflag:s8] =	dma.local @!p0 [hbm:s6], $0xF7A  }
0x23: {  	s9 =	sor.u32 $0xD0000000, s2;
	s6 =	simm.s32 $0x108;
	_ =	swait.ge @!p0 [sflag:s8], $0x0  }
0x24: {  	s3 =	sadd.s32 $0x88, s3;
	s6 =	simm.s32 @!p1 $0x1082;
	[sflag:s4] =	ssyncset.s32 $0xFFFFF086  }
0x25: {  	[simem:s6], [sflag:s4] =	dma.local [hbm:s3], $0xF7A  }
0x26: {  	[smem:$0x3F9A] =	sst s1;
	(tag) =	ssettag s2;
	_ =	strace s9  }
0x27: {  	s1 =	sld [smem:$0x3FAA]  }
0x28: {  	s2 =	sld [smem:$0x3FAB]  }
0x29: {  	s4 =	sld [smem:$0x3FAD]  }
0x2a: {  	p0 =	seq.s32 s5, $0x0;
	s5 =	sld [smem:$0x3FAE]  }
0x2b: {  	s6 =	sld [smem:$0x3FAF]  }
0x2c: {  	s7 =	sld [smem:$0x3FB0]  }
0x2d: {  	s3 =	simm.s32 $0x108;
	s8 =	sld [smem:$0x3FB1]  }
0x2e: {  	s3 =	simm.s32 @!p0 $0x1082;
	s9 =	sld [smem:$0x3FB2]  }
0x2f: {  	lr =	sadd.s32 s0, s3;
	s0 =	sld [smem:$0x3FA9]  }
0x30: {  	s3 =	sld [smem:$0x3FAC]  }
0x31: {  	[smem:$0x3FB5] =	sst s10  }
0x32: {  	s10 =	sld [smem:$0x3FB3];
	_ =	sdelay $0x3  }
0x33: {  	p0 =	seq.s32 s10, $0x1;
	s10 =	sld [smem:$0x3FB5];
	_ =	sdelay $0x3  }
0x34: {  	[smem:$0x3FB5] =	sst s10  }
0x35: {  	s10 =	sld [smem:$0x3FB4];
	_ =	sdelay $0x3  }
0x36: {  	p1 =	seq.s32 s10, $0x1;
	s10 =	sld [smem:$0x3FB5];
	_ =	sdelay $0x3  }
0x37: {  	[smem:$0x3FB5] =	sst s10  }
0x38: {  	s10 =	sld [smem:$0x3FB6]  }
0x39: {  	_ = 	snop;
	(pc) =	sbr.ind lr, $3  }
0x3a: {  	_ = 	snop  }
0x3b: {  	_ = 	snop  }
0x3c: {  	p2 =	seq.s32 s10, $0x1;
	s10 =	sld [smem:$0x3FB5]  }
0x3d: {  	_ =	shalt  }
0x3e: {  	_ =	shalt  }
0x3f: {  	_ =	shalt  }
0x40: {  	_ =	shalt  }
0x41: {  	_ =	shalt  }
0x42: {  	_ =	shalt  }
0x43: {  	_ =	shalt  }
0x44: {  	_ =	shalt  }
0x45: {  	_ =	shalt  }
0x46: {  	_ =	shalt  }
0x47: {  	_ =	shalt  }
0x48: {  	_ =	shalt  }
0x49: {  	_ =	shalt  }
0x4a: {  	_ =	shalt  }
0x4b: {  	_ =	shalt  }
0x4c: {  	_ =	shalt  }
0x4d: {  	_ =	shalt  }
0x4e: {  	_ =	shalt  }
0x4f: {  	_ =	shalt  }
0x50: {  	_ =	shalt  }
0x51: {  	_ =	shalt  }
0x52: {  	_ =	shalt  }
0x53: {  	_ =	shalt  }
0x54: {  	_ =	shalt  }
0x55: {  	_ =	shalt  }
0x56: {  	_ =	shalt  }
0x57: {  	_ =	shalt  }
0x58: {  	_ =	shalt  }
0x59: {  	_ =	shalt  }
0x5a: {  	_ =	shalt  }
0x5b: {  	_ =	shalt  }
0x5c: {  	_ =	shalt  }
0x5d: {  	_ =	shalt  }
0x5e: {  	_ =	shalt  }
0x5f: {  	_ =	shalt  }
0x60: {  	_ =	shalt  }
0x61: {  	_ =	shalt  }
0x62: {  	_ =	shalt  }
0x63: {  	_ =	shalt  }
0x64: {  	_ =	shalt  }
0x65: {  	_ =	shalt  }
0x66: {  	_ =	shalt  }
0x67: {  	_ =	shalt  }
0x68: {  	_ =	shalt  }
0x69: {  	_ =	shalt  }
0x6a: {  	_ =	shalt  }
0x6b: {  	_ =	shalt  }
0x6c: {  	_ =	shalt  }
0x6d: {  	_ =	shalt  }
0x6e: {  	_ =	shalt  }
0x6f: {  	_ =	shalt  }
0x70: {  	_ =	shalt  }
0x71: {  	_ =	shalt  }
0x72: {  	_ =	shalt  }
0x73: {  	_ =	shalt  }
0x74: {  	_ =	shalt  }
0x75: {  	_ =	shalt  }
0x76: {  	_ =	shalt  }
0x77: {  	_ =	shalt  }
0x78: {  	_ =	shalt  }
0x79: {  	_ =	shalt  }
0x7a: {  	_ =	shalt  }
0x7b: {  	_ =	shalt  }
0x7c: {  	_ =	shalt  }
0x7d: {  	_ =	shalt  }
0x7e: {  	_ =	shalt  }
0x7f: {  	_ =	shalt  }
0x80: {  	_ =	shalt  }
0x81: {  	_ =	shalt  }
0x82: {  	_ =	shalt  }
0x83: {  	_ =	shalt  }
0x84: {  	_ =	shalt  }
0x85: {  	_ =	shalt  }
0x86: {  	_ =	shalt  }
0x87: {  	_ =	shalt  }
.Lfunc_end0:
.L_simem_size_0:
called_computation_lowered:
.L_overlay_start_0:
0x88: {  	s2 =	sld [smem:$0x3FD9]  }
0x89: {  	s3 =	sld [smem:$0x3FFE];
	_ =	sdelay $0x1  }
0x8a: {  	s1 =	srdreg.scid  }
0x8b: {  	s0 =	sand.u32 $0x1, s1  }
0x8c: {  	s17 =	sshll.u32 s0, $0xA;
	s2 =	sadd.s32 s3, s2  }
0x8d: {  	s2 =	sadd.s32 s2, s17  }
0x8e: {  	[smem:$0x3FC1] =	sst s2  }
0x8f: {  	_ = 	snop  }
0x90: {  	s2 =	sld [smem:$0x3FC9]  }
0x91: {  	s18 =	sld [smem:$0x3FD0];
	(tm) =	ssettm $0x1  }
0x92: {  	s4 =	sld [smem:$0x3FFB];
	_ =	sdelay $0x3  }
0x93: {  	_ =	strace s4  }
0x94: {  	s4 =	sld [smem:$0x3FFC];
	_ =	sdelay $0x3  }
0x95: {  	_ =	strace s4  }
0x96: {  	s4 =	sld [smem:$0x3FFD];
	_ =	sdelay $0x3  }
0x97: {  	_ =	strace s4  }
0x98: {  	_ =	strace $0x8FFFFFFF  }
0x99: {  	s19 =	sld [smem:$0x3FDB];
	_ =	sdelay $0x1  }
0x9a: {  	s5 =	simm.s32 $_scs_section_size  }
0x9b: {  	s6 =	simm.s32 $_size__tile_overlayer_lowered;
	s7 =	simm.s32 $_tile_overlayer_lowered  }
0x9c: {  	s22 =	simm.s32 $0x1BFF;
	s21 =	sshll.u32 s7, $0x1;
	s4 =	sadd.s32 s5, s19  }
0x9d: {  	s8 =	simm.s32 $0x0;
	s20 =	sshll.u32 s6, $0x1;
	s6 =	sadd.s32 s21, s4  }
0x9e: {  	[timem:s8], [sflag:s22] =	dma.local [hbm:s6], s20  }
0x9f: {  	_ =	swait.ge [sflag:s22], s20  }
0xa0: {  	s5 =	ssub.s32 $0x0, s20;
	[sflag:s22] =	ssyncset.done $0x0  }
0xa1: {  	[sflag:s22] =	ssyncadd.s32 s5;
	_ =	sdelay $0x1  }
0xa2: {  	s23 =	simm.s32 $0x1B8B  }
0xa3: {  	_ =	swait.ge [sflag:s23], $0x1  }
0xa4: {  	[sflag:s23] =	ssyncset.done $0x0  }
0xa5: {  	s25 =	simm.s32 $0x1B8E;
	s24 =	sld [smem:$0x3FFE];
	[sflag:s23] =	ssyncadd.s32 $0xFFFFFFFF  }
0xa6: {  	s26 =	simm.s32 $execute0_lowered;
	[smem:$0x3FD2] =	sst s25  }
0xa7: {  	s6 =	sshll.u32 s26, $0x1;
	_ =	strace $0x80000046;
	[dreg:$0x1] =	wrdreg $0xFFFFFFFF  }
0xa8: {  	s28 =	simm.s32 $_size_execute0_lowered;
	s4 =	sadd.s32 s4, s6;
	[dreg:$0x0] =	wrdreg $0x0  }
0xa9: {  	s6 =	sshll.u32 s28, $0x1;
	[dreg:$0x2] =	wrdreg s4  }
0xaa: {  	[dreg:$0x3] =	wrdreg s6  }
0xab: {  	[dreg:$0x4] =	wrdreg $0xC0  }
0xac: {  	_ =	task [dreg:s8], $0x5FFFF  }
0xad: {  	[dreg:$0x1] =	wrdreg $0xFFFFFFFF  }
0xae: {  	[dreg:$0x0] =	wrdreg $0x60  }
0xaf: {  	[dreg:$0x2] =	wrdreg s24  }
0xb0: {  	[dreg:$0x3] =	wrdreg s2  }
0xb1: {  	[dreg:$0x4] =	wrdreg s18  }
0xb2: {  	[dreg:$0x5] =	wrdreg $0x87000  }
0xb3: {  	[dreg:$0x6] =	wrdreg $0x89000  }
0xb4: {  	[dreg:$0x7] =	wrdreg $0x8A000  }
0xb5: {  	[dreg:$0x8] =	wrdreg $0x88000  }
0xb6: {  	[dreg:$0x9] =	wrdreg $0x9  }
0xb7: {  	_ =	task.clear_ibuf [dreg:s8], $0xAFFFF;
	_ =	strace $0x90000046  }
0xb8: {  	s29 =	simm.s32 $0x9;
	_ =	strace $0x80000048  }
0xb9: {  	_ =	swait.ge [sflag:s29], $0x1  }
0xba: {  	[sflag:s29] =	ssyncadd.s32 $0xFFFFFFFF  }
0xbb: {  	_ =	strace $0x90000048  }
0xbc: {  	_ =	sfence  }
0xbd: {  	s30 =	sld [smem:$0x0];
	_ =	sdelay $0x2  }
0xbe: {  	s31 =	sshll.u32 s1, $0xD;
	s1 =	sshrl.u32 s1, $0x2  }
0xbf: {  	s3 =	sand.u32 $0x4000, s31;
	s1 =	sadd.s32 s1, s30  }
0xc0: {  	s0 =	sor.u32 s3, s0;
	s1 =	sshll.u32 s1, $0x11  }
0xc1: {  	s0 =	sor.u32 s1, s0  }
0xc2: {  	s0 =	sadd.s32 $0x8F2B, s0  }
0xc3: {  	[sflag:s0] =	ssyncadd.remote.s32 $0x1  }
0xc4: {  	_ =	sfence.sel $0xFFFF  }
0xc5: {  	[dreg:$0x0] =	wrdreg $0xFFFFFFFF;
	(pc) =	sbr.abs _section_cstart, $3  }
0xc6: {  	[dreg:$0x1] =	wrdreg $0xFFFFFFFF  }
0xc7: {  	_ =	task.clear_ibuf [dreg:s8], $0x2FFFF;
	_ =	strace $0x9FFFFFFF  }
0xc8: {  	(tm) =	ssettm $0x7FFFFFFF  }
0xc9: {  	_ =	shalt  }
tec
execute0_lowered:
.L_overlay_start_1:
0x0: {  	(tag) =	ssettag $0x1  }
0x1: {  	s0 =	rddreg [dreg:$0x0]  }
0x2: {  	s6 =	rddreg [dreg:$0x1]  }
0x3: {  	s7 =	rddreg [dreg:$0x2]  }
0x4: {  	s1 =	rddreg [dreg:$0x3]  }
0x5: {  	s2 =	rddreg [dreg:$0x4]  }
0x6: {  	s3 =	rddreg [dreg:$0x5]  }
0x7: {  	s4 =	rddreg [dreg:$0x6]  }
0x8: {  	s5 =	simm.s32 $0x0;
	s8 =	stileid.u32;
	s9 =	srdreg.scid  }
0x9: {  	s18 =	simm.s32 $0x1;
	s19 =	simm.s32 $0x80;
	s20 =	simm.s32 $0x3400  }
0xa: {  	s28 =	simm.s32 $0x3200;
	s29 =	simm.s32 $0x3280;
	s30 =	simm.s32 $0x3300  }
0xb: {  	s31 =	simm.s32 $0x3380;
	s17 =	simm.s32 $0x3;
	[smem:$0x7FF] =	sst s5  }
0xc: {  	s10 =	sshll.u32 s8, $0xA;
	s11 =	sand.u32 $0x1, s9;
	s22 =	sshll.u32 s8, $0x1  }
0xd: {  	s24 =	sshll.u32 s8, $0x8;
	p0 =	sne.s32 s8, $0x0;
	_ =	strace $0x80000047  }
0xe: {  	s10 =	sadd.s32 s10, s0;
	s9 =	sor.u32 s11, s22;
	s14 =	sshll.u32 s11, $0x4  }
0xf: {  	s13 =	ssub.s32 $0x2, s11;
	s25 =	sadd.s32 s24, s1;
	s11 =	sshll.u32 s11, $0xC  }
0x10: {  	s22 =	simm.s32 $0x4;
	s12 =	sshll.u32 s9, $0x9;
	s16 =	sshrl.u32 s13, $0x1  }
0x11: {  	s10 =	sadd.s32 $0x5600, s10;
	s9 =	sshll.u32 s9, $0xB;
	[dreg:$0xb] =	wrdreg s25  }
0x12: {  	s25 =	simm.s32 $0x3100;
	s15 =	sadd.s32 s12, s0;
	s0 =	sadd.s32 s14, s0  }
0x13: {  	s16 =	ssub.s32 s13, s16;
	[dreg:$0x8] =	wrdreg s10;
	s6 =	sadd.s32 s6, s9  }
0x14: {  	s10 =	sadd.s32 s24, s4;
	s26 =	sshrl.u32 s12, $0x2;
	s14 =	sadd.s32 s7, s14  }
0x15: {  	v0 =	vlaneseq.u32;
	s9 =	simm.s32 $0x4480;
	s24 =	simm.s32 $0x3080;
	s23 =	sadd.s32 $0x1600, s15  }
0x16: {  	v1 =	vimm.f32 $1.000000000e+00;
	v9 =	vimm.f32 $0.0e+00;
	v2 =	vor.u32 $0x10, v0;
	[dreg:$0xa] =	wrdreg s6;
	s12 =	sadd.s32 s26, s4;
	s13 =	sadd.s32 $0x9600, s0  }
0x17: {  	v3 =	vor.u32 $0x20, v0;
	v4 =	vor.u32 $0x30, v0;
	v5 =	vor.u32 $0x40, v0;
	s15 =	smax.u32 s16, $0x1;
	s26 =	simm.s32 $0x3180;
	s0 =	simm.s32 $0x2  }
0x18: {  	v6 =	vor.u32 $0x50, v0;
	v7 =	vor.u32 $0x60, v0;
	v8 =	vor.u32 $0x70, v0;
	s16 =	simm.s32 $0x0;
	[dreg:$0x9] =	wrdreg s23;
	s23 =	simm.s32 $0x3000  }
.LBB2_1:
0x19: {  	s6 =	rddreg [dreg:$0x8]  }
0x1a: {  	[tilespmem:s5], [sflag:$0x1] =	stream.linear.gather [hbm4b:s6+s5], $0x2000, $0x38;
	[tilespmem:$0x8A08] =	vst v63  }
0x1b: {  	s21 =	rddreg [dreg:$0x9];
	s7 =	simm.s32 $0x2000  }
0x1c: {  	[tilespmem:s7], [sflag:$0x2] =	stream.linear.gather [hbm4b:s21+s5], $0x1000, $0x38;
	[tilespmem:$0x8A08] =	vst v63  }
0x1d: {  	s8 =	rddreg [dreg:$0xa];
	s21 =	simm.s32 $0x4580  }
0x1e: {  	[tilespmem:s21], [sflag:$0x3] =	stream.linear.gather [hbm4b:s8+s5], $0x4000, $0x38;
	[tilespmem:$0x8A08] =	vst v63  }
0x1f: {  	[tilespmem:$0x3400] =	vst v1  }
0x20: {  	[tilespmem:$0x3410] =	vst v1  }
0x21: {  	[tilespmem:$0x3420] =	vst v1  }
0x22: {  	[tilespmem:$0x3430] =	vst v1  }
0x23: {  	[tilespmem:$0x3440] =	vst v1  }
0x24: {  	[tilespmem:$0x3450] =	vst v1  }
0x25: {  	[tilespmem:$0x3460] =	vst v1  }
0x26: {  	[tilespmem:$0x3470] =	vst v1  }
0x27: {  	[tilespmem:$0x8680] =	vst v0  }
0x28: {  	[tilespmem:$0x8690] =	vst v2  }
0x29: {  	[tilespmem:$0x86A0] =	vst v3  }
0x2a: {  	[tilespmem:$0x86B0] =	vst v4  }
0x2b: {  	[tilespmem:$0x86C0] =	vst v5  }
0x2c: {  	[tilespmem:$0x86D0] =	vst v6  }
0x2d: {  	[tilespmem:$0x86E0] =	vst v7  }
0x2e: {  	s6 =	simm.s32 $0x40;
	s7 =	simm.s32 $0x0;
	[tilespmem:$0x86F0] =	vst v8  }
.LBB2_2:
0x2f: {  	p1 =	sne.s32 s6, $0x3FC0;
	[tilespmem:s7+$0x3480] =	vst v9;
	s7 =	smov.u32 s6;
	s6 =	sadd.s32 $0x40, s6  }
.Ltmp0:
0x30: {  	(pc) =	sbr.rel @p1 .LBB2_2-.Ltmp0, $2  }
0x31: {  	_ =	sdelay $0x2  }
0x32: {  	s7 =	sshra.s32 s7, $0x2  }
0x33: {  	[tilespmem:s7+$0x3480] =	vst v9  }
0x34: {  	[tilespmem:$0x8600] =	vst v9  }
0x35: {  	[tilespmem:$0x8610] =	vst v9  }
0x36: {  	[tilespmem:$0x8620] =	vst v9  }
0x37: {  	[tilespmem:$0x8630] =	vst v9  }
0x38: {  	[tilespmem:$0x8640] =	vst v9  }
0x39: {  	[tilespmem:$0x8650] =	vst v9  }
0x3a: {  	[tilespmem:$0x8660] =	vst v9  }
0x3b: {  	s6 =	simm.s32 @!p0 $0x3480;
	s7 =	simm.s32 @!p0 $0x4;
	[tilespmem:$0x8670] =	vst v9  }
0x3c: {  	[spmem:s1] =	stream.linear.scatter @!p0 [tilespmem:s6], [sflag:$0x4], $0x1000, $0x38;
	[tilespmem:$0x8A08] =	vst v63  }
0x3d: {  	_ =	swait.ge @!p0 [sflag:s7], $0x1000  }
0x3e: {  	[sflag:s7] =	ssyncset.done @!p0 $0x0  }
0x3f: {  	[sflag:s7] =	ssyncadd.s32 @!p0 $0xFFFFF000  }
0x40: {  	[spmem:s2] =	stream.linear.scatter @!p0 [tilespmem:s6], [sflag:$0x4], $0x1000, $0x38;
	[tilespmem:$0x8A08] =	vst v63  }
0x41: {  	_ =	swait.ge @!p0 [sflag:s7], $0x1000  }
0x42: {  	[sflag:s7] =	ssyncset.done @!p0 $0x0  }
0x43: {  	s6 =	simm.s32 @!p0 $0x8600;
	[sflag:s7] =	ssyncadd.s32 @!p0 $0xFFFFF000  }
0x44: {  	[spmem:s3] =	stream.linear.scatter @!p0 [tilespmem:s6], [sflag:$0x4], $0x80, $0x38;
	[tilespmem:$0x8A08] =	vst v63  }
0x45: {  	_ =	swait.ge @!p0 [sflag:s7], $0x80  }
0x46: {  	[sflag:s7] =	ssyncset.done @!p0 $0x0  }
0x47: {  	[sflag:s7] =	ssyncadd.s32 @!p0 $0xFFFFFF80  }
0x48: {  	[bflag:$0x0] =	sbarrier.arrive $0xFFFF  }
0x49: {  	_ =	swait.ge [sflag:s18], $0x2000  }
0x4a: {  	[sflag:s18] =	ssyncset.done $0x0  }
0x4b: {  	s21 =	simm.s32 $0x0;
	[sflag:s18] =	ssyncadd.s32 $0xFFFFE000  }
0x4c: {  	[spmem:s1] =	stream.indirect.scatter.add.f32 [tilespmem:s20], [sflag:$0x1], $0x1, s21, s19, $0xb8;
	[tilespmem:$0x8A08] =	vst v63  }
0x4d: {  	s7 =	simm.s32 $0x80  }
0x4e: {  	[spmem:s1] =	stream.indirect.scatter.add.f32 [tilespmem:s20], [sflag:$0x1], $0x1, s7, s19, $0xb8;
	[tilespmem:$0x8A08] =	vst v63  }
0x4f: {  	s8 =	simm.s32 $0x100  }
0x50: {  	[spmem:s1] =	stream.indirect.scatter.add.f32 [tilespmem:s20], [sflag:$0x1], $0x1, s8, s19, $0xb8;
	[tilespmem:$0x8A08] =	vst v63  }
0x51: {  	s21 =	simm.s32 $0x180  }
0x52: {  	[spmem:s1] =	stream.indirect.scatter.add.f32 [tilespmem:s20], [sflag:$0x1], $0x1, s21, s19, $0xb8;
	[tilespmem:$0x8A08] =	vst v63  }
0x53: {  	s7 =	simm.s32 $0x200  }
0x54: {  	[spmem:s1] =	stream.indirect.scatter.add.f32 [tilespmem:s20], [sflag:$0x1], $0x1, s7, s19, $0xb8;
	[tilespmem:$0x8A08] =	vst v63  }
0x55: {  	s8 =	simm.s32 $0x280  }
0x56: {  	[spmem:s1] =	stream.indirect.scatter.add.f32 [tilespmem:s20], [sflag:$0x1], $0x1, s8, s19, $0xb8;
	[tilespmem:$0x8A08] =	vst v63  }
0x57: {  	s21 =	simm.s32 $0x300  }
0x58: {  	[spmem:s1] =	stream.indirect.scatter.add.f32 [tilespmem:s20], [sflag:$0x1], $0x1, s21, s19, $0xb8;
	[tilespmem:$0x8A08] =	vst v63  }
0x59: {  	s7 =	simm.s32 $0x380  }
0x5a: {  	[spmem:s1] =	stream.indirect.scatter.add.f32 [tilespmem:s20], [sflag:$0x1], $0x1, s7, s19, $0xb8;
	[tilespmem:$0x8A08] =	vst v63  }
0x5b: {  	s8 =	simm.s32 $0x400  }
0x5c: {  	[spmem:s1] =	stream.indirect.scatter.add.f32 [tilespmem:s20], [sflag:$0x1], $0x1, s8, s19, $0xb8;
	[tilespmem:$0x8A08] =	vst v63  }
0x5d: {  	s21 =	simm.s32 $0x480  }
0x5e: {  	[spmem:s1] =	stream.indirect.scatter.add.f32 [tilespmem:s20], [sflag:$0x1], $0x1, s21, s19, $0xb8;
	[tilespmem:$0x8A08] =	vst v63  }
0x5f: {  	s7 =	simm.s32 $0x500  }
0x60: {  	[spmem:s1] =	stream.indirect.scatter.add.f32 [tilespmem:s20], [sflag:$0x1], $0x1, s7, s19, $0xb8;
	[tilespmem:$0x8A08] =	vst v63  }
0x61: {  	s8 =	simm.s32 $0x580  }
0x62: {  	[spmem:s1] =	stream.indirect.scatter.add.f32 [tilespmem:s20], [sflag:$0x1], $0x1, s8, s19, $0xb8;
	[tilespmem:$0x8A08] =	vst v63  }
0x63: {  	s21 =	simm.s32 $0x600  }
0x64: {  	[spmem:s1] =	stream.indirect.scatter.add.f32 [tilespmem:s20], [sflag:$0x1], $0x1, s21, s19, $0xb8;
	[tilespmem:$0x8A08] =	vst v63  }
0x65: {  	s7 =	simm.s32 $0x680  }
0x66: {  	[spmem:s1] =	stream.indirect.scatter.add.f32 [tilespmem:s20], [sflag:$0x1], $0x1, s7, s19, $0xb8;
	[tilespmem:$0x8A08] =	vst v63  }
0x67: {  	s8 =	simm.s32 $0x700  }
0x68: {  	[spmem:s1] =	stream.indirect.scatter.add.f32 [tilespmem:s20], [sflag:$0x1], $0x1, s8, s19, $0xb8;
	[tilespmem:$0x8A08] =	vst v63  }
0x69: {  	s21 =	simm.s32 $0x780  }
0x6a: {  	[spmem:s1] =	stream.indirect.scatter.add.f32 [tilespmem:s20], [sflag:$0x1], $0x1, s21, s19, $0xb8;
	[tilespmem:$0x8A08] =	vst v63  }
0x6b: {  	_ =	swait.ge [sflag:s18], $0x80  }
0x6c: {  	[sflag:s18] =	ssyncset.done $0x0  }
0x6d: {  	[sflag:s18] =	ssyncadd.s32 $0xFFFFFF80  }
0x6e: {  	_ =	swait.ge [sflag:s18], $0x80  }
0x6f: {  	[sflag:s18] =	ssyncset.done $0x0  }
0x70: {  	[sflag:s18] =	ssyncadd.s32 $0xFFFFFF80  }
0x71: {  	_ =	swait.ge [sflag:s18], $0x80  }
0x72: {  	[sflag:s18] =	ssyncset.done $0x0  }
0x73: {  	[sflag:s18] =	ssyncadd.s32 $0xFFFFFF80  }
0x74: {  	_ =	swait.ge [sflag:s18], $0x80  }
0x75: {  	[sflag:s18] =	ssyncset.done $0x0  }
0x76: {  	[sflag:s18] =	ssyncadd.s32 $0xFFFFFF80  }
0x77: {  	_ =	swait.ge [sflag:s18], $0x80  }
0x78: {  	[sflag:s18] =	ssyncset.done $0x0  }
0x79: {  	[sflag:s18] =	ssyncadd.s32 $0xFFFFFF80  }
0x7a: {  	_ =	swait.ge [sflag:s18], $0x80  }
0x7b: {  	[sflag:s18] =	ssyncset.done $0x0  }
0x7c: {  	[sflag:s18] =	ssyncadd.s32 $0xFFFFFF80  }
0x7d: {  	_ =	swait.ge [sflag:s18], $0x80  }
0x7e: {  	[sflag:s18] =	ssyncset.done $0x0  }
0x7f: {  	[sflag:s18] =	ssyncadd.s32 $0xFFFFFF80  }
0x80: {  	_ =	swait.ge [sflag:s18], $0x80  }
0x81: {  	[sflag:s18] =	ssyncset.done $0x0  }
0x82: {  	[sflag:s18] =	ssyncadd.s32 $0xFFFFFF80  }
0x83: {  	_ =	swait.ge [sflag:s18], $0x80  }
0x84: {  	[sflag:s18] =	ssyncset.done $0x0  }
0x85: {  	[sflag:s18] =	ssyncadd.s32 $0xFFFFFF80  }
0x86: {  	_ =	swait.ge [sflag:s18], $0x80  }
0x87: {  	[sflag:s18] =	ssyncset.done $0x0  }
0x88: {  	[sflag:s18] =	ssyncadd.s32 $0xFFFFFF80  }
0x89: {  	_ =	swait.ge [sflag:s18], $0x80  }
0x8a: {  	[sflag:s18] =	ssyncset.done $0x0  }
0x8b: {  	[sflag:s18] =	ssyncadd.s32 $0xFFFFFF80  }
0x8c: {  	_ =	swait.ge [sflag:s18], $0x80  }
0x8d: {  	[sflag:s18] =	ssyncset.done $0x0  }
0x8e: {  	[sflag:s18] =	ssyncadd.s32 $0xFFFFFF80  }
0x8f: {  	_ =	swait.ge [sflag:s18], $0x80  }
0x90: {  	[sflag:s18] =	ssyncset.done $0x0  }
0x91: {  	[sflag:s18] =	ssyncadd.s32 $0xFFFFFF80  }
0x92: {  	_ =	swait.ge [sflag:s18], $0x80  }
0x93: {  	[sflag:s18] =	ssyncset.done $0x0  }
0x94: {  	[sflag:s18] =	ssyncadd.s32 $0xFFFFFF80  }
0x95: {  	_ =	swait.ge [sflag:s18], $0x80  }
0x96: {  	[sflag:s18] =	ssyncset.done $0x0  }
0x97: {  	[sflag:s18] =	ssyncadd.s32 $0xFFFFFF80  }
0x98: {  	_ =	swait.ge [sflag:s18], $0x80  }
0x99: {  	s6 =	simm.s32 $0x2000;
	s8 =	simm.s32 $0x4000;
	[sflag:s18] =	ssyncset.done $0x0  }
.LBB2_4:
0x9a: {  	s7 =	sshra.s32 s6, $0x2  }
0x9b: {  	[sflag:s18] =	ssyncadd.s32 $0xFFFFFF80;
	s6 =	smov.u32 s8;
	s21 =	sadd.s32 $0x2000, s8  }
0x9c: {  	[spmem:s1] =	stream.indirect.scatter.add.f32 [tilespmem:s20], [sflag:$0x1], $0x1, s7, s19, $0xb8;
	[tilespmem:$0x8A08] =	vst v63  }
0x9d: {  	p1 =	sne.s32 s8, $0x6000;
	s8 =	sadd.s32 $0x80, s7  }
0x9e: {  	[spmem:s1] =	stream.indirect.scatter.add.f32 [tilespmem:s20], [sflag:$0x1], $0x1, s8, s19, $0xb8;
	[tilespmem:$0x8A08] =	vst v63  }
0x9f: {  	s8 =	sadd.s32 $0x100, s7  }
0xa0: {  	[spmem:s1] =	stream.indirect.scatter.add.f32 [tilespmem:s20], [sflag:$0x1], $0x1, s8, s19, $0xb8;
	[tilespmem:$0x8A08] =	vst v63  }
0xa1: {  	s8 =	sadd.s32 $0x180, s7  }
0xa2: {  	[spmem:s1] =	stream.indirect.scatter.add.f32 [tilespmem:s20], [sflag:$0x1], $0x1, s8, s19, $0xb8;
	[tilespmem:$0x8A08] =	vst v63  }
0xa3: {  	s8 =	sadd.s32 $0x200, s7  }
0xa4: {  	[spmem:s1] =	stream.indirect.scatter.add.f32 [tilespmem:s20], [sflag:$0x1], $0x1, s8, s19, $0xb8;
	[tilespmem:$0x8A08] =	vst v63  }
0xa5: {  	s8 =	sadd.s32 $0x280, s7  }
0xa6: {  	[spmem:s1] =	stream.indirect.scatter.add.f32 [tilespmem:s20], [sflag:$0x1], $0x1, s8, s19, $0xb8;
	[tilespmem:$0x8A08] =	vst v63  }
0xa7: {  	s8 =	sadd.s32 $0x300, s7  }
0xa8: {  	[spmem:s1] =	stream.indirect.scatter.add.f32 [tilespmem:s20], [sflag:$0x1], $0x1, s8, s19, $0xb8;
	[tilespmem:$0x8A08] =	vst v63  }
0xa9: {  	s8 =	sadd.s32 $0x380, s7  }
0xaa: {  	[spmem:s1] =	stream.indirect.scatter.add.f32 [tilespmem:s20], [sflag:$0x1], $0x1, s8, s19, $0xb8;
	[tilespmem:$0x8A08] =	vst v63  }
0xab: {  	s8 =	sadd.s32 $0x400, s7  }
0xac: {  	[spmem:s1] =	stream.indirect.scatter.add.f32 [tilespmem:s20], [sflag:$0x1], $0x1, s8, s19, $0xb8;
	[tilespmem:$0x8A08] =	vst v63  }
0xad: {  	s8 =	sadd.s32 $0x480, s7  }
0xae: {  	[spmem:s1] =	stream.indirect.scatter.add.f32 [tilespmem:s20], [sflag:$0x1], $0x1, s8, s19, $0xb8;
	[tilespmem:$0x8A08] =	vst v63  }
0xaf: {  	s8 =	sadd.s32 $0x500, s7  }
0xb0: {  	[spmem:s1] =	stream.indirect.scatter.add.f32 [tilespmem:s20], [sflag:$0x1], $0x1, s8, s19, $0xb8;
	[tilespmem:$0x8A08] =	vst v63  }
0xb1: {  	s8 =	sadd.s32 $0x580, s7  }
0xb2: {  	[spmem:s1] =	stream.indirect.scatter.add.f32 [tilespmem:s20], [sflag:$0x1], $0x1, s8, s19, $0xb8;
	[tilespmem:$0x8A08] =	vst v63  }
0xb3: {  	s8 =	sadd.s32 $0x600, s7  }
0xb4: {  	[spmem:s1] =	stream.indirect.scatter.add.f32 [tilespmem:s20], [sflag:$0x1], $0x1, s8, s19, $0xb8;
	[tilespmem:$0x8A08] =	vst v63  }
0xb5: {  	s8 =	sadd.s32 $0x680, s7  }
0xb6: {  	[spmem:s1] =	stream.indirect.scatter.add.f32 [tilespmem:s20], [sflag:$0x1], $0x1, s8, s19, $0xb8;
	[tilespmem:$0x8A08] =	vst v63  }
0xb7: {  	s8 =	sadd.s32 $0x700, s7  }
0xb8: {  	[spmem:s1] =	stream.indirect.scatter.add.f32 [tilespmem:s20], [sflag:$0x1], $0x1, s8, s19, $0xb8;
	[tilespmem:$0x8A08] =	vst v63  }
0xb9: {  	s7 =	sadd.s32 $0x780, s7  }
0xba: {  	[spmem:s1] =	stream.indirect.scatter.add.f32 [tilespmem:s20], [sflag:$0x1], $0x1, s7, s19, $0xb8;
	[tilespmem:$0x8A08] =	vst v63  }
0xbb: {  	_ =	swait.ge [sflag:s18], $0x80  }
0xbc: {  	[sflag:s18] =	ssyncset.done $0x0  }
0xbd: {  	[sflag:s18] =	ssyncadd.s32 $0xFFFFFF80  }
0xbe: {  	_ =	swait.ge [sflag:s18], $0x80  }
0xbf: {  	[sflag:s18] =	ssyncset.done $0x0  }
0xc0: {  	[sflag:s18] =	ssyncadd.s32 $0xFFFFFF80  }
0xc1: {  	_ =	swait.ge [sflag:s18], $0x80  }
0xc2: {  	[sflag:s18] =	ssyncset.done $0x0  }
0xc3: {  	[sflag:s18] =	ssyncadd.s32 $0xFFFFFF80  }
0xc4: {  	_ =	swait.ge [sflag:s18], $0x80  }
0xc5: {  	[sflag:s18] =	ssyncset.done $0x0  }
0xc6: {  	[sflag:s18] =	ssyncadd.s32 $0xFFFFFF80  }
0xc7: {  	_ =	swait.ge [sflag:s18], $0x80  }
0xc8: {  	[sflag:s18] =	ssyncset.done $0x0  }
0xc9: {  	[sflag:s18] =	ssyncadd.s32 $0xFFFFFF80  }
0xca: {  	_ =	swait.ge [sflag:s18], $0x80  }
0xcb: {  	[sflag:s18] =	ssyncset.done $0x0  }
0xcc: {  	[sflag:s18] =	ssyncadd.s32 $0xFFFFFF80  }
0xcd: {  	_ =	swait.ge [sflag:s18], $0x80  }
0xce: {  	[sflag:s18] =	ssyncset.done $0x0  }
0xcf: {  	[sflag:s18] =	ssyncadd.s32 $0xFFFFFF80  }
0xd0: {  	_ =	swait.ge [sflag:s18], $0x80  }
0xd1: {  	[sflag:s18] =	ssyncset.done $0x0  }
0xd2: {  	[sflag:s18] =	ssyncadd.s32 $0xFFFFFF80  }
0xd3: {  	_ =	swait.ge [sflag:s18], $0x80  }
0xd4: {  	[sflag:s18] =	ssyncset.done $0x0  }
0xd5: {  	[sflag:s18] =	ssyncadd.s32 $0xFFFFFF80  }
0xd6: {  	_ =	swait.ge [sflag:s18], $0x80  }
0xd7: {  	[sflag:s18] =	ssyncset.done $0x0  }
0xd8: {  	[sflag:s18] =	ssyncadd.s32 $0xFFFFFF80  }
0xd9: {  	_ =	swait.ge [sflag:s18], $0x80  }
0xda: {  	[sflag:s18] =	ssyncset.done $0x0  }
0xdb: {  	[sflag:s18] =	ssyncadd.s32 $0xFFFFFF80  }
0xdc: {  	_ =	swait.ge [sflag:s18], $0x80  }
0xdd: {  	[sflag:s18] =	ssyncset.done $0x0  }
0xde: {  	[sflag:s18] =	ssyncadd.s32 $0xFFFFFF80  }
0xdf: {  	_ =	swait.ge [sflag:s18], $0x80  }
0xe0: {  	[sflag:s18] =	ssyncset.done $0x0  }
0xe1: {  	[sflag:s18] =	ssyncadd.s32 $0xFFFFFF80  }
0xe2: {  	_ =	swait.ge [sflag:s18], $0x80  }
0xe3: {  	[sflag:s18] =	ssyncset.done $0x0  }
0xe4: {  	[sflag:s18] =	ssyncadd.s32 $0xFFFFFF80  }
.Ltmp1:
0xe5: {  	_ =	swait.ge [sflag:s18], $0x80;
	(pc) =	sbr.rel @p1 .LBB2_4-.Ltmp1, $4  }
0xe6: {  	[sflag:s18] =	ssyncset.done $0x0  }
0xe7: {  	[sflag:s18] =	ssyncadd.s32 $0xFFFFFF80  }
0xe8: {  	_ =	swait.ge [sflag:s18], $0x80  }
0xe9: {  	s8 =	smov.u32 s21;
	[sflag:s18] =	ssyncset.done $0x0  }
0xea: {  	s6 =	sshra.s32 s6, $0x2;
	[sflag:s18] =	ssyncadd.s32 $0xFFFFFF80  }
0xeb: {  	[spmem:s1] =	stream.indirect.scatter.add.f32 [tilespmem:s20], [sflag:$0x1], $0x1, s6, s19, $0xb8;
	[tilespmem:$0x8A08] =	vst v63  }
0xec: {  	s7 =	sadd.s32 $0x80, s6  }
0xed: {  	[spmem:s1] =	stream.indirect.scatter.add.f32 [tilespmem:s20], [sflag:$0x1], $0x1, s7, s19, $0xb8;
	[tilespmem:$0x8A08] =	vst v63  }
0xee: {  	s8 =	sadd.s32 $0x100, s6  }
0xef: {  	[spmem:s1] =	stream.indirect.scatter.add.f32 [tilespmem:s20], [sflag:$0x1], $0x1, s8, s19, $0xb8;
	[tilespmem:$0x8A08] =	vst v63  }
0xf0: {  	s21 =	sadd.s32 $0x180, s6  }
0xf1: {  	[spmem:s1] =	stream.indirect.scatter.add.f32 [tilespmem:s20], [sflag:$0x1], $0x1, s21, s19, $0xb8;
	[tilespmem:$0x8A08] =	vst v63  }
0xf2: {  	s8 =	sadd.s32 $0x200, s6  }
0xf3: {  	[spmem:s1] =	stream.indirect.scatter.add.f32 [tilespmem:s20], [sflag:$0x1], $0x1, s8, s19, $0xb8;
	[tilespmem:$0x8A08] =	vst v63  }
0xf4: {  	s21 =	sadd.s32 $0x280, s6  }
0xf5: {  	[spmem:s1] =	stream.indirect.scatter.add.f32 [tilespmem:s20], [sflag:$0x1], $0x1, s21, s19, $0xb8;
	[tilespmem:$0x8A08] =	vst v63  }
0xf6: {  	s8 =	sadd.s32 $0x300, s6  }
0xf7: {  	[spmem:s1] =	stream.indirect.scatter.add.f32 [tilespmem:s20], [sflag:$0x1], $0x1, s8, s19, $0xb8;
	[tilespmem:$0x8A08] =	vst v63  }
0xf8: {  	s21 =	sadd.s32 $0x380, s6  }
0xf9: {  	[spmem:s1] =	stream.indirect.scatter.add.f32 [tilespmem:s20], [sflag:$0x1], $0x1, s21, s19, $0xb8;
	[tilespmem:$0x8A08] =	vst v63  }
0xfa: {  	s8 =	sadd.s32 $0x400, s6  }
0xfb: {  	[spmem:s1] =	stream.indirect.scatter.add.f32 [tilespmem:s20], [sflag:$0x1], $0x1, s8, s19, $0xb8;
	[tilespmem:$0x8A08] =	vst v63  }
0xfc: {  	s21 =	sadd.s32 $0x480, s6  }
0xfd: {  	[spmem:s1] =	stream.indirect.scatter.add.f32 [tilespmem:s20], [sflag:$0x1], $0x1, s21, s19, $0xb8;
	[tilespmem:$0x8A08] =	vst v63  }
0xfe: {  	s8 =	sadd.s32 $0x500, s6  }
0xff: {  	[spmem:s1] =	stream.indirect.scatter.add.f32 [tilespmem:s20], [sflag:$0x1], $0x1, s8, s19, $0xb8;
	[tilespmem:$0x8A08] =	vst v63  }
0x100: {  	s21 =	sadd.s32 $0x580, s6  }
0x101: {  	[spmem:s1] =	stream.indirect.scatter.add.f32 [tilespmem:s20], [sflag:$0x1], $0x1, s21, s19, $0xb8;
	[tilespmem:$0x8A08] =	vst v63  }
0x102: {  	s8 =	sadd.s32 $0x600, s6  }
0x103: {  	[spmem:s1] =	stream.indirect.scatter.add.f32 [tilespmem:s20], [sflag:$0x1], $0x1, s8, s19, $0xb8;
	[tilespmem:$0x8A08] =	vst v63  }
0x104: {  	s21 =	sadd.s32 $0x680, s6  }
0x105: {  	[spmem:s1] =	stream.indirect.scatter.add.f32 [tilespmem:s20], [sflag:$0x1], $0x1, s21, s19, $0xb8;
	[tilespmem:$0x8A08] =	vst v63  }
0x106: {  	s8 =	sadd.s32 $0x700, s6  }
0x107: {  	[spmem:s1] =	stream.indirect.scatter.add.f32 [tilespmem:s20], [sflag:$0x1], $0x1, s8, s19, $0xb8;
	[tilespmem:$0x8A08] =	vst v63  }
0x108: {  	s6 =	sadd.s32 $0x780, s6  }
0x109: {  	[spmem:s1] =	stream.indirect.scatter.add.f32 [tilespmem:s20], [sflag:$0x1], $0x1, s6, s19, $0xb8;
	[tilespmem:$0x8A08] =	vst v63  }
0x10a: {  	_ =	swait.ge [sflag:s18], $0x80  }
0x10b: {  	[sflag:s18] =	ssyncset.done $0x0  }
0x10c: {  	[sflag:s18] =	ssyncadd.s32 $0xFFFFFF80  }
0x10d: {  	_ =	swait.ge [sflag:s18], $0x80  }
0x10e: {  	[sflag:s18] =	ssyncset.done $0x0  }
0x10f: {  	[sflag:s18] =	ssyncadd.s32 $0xFFFFFF80  }
0x110: {  	_ =	swait.ge [sflag:s18], $0x80  }
0x111: {  	[sflag:s18] =	ssyncset.done $0x0  }
0x112: {  	[sflag:s18] =	ssyncadd.s32 $0xFFFFFF80  }
0x113: {  	_ =	swait.ge [sflag:s18], $0x80  }
0x114: {  	[sflag:s18] =	ssyncset.done $0x0  }
0x115: {  	[sflag:s18] =	ssyncadd.s32 $0xFFFFFF80  }
0x116: {  	_ =	swait.ge [sflag:s18], $0x80  }
0x117: {  	[sflag:s18] =	ssyncset.done $0x0  }
0x118: {  	[sflag:s18] =	ssyncadd.s32 $0xFFFFFF80  }
0x119: {  	_ =	swait.ge [sflag:s18], $0x80  }
0x11a: {  	[sflag:s18] =	ssyncset.done $0x0  }
0x11b: {  	[sflag:s18] =	ssyncadd.s32 $0xFFFFFF80  }
0x11c: {  	_ =	swait.ge [sflag:s18], $0x80  }
0x11d: {  	[sflag:s18] =	ssyncset.done $0x0  }
0x11e: {  	[sflag:s18] =	ssyncadd.s32 $0xFFFFFF80  }
0x11f: {  	_ =	swait.ge [sflag:s18], $0x80  }
0x120: {  	[sflag:s18] =	ssyncset.done $0x0  }
0x121: {  	[sflag:s18] =	ssyncadd.s32 $0xFFFFFF80  }
0x122: {  	_ =	swait.ge [sflag:s18], $0x80  }
0x123: {  	[sflag:s18] =	ssyncset.done $0x0  }
0x124: {  	[sflag:s18] =	ssyncadd.s32 $0xFFFFFF80  }
0x125: {  	_ =	swait.ge [sflag:s18], $0x80  }
0x126: {  	[sflag:s18] =	ssyncset.done $0x0  }
0x127: {  	[sflag:s18] =	ssyncadd.s32 $0xFFFFFF80  }
0x128: {  	_ =	swait.ge [sflag:s18], $0x80  }
0x129: {  	[sflag:s18] =	ssyncset.done $0x0  }
0x12a: {  	[sflag:s18] =	ssyncadd.s32 $0xFFFFFF80  }
0x12b: {  	_ =	swait.ge [sflag:s18], $0x80  }
0x12c: {  	[sflag:s18] =	ssyncset.done $0x0  }
0x12d: {  	[sflag:s18] =	ssyncadd.s32 $0xFFFFFF80  }
0x12e: {  	_ =	swait.ge [sflag:s18], $0x80  }
0x12f: {  	[sflag:s18] =	ssyncset.done $0x0  }
0x130: {  	[sflag:s18] =	ssyncadd.s32 $0xFFFFFF80  }
0x131: {  	_ =	swait.ge [sflag:s18], $0x80  }
0x132: {  	[sflag:s18] =	ssyncset.done $0x0  }
0x133: {  	[sflag:s18] =	ssyncadd.s32 $0xFFFFFF80  }
0x134: {  	_ =	swait.ge [sflag:s18], $0x80  }
0x135: {  	[sflag:s18] =	ssyncset.done $0x0  }
0x136: {  	[sflag:s18] =	ssyncadd.s32 $0xFFFFFF80  }
0x137: {  	_ =	swait.ge [sflag:s18], $0x80  }
0x138: {  	[sflag:s18] =	ssyncset.done $0x0  }
0x139: {  	[sflag:s18] =	ssyncadd.s32 $0xFFFFFF80  }
0x13a: {  	[bflag:$0x0] =	sbarrier.arrive $0xFFFF  }
0x13b: {  	s21 =	rddreg [dreg:$0xb]  }
0x13c: {  	[tilespmem:s9], [sflag:$0x4] =	stream.linear.gather [spmem:s21], $0x100, $0x38;
	[tilespmem:$0x8A08] =	vst v63  }
0x13d: {  	_ =	swait.ge [sflag:s22], $0x100  }
0x13e: {  	[sflag:s22] =	ssyncset.done $0x0  }
0x13f: {  	s7 =	simm.s32 $0x40;
	s6 =	simm.s32 $0x0;
	[sflag:s22] =	ssyncadd.s32 $0xFFFFFF00  }
.LBB2_6:
0x140: {  	p1 =	sne.s32 s7, $0x3C0;
	v10 =	vld [tilespmem:s6+$0x4480];
	_ =	sdelay $0x4  }
0x141: {  	v11 =	vshra.s32 v10, $0x1;
	v12 =	vmul.f32 $5.000000000e-01, v10  }
0x142: {  	v11 =	vsub.s32 $0x5F3759DF, v11  }
0x143: {  	v13 =	vmul.f32 v11, v12;
	_ =	sdelay $0x1  }
0x144: {  	v13 =	vmul.f32 v11, v13;
	_ =	sdelay $0x1  }
0x145: {  	v13 =	vsub.f32 $1.500000000e+00, v13;
	_ =	sdelay $0x1  }
0x146: {  	v11 =	vmul.f32 v11, v13;
	_ =	sdelay $0x1  }
0x147: {  	v13 =	vmul.f32 v11, v12;
	_ =	sdelay $0x1  }
0x148: {  	v13 =	vmul.f32 v13, v11;
	_ =	sdelay $0x1  }
0x149: {  	v13 =	vsub.f32 $1.500000000e+00, v13;
	_ =	sdelay $0x1  }
0x14a: {  	v11 =	vmul.f32 v13, v11;
	_ =	sdelay $0x1  }
0x14b: {  	v13 =	vmul.f32 v11, v12;
	_ =	sdelay $0x1  }
0x14c: {  	v13 =	vmul.f32 v13, v11;
	_ =	sdelay $0x1  }
0x14d: {  	v13 =	vsub.f32 $1.500000000e+00, v13;
	_ =	sdelay $0x1  }
0x14e: {  	v11 =	vmul.f32 v13, v11;
	_ =	sdelay $0x1  }
0x14f: {  	v12 =	vmul.f32 v11, v12;
	_ =	sdelay $0x1  }
0x150: {  	v12 =	vmul.f32 v12, v11;
	_ =	sdelay $0x1  }
0x151: {  	v12 =	vsub.f32 $1.500000000e+00, v12  }
.Ltmp2:
0x152: {  	(pc) =	sbr.rel @p1 .LBB2_6-.Ltmp2, $4  }
0x153: {  	v11 =	vmul.f32 v12, v11  }
0x154: {  	vm0 =	veq.f32 v10, $0.0e+00  }
0x155: {  	v10 =	vsel vm0, $0x7F800000, v11  }
0x156: {  	[tilespmem:s6+$0x4480] =	vst v10;
	s6 =	sshra.s32 s7, $0x2;
	s7 =	sadd.s32 $0x40, s7  }
0x157: {  	v10 =	vld [tilespmem:s6+$0x4480];
	_ =	sdelay $0x4  }
0x158: {  	v11 =	vshra.s32 v10, $0x1;
	v12 =	vmul.f32 $5.000000000e-01, v10  }
0x159: {  	v11 =	vsub.s32 $0x5F3759DF, v11  }
0x15a: {  	v13 =	vmul.f32 v11, v12;
	_ =	sdelay $0x1  }
0x15b: {  	v13 =	vmul.f32 v11, v13;
	_ =	sdelay $0x1  }
0x15c: {  	v13 =	vsub.f32 $1.500000000e+00, v13;
	_ =	sdelay $0x1  }
0x15d: {  	v11 =	vmul.f32 v11, v13;
	_ =	sdelay $0x1  }
0x15e: {  	v13 =	vmul.f32 v11, v12;
	_ =	sdelay $0x1  }
0x15f: {  	v13 =	vmul.f32 v13, v11;
	_ =	sdelay $0x1  }
0x160: {  	v13 =	vsub.f32 $1.500000000e+00, v13;
	_ =	sdelay $0x1  }
0x161: {  	v11 =	vmul.f32 v13, v11;
	_ =	sdelay $0x1  }
0x162: {  	v13 =	vmul.f32 v11, v12;
	_ =	sdelay $0x1  }
0x163: {  	v13 =	vmul.f32 v13, v11;
	_ =	sdelay $0x1  }
0x164: {  	v13 =	vsub.f32 $1.500000000e+00, v13;
	_ =	sdelay $0x1  }
0x165: {  	v11 =	vmul.f32 v13, v11;
	_ =	sdelay $0x1  }
0x166: {  	v12 =	vmul.f32 v11, v12;
	_ =	sdelay $0x1  }
0x167: {  	v12 =	vmul.f32 v12, v11;
	_ =	sdelay $0x1  }
0x168: {  	v12 =	vsub.f32 $1.500000000e+00, v12;
	_ =	sdelay $0x1  }
0x169: {  	v11 =	vmul.f32 v12, v11  }
0x16a: {  	vm0 =	veq.f32 v10, $0.0e+00  }
0x16b: {  	v10 =	vsel vm0, $0x7F800000, v11  }
0x16c: {  	[tilespmem:s6+$0x4480] =	vst v10  }
0x16d: {  	[spmem:s10] =	stream.linear.scatter [tilespmem:s9], [sflag:$0x4], $0x100, $0x38;
	[tilespmem:$0x8A08] =	vst v63  }
0x16e: {  	_ =	swait.ge [sflag:s22], $0x100  }
0x16f: {  	[sflag:s22] =	ssyncset.done $0x0  }
0x170: {  	[sflag:s22] =	ssyncadd.s32 $0xFFFFFF00  }
0x171: {  	s9 =	simm.s32 $0x2000;
	[bflag:$0x0] =	sbarrier.arrive $0xFFFF  }
0x172: {  	[tilespmem:s23], [sflag:$0x1] =	stream.indirect.gather [spmem:s4], $0x1, s9, s19, $0xb8;
	[tilespmem:$0x8A08] =	vst v63  }
0x173: {  	s21 =	simm.s32 $0x2080  }
0x174: {  	[tilespmem:s24], [sflag:$0x1] =	stream.indirect.gather [spmem:s4], $0x1, s21, s19, $0xb8;
	[tilespmem:$0x8A08] =	vst v63  }
0x175: {  	s7 =	simm.s32 $0x2100  }
0x176: {  	[tilespmem:s25], [sflag:$0x1] =	stream.indirect.gather [spmem:s4], $0x1, s7, s19, $0xb8;
	[tilespmem:$0x8A08] =	vst v63  }
0x177: {  	s8 =	simm.s32 $0x2180  }
0x178: {  	[tilespmem:s26], [sflag:$0x1] =	stream.indirect.gather [spmem:s4], $0x1, s8, s19, $0xb8;
	[tilespmem:$0x8A08] =	vst v63  }
0x179: {  	s9 =	simm.s32 $0x2200  }
0x17a: {  	[tilespmem:s28], [sflag:$0x1] =	stream.indirect.gather [spmem:s4], $0x1, s9, s19, $0xb8;
	[tilespmem:$0x8A08] =	vst v63  }
0x17b: {  	s21 =	simm.s32 $0x2280  }
0x17c: {  	[tilespmem:s29], [sflag:$0x1] =	stream.indirect.gather [spmem:s4], $0x1, s21, s19, $0xb8;
	[tilespmem:$0x8A08] =	vst v63  }
0x17d: {  	s7 =	simm.s32 $0x2300  }
0x17e: {  	[tilespmem:s30], [sflag:$0x1] =	stream.indirect.gather [spmem:s4], $0x1, s7, s19, $0xb8;
	[tilespmem:$0x8A08] =	vst v63  }
0x17f: {  	s8 =	simm.s32 $0x2380  }
0x180: {  	[tilespmem:s31], [sflag:$0x1] =	stream.indirect.gather [spmem:s4], $0x1, s8, s19, $0xb8;
	[tilespmem:$0x8A08] =	vst v63  }
0x181: {  	_ =	swait.ge [sflag:s18], $0x80  }
0x182: {  	[sflag:s18] =	ssyncset.done $0x0  }
0x183: {  	[sflag:s18] =	ssyncadd.s32 $0xFFFFFF80  }
0x184: {  	_ =	swait.ge [sflag:s18], $0x80  }
0x185: {  	[sflag:s18] =	ssyncset.done $0x0  }
0x186: {  	[sflag:s18] =	ssyncadd.s32 $0xFFFFFF80  }
0x187: {  	_ =	swait.ge [sflag:s18], $0x80  }
0x188: {  	[sflag:s18] =	ssyncset.done $0x0  }
0x189: {  	[sflag:s18] =	ssyncadd.s32 $0xFFFFFF80  }
0x18a: {  	_ =	swait.ge [sflag:s18], $0x80  }
0x18b: {  	[sflag:s18] =	ssyncset.done $0x0  }
0x18c: {  	[sflag:s18] =	ssyncadd.s32 $0xFFFFFF80  }
0x18d: {  	_ =	swait.ge [sflag:s18], $0x80  }
0x18e: {  	[sflag:s18] =	ssyncset.done $0x0  }
0x18f: {  	[sflag:s18] =	ssyncadd.s32 $0xFFFFFF80  }
0x190: {  	_ =	swait.ge [sflag:s18], $0x80  }
0x191: {  	[sflag:s18] =	ssyncset.done $0x0  }
0x192: {  	[sflag:s18] =	ssyncadd.s32 $0xFFFFFF80  }
0x193: {  	_ =	swait.ge [sflag:s18], $0x80  }
0x194: {  	[sflag:s18] =	ssyncset.done $0x0  }
0x195: {  	[sflag:s18] =	ssyncadd.s32 $0xFFFFFF80  }
0x196: {  	_ =	swait.ge [sflag:s18], $0x80  }
0x197: {  	[sflag:s18] =	ssyncset.done $0x0  }
0x198: {  	s6 =	sadd.s32 $0x0, s11;
	[sflag:s18] =	ssyncadd.s32 $0xFFFFFF80  }
0x199: {  	[spmem:s2] =	stream.indirect.scatter.add.f32 [tilespmem:s23], [sflag:$0x2], $0x1, s6, s19, $0xb8;
	[tilespmem:$0x8A08] =	vst v63  }
0x19a: {  	s7 =	sadd.s32 $0x80, s6  }
0x19b: {  	[spmem:s2] =	stream.indirect.scatter.add.f32 [tilespmem:s24], [sflag:$0x2], $0x1, s7, s19, $0xb8;
	[tilespmem:$0x8A08] =	vst v63  }
0x19c: {  	s9 =	sadd.s32 $0x100, s6  }
0x19d: {  	[spmem:s2] =	stream.indirect.scatter.add.f32 [tilespmem:s25], [sflag:$0x2], $0x1, s9, s19, $0xb8;
	[tilespmem:$0x8A08] =	vst v63  }
0x19e: {  	s21 =	sadd.s32 $0x180, s6  }
0x19f: {  	[spmem:s2] =	stream.indirect.scatter.add.f32 [tilespmem:s26], [sflag:$0x2], $0x1, s21, s19, $0xb8;
	[tilespmem:$0x8A08] =	vst v63  }
0x1a0: {  	s8 =	sadd.s32 $0x200, s6  }
0x1a1: {  	[spmem:s2] =	stream.indirect.scatter.add.f32 [tilespmem:s28], [sflag:$0x2], $0x1, s8, s19, $0xb8;
	[tilespmem:$0x8A08] =	vst v63  }
0x1a2: {  	s9 =	sadd.s32 $0x280, s6  }
0x1a3: {  	[spmem:s2] =	stream.indirect.scatter.add.f32 [tilespmem:s29], [sflag:$0x2], $0x1, s9, s19, $0xb8;
	[tilespmem:$0x8A08] =	vst v63  }
0x1a4: {  	s21 =	sadd.s32 $0x300, s6  }
0x1a5: {  	[spmem:s2] =	stream.indirect.scatter.add.f32 [tilespmem:s30], [sflag:$0x2], $0x1, s21, s19, $0xb8;
	[tilespmem:$0x8A08] =	vst v63  }
0x1a6: {  	s6 =	sadd.s32 $0x380, s6  }
0x1a7: {  	[spmem:s2] =	stream.indirect.scatter.add.f32 [tilespmem:s31], [sflag:$0x2], $0x1, s6, s19, $0xb8;
	[tilespmem:$0x8A08] =	vst v63  }
0x1a8: {  	_ =	swait.ge [sflag:s0], $0x80  }
0x1a9: {  	[sflag:s0] =	ssyncset.done $0x0  }
0x1aa: {  	[sflag:s0] =	ssyncadd.s32 $0xFFFFFF80  }
0x1ab: {  	_ =	swait.ge [sflag:s0], $0x80  }
0x1ac: {  	[sflag:s0] =	ssyncset.done $0x0  }
0x1ad: {  	[sflag:s0] =	ssyncadd.s32 $0xFFFFFF80  }
0x1ae: {  	_ =	swait.ge [sflag:s0], $0x80  }
0x1af: {  	[sflag:s0] =	ssyncset.done $0x0  }
0x1b0: {  	[sflag:s0] =	ssyncadd.s32 $0xFFFFFF80  }
0x1b1: {  	_ =	swait.ge [sflag:s0], $0x80  }
0x1b2: {  	[sflag:s0] =	ssyncset.done $0x0  }
0x1b3: {  	[sflag:s0] =	ssyncadd.s32 $0xFFFFFF80  }
0x1b4: {  	_ =	swait.ge [sflag:s0], $0x80  }
0x1b5: {  	[sflag:s0] =	ssyncset.done $0x0  }
0x1b6: {  	[sflag:s0] =	ssyncadd.s32 $0xFFFFFF80  }
0x1b7: {  	_ =	swait.ge [sflag:s0], $0x80  }
0x1b8: {  	[sflag:s0] =	ssyncset.done $0x0  }
0x1b9: {  	[sflag:s0] =	ssyncadd.s32 $0xFFFFFF80  }
0x1ba: {  	_ =	swait.ge [sflag:s0], $0x80  }
0x1bb: {  	[sflag:s0] =	ssyncset.done $0x0  }
0x1bc: {  	[sflag:s0] =	ssyncadd.s32 $0xFFFFFF80  }
0x1bd: {  	_ =	swait.ge [sflag:s0], $0x80  }
0x1be: {  	s7 =	simm.s32 $0x400;
	s6 =	simm.s32 $0x2000;
	[sflag:s0] =	ssyncset.done $0x0  }
.LBB2_8:
0x1bf: {  	s9 =	sadd.s32 $0x2000, s7  }
0x1c0: {  	[sflag:s0] =	ssyncadd.s32 $0xFFFFFF80;
	s21 =	smov.u32 s6;
	s8 =	sadd.s32 $0x1000, s6  }
0x1c1: {  	[tilespmem:s23], [sflag:$0x1] =	stream.indirect.gather [spmem:s4], $0x1, s9, s19, $0xb8;
	[tilespmem:$0x8A08] =	vst v63  }
0x1c2: {  	p1 =	sne.s32 s6, $0x3000;
	s6 =	sadd.s32 $0x2080, s7  }
0x1c3: {  	[tilespmem:s24], [sflag:$0x1] =	stream.indirect.gather [spmem:s4], $0x1, s6, s19, $0xb8;
	[tilespmem:$0x8A08] =	vst v63  }
0x1c4: {  	s6 =	sadd.s32 $0x2100, s7  }
0x1c5: {  	[tilespmem:s25], [sflag:$0x1] =	stream.indirect.gather [spmem:s4], $0x1, s6, s19, $0xb8;
	[tilespmem:$0x8A08] =	vst v63  }
0x1c6: {  	s6 =	sadd.s32 $0x2180, s7  }
0x1c7: {  	[tilespmem:s26], [sflag:$0x1] =	stream.indirect.gather [spmem:s4], $0x1, s6, s19, $0xb8;
	[tilespmem:$0x8A08] =	vst v63  }
0x1c8: {  	s6 =	sadd.s32 $0x2200, s7  }
0x1c9: {  	[tilespmem:s28], [sflag:$0x1] =	stream.indirect.gather [spmem:s4], $0x1, s6, s19, $0xb8;
	[tilespmem:$0x8A08] =	vst v63  }
0x1ca: {  	s6 =	sadd.s32 $0x2280, s7  }
0x1cb: {  	[tilespmem:s29], [sflag:$0x1] =	stream.indirect.gather [spmem:s4], $0x1, s6, s19, $0xb8;
	[tilespmem:$0x8A08] =	vst v63  }
0x1cc: {  	s6 =	sadd.s32 $0x2300, s7  }
0x1cd: {  	[tilespmem:s30], [sflag:$0x1] =	stream.indirect.gather [spmem:s4], $0x1, s6, s19, $0xb8;
	[tilespmem:$0x8A08] =	vst v63  }
0x1ce: {  	s6 =	sadd.s32 $0x2380, s7  }
0x1cf: {  	[tilespmem:s31], [sflag:$0x1] =	stream.indirect.gather [spmem:s4], $0x1, s6, s19, $0xb8;
	[tilespmem:$0x8A08] =	vst v63  }
0x1d0: {  	_ =	swait.ge [sflag:s18], $0x80  }
0x1d1: {  	[sflag:s18] =	ssyncset.done $0x0  }
0x1d2: {  	[sflag:s18] =	ssyncadd.s32 $0xFFFFFF80  }
0x1d3: {  	_ =	swait.ge [sflag:s18], $0x80  }
0x1d4: {  	[sflag:s18] =	ssyncset.done $0x0  }
0x1d5: {  	[sflag:s18] =	ssyncadd.s32 $0xFFFFFF80  }
0x1d6: {  	_ =	swait.ge [sflag:s18], $0x80  }
0x1d7: {  	[sflag:s18] =	ssyncset.done $0x0  }
0x1d8: {  	[sflag:s18] =	ssyncadd.s32 $0xFFFFFF80  }
0x1d9: {  	_ =	swait.ge [sflag:s18], $0x80  }
0x1da: {  	[sflag:s18] =	ssyncset.done $0x0  }
0x1db: {  	[sflag:s18] =	ssyncadd.s32 $0xFFFFFF80  }
0x1dc: {  	_ =	swait.ge [sflag:s18], $0x80  }
0x1dd: {  	[sflag:s18] =	ssyncset.done $0x0  }
0x1de: {  	[sflag:s18] =	ssyncadd.s32 $0xFFFFFF80  }
0x1df: {  	_ =	swait.ge [sflag:s18], $0x80  }
0x1e0: {  	[sflag:s18] =	ssyncset.done $0x0  }
0x1e1: {  	[sflag:s18] =	ssyncadd.s32 $0xFFFFFF80  }
0x1e2: {  	_ =	swait.ge [sflag:s18], $0x80  }
0x1e3: {  	[sflag:s18] =	ssyncset.done $0x0  }
0x1e4: {  	[sflag:s18] =	ssyncadd.s32 $0xFFFFFF80  }
0x1e5: {  	_ =	swait.ge [sflag:s18], $0x80  }
0x1e6: {  	[sflag:s18] =	ssyncset.done $0x0  }
0x1e7: {  	s6 =	sadd.s32 s7, s11;
	[sflag:s18] =	ssyncadd.s32 $0xFFFFFF80  }
0x1e8: {  	[spmem:s2] =	stream.indirect.scatter.add.f32 [tilespmem:s23], [sflag:$0x2], $0x1, s6, s19, $0xb8;
	[tilespmem:$0x8A08] =	vst v63  }
0x1e9: {  	s7 =	sadd.s32 $0x80, s6  }
0x1ea: {  	[spmem:s2] =	stream.indirect.scatter.add.f32 [tilespmem:s24], [sflag:$0x2], $0x1, s7, s19, $0xb8;
	[tilespmem:$0x8A08] =	vst v63  }
0x1eb: {  	s7 =	sadd.s32 $0x100, s6  }
0x1ec: {  	[spmem:s2] =	stream.indirect.scatter.add.f32 [tilespmem:s25], [sflag:$0x2], $0x1, s7, s19, $0xb8;
	[tilespmem:$0x8A08] =	vst v63  }
0x1ed: {  	s7 =	sadd.s32 $0x180, s6  }
0x1ee: {  	[spmem:s2] =	stream.indirect.scatter.add.f32 [tilespmem:s26], [sflag:$0x2], $0x1, s7, s19, $0xb8;
	[tilespmem:$0x8A08] =	vst v63  }
0x1ef: {  	s7 =	sadd.s32 $0x200, s6  }
0x1f0: {  	[spmem:s2] =	stream.indirect.scatter.add.f32 [tilespmem:s28], [sflag:$0x2], $0x1, s7, s19, $0xb8;
	[tilespmem:$0x8A08] =	vst v63  }
0x1f1: {  	s7 =	sadd.s32 $0x280, s6  }
0x1f2: {  	[spmem:s2] =	stream.indirect.scatter.add.f32 [tilespmem:s29], [sflag:$0x2], $0x1, s7, s19, $0xb8;
	[tilespmem:$0x8A08] =	vst v63  }
0x1f3: {  	s7 =	sadd.s32 $0x300, s6  }
0x1f4: {  	[spmem:s2] =	stream.indirect.scatter.add.f32 [tilespmem:s30], [sflag:$0x2], $0x1, s7, s19, $0xb8;
	[tilespmem:$0x8A08] =	vst v63  }
0x1f5: {  	s6 =	sadd.s32 $0x380, s6  }
0x1f6: {  	[spmem:s2] =	stream.indirect.scatter.add.f32 [tilespmem:s31], [sflag:$0x2], $0x1, s6, s19, $0xb8;
	[tilespmem:$0x8A08] =	vst v63  }
0x1f7: {  	_ =	swait.ge [sflag:s0], $0x80  }
0x1f8: {  	[sflag:s0] =	ssyncset.done $0x0  }
0x1f9: {  	[sflag:s0] =	ssyncadd.s32 $0xFFFFFF80  }
0x1fa: {  	_ =	swait.ge [sflag:s0], $0x80  }
0x1fb: {  	[sflag:s0] =	ssyncset.done $0x0  }
0x1fc: {  	[sflag:s0] =	ssyncadd.s32 $0xFFFFFF80  }
0x1fd: {  	_ =	swait.ge [sflag:s0], $0x80  }
0x1fe: {  	[sflag:s0] =	ssyncset.done $0x0  }
0x1ff: {  	[sflag:s0] =	ssyncadd.s32 $0xFFFFFF80  }
0x200: {  	_ =	swait.ge [sflag:s0], $0x80  }
0x201: {  	[sflag:s0] =	ssyncset.done $0x0  }
0x202: {  	[sflag:s0] =	ssyncadd.s32 $0xFFFFFF80  }
0x203: {  	_ =	swait.ge [sflag:s0], $0x80  }
0x204: {  	[sflag:s0] =	ssyncset.done $0x0  }
0x205: {  	[sflag:s0] =	ssyncadd.s32 $0xFFFFFF80  }
0x206: {  	_ =	swait.ge [sflag:s0], $0x80  }
0x207: {  	[sflag:s0] =	ssyncset.done $0x0  }
0x208: {  	[sflag:s0] =	ssyncadd.s32 $0xFFFFFF80  }
.Ltmp3:
0x209: {  	_ =	swait.ge [sflag:s0], $0x80;
	(pc) =	sbr.rel @p1 .LBB2_8-.Ltmp3, $4  }
0x20a: {  	[sflag:s0] =	ssyncset.done $0x0  }
0x20b: {  	[sflag:s0] =	ssyncadd.s32 $0xFFFFFF80  }
0x20c: {  	_ =	swait.ge [sflag:s0], $0x80  }
0x20d: {  	s7 =	sshra.s32 s21, $0x2;
	s6 =	smov.u32 s8;
	[sflag:s0] =	ssyncset.done $0x0  }
0x20e: {  	s6 =	sadd.s32 $0x2000, s7;
	[sflag:s0] =	ssyncadd.s32 $0xFFFFFF80  }
0x20f: {  	[tilespmem:s23], [sflag:$0x1] =	stream.indirect.gather [spmem:s4], $0x1, s6, s19, $0xb8;
	[tilespmem:$0x8A08] =	vst v63  }
0x210: {  	s21 =	sadd.s32 $0x2080, s7  }
0x211: {  	[tilespmem:s24], [sflag:$0x1] =	stream.indirect.gather [spmem:s4], $0x1, s21, s19, $0xb8;
	[tilespmem:$0x8A08] =	vst v63  }
0x212: {  	s8 =	sadd.s32 $0x2100, s7  }
0x213: {  	[tilespmem:s25], [sflag:$0x1] =	stream.indirect.gather [spmem:s4], $0x1, s8, s19, $0xb8;
	[tilespmem:$0x8A08] =	vst v63  }
0x214: {  	s9 =	sadd.s32 $0x2180, s7  }
0x215: {  	[tilespmem:s26], [sflag:$0x1] =	stream.indirect.gather [spmem:s4], $0x1, s9, s19, $0xb8;
	[tilespmem:$0x8A08] =	vst v63  }
0x216: {  	s21 =	sadd.s32 $0x2200, s7  }
0x217: {  	[tilespmem:s28], [sflag:$0x1] =	stream.indirect.gather [spmem:s4], $0x1, s21, s19, $0xb8;
	[tilespmem:$0x8A08] =	vst v63  }
0x218: {  	s8 =	sadd.s32 $0x2280, s7  }
0x219: {  	[tilespmem:s29], [sflag:$0x1] =	stream.indirect.gather [spmem:s4], $0x1, s8, s19, $0xb8;
	[tilespmem:$0x8A08] =	vst v63  }
0x21a: {  	s9 =	sadd.s32 $0x2300, s7  }
0x21b: {  	[tilespmem:s30], [sflag:$0x1] =	stream.indirect.gather [spmem:s4], $0x1, s9, s19, $0xb8;
	[tilespmem:$0x8A08] =	vst v63  }
0x21c: {  	s21 =	sadd.s32 $0x2380, s7  }
0x21d: {  	[tilespmem:s31], [sflag:$0x1] =	stream.indirect.gather [spmem:s4], $0x1, s21, s19, $0xb8;
	[tilespmem:$0x8A08] =	vst v63  }
0x21e: {  	_ =	swait.ge [sflag:s18], $0x80  }
0x21f: {  	[sflag:s18] =	ssyncset.done $0x0  }
0x220: {  	[sflag:s18] =	ssyncadd.s32 $0xFFFFFF80  }
0x221: {  	_ =	swait.ge [sflag:s18], $0x80  }
0x222: {  	[sflag:s18] =	ssyncset.done $0x0  }
0x223: {  	[sflag:s18] =	ssyncadd.s32 $0xFFFFFF80  }
0x224: {  	_ =	swait.ge [sflag:s18], $0x80  }
0x225: {  	[sflag:s18] =	ssyncset.done $0x0  }
0x226: {  	[sflag:s18] =	ssyncadd.s32 $0xFFFFFF80  }
0x227: {  	_ =	swait.ge [sflag:s18], $0x80  }
0x228: {  	[sflag:s18] =	ssyncset.done $0x0  }
0x229: {  	[sflag:s18] =	ssyncadd.s32 $0xFFFFFF80  }
0x22a: {  	_ =	swait.ge [sflag:s18], $0x80  }
0x22b: {  	[sflag:s18] =	ssyncset.done $0x0  }
0x22c: {  	[sflag:s18] =	ssyncadd.s32 $0xFFFFFF80  }
0x22d: {  	_ =	swait.ge [sflag:s18], $0x80  }
0x22e: {  	[sflag:s18] =	ssyncset.done $0x0  }
0x22f: {  	[sflag:s18] =	ssyncadd.s32 $0xFFFFFF80  }
0x230: {  	_ =	swait.ge [sflag:s18], $0x80  }
0x231: {  	[sflag:s18] =	ssyncset.done $0x0  }
0x232: {  	[sflag:s18] =	ssyncadd.s32 $0xFFFFFF80  }
0x233: {  	_ =	swait.ge [sflag:s18], $0x80  }
0x234: {  	[sflag:s18] =	ssyncset.done $0x0  }
0x235: {  	s6 =	sadd.s32 s7, s11;
	[sflag:s18] =	ssyncadd.s32 $0xFFFFFF80  }
0x236: {  	[spmem:s2] =	stream.indirect.scatter.add.f32 [tilespmem:s23], [sflag:$0x2], $0x1, s6, s19, $0xb8;
	[tilespmem:$0x8A08] =	vst v63  }
0x237: {  	s7 =	sadd.s32 $0x80, s6  }
0x238: {  	[spmem:s2] =	stream.indirect.scatter.add.f32 [tilespmem:s24], [sflag:$0x2], $0x1, s7, s19, $0xb8;
	[tilespmem:$0x8A08] =	vst v63  }
0x239: {  	s8 =	sadd.s32 $0x100, s6  }
0x23a: {  	[spmem:s2] =	stream.indirect.scatter.add.f32 [tilespmem:s25], [sflag:$0x2], $0x1, s8, s19, $0xb8;
	[tilespmem:$0x8A08] =	vst v63  }
0x23b: {  	s9 =	sadd.s32 $0x180, s6  }
0x23c: {  	[spmem:s2] =	stream.indirect.scatter.add.f32 [tilespmem:s26], [sflag:$0x2], $0x1, s9, s19, $0xb8;
	[tilespmem:$0x8A08] =	vst v63  }
0x23d: {  	s21 =	sadd.s32 $0x200, s6  }
0x23e: {  	[spmem:s2] =	stream.indirect.scatter.add.f32 [tilespmem:s28], [sflag:$0x2], $0x1, s21, s19, $0xb8;
	[tilespmem:$0x8A08] =	vst v63  }
0x23f: {  	s8 =	sadd.s32 $0x280, s6  }
0x240: {  	[spmem:s2] =	stream.indirect.scatter.add.f32 [tilespmem:s29], [sflag:$0x2], $0x1, s8, s19, $0xb8;
	[tilespmem:$0x8A08] =	vst v63  }
0x241: {  	s9 =	sadd.s32 $0x300, s6  }
0x242: {  	[spmem:s2] =	stream.indirect.scatter.add.f32 [tilespmem:s30], [sflag:$0x2], $0x1, s9, s19, $0xb8;
	[tilespmem:$0x8A08] =	vst v63  }
0x243: {  	s6 =	sadd.s32 $0x380, s6  }
0x244: {  	[spmem:s2] =	stream.indirect.scatter.add.f32 [tilespmem:s31], [sflag:$0x2], $0x1, s6, s19, $0xb8;
	[tilespmem:$0x8A08] =	vst v63  }
0x245: {  	_ =	swait.ge [sflag:s0], $0x80  }
0x246: {  	[sflag:s0] =	ssyncset.done $0x0  }
0x247: {  	[sflag:s0] =	ssyncadd.s32 $0xFFFFFF80  }
0x248: {  	_ =	swait.ge [sflag:s0], $0x80  }
0x249: {  	[sflag:s0] =	ssyncset.done $0x0  }
0x24a: {  	[sflag:s0] =	ssyncadd.s32 $0xFFFFFF80  }
0x24b: {  	_ =	swait.ge [sflag:s0], $0x80  }
0x24c: {  	[sflag:s0] =	ssyncset.done $0x0  }
0x24d: {  	[sflag:s0] =	ssyncadd.s32 $0xFFFFFF80  }
0x24e: {  	_ =	swait.ge [sflag:s0], $0x80  }
0x24f: {  	[sflag:s0] =	ssyncset.done $0x0  }
0x250: {  	[sflag:s0] =	ssyncadd.s32 $0xFFFFFF80  }
0x251: {  	_ =	swait.ge [sflag:s0], $0x80  }
0x252: {  	[sflag:s0] =	ssyncset.done $0x0  }
0x253: {  	[sflag:s0] =	ssyncadd.s32 $0xFFFFFF80  }
0x254: {  	_ =	swait.ge [sflag:s0], $0x80  }
0x255: {  	[sflag:s0] =	ssyncset.done $0x0  }
0x256: {  	[sflag:s0] =	ssyncadd.s32 $0xFFFFFF80  }
0x257: {  	_ =	swait.ge [sflag:s0], $0x80  }
0x258: {  	[sflag:s0] =	ssyncset.done $0x0  }
0x259: {  	[sflag:s0] =	ssyncadd.s32 $0xFFFFFF80  }
0x25a: {  	_ =	swait.ge [sflag:s0], $0x80  }
0x25b: {  	[sflag:s0] =	ssyncset.done $0x0  }
0x25c: {  	s21 =	simm.s32 $0x8580;
	[sflag:s0] =	ssyncadd.s32 $0xFFFFFF80  }
0x25d: {  	[tilespmem:s21], [sflag:$0x4] =	stream.linear.gather [spmem:s12], $0x80, $0x38;
	[tilespmem:$0x8A08] =	vst v63  }
0x25e: {  	_ =	swait.ge [sflag:s22], $0x80  }
0x25f: {  	[sflag:s22] =	ssyncset.done $0x0  }
0x260: {  	[sflag:s22] =	ssyncadd.s32 $0xFFFFFF80  }
0x261: {  	_ =	swait.ge [sflag:s17], $0x4000  }
0x262: {  	[sflag:s17] =	ssyncset.done $0x0  }
0x263: {  	s6 =	simm.s32 $0x4980;
	s21 =	simm.s32 $0x0;
	[sflag:s17] =	ssyncadd.s32 $0xFFFFC000  }
.LBB2_10:
0x264: {  	s7 =	sshra.s32 s21, $0x2  }
0x265: {  	v10 =	vld [tilespmem:s7+$0x8580];
	_ =	sdelay $0x1  }
0x266: {  	v11 =	vld [tilespmem:s6+$0xFFFFFC00];
	_ =	sdelay $0x1  }
0x267: {  	v12 =	vld [tilespmem:$0x8600]  }
0x268: {  	v13 =	vbroadcast v10, $0x0;
	_ =	sdelay $0x1  }
0x269: {  	v11 =	vmul.f32 v11, v13;
	_ =	sdelay $0x1  }
0x26a: {  	v11 =	vadd.f32 v11, v12;
	_ =	sdelay $0x1  }
0x26b: {  	[tilespmem:$0x8600] =	vst v11  }
0x26c: {  	v56 =	vld [tilespmem:s6+$0xFFFFFC10];
	_ =	sdelay $0x1  }
0x26d: {  	v14 =	vld [tilespmem:$0x8610];
	_ =	sdelay $0x2  }
0x26e: {  	v12 =	vmul.f32 v56, v13;
	_ =	sdelay $0x1  }
0x26f: {  	v12 =	vadd.f32 v12, v14;
	_ =	sdelay $0x1  }
0x270: {  	[tilespmem:$0x8610] =	vst v12  }
0x271: {  	v57 =	vld [tilespmem:s6+$0xFFFFFC20];
	_ =	sdelay $0x1  }
0x272: {  	v15 =	vld [tilespmem:$0x8620];
	_ =	sdelay $0x2  }
0x273: {  	v14 =	vmul.f32 v57, v13;
	_ =	sdelay $0x1  }
0x274: {  	v14 =	vadd.f32 v14, v15;
	_ =	sdelay $0x1  }
0x275: {  	[tilespmem:$0x8620] =	vst v14  }
0x276: {  	v58 =	vld [tilespmem:s6+$0xFFFFFC30];
	_ =	sdelay $0x1  }
0x277: {  	v16 =	vld [tilespmem:$0x8630];
	_ =	sdelay $0x2  }
0x278: {  	v15 =	vmul.f32 v58, v13;
	_ =	sdelay $0x1  }
0x279: {  	v15 =	vadd.f32 v15, v16;
	_ =	sdelay $0x1  }
0x27a: {  	[tilespmem:$0x8630] =	vst v15  }
0x27b: {  	v59 =	vld [tilespmem:s6+$0xFFFFFC40];
	_ =	sdelay $0x1  }
0x27c: {  	v17 =	vld [tilespmem:$0x8640];
	_ =	sdelay $0x2  }
0x27d: {  	v16 =	vmul.f32 v59, v13;
	_ =	sdelay $0x1  }
0x27e: {  	v16 =	vadd.f32 v16, v17;
	_ =	sdelay $0x1  }
0x27f: {  	[tilespmem:$0x8640] =	vst v16  }
0x280: {  	v60 =	vld [tilespmem:s6+$0xFFFFFC50];
	_ =	sdelay $0x1  }
0x281: {  	v18 =	vld [tilespmem:$0x8650];
	_ =	sdelay $0x2  }
0x282: {  	v17 =	vmul.f32 v60, v13;
	_ =	sdelay $0x1  }
0x283: {  	v17 =	vadd.f32 v17, v18;
	_ =	sdelay $0x1  }
0x284: {  	[tilespmem:$0x8650] =	vst v17  }
0x285: {  	v61 =	vld [tilespmem:s6+$0xFFFFFC60];
	_ =	sdelay $0x1  }
0x286: {  	v19 =	vld [tilespmem:$0x8660];
	_ =	sdelay $0x2  }
0x287: {  	v18 =	vmul.f32 v61, v13;
	_ =	sdelay $0x1  }
0x288: {  	v18 =	vadd.f32 v18, v19;
	_ =	sdelay $0x1  }
0x289: {  	[tilespmem:$0x8660] =	vst v18  }
0x28a: {  	v62 =	vld [tilespmem:s6+$0xFFFFFC70];
	_ =	sdelay $0x1  }
0x28b: {  	v20 =	vld [tilespmem:$0x8670];
	_ =	sdelay $0x2  }
0x28c: {  	v13 =	vmul.f32 v62, v13;
	_ =	sdelay $0x1  }
0x28d: {  	v13 =	vadd.f32 v13, v20;
	_ =	sdelay $0x1  }
0x28e: {  	[tilespmem:$0x8670] =	vst v13  }
0x28f: {  	v63 =	vld [tilespmem:s6+$0xFFFFFC80];
	_ =	sdelay $0x2  }
0x290: {  	v24 =	vbroadcast v10, $0x1;
	_ =	sdelay $0x1  }
0x291: {  	v19 =	vmul.f32 v63, v24;
	_ =	sdelay $0x1  }
0x292: {  	v11 =	vadd.f32 v19, v11;
	_ =	sdelay $0x1  }
0x293: {  	[tilespmem:$0x8600] =	vst v11  }
0x294: {  	v25 =	vld [tilespmem:s6+$0xFFFFFC90];
	_ =	sdelay $0x4  }
0x295: {  	v19 =	vmul.f32 v25, v24;
	_ =	sdelay $0x1  }
0x296: {  	v12 =	vadd.f32 v19, v12;
	_ =	sdelay $0x1  }
0x297: {  	[tilespmem:$0x8610] =	vst v12  }
0x298: {  	v26 =	vld [tilespmem:s6+$0xFFFFFCA0];
	_ =	sdelay $0x4  }
0x299: {  	v19 =	vmul.f32 v26, v24;
	_ =	sdelay $0x1  }
0x29a: {  	v14 =	vadd.f32 v19, v14;
	_ =	sdelay $0x1  }
0x29b: {  	[tilespmem:$0x8620] =	vst v14  }
0x29c: {  	v27 =	vld [tilespmem:s6+$0xFFFFFCB0];
	_ =	sdelay $0x4  }
0x29d: {  	v19 =	vmul.f32 v27, v24;
	_ =	sdelay $0x1  }
0x29e: {  	v15 =	vadd.f32 v19, v15;
	_ =	sdelay $0x1  }
0x29f: {  	[tilespmem:$0x8630] =	vst v15  }
0x2a0: {  	v28 =	vld [tilespmem:s6+$0xFFFFFCC0];
	_ =	sdelay $0x4  }
0x2a1: {  	v19 =	vmul.f32 v28, v24;
	_ =	sdelay $0x1  }
0x2a2: {  	v16 =	vadd.f32 v19, v16;
	_ =	sdelay $0x1  }
0x2a3: {  	[tilespmem:$0x8640] =	vst v16  }
0x2a4: {  	v29 =	vld [tilespmem:s6+$0xFFFFFCD0];
	_ =	sdelay $0x4  }
0x2a5: {  	v19 =	vmul.f32 v29, v24;
	_ =	sdelay $0x1  }
0x2a6: {  	v17 =	vadd.f32 v19, v17;
	_ =	sdelay $0x1  }
0x2a7: {  	[tilespmem:$0x8650] =	vst v17  }
0x2a8: {  	v30 =	vld [tilespmem:s6+$0xFFFFFCE0];
	_ =	sdelay $0x4  }
0x2a9: {  	v19 =	vmul.f32 v30, v24;
	_ =	sdelay $0x1  }
0x2aa: {  	v18 =	vadd.f32 v19, v18;
	_ =	sdelay $0x1  }
0x2ab: {  	[tilespmem:$0x8660] =	vst v18  }
0x2ac: {  	v31 =	vld [tilespmem:s6+$0xFFFFFCF0];
	_ =	sdelay $0x4  }
0x2ad: {  	v19 =	vmul.f32 v31, v24;
	_ =	sdelay $0x1  }
0x2ae: {  	v13 =	vadd.f32 v19, v13;
	_ =	sdelay $0x1  }
0x2af: {  	[tilespmem:$0x8670] =	vst v13  }
0x2b0: {  	v32 =	vld [tilespmem:s6+$0xFFFFFD00];
	_ =	sdelay $0x2  }
0x2b1: {  	v33 =	vbroadcast v10, $0x2;
	_ =	sdelay $0x1  }
0x2b2: {  	v19 =	vmul.f32 v32, v33;
	_ =	sdelay $0x1  }
0x2b3: {  	v11 =	vadd.f32 v19, v11;
	_ =	sdelay $0x1  }
0x2b4: {  	[tilespmem:$0x8600] =	vst v11  }
0x2b5: {  	v34 =	vld [tilespmem:s6+$0xFFFFFD10];
	_ =	sdelay $0x4  }
0x2b6: {  	v19 =	vmul.f32 v34, v33;
	_ =	sdelay $0x1  }
0x2b7: {  	v12 =	vadd.f32 v19, v12;
	_ =	sdelay $0x1  }
0x2b8: {  	[tilespmem:$0x8610] =	vst v12  }
0x2b9: {  	v35 =	vld [tilespmem:s6+$0xFFFFFD20];
	_ =	sdelay $0x4  }
0x2ba: {  	v19 =	vmul.f32 v35, v33;
	_ =	sdelay $0x1  }
0x2bb: {  	v14 =	vadd.f32 v19, v14;
	_ =	sdelay $0x1  }
0x2bc: {  	[tilespmem:$0x8620] =	vst v14  }
0x2bd: {  	v36 =	vld [tilespmem:s6+$0xFFFFFD30];
	_ =	sdelay $0x4  }
0x2be: {  	v19 =	vmul.f32 v36, v33;
	_ =	sdelay $0x1  }
0x2bf: {  	v15 =	vadd.f32 v19, v15;
	_ =	sdelay $0x1  }
0x2c0: {  	[tilespmem:$0x8630] =	vst v15  }
0x2c1: {  	v37 =	vld [tilespmem:s6+$0xFFFFFD40];
	_ =	sdelay $0x4  }
0x2c2: {  	v19 =	vmul.f32 v37, v33;
	_ =	sdelay $0x1  }
0x2c3: {  	v16 =	vadd.f32 v19, v16;
	_ =	sdelay $0x1  }
0x2c4: {  	[tilespmem:$0x8640] =	vst v16  }
0x2c5: {  	v38 =	vld [tilespmem:s6+$0xFFFFFD50];
	_ =	sdelay $0x4  }
0x2c6: {  	v19 =	vmul.f32 v38, v33;
	_ =	sdelay $0x1  }
0x2c7: {  	v17 =	vadd.f32 v19, v17;
	_ =	sdelay $0x1  }
0x2c8: {  	[tilespmem:$0x8650] =	vst v17  }
0x2c9: {  	v39 =	vld [tilespmem:s6+$0xFFFFFD60];
	_ =	sdelay $0x4  }
0x2ca: {  	v19 =	vmul.f32 v39, v33;
	_ =	sdelay $0x1  }
0x2cb: {  	v18 =	vadd.f32 v19, v18;
	_ =	sdelay $0x1  }
0x2cc: {  	[tilespmem:$0x8660] =	vst v18  }
0x2cd: {  	v40 =	vld [tilespmem:s6+$0xFFFFFD70];
	_ =	sdelay $0x4  }
0x2ce: {  	v19 =	vmul.f32 v40, v33;
	_ =	sdelay $0x1  }
0x2cf: {  	v13 =	vadd.f32 v19, v13;
	_ =	sdelay $0x1  }
0x2d0: {  	[tilespmem:$0x8670] =	vst v13  }
0x2d1: {  	v41 =	vld [tilespmem:s6+$0xFFFFFD80];
	_ =	sdelay $0x2  }
0x2d2: {  	v42 =	vbroadcast v10, $0x3;
	_ =	sdelay $0x1  }
0x2d3: {  	v19 =	vmul.f32 v41, v42;
	_ =	sdelay $0x1  }
0x2d4: {  	v11 =	vadd.f32 v19, v11;
	_ =	sdelay $0x1  }
0x2d5: {  	[tilespmem:$0x8600] =	vst v11  }
0x2d6: {  	v43 =	vld [tilespmem:s6+$0xFFFFFD90];
	_ =	sdelay $0x4  }
0x2d7: {  	v19 =	vmul.f32 v43, v42;
	_ =	sdelay $0x1  }
0x2d8: {  	v12 =	vadd.f32 v19, v12;
	_ =	sdelay $0x1  }
0x2d9: {  	[tilespmem:$0x8610] =	vst v12  }
0x2da: {  	v44 =	vld [tilespmem:s6+$0xFFFFFDA0];
	_ =	sdelay $0x4  }
0x2db: {  	v19 =	vmul.f32 v44, v42;
	_ =	sdelay $0x1  }
0x2dc: {  	v14 =	vadd.f32 v19, v14;
	_ =	sdelay $0x1  }
0x2dd: {  	[tilespmem:$0x8620] =	vst v14  }
0x2de: {  	v45 =	vld [tilespmem:s6+$0xFFFFFDB0];
	_ =	sdelay $0x4  }
0x2df: {  	v19 =	vmul.f32 v45, v42;
	_ =	sdelay $0x1  }
0x2e0: {  	v15 =	vadd.f32 v19, v15;
	_ =	sdelay $0x1  }
0x2e1: {  	[tilespmem:$0x8630] =	vst v15  }
0x2e2: {  	v46 =	vld [tilespmem:s6+$0xFFFFFDC0];
	_ =	sdelay $0x4  }
0x2e3: {  	v19 =	vmul.f32 v46, v42;
	_ =	sdelay $0x1  }
0x2e4: {  	v16 =	vadd.f32 v19, v16;
	_ =	sdelay $0x1  }
0x2e5: {  	[tilespmem:$0x8640] =	vst v16  }
0x2e6: {  	v47 =	vld [tilespmem:s6+$0xFFFFFDD0];
	_ =	sdelay $0x4  }
0x2e7: {  	v19 =	vmul.f32 v47, v42;
	_ =	sdelay $0x1  }
0x2e8: {  	v17 =	vadd.f32 v19, v17;
	_ =	sdelay $0x1  }
0x2e9: {  	[tilespmem:$0x8650] =	vst v17  }
0x2ea: {  	v48 =	vld [tilespmem:s6+$0xFFFFFDE0];
	_ =	sdelay $0x4  }
0x2eb: {  	v19 =	vmul.f32 v48, v42;
	_ =	sdelay $0x1  }
0x2ec: {  	v18 =	vadd.f32 v19, v18;
	_ =	sdelay $0x1  }
0x2ed: {  	[tilespmem:$0x8660] =	vst v18  }
0x2ee: {  	v49 =	vld [tilespmem:s6+$0xFFFFFDF0];
	_ =	sdelay $0x4  }
0x2ef: {  	v19 =	vmul.f32 v49, v42;
	_ =	sdelay $0x1  }
0x2f0: {  	v13 =	vadd.f32 v19, v13;
	_ =	sdelay $0x1  }
0x2f1: {  	[tilespmem:$0x8670] =	vst v13  }
0x2f2: {  	v50 =	vld [tilespmem:s6+$0xFFFFFE00];
	_ =	sdelay $0x2  }
0x2f3: {  	v51 =	vbroadcast v10, $0x4;
	_ =	sdelay $0x1  }
0x2f4: {  	v19 =	vmul.f32 v50, v51;
	_ =	sdelay $0x1  }
0x2f5: {  	v11 =	vadd.f32 v19, v11;
	_ =	sdelay $0x1  }
0x2f6: {  	[tilespmem:$0x8600] =	vst v11  }
0x2f7: {  	v52 =	vld [tilespmem:s6+$0xFFFFFE10];
	_ =	sdelay $0x4  }
0x2f8: {  	v19 =	vmul.f32 v52, v51;
	_ =	sdelay $0x1  }
0x2f9: {  	v12 =	vadd.f32 v19, v12;
	_ =	sdelay $0x1  }
0x2fa: {  	[tilespmem:$0x8610] =	vst v12  }
0x2fb: {  	v53 =	vld [tilespmem:s6+$0xFFFFFE20];
	_ =	sdelay $0x4  }
0x2fc: {  	v19 =	vmul.f32 v53, v51;
	_ =	sdelay $0x1  }
0x2fd: {  	v14 =	vadd.f32 v19, v14;
	_ =	sdelay $0x1  }
0x2fe: {  	[tilespmem:$0x8620] =	vst v14  }
0x2ff: {  	v54 =	vld [tilespmem:s6+$0xFFFFFE30];
	_ =	sdelay $0x4  }
0x300: {  	v19 =	vmul.f32 v54, v51;
	_ =	sdelay $0x1  }
0x301: {  	v15 =	vadd.f32 v19, v15;
	_ =	sdelay $0x1  }
0x302: {  	[tilespmem:$0x8630] =	vst v15  }
0x303: {  	v55 =	vld [tilespmem:s6+$0xFFFFFE40];
	_ =	sdelay $0x4  }
0x304: {  	v19 =	vmul.f32 v55, v51;
	_ =	sdelay $0x1  }
0x305: {  	v16 =	vadd.f32 v19, v16;
	_ =	sdelay $0x1  }
0x306: {  	[tilespmem:$0x8640] =	vst v16  }
0x307: {  	v56 =	vld [tilespmem:s6+$0xFFFFFE50];
	_ =	sdelay $0x4  }
0x308: {  	v19 =	vmul.f32 v56, v51;
	_ =	sdelay $0x1  }
0x309: {  	v17 =	vadd.f32 v19, v17;
	_ =	sdelay $0x1  }
0x30a: {  	[tilespmem:$0x8650] =	vst v17  }
0x30b: {  	v57 =	vld [tilespmem:s6+$0xFFFFFE60];
	_ =	sdelay $0x4  }
0x30c: {  	v19 =	vmul.f32 v57, v51;
	_ =	sdelay $0x1  }
0x30d: {  	v18 =	vadd.f32 v19, v18;
	_ =	sdelay $0x1  }
0x30e: {  	[tilespmem:$0x8660] =	vst v18  }
0x30f: {  	v58 =	vld [tilespmem:s6+$0xFFFFFE70];
	_ =	sdelay $0x4  }
0x310: {  	v19 =	vmul.f32 v58, v51;
	_ =	sdelay $0x1  }
0x311: {  	v13 =	vadd.f32 v19, v13;
	_ =	sdelay $0x1  }
0x312: {  	[tilespmem:$0x8670] =	vst v13  }
0x313: {  	v59 =	vld [tilespmem:s6+$0xFFFFFE80];
	_ =	sdelay $0x2  }
0x314: {  	v60 =	vbroadcast v10, $0x5;
	_ =	sdelay $0x1  }
0x315: {  	v19 =	vmul.f32 v59, v60;
	_ =	sdelay $0x1  }
0x316: {  	v11 =	vadd.f32 v19, v11;
	_ =	sdelay $0x1  }
0x317: {  	[tilespmem:$0x8600] =	vst v11  }
0x318: {  	v61 =	vld [tilespmem:s6+$0xFFFFFE90];
	_ =	sdelay $0x4  }
0x319: {  	v19 =	vmul.f32 v61, v60;
	_ =	sdelay $0x1  }
0x31a: {  	v12 =	vadd.f32 v19, v12;
	_ =	sdelay $0x1  }
0x31b: {  	[tilespmem:$0x8610] =	vst v12  }
0x31c: {  	v62 =	vld [tilespmem:s6+$0xFFFFFEA0];
	_ =	sdelay $0x4  }
0x31d: {  	v19 =	vmul.f32 v62, v60;
	_ =	sdelay $0x1  }
0x31e: {  	v14 =	vadd.f32 v19, v14;
	_ =	sdelay $0x1  }
0x31f: {  	[tilespmem:$0x8620] =	vst v14  }
0x320: {  	v63 =	vld [tilespmem:s6+$0xFFFFFEB0];
	_ =	sdelay $0x4  }
0x321: {  	v19 =	vmul.f32 v63, v60;
	_ =	sdelay $0x1  }
0x322: {  	v15 =	vadd.f32 v19, v15;
	_ =	sdelay $0x1  }
0x323: {  	[tilespmem:$0x8630] =	vst v15  }
0x324: {  	v21 =	vld [tilespmem:s6+$0xFFFFFEC0];
	_ =	sdelay $0x4  }
0x325: {  	v19 =	vmul.f32 v21, v60;
	_ =	sdelay $0x1  }
0x326: {  	v16 =	vadd.f32 v19, v16;
	_ =	sdelay $0x1  }
0x327: {  	[tilespmem:$0x8640] =	vst v16  }
0x328: {  	v22 =	vld [tilespmem:s6+$0xFFFFFED0];
	_ =	sdelay $0x4  }
0x329: {  	v19 =	vmul.f32 v22, v60;
	_ =	sdelay $0x1  }
0x32a: {  	v17 =	vadd.f32 v19, v17;
	_ =	sdelay $0x1  }
0x32b: {  	[tilespmem:$0x8650] =	vst v17  }
0x32c: {  	v23 =	vld [tilespmem:s6+$0xFFFFFEE0];
	_ =	sdelay $0x4  }
0x32d: {  	v19 =	vmul.f32 v23, v60;
	_ =	sdelay $0x1  }
0x32e: {  	v18 =	vadd.f32 v19, v18;
	_ =	sdelay $0x1  }
0x32f: {  	[tilespmem:$0x8660] =	vst v18  }
0x330: {  	v24 =	vld [tilespmem:s6+$0xFFFFFEF0];
	_ =	sdelay $0x4  }
0x331: {  	v19 =	vmul.f32 v24, v60;
	_ =	sdelay $0x1  }
0x332: {  	v13 =	vadd.f32 v19, v13;
	_ =	sdelay $0x1  }
0x333: {  	[tilespmem:$0x8670] =	vst v13  }
0x334: {  	v25 =	vld [tilespmem:s6+$0xFFFFFF00];
	_ =	sdelay $0x2  }
0x335: {  	v26 =	vbroadcast v10, $0x6;
	_ =	sdelay $0x1  }
0x336: {  	v19 =	vmul.f32 v25, v26;
	_ =	sdelay $0x1  }
0x337: {  	v11 =	vadd.f32 v19, v11;
	_ =	sdelay $0x1  }
0x338: {  	[tilespmem:$0x8600] =	vst v11  }
0x339: {  	v27 =	vld [tilespmem:s6+$0xFFFFFF10];
	_ =	sdelay $0x4  }
0x33a: {  	v19 =	vmul.f32 v27, v26;
	_ =	sdelay $0x1  }
0x33b: {  	v12 =	vadd.f32 v19, v12;
	_ =	sdelay $0x1  }
0x33c: {  	[tilespmem:$0x8610] =	vst v12  }
0x33d: {  	v28 =	vld [tilespmem:s6+$0xFFFFFF20];
	_ =	sdelay $0x4  }
0x33e: {  	v19 =	vmul.f32 v28, v26;
	_ =	sdelay $0x1  }
0x33f: {  	v14 =	vadd.f32 v19, v14;
	_ =	sdelay $0x1  }
0x340: {  	[tilespmem:$0x8620] =	vst v14  }
0x341: {  	v29 =	vld [tilespmem:s6+$0xFFFFFF30];
	_ =	sdelay $0x4  }
0x342: {  	v19 =	vmul.f32 v29, v26;
	_ =	sdelay $0x1  }
0x343: {  	v15 =	vadd.f32 v19, v15;
	_ =	sdelay $0x1  }
0x344: {  	[tilespmem:$0x8630] =	vst v15  }
0x345: {  	v30 =	vld [tilespmem:s6+$0xFFFFFF40];
	_ =	sdelay $0x4  }
0x346: {  	v19 =	vmul.f32 v30, v26;
	_ =	sdelay $0x1  }
0x347: {  	v16 =	vadd.f32 v19, v16;
	_ =	sdelay $0x1  }
0x348: {  	[tilespmem:$0x8640] =	vst v16  }
0x349: {  	v31 =	vld [tilespmem:s6+$0xFFFFFF50];
	_ =	sdelay $0x4  }
0x34a: {  	v19 =	vmul.f32 v31, v26;
	_ =	sdelay $0x1  }
0x34b: {  	v17 =	vadd.f32 v19, v17;
	_ =	sdelay $0x1  }
0x34c: {  	[tilespmem:$0x8650] =	vst v17  }
0x34d: {  	v32 =	vld [tilespmem:s6+$0xFFFFFF60];
	_ =	sdelay $0x4  }
0x34e: {  	v19 =	vmul.f32 v32, v26;
	_ =	sdelay $0x1  }
0x34f: {  	v18 =	vadd.f32 v19, v18;
	_ =	sdelay $0x1  }
0x350: {  	[tilespmem:$0x8660] =	vst v18  }
0x351: {  	v33 =	vld [tilespmem:s6+$0xFFFFFF70];
	_ =	sdelay $0x4  }
0x352: {  	v19 =	vmul.f32 v33, v26;
	_ =	sdelay $0x1  }
0x353: {  	v13 =	vadd.f32 v19, v13;
	_ =	sdelay $0x1  }
0x354: {  	[tilespmem:$0x8670] =	vst v13  }
0x355: {  	v34 =	vld [tilespmem:s6+$0xFFFFFF80];
	_ =	sdelay $0x2  }
0x356: {  	v35 =	vbroadcast v10, $0x7;
	_ =	sdelay $0x1  }
0x357: {  	v19 =	vmul.f32 v34, v35;
	_ =	sdelay $0x1  }
0x358: {  	v11 =	vadd.f32 v19, v11;
	_ =	sdelay $0x1  }
0x359: {  	[tilespmem:$0x8600] =	vst v11  }
0x35a: {  	v36 =	vld [tilespmem:s6+$0xFFFFFF90];
	_ =	sdelay $0x4  }
0x35b: {  	v19 =	vmul.f32 v36, v35;
	_ =	sdelay $0x1  }
0x35c: {  	v12 =	vadd.f32 v19, v12;
	_ =	sdelay $0x1  }
0x35d: {  	[tilespmem:$0x8610] =	vst v12  }
0x35e: {  	v37 =	vld [tilespmem:s6+$0xFFFFFFA0];
	_ =	sdelay $0x4  }
0x35f: {  	v19 =	vmul.f32 v37, v35;
	_ =	sdelay $0x1  }
0x360: {  	v14 =	vadd.f32 v19, v14;
	_ =	sdelay $0x1  }
0x361: {  	[tilespmem:$0x8620] =	vst v14  }
0x362: {  	v38 =	vld [tilespmem:s6+$0xFFFFFFB0];
	_ =	sdelay $0x4  }
0x363: {  	v19 =	vmul.f32 v38, v35;
	_ =	sdelay $0x1  }
0x364: {  	v15 =	vadd.f32 v19, v15;
	_ =	sdelay $0x1  }
0x365: {  	[tilespmem:$0x8630] =	vst v15  }
0x366: {  	v39 =	vld [tilespmem:s6+$0xFFFFFFC0];
	_ =	sdelay $0x4  }
0x367: {  	v19 =	vmul.f32 v39, v35;
	_ =	sdelay $0x1  }
0x368: {  	v16 =	vadd.f32 v19, v16;
	_ =	sdelay $0x1  }
0x369: {  	[tilespmem:$0x8640] =	vst v16  }
0x36a: {  	v40 =	vld [tilespmem:s6+$0xFFFFFFD0];
	_ =	sdelay $0x4  }
0x36b: {  	v19 =	vmul.f32 v40, v35;
	_ =	sdelay $0x1  }
0x36c: {  	v17 =	vadd.f32 v19, v17;
	_ =	sdelay $0x1  }
0x36d: {  	[tilespmem:$0x8650] =	vst v17  }
0x36e: {  	v41 =	vld [tilespmem:s6+$0xFFFFFFE0];
	_ =	sdelay $0x4  }
0x36f: {  	v19 =	vmul.f32 v41, v35;
	_ =	sdelay $0x1  }
0x370: {  	v18 =	vadd.f32 v19, v18;
	_ =	sdelay $0x1  }
0x371: {  	[tilespmem:$0x8660] =	vst v18  }
0x372: {  	v42 =	vld [tilespmem:s6+$0xFFFFFFF0];
	_ =	sdelay $0x4  }
0x373: {  	v19 =	vmul.f32 v42, v35;
	_ =	sdelay $0x1  }
0x374: {  	v13 =	vadd.f32 v19, v13;
	_ =	sdelay $0x1  }
0x375: {  	[tilespmem:$0x8670] =	vst v13  }
0x376: {  	v43 =	vld [tilespmem:s6+$0x0];
	_ =	sdelay $0x2  }
0x377: {  	v44 =	vbroadcast v10, $0x8;
	_ =	sdelay $0x1  }
0x378: {  	v19 =	vmul.f32 v43, v44;
	_ =	sdelay $0x1  }
0x379: {  	v11 =	vadd.f32 v19, v11;
	_ =	sdelay $0x1  }
0x37a: {  	[tilespmem:$0x8600] =	vst v11  }
0x37b: {  	v45 =	vld [tilespmem:s6+$0x10];
	_ =	sdelay $0x4  }
0x37c: {  	v19 =	vmul.f32 v45, v44;
	_ =	sdelay $0x1  }
0x37d: {  	v12 =	vadd.f32 v19, v12;
	_ =	sdelay $0x1  }
0x37e: {  	[tilespmem:$0x8610] =	vst v12  }
0x37f: {  	v46 =	vld [tilespmem:s6+$0x20];
	_ =	sdelay $0x4  }
0x380: {  	v19 =	vmul.f32 v46, v44;
	_ =	sdelay $0x1  }
0x381: {  	v14 =	vadd.f32 v19, v14;
	_ =	sdelay $0x1  }
0x382: {  	[tilespmem:$0x8620] =	vst v14  }
0x383: {  	v47 =	vld [tilespmem:s6+$0x30];
	_ =	sdelay $0x4  }
0x384: {  	v19 =	vmul.f32 v47, v44;
	_ =	sdelay $0x1  }
0x385: {  	v15 =	vadd.f32 v19, v15;
	_ =	sdelay $0x1  }
0x386: {  	[tilespmem:$0x8630] =	vst v15  }
0x387: {  	v48 =	vld [tilespmem:s6+$0x40];
	_ =	sdelay $0x4  }
0x388: {  	v19 =	vmul.f32 v48, v44;
	_ =	sdelay $0x1  }
0x389: {  	v16 =	vadd.f32 v19, v16;
	_ =	sdelay $0x1  }
0x38a: {  	[tilespmem:$0x8640] =	vst v16  }
0x38b: {  	v49 =	vld [tilespmem:s6+$0x50];
	_ =	sdelay $0x4  }
0x38c: {  	v19 =	vmul.f32 v49, v44;
	_ =	sdelay $0x1  }
0x38d: {  	v17 =	vadd.f32 v19, v17;
	_ =	sdelay $0x1  }
0x38e: {  	[tilespmem:$0x8650] =	vst v17  }
0x38f: {  	v50 =	vld [tilespmem:s6+$0x60];
	_ =	sdelay $0x4  }
0x390: {  	v19 =	vmul.f32 v50, v44;
	_ =	sdelay $0x1  }
0x391: {  	v18 =	vadd.f32 v19, v18;
	_ =	sdelay $0x1  }
0x392: {  	[tilespmem:$0x8660] =	vst v18  }
0x393: {  	v51 =	vld [tilespmem:s6+$0x70];
	_ =	sdelay $0x4  }
0x394: {  	v19 =	vmul.f32 v51, v44;
	_ =	sdelay $0x1  }
0x395: {  	v13 =	vadd.f32 v19, v13;
	_ =	sdelay $0x1  }
0x396: {  	[tilespmem:$0x8670] =	vst v13  }
0x397: {  	v52 =	vld [tilespmem:s6+$0x80];
	_ =	sdelay $0x2  }
0x398: {  	v53 =	vbroadcast v10, $0x9;
	_ =	sdelay $0x1  }
0x399: {  	v19 =	vmul.f32 v52, v53;
	_ =	sdelay $0x1  }
0x39a: {  	v11 =	vadd.f32 v19, v11;
	_ =	sdelay $0x1  }
0x39b: {  	[tilespmem:$0x8600] =	vst v11  }
0x39c: {  	v54 =	vld [tilespmem:s6+$0x90];
	_ =	sdelay $0x4  }
0x39d: {  	v19 =	vmul.f32 v54, v53;
	_ =	sdelay $0x1  }
0x39e: {  	v12 =	vadd.f32 v19, v12;
	_ =	sdelay $0x1  }
0x39f: {  	[tilespmem:$0x8610] =	vst v12  }
0x3a0: {  	v55 =	vld [tilespmem:s6+$0xA0];
	_ =	sdelay $0x4  }
0x3a1: {  	v19 =	vmul.f32 v55, v53;
	_ =	sdelay $0x1  }
0x3a2: {  	v14 =	vadd.f32 v19, v14;
	_ =	sdelay $0x1  }
0x3a3: {  	[tilespmem:$0x8620] =	vst v14  }
0x3a4: {  	v56 =	vld [tilespmem:s6+$0xB0];
	_ =	sdelay $0x4  }
0x3a5: {  	v19 =	vmul.f32 v56, v53;
	_ =	sdelay $0x1  }
0x3a6: {  	v15 =	vadd.f32 v19, v15;
	_ =	sdelay $0x1  }
0x3a7: {  	[tilespmem:$0x8630] =	vst v15  }
0x3a8: {  	v57 =	vld [tilespmem:s6+$0xC0];
	_ =	sdelay $0x4  }
0x3a9: {  	v19 =	vmul.f32 v57, v53;
	_ =	sdelay $0x1  }
0x3aa: {  	v16 =	vadd.f32 v19, v16;
	_ =	sdelay $0x1  }
0x3ab: {  	[tilespmem:$0x8640] =	vst v16  }
0x3ac: {  	v58 =	vld [tilespmem:s6+$0xD0];
	_ =	sdelay $0x4  }
0x3ad: {  	v19 =	vmul.f32 v58, v53;
	_ =	sdelay $0x1  }
0x3ae: {  	v17 =	vadd.f32 v19, v17;
	_ =	sdelay $0x1  }
0x3af: {  	[tilespmem:$0x8650] =	vst v17  }
0x3b0: {  	v59 =	vld [tilespmem:s6+$0xE0];
	_ =	sdelay $0x4  }
0x3b1: {  	v19 =	vmul.f32 v59, v53;
	_ =	sdelay $0x1  }
0x3b2: {  	v18 =	vadd.f32 v19, v18;
	_ =	sdelay $0x1  }
0x3b3: {  	[tilespmem:$0x8660] =	vst v18  }
0x3b4: {  	v60 =	vld [tilespmem:s6+$0xF0];
	_ =	sdelay $0x4  }
0x3b5: {  	v19 =	vmul.f32 v60, v53;
	_ =	sdelay $0x1  }
0x3b6: {  	v13 =	vadd.f32 v19, v13;
	_ =	sdelay $0x1  }
0x3b7: {  	[tilespmem:$0x8670] =	vst v13  }
0x3b8: {  	v61 =	vld [tilespmem:s6+$0x100];
	_ =	sdelay $0x2  }
0x3b9: {  	v62 =	vbroadcast v10, $0xA;
	_ =	sdelay $0x1  }
0x3ba: {  	v19 =	vmul.f32 v61, v62;
	_ =	sdelay $0x1  }
0x3bb: {  	v11 =	vadd.f32 v19, v11;
	_ =	sdelay $0x1  }
0x3bc: {  	[tilespmem:$0x8600] =	vst v11  }
0x3bd: {  	v63 =	vld [tilespmem:s6+$0x110];
	_ =	sdelay $0x4  }
0x3be: {  	v19 =	vmul.f32 v63, v62;
	_ =	sdelay $0x1  }
0x3bf: {  	v12 =	vadd.f32 v19, v12;
	_ =	sdelay $0x1  }
0x3c0: {  	[tilespmem:$0x8610] =	vst v12  }
0x3c1: {  	v21 =	vld [tilespmem:s6+$0x120];
	_ =	sdelay $0x4  }
0x3c2: {  	v19 =	vmul.f32 v21, v62;
	_ =	sdelay $0x1  }
0x3c3: {  	v14 =	vadd.f32 v19, v14;
	_ =	sdelay $0x1  }
0x3c4: {  	[tilespmem:$0x8620] =	vst v14  }
0x3c5: {  	v22 =	vld [tilespmem:s6+$0x130];
	_ =	sdelay $0x4  }
0x3c6: {  	v19 =	vmul.f32 v22, v62;
	_ =	sdelay $0x1  }
0x3c7: {  	v15 =	vadd.f32 v19, v15;
	_ =	sdelay $0x1  }
0x3c8: {  	[tilespmem:$0x8630] =	vst v15  }
0x3c9: {  	v23 =	vld [tilespmem:s6+$0x140];
	_ =	sdelay $0x4  }
0x3ca: {  	v19 =	vmul.f32 v23, v62;
	_ =	sdelay $0x1  }
0x3cb: {  	v16 =	vadd.f32 v19, v16;
	_ =	sdelay $0x1  }
0x3cc: {  	[tilespmem:$0x8640] =	vst v16  }
0x3cd: {  	v24 =	vld [tilespmem:s6+$0x150];
	_ =	sdelay $0x4  }
0x3ce: {  	v19 =	vmul.f32 v24, v62;
	_ =	sdelay $0x1  }
0x3cf: {  	v17 =	vadd.f32 v19, v17;
	_ =	sdelay $0x1  }
0x3d0: {  	[tilespmem:$0x8650] =	vst v17  }
0x3d1: {  	v25 =	vld [tilespmem:s6+$0x160];
	_ =	sdelay $0x4  }
0x3d2: {  	v19 =	vmul.f32 v25, v62;
	_ =	sdelay $0x1  }
0x3d3: {  	v18 =	vadd.f32 v19, v18;
	_ =	sdelay $0x1  }
0x3d4: {  	[tilespmem:$0x8660] =	vst v18  }
0x3d5: {  	v26 =	vld [tilespmem:s6+$0x170];
	_ =	sdelay $0x4  }
0x3d6: {  	v19 =	vmul.f32 v26, v62;
	_ =	sdelay $0x1  }
0x3d7: {  	v13 =	vadd.f32 v19, v13;
	_ =	sdelay $0x1  }
0x3d8: {  	[tilespmem:$0x8670] =	vst v13  }
0x3d9: {  	v27 =	vld [tilespmem:s6+$0x180];
	_ =	sdelay $0x2  }
0x3da: {  	v28 =	vbroadcast v10, $0xB;
	_ =	sdelay $0x1  }
0x3db: {  	v19 =	vmul.f32 v27, v28;
	_ =	sdelay $0x1  }
0x3dc: {  	v11 =	vadd.f32 v19, v11;
	_ =	sdelay $0x1  }
0x3dd: {  	[tilespmem:$0x8600] =	vst v11  }
0x3de: {  	v29 =	vld [tilespmem:s6+$0x190];
	_ =	sdelay $0x4  }
0x3df: {  	v19 =	vmul.f32 v29, v28;
	_ =	sdelay $0x1  }
0x3e0: {  	v12 =	vadd.f32 v19, v12;
	_ =	sdelay $0x1  }
0x3e1: {  	[tilespmem:$0x8610] =	vst v12  }
0x3e2: {  	v30 =	vld [tilespmem:s6+$0x1A0];
	_ =	sdelay $0x4  }
0x3e3: {  	v19 =	vmul.f32 v30, v28;
	_ =	sdelay $0x1  }
0x3e4: {  	v14 =	vadd.f32 v19, v14;
	_ =	sdelay $0x1  }
0x3e5: {  	[tilespmem:$0x8620] =	vst v14  }
0x3e6: {  	v31 =	vld [tilespmem:s6+$0x1B0];
	_ =	sdelay $0x4  }
0x3e7: {  	v19 =	vmul.f32 v31, v28;
	_ =	sdelay $0x1  }
0x3e8: {  	v15 =	vadd.f32 v19, v15;
	_ =	sdelay $0x1  }
0x3e9: {  	[tilespmem:$0x8630] =	vst v15  }
0x3ea: {  	v32 =	vld [tilespmem:s6+$0x1C0];
	_ =	sdelay $0x4  }
0x3eb: {  	v19 =	vmul.f32 v32, v28;
	_ =	sdelay $0x1  }
0x3ec: {  	v16 =	vadd.f32 v19, v16;
	_ =	sdelay $0x1  }
0x3ed: {  	[tilespmem:$0x8640] =	vst v16  }
0x3ee: {  	v33 =	vld [tilespmem:s6+$0x1D0];
	_ =	sdelay $0x4  }
0x3ef: {  	v19 =	vmul.f32 v33, v28;
	_ =	sdelay $0x1  }
0x3f0: {  	v17 =	vadd.f32 v19, v17;
	_ =	sdelay $0x1  }
0x3f1: {  	[tilespmem:$0x8650] =	vst v17  }
0x3f2: {  	v34 =	vld [tilespmem:s6+$0x1E0];
	_ =	sdelay $0x4  }
0x3f3: {  	v19 =	vmul.f32 v34, v28;
	_ =	sdelay $0x1  }
0x3f4: {  	v18 =	vadd.f32 v19, v18;
	_ =	sdelay $0x1  }
0x3f5: {  	[tilespmem:$0x8660] =	vst v18  }
0x3f6: {  	v35 =	vld [tilespmem:s6+$0x1F0];
	_ =	sdelay $0x4  }
0x3f7: {  	v19 =	vmul.f32 v35, v28;
	_ =	sdelay $0x1  }
0x3f8: {  	v13 =	vadd.f32 v19, v13;
	_ =	sdelay $0x1  }
0x3f9: {  	[tilespmem:$0x8670] =	vst v13  }
0x3fa: {  	v36 =	vld [tilespmem:s6+$0x200];
	_ =	sdelay $0x2  }
0x3fb: {  	v37 =	vbroadcast v10, $0xC;
	_ =	sdelay $0x1  }
0x3fc: {  	v19 =	vmul.f32 v36, v37;
	_ =	sdelay $0x1  }
0x3fd: {  	v11 =	vadd.f32 v19, v11;
	_ =	sdelay $0x1  }
0x3fe: {  	[tilespmem:$0x8600] =	vst v11  }
0x3ff: {  	v38 =	vld [tilespmem:s6+$0x210];
	_ =	sdelay $0x4  }
0x400: {  	v19 =	vmul.f32 v38, v37;
	_ =	sdelay $0x1  }
0x401: {  	v12 =	vadd.f32 v19, v12;
	_ =	sdelay $0x1  }
0x402: {  	[tilespmem:$0x8610] =	vst v12  }
0x403: {  	v39 =	vld [tilespmem:s6+$0x220];
	_ =	sdelay $0x4  }
0x404: {  	v19 =	vmul.f32 v39, v37;
	_ =	sdelay $0x1  }
0x405: {  	v14 =	vadd.f32 v19, v14;
	_ =	sdelay $0x1  }
0x406: {  	[tilespmem:$0x8620] =	vst v14  }
0x407: {  	v40 =	vld [tilespmem:s6+$0x230];
	_ =	sdelay $0x4  }
0x408: {  	v19 =	vmul.f32 v40, v37;
	_ =	sdelay $0x1  }
0x409: {  	v15 =	vadd.f32 v19, v15;
	_ =	sdelay $0x1  }
0x40a: {  	[tilespmem:$0x8630] =	vst v15  }
0x40b: {  	v41 =	vld [tilespmem:s6+$0x240];
	_ =	sdelay $0x4  }
0x40c: {  	v19 =	vmul.f32 v41, v37;
	_ =	sdelay $0x1  }
0x40d: {  	v16 =	vadd.f32 v19, v16;
	_ =	sdelay $0x1  }
0x40e: {  	[tilespmem:$0x8640] =	vst v16  }
0x40f: {  	v42 =	vld [tilespmem:s6+$0x250];
	_ =	sdelay $0x4  }
0x410: {  	v19 =	vmul.f32 v42, v37;
	_ =	sdelay $0x1  }
0x411: {  	v17 =	vadd.f32 v19, v17;
	_ =	sdelay $0x1  }
0x412: {  	[tilespmem:$0x8650] =	vst v17  }
0x413: {  	v43 =	vld [tilespmem:s6+$0x260];
	_ =	sdelay $0x4  }
0x414: {  	v19 =	vmul.f32 v43, v37;
	_ =	sdelay $0x1  }
0x415: {  	v18 =	vadd.f32 v19, v18;
	_ =	sdelay $0x1  }
0x416: {  	[tilespmem:$0x8660] =	vst v18  }
0x417: {  	v44 =	vld [tilespmem:s6+$0x270];
	_ =	sdelay $0x4  }
0x418: {  	v19 =	vmul.f32 v44, v37;
	_ =	sdelay $0x1  }
0x419: {  	v13 =	vadd.f32 v19, v13;
	_ =	sdelay $0x1  }
0x41a: {  	[tilespmem:$0x8670] =	vst v13  }
0x41b: {  	v45 =	vld [tilespmem:s6+$0x280];
	_ =	sdelay $0x2  }
0x41c: {  	v46 =	vbroadcast v10, $0xD;
	_ =	sdelay $0x1  }
0x41d: {  	v19 =	vmul.f32 v45, v46;
	_ =	sdelay $0x1  }
0x41e: {  	v11 =	vadd.f32 v19, v11;
	_ =	sdelay $0x1  }
0x41f: {  	[tilespmem:$0x8600] =	vst v11  }
0x420: {  	v47 =	vld [tilespmem:s6+$0x290];
	_ =	sdelay $0x4  }
0x421: {  	v19 =	vmul.f32 v47, v46;
	_ =	sdelay $0x1  }
0x422: {  	v12 =	vadd.f32 v19, v12;
	_ =	sdelay $0x1  }
0x423: {  	[tilespmem:$0x8610] =	vst v12  }
0x424: {  	v48 =	vld [tilespmem:s6+$0x2A0];
	_ =	sdelay $0x4  }
0x425: {  	v19 =	vmul.f32 v48, v46;
	_ =	sdelay $0x1  }
0x426: {  	v14 =	vadd.f32 v19, v14;
	_ =	sdelay $0x1  }
0x427: {  	[tilespmem:$0x8620] =	vst v14  }
0x428: {  	v49 =	vld [tilespmem:s6+$0x2B0];
	_ =	sdelay $0x4  }
0x429: {  	v19 =	vmul.f32 v49, v46;
	_ =	sdelay $0x1  }
0x42a: {  	v15 =	vadd.f32 v19, v15;
	_ =	sdelay $0x1  }
0x42b: {  	[tilespmem:$0x8630] =	vst v15  }
0x42c: {  	v50 =	vld [tilespmem:s6+$0x2C0];
	_ =	sdelay $0x4  }
0x42d: {  	v19 =	vmul.f32 v50, v46;
	_ =	sdelay $0x1  }
0x42e: {  	v16 =	vadd.f32 v19, v16;
	_ =	sdelay $0x1  }
0x42f: {  	[tilespmem:$0x8640] =	vst v16  }
0x430: {  	v51 =	vld [tilespmem:s6+$0x2D0];
	_ =	sdelay $0x4  }
0x431: {  	v19 =	vmul.f32 v51, v46;
	_ =	sdelay $0x1  }
0x432: {  	v17 =	vadd.f32 v19, v17;
	_ =	sdelay $0x1  }
0x433: {  	[tilespmem:$0x8650] =	vst v17  }
0x434: {  	v52 =	vld [tilespmem:s6+$0x2E0];
	_ =	sdelay $0x4  }
0x435: {  	v19 =	vmul.f32 v52, v46;
	_ =	sdelay $0x1  }
0x436: {  	v18 =	vadd.f32 v19, v18;
	_ =	sdelay $0x1  }
0x437: {  	[tilespmem:$0x8660] =	vst v18  }
0x438: {  	v53 =	vld [tilespmem:s6+$0x2F0];
	_ =	sdelay $0x4  }
0x439: {  	v19 =	vmul.f32 v53, v46;
	_ =	sdelay $0x1  }
0x43a: {  	v13 =	vadd.f32 v19, v13;
	_ =	sdelay $0x1  }
0x43b: {  	[tilespmem:$0x8670] =	vst v13  }
0x43c: {  	v54 =	vld [tilespmem:s6+$0x300];
	_ =	sdelay $0x2  }
0x43d: {  	v55 =	vbroadcast v10, $0xE;
	_ =	sdelay $0x1  }
0x43e: {  	v19 =	vmul.f32 v54, v55;
	_ =	sdelay $0x1  }
0x43f: {  	v11 =	vadd.f32 v19, v11;
	_ =	sdelay $0x1  }
0x440: {  	[tilespmem:$0x8600] =	vst v11  }
0x441: {  	v56 =	vld [tilespmem:s6+$0x310];
	_ =	sdelay $0x4  }
0x442: {  	v19 =	vmul.f32 v56, v55;
	_ =	sdelay $0x1  }
0x443: {  	v12 =	vadd.f32 v19, v12;
	_ =	sdelay $0x1  }
0x444: {  	[tilespmem:$0x8610] =	vst v12  }
0x445: {  	v57 =	vld [tilespmem:s6+$0x320];
	_ =	sdelay $0x4  }
0x446: {  	v19 =	vmul.f32 v57, v55;
	_ =	sdelay $0x1  }
0x447: {  	v14 =	vadd.f32 v19, v14;
	_ =	sdelay $0x1  }
0x448: {  	[tilespmem:$0x8620] =	vst v14  }
0x449: {  	v58 =	vld [tilespmem:s6+$0x330];
	_ =	sdelay $0x4  }
0x44a: {  	v19 =	vmul.f32 v58, v55;
	_ =	sdelay $0x1  }
0x44b: {  	v15 =	vadd.f32 v19, v15;
	_ =	sdelay $0x1  }
0x44c: {  	[tilespmem:$0x8630] =	vst v15  }
0x44d: {  	v59 =	vld [tilespmem:s6+$0x340];
	_ =	sdelay $0x4  }
0x44e: {  	v19 =	vmul.f32 v59, v55;
	_ =	sdelay $0x1  }
0x44f: {  	v16 =	vadd.f32 v19, v16;
	_ =	sdelay $0x1  }
0x450: {  	[tilespmem:$0x8640] =	vst v16  }
0x451: {  	v60 =	vld [tilespmem:s6+$0x350];
	_ =	sdelay $0x4  }
0x452: {  	v19 =	vmul.f32 v60, v55;
	_ =	sdelay $0x1  }
0x453: {  	v17 =	vadd.f32 v19, v17;
	_ =	sdelay $0x1  }
0x454: {  	[tilespmem:$0x8650] =	vst v17  }
0x455: {  	v61 =	vld [tilespmem:s6+$0x360];
	_ =	sdelay $0x4  }
0x456: {  	v19 =	vmul.f32 v61, v55;
	_ =	sdelay $0x1  }
0x457: {  	v18 =	vadd.f32 v19, v18;
	_ =	sdelay $0x1  }
0x458: {  	[tilespmem:$0x8660] =	vst v18  }
0x459: {  	v62 =	vld [tilespmem:s6+$0x370];
	_ =	sdelay $0x4  }
0x45a: {  	v19 =	vmul.f32 v62, v55;
	_ =	sdelay $0x1  }
0x45b: {  	v13 =	vadd.f32 v19, v13;
	_ =	sdelay $0x1  }
0x45c: {  	[tilespmem:$0x8670] =	vst v13  }
0x45d: {  	v63 =	vld [tilespmem:s6+$0x380];
	_ =	sdelay $0x2  }
0x45e: {  	v10 =	vbroadcast v10, $0xF;
	_ =	sdelay $0x1  }
0x45f: {  	v19 =	vmul.f32 v63, v10;
	_ =	sdelay $0x1  }
0x460: {  	v11 =	vadd.f32 v19, v11;
	_ =	sdelay $0x1  }
0x461: {  	[tilespmem:$0x8600] =	vst v11  }
0x462: {  	v11 =	vld [tilespmem:s6+$0x390];
	_ =	sdelay $0x4  }
0x463: {  	v11 =	vmul.f32 v11, v10;
	_ =	sdelay $0x1  }
0x464: {  	v11 =	vadd.f32 v11, v12;
	_ =	sdelay $0x1  }
0x465: {  	[tilespmem:$0x8610] =	vst v11  }
0x466: {  	v11 =	vld [tilespmem:s6+$0x3A0];
	_ =	sdelay $0x4  }
0x467: {  	v11 =	vmul.f32 v11, v10;
	_ =	sdelay $0x1  }
0x468: {  	v11 =	vadd.f32 v11, v14;
	_ =	sdelay $0x1  }
0x469: {  	[tilespmem:$0x8620] =	vst v11  }
0x46a: {  	v11 =	vld [tilespmem:s6+$0x3B0];
	_ =	sdelay $0x4  }
0x46b: {  	v11 =	vmul.f32 v11, v10;
	_ =	sdelay $0x1  }
0x46c: {  	v11 =	vadd.f32 v11, v15;
	_ =	sdelay $0x1  }
0x46d: {  	[tilespmem:$0x8630] =	vst v11  }
0x46e: {  	v11 =	vld [tilespmem:s6+$0x3C0];
	_ =	sdelay $0x4  }
0x46f: {  	v11 =	vmul.f32 v11, v10;
	_ =	sdelay $0x1  }
0x470: {  	v11 =	vadd.f32 v11, v16;
	_ =	sdelay $0x1  }
0x471: {  	[tilespmem:$0x8640] =	vst v11  }
0x472: {  	v11 =	vld [tilespmem:s6+$0x3D0];
	_ =	sdelay $0x4  }
0x473: {  	v11 =	vmul.f32 v11, v10;
	_ =	sdelay $0x1  }
0x474: {  	v11 =	vadd.f32 v11, v17;
	_ =	sdelay $0x1  }
0x475: {  	[tilespmem:$0x8650] =	vst v11  }
0x476: {  	v11 =	vld [tilespmem:s6+$0x3E0];
	_ =	sdelay $0x4  }
0x477: {  	v11 =	vmul.f32 v11, v10;
	_ =	sdelay $0x1  }
0x478: {  	v11 =	vadd.f32 v11, v18;
	_ =	sdelay $0x1  }
0x479: {  	[tilespmem:$0x8660] =	vst v11  }
0x47a: {  	v11 =	vld [tilespmem:s6+$0x3F0];
	_ =	sdelay $0x3  }
0x47b: {  	p1 =	sne.s32 s21, $0x1C0  }
.Ltmp4:
0x47c: {  	v10 =	vmul.f32 v11, v10;
	(pc) =	sbr.rel @p1 .LBB2_10-.Ltmp4, $3  }
0x47d: {  	_ = 	snop  }
0x47e: {  	v10 =	vadd.f32 v10, v13;
	_ =	sdelay $0x1  }
0x47f: {  	s21 =	sadd.s32 $0x40, s21;
	s6 =	sadd.s32 $0x800, s6;
	[tilespmem:$0x8670] =	vst v10  }
0x480: {  	s6 =	simm.s32 $0x8680;
	s7 =	simm.s32 $0x8600  }
0x481: {  	[spmem:s3] =	stream.indirect.scatter.add.f32 [tilespmem:s7], [sflag:$0x4], $0x1, s6, s19, $0xb8;
	[tilespmem:$0x8A08] =	vst v63  }
0x482: {  	_ =	swait.ge [sflag:s22], $0x80  }
0x483: {  	s8 =	simm.s32 @!p0 $0x20;
	[sflag:s22] =	ssyncset.done $0x0  }
0x484: {  	s9 =	simm.s32 @!p0 $0x10;
	s21 =	simm.s32 @!p0 $0x1C04;
	[sflag:s22] =	ssyncadd.s32 $0xFFFFFF80  }
0x485: {  	s6 =	sshrl.u32 @!p0 s2, $0x3;
	s7 =	simm.s32 @!p0 $0x1;
	[bflag:$0x0] =	sbarrier.arrive $0xFFFF  }
0x486: {  	[hbm:s13@s8], [sflag:s21] =	dma.strided @!p0 [spmem:s6@s9], $0x200, s7, $0x10   }
0x487: {  	s6 =	simm.s32 @!p0 $0x4  }
0x488: {  	s16 =	sadd.s32 $0x1, s16;
	_ =	swait.ge @!p0 [sflag:s6], $0x200  }
0x489: {  	p1 =	sne.s32 s16, s15;
	[sflag:s6] =	ssyncset.done @!p0 $0x0  }
.Ltmp5:
0x48a: {  	s7 =	sshrl.u32 @!p0 s3, $0x3;
	[sflag:s6] =	ssyncadd.s32 @!p0 $0xFFFFFE00;
	(pc) =	sbr.rel @p1 .LBB2_1-.Ltmp5, $4  }
0x48b: {  	[hbm:s14], [sflag:s21] =	dma.local @!p0 [spmem:s7], $0x10  }
0x48c: {  	_ =	swait.ge @!p0 [sflag:s6], $0x10  }
0x48d: {  	[sflag:s6] =	ssyncset.done @!p0 $0x0  }
0x48e: {  	s9 =	simm.s32 $0x4480;
	[sflag:s6] =	ssyncadd.s32 @!p0 $0xFFFFFFF0  }
0x48f: {  	_ =	sfence.sel $0x180000  }
0x490: {  	[bflag:$0x0] =	sbarrier.arrive $0xFFFF  }
0x491: {  	_ =	strace $0x90000047  }
0x492: {  	[bflag:$0x2] =	sbarrier.arrive $0xFFFF  }
0x493: {  	s0 =	rddreg [dreg:$0x7]  }
0x494: {  	s0 =	sadd.s32 @!p0 $0x100000, s0  }
0x495: {  	[sflag:s0] =	ssyncadd.tile.s32 @!p0 $0x1;
	_ =	shalt  }
.Lfunc_end2:
_tile_overlayer_lowered:
.L_overlay_start_2:
0x496: {  	(tag) =	ssettag $0x2  }
0x497: {  	s0 =	rddreg [dreg:$0x0];
	s2 =	stileid.u32  }
0x498: {  	s1 =	rddreg [dreg:$0x1];
	p0 =	sne.s32 s2, $0x0  }
0x499: {  	s3 =	rddreg [dreg:$0x2];
	[bflag:$0x3] =	sbarrier.arrive $0xFFFF;
	s2 =	simm.s32 @!p0 $0x1C04  }
0x49a: {  	[timem:s3], [sflag:s2] =	dma.local @!p0 [hbm:s0], s1  }
0x49b: {  	s0 =	simm.s32 @!p0 $0x4  }
0x49c: {  	_ =	swait.ge @!p0 [sflag:s0], s1  }
0x49d: {  	s1 =	ssub.s32 @!p0 $0x0, s1;
	[sflag:s0] =	ssyncset.done @!p0 $0x0  }
0x49e: {  	[sflag:s0] =	ssyncadd.s32 @!p0 s1  }
0x49f: {  	[bflag:$0x3] =	sbarrier.arrive $0xFFFF  }
0x4a0: {  	_ =	shalt  }

</sc_bundles>
